<compile_context>
chip_gen: v7x
topology: tpu7x:2x2x1
jax: 0.10.2.dev20260603
libtpu: 0.0.44.dev20260713+nightly
codegen_flags: <defaults>
</compile_context>

<pallas_src>
import functools

import jax
import jax.numpy as jnp
from jax import lax
from jax.experimental import pallas as pl
from jax.experimental.pallas import tpu as pltpu
from jax.experimental.pallas import tpu_sc as plsc

B = 16384
F = 16
N = 1000000
NC = 2
NS = 16
L = 16
NW = NC * NS
BPW = B // NW
BLOCKS = BPW // L

NWIN = N // 128
NT = (NWIN + 1) * 16
RING = 5
ROUNDS = 49

_mesh = plsc.VectorSubcoreMesh(core_axis_name="c", subcore_axis_name="s")


@functools.partial(
    pl.kernel,
    out_type=[
        jax.ShapeDtypeStruct((NT, 128), jnp.float32),
        jax.ShapeDtypeStruct((NT, 128), jnp.float32),
        jax.ShapeDtypeStruct((NT, 128), jnp.float32),
    ],
    mesh=_mesh,
    scratch_types=[
        pltpu.VMEM((3 * RING, 16, 128), jnp.float32),
        pltpu.SemaphoreType.DMA,
        pltpu.SemaphoreType.DMA,
    ],
    compiler_params=pltpu.CompilerParams(use_tc_tiling_on_sc=True),
)
def _relayout(uft_h, ift_h, uit_h, tu_h, ti_h, tui_h,
              u_out, i_out, ui_out, bufs, sem_in, sem_out):
    wid = lax.axis_index("s") * NC + lax.axis_index("c")

    tables = ((uft_h, u_out), (ift_h, i_out), (uit_h, ui_out))

    def round_(i, carry):
        ks = []
        ins = []
        for t, (tbl, _) in enumerate(tables):
            for j in range(RING):
                k = jnp.minimum((i * RING + j) * NW + wid, NWIN - 1)
                ks.append(k)
                c0 = pl.multiple_of(k * 128, 128)
                ins.append(pltpu.async_copy(
                    tbl.at[:, pl.ds(c0, 128)], bufs.at[t * RING + j], sem_in))
        outs = []
        for t, (_, out) in enumerate(tables):
            for j in range(RING):
                k = ks[t * RING + j]
                ins[t * RING + j].wait()
                outs.append(pltpu.async_copy(
                    bufs.at[t * RING + j], out.at[pl.ds(k * 16, 16), :],
                    sem_out))
        for c in outs:
            c.wait()
        return carry

    lax.fori_loop(0, ROUNDS, round_, 0)

    @pl.when(wid == 0)
    def _():
        for tail, out in ((tu_h, u_out), (ti_h, i_out), (tui_h, ui_out)):
            pltpu.sync_copy(tail, out.at[pl.ds(NWIN * 16, 16), :])


@functools.partial(
    pl.kernel,
    out_type=jax.ShapeDtypeStruct((B,), jnp.float32),
    mesh=_mesh,
    scratch_types=[
        pltpu.VMEM((BPW,), jnp.int32),
        pltpu.VMEM((BPW,), jnp.int32),
        pltpu.VMEM((BPW,), jnp.int32),
        pltpu.VMEM((BPW,), jnp.int32),
        pltpu.VMEM((F, BPW), jnp.int32),
        pltpu.VMEM((F, BPW), jnp.int32),
        pltpu.VMEM((F, BPW), jnp.float32),
        pltpu.VMEM((F, BPW), jnp.float32),
        pltpu.VMEM((F, BPW), jnp.float32),
        pltpu.VMEM((BPW,), jnp.float32),
        pltpu.VMEM((BPW,), jnp.float32),
        pltpu.VMEM((BPW,), jnp.float32),
        pltpu.SemaphoreType.DMA,
    ],
    compiler_params=pltpu.CompilerParams(
        use_tc_tiling_on_sc=False, needs_layout_passes=False),
)
def _svdpp(user_h, item_h, u_lin, i_lin, ui_lin, ub_h, ib_h, out_h,
           idx_u, idx_i, base_u, base_i, widx_u, widx_i,
           uf_v, ui_v, if_v, ub_v, ib_v, out_v, sem):
    wid = lax.axis_index("s") * NC + lax.axis_index("c")
    base = wid * BPW

    pltpu.sync_copy(user_h.at[pl.ds(base, BPW)], idx_u)
    pltpu.sync_copy(item_h.at[pl.ds(base, BPW)], idx_i)

    def mk_base(j, carry):
        sl = pl.ds(j * L, L)
        vu = idx_u[sl]
        vi = idx_i[sl]
        base_u[sl] = (vu >> 7) * 2048 + (vu & 127)
        base_i[sl] = (vi >> 7) * 2048 + (vi & 127)
        return carry

    lax.fori_loop(0, BLOCKS, mk_base, 0)

    for f in range(F):
        def mk_widx(j, carry, f=f):
            sl = pl.ds(j * L, L)
            widx_u.at[f][sl] = base_u[sl] + (f * 128)
            widx_i.at[f][sl] = base_i[sl] + (f * 128)
            return carry
        lax.fori_loop(0, BLOCKS, mk_widx, 0)

    copies = []
    for f in range(F):
        copies.append(pltpu.async_copy(u_lin.at[widx_u.at[f]], uf_v.at[f], sem))
        copies.append(pltpu.async_copy(ui_lin.at[widx_u.at[f]], ui_v.at[f], sem))
        copies.append(pltpu.async_copy(i_lin.at[widx_i.at[f]], if_v.at[f], sem))
    copies.append(pltpu.async_copy(ub_h.at[idx_u], ub_v, sem))
    copies.append(pltpu.async_copy(ib_h.at[idx_i], ib_v, sem))
    for c in copies:
        c.wait()

    def block(blk, carry):
        sl = pl.ds(blk * L, L)
        acc = ub_v[sl] + ib_v[sl]
        for f in range(F):
            acc = acc + (uf_v[f, sl] + ui_v[f, sl]) * if_v[f, sl]
        out_v[sl] = 1.0 / (1.0 + jnp.exp(-acc))
        return carry

    lax.fori_loop(0, BLOCKS, block, 0)

    pltpu.sync_copy(out_v, out_h.at[pl.ds(base, BPW)])


def _tail(tbl_t):
    pad = jnp.zeros((16, 128 - (N - NWIN * 128)), jnp.float32)
    return jnp.concatenate([tbl_t[:, NWIN * 128:], pad], axis=1)


def kernel(user, item, user_factors, item_factors, user_biases,
           item_biases, user_implicit):
    uft = user_factors.T
    ift = item_factors.T
    uit = user_implicit.T
    u_lin, i_lin, ui_lin = _relayout(uft, ift, uit,
                                     _tail(uft), _tail(ift), _tail(uit))
    ub = user_biases.reshape((-1,))
    ib = item_biases.reshape((-1,))
    return _svdpp(user, item, u_lin.reshape((-1,)), i_lin.reshape((-1,)),
                  ui_lin.reshape((-1,)), ub, ib)

# --- scband reference (transcript-rebuilt; emitter-appended) ---
"""Pipeline reference for scband-svdpp-77446850281908 (READ-ONLY COPY).

The authoritative reference and input builder live on the scoring server;
editing this copy changes nothing except your own understanding.
"""

import jax, jax.numpy as jnp
import numpy as np

N_USERS = 1000000
N_ITEMS = 1000000
N_FACTORS = 16
BATCH = 16384


def setup_inputs(seed: int = 0) -> dict:
    key = jax.random.key(seed)
    k1, k2, k3, k4, k5, k6, k7 = jax.random.split(key, 7)
    user = jax.random.randint(k1, (BATCH,), 0, N_USERS, dtype=jnp.int64 if jax.config.jax_enable_x64 else jnp.int32)
    item = jax.random.randint(k2, (BATCH,), 0, N_ITEMS, dtype=jnp.int64 if jax.config.jax_enable_x64 else jnp.int32)
    user_factors = jax.random.normal(k3, (N_USERS, N_FACTORS), dtype=jnp.float32)
    item_factors = jax.random.normal(k4, (N_ITEMS, N_FACTORS), dtype=jnp.float32)
    user_biases = jax.random.normal(k5, (N_USERS, 1), dtype=jnp.float32)
    item_biases = jax.random.normal(k6, (N_ITEMS, 1), dtype=jnp.float32)
    user_implicit = jax.random.normal(k7, (N_USERS, N_FACTORS), dtype=jnp.float32)
    return {
        "user": user,
        "item": item,
        "user_factors": user_factors,
        "item_factors": item_factors,
        "user_biases": user_biases,
        "item_biases": item_biases,
        "user_implicit": user_implicit,
    }


def reference(user, item, user_factors, item_factors, user_biases, item_biases, user_implicit):
    # Embedding lookups (gathers)
    user_factor = jnp.take(user_factors, user, axis=0)          # [B, F]
    item_factor = jnp.take(item_factors, item, axis=0)          # [B, F]
    user_bias = jnp.take(user_biases, user, axis=0).squeeze()   # [B]
    item_bias = jnp.take(item_biases, item, axis=0).squeeze()   # [B]
    user_implicit_factor = jnp.take(user_implicit, user, axis=0)  # [B, F]
    prediction = (user_factor * item_factor).sum(axis=1) \
        + user_bias + item_bias \
        + (user_implicit_factor * item_factor).sum(axis=1)
    return jax.nn.sigmoid(prediction)

if __name__ == "__main__":
    import jax
    _d = setup_inputs()
    print(jax.jit(kernel)(*tuple(_d.values())))

</pallas_src>

<mosaic_0001>
#map = affine_map<(d0, d1) -> (0)>
module attributes {stable_mosaic.version = 14 : i64} {
  func.func @_svdpp(%arg0: i32, %arg1: i32, %arg2: memref<16384xi32, #tpu.memory_space<hbm>>, %arg3: memref<16384xi32, #tpu.memory_space<hbm>>, %arg4: memref<16001024xf32, #tpu.memory_space<hbm>>, %arg5: memref<16001024xf32, #tpu.memory_space<hbm>>, %arg6: memref<16001024xf32, #tpu.memory_space<hbm>>, %arg7: memref<1000000xf32, #tpu.memory_space<hbm>>, %arg8: memref<1000000xf32, #tpu.memory_space<hbm>>, %arg9: memref<16384xf32, #tpu.memory_space<hbm>>, %arg10: memref<512xi32, #tpu.memory_space<vmem>>, %arg11: memref<512xi32, #tpu.memory_space<vmem>>, %arg12: memref<512xi32, #tpu.memory_space<vmem>>, %arg13: memref<512xi32, #tpu.memory_space<vmem>>, %arg14: memref<16x512xi32, #tpu.memory_space<vmem>>, %arg15: memref<16x512xi32, #tpu.memory_space<vmem>>, %arg16: memref<16x512xf32, #tpu.memory_space<vmem>>, %arg17: memref<16x512xf32, #tpu.memory_space<vmem>>, %arg18: memref<16x512xf32, #tpu.memory_space<vmem>>, %arg19: memref<512xf32, #tpu.memory_space<vmem>>, %arg20: memref<512xf32, #tpu.memory_space<vmem>>, %arg21: memref<512xf32, #tpu.memory_space<vmem>>, %arg22: memref<!tpu.dma_semaphore, #tpu.memory_space<semaphore_mem>>) attributes {dimension_semantics = [#tpu.dimension_semantics<core_parallel>, #tpu.dimension_semantics<subcore_parallel>], iteration_bounds = array<i64: 2, 16>, scalar_prefetch = 0 : i64, scratch_operands = 13 : i64, tpu.core_type = #tpu.core_type<sc_vector_subcore>, window_params = [{transform_indices = #map}, {transform_indices = #map}, {transform_indices = #map}, {transform_indices = #map}, {transform_indices = #map}, {transform_indices = #map}, {transform_indices = #map}, {transform_indices = #map}]} {
    %mul3A = arith.constant 2 : i32
    %mul3A_0 = arith.muli %arg1, %mul3A : i32
    %add3A = arith.addi %mul3A_0, %arg0 : i32
    %mul3A_1 = arith.constant 512 : i32
    %mul3A_2 = arith.muli %add3A, %mul3A_1 : i32
    "tpu.region"() ({
      %run_scoped3A = tpu.sem_alloc : memref<!tpu.dma_semaphore, #tpu.memory_space<semaphore_mem>>
      %dma_start3A_1076 = tpu.memref_slice %arg2[%mul3A_2] : memref<16384xi32, #tpu.memory_space<hbm>> -> memref<512xi32, #tpu.memory_space<hbm>>
      %dma_start3A_1077 = tpu.memref_slice %arg2[%mul3A_2] : memref<16384xi32, #tpu.memory_space<hbm>> -> memref<512xi32, #tpu.memory_space<hbm>>
      tpu.enqueue_dma source(%dma_start3A_1077 : memref<512xi32, #tpu.memory_space<hbm>>) target(%arg10 : memref<512xi32, #tpu.memory_space<vmem>>) target_semaphore(%run_scoped3A : memref<!tpu.dma_semaphore, #tpu.memory_space<semaphore_mem>>)
      %dma_wait3A_1078 = tpu.memref_slice %arg2[%mul3A_2] : memref<16384xi32, #tpu.memory_space<hbm>> -> memref<512xi32, #tpu.memory_space<hbm>>
      %dma_wait3A_1079 = tpu.memref_slice %arg2[%mul3A_2] : memref<16384xi32, #tpu.memory_space<hbm>> -> memref<512xi32, #tpu.memory_space<hbm>>
      tpu.wait_dma2 semaphore(%run_scoped3A : memref<!tpu.dma_semaphore, #tpu.memory_space<semaphore_mem>>) src(%dma_wait3A_1079 : memref<512xi32, #tpu.memory_space<hbm>>) dst(%arg10 : memref<512xi32, #tpu.memory_space<vmem>>)
      tpu.yield
    }) : () -> ()
    "tpu.region"() ({
      %run_scoped3A = tpu.sem_alloc : memref<!tpu.dma_semaphore, #tpu.memory_space<semaphore_mem>>
      %dma_start3A_1076 = tpu.memref_slice %arg3[%mul3A_2] : memref<16384xi32, #tpu.memory_space<hbm>> -> memref<512xi32, #tpu.memory_space<hbm>>
      %dma_start3A_1077 = tpu.memref_slice %arg3[%mul3A_2] : memref<16384xi32, #tpu.memory_space<hbm>> -> memref<512xi32, #tpu.memory_space<hbm>>
      tpu.enqueue_dma source(%dma_start3A_1077 : memref<512xi32, #tpu.memory_space<hbm>>) target(%arg11 : memref<512xi32, #tpu.memory_space<vmem>>) target_semaphore(%run_scoped3A : memref<!tpu.dma_semaphore, #tpu.memory_space<semaphore_mem>>)
      %dma_wait3A_1078 = tpu.memref_slice %arg3[%mul3A_2] : memref<16384xi32, #tpu.memory_space<hbm>> -> memref<512xi32, #tpu.memory_space<hbm>>
      %dma_wait3A_1079 = tpu.memref_slice %arg3[%mul3A_2] : memref<16384xi32, #tpu.memory_space<hbm>> -> memref<512xi32, #tpu.memory_space<hbm>>
      tpu.wait_dma2 semaphore(%run_scoped3A : memref<!tpu.dma_semaphore, #tpu.memory_space<semaphore_mem>>) src(%dma_wait3A_1079 : memref<512xi32, #tpu.memory_space<hbm>>) dst(%arg11 : memref<512xi32, #tpu.memory_space<vmem>>)
      tpu.yield
    }) : () -> ()
    %scan3A = arith.constant 0 : i32
    %scan3A_3 = arith.constant 0 : i32
    %scan3A_4 = arith.constant 32 : i32
    %scan3A_5 = arith.addi %scan3A_3, %scan3A_4 : i32
    %scan3A_6 = arith.constant 1 : i32
    scf.for %scan3A_1076 = %scan3A_3 to %scan3A_5 step %scan3A_6  : i32 {
      %mul3A_1077 = arith.constant 16 : i32
      %mul3A_1078 = arith.muli %scan3A_1076, %mul3A_1077 : i32
      %get3A = arith.index_cast %mul3A_1078 : i32 to index
      %get3A_1079 = tpu.vector_load %arg10[%get3A] {strides = array<i32>} : memref<512xi32, #tpu.memory_space<vmem>>, vector<16xi32>,
      %get3A_1080 = arith.index_cast %mul3A_1078 : i32 to index
      %get3A_1081 = tpu.vector_load %arg11[%get3A_1080] {strides = array<i32>} : memref<512xi32, #tpu.memory_space<vmem>>, vector<16xi32>,
      %shift_right_arithmetic3A = arith.constant 7 : i32
      %shift_right_arithmetic3A_1082 = vector.broadcast %shift_right_arithmetic3A : i32 to vector<16xi32>
      %shift_right_arithmetic3A_1083 = arith.shrsi %get3A_1079, %shift_right_arithmetic3A_1082 : vector<16xi32>
      %mul3A_1084 = arith.constant 2048 : i32
      %mul3A_1085 = vector.broadcast %mul3A_1084 : i32 to vector<16xi32>
      %mul3A_1086 = arith.muli %shift_right_arithmetic3A_1083, %mul3A_1085 : vector<16xi32>
      %and3A = arith.constant 127 : i32
      %and3A_1087 = vector.broadcast %and3A : i32 to vector<16xi32>
      %and3A_1088 = arith.andi %get3A_1079, %and3A_1087 : vector<16xi32>
      %add3A_1089 = arith.addi %mul3A_1086, %and3A_1088 : vector<16xi32>
      %swap3A = arith.index_cast %mul3A_1078 : i32 to index
      %swap3A_1090 = tpu.vector_load %arg12[%swap3A] {strides = array<i32>} : memref<512xi32, #tpu.memory_space<vmem>>, vector<16xi32>,
      tpu.vector_store %arg12[%swap3A], %add3A_1089 {strides = array<i32>} : memref<512xi32, #tpu.memory_space<vmem>>, vector<16xi32>,
      %shift_right_arithmetic3A_1091 = arith.constant 7 : i32
      %shift_right_arithmetic3A_1092 = vector.broadcast %shift_right_arithmetic3A_1091 : i32 to vector<16xi32>
      %shift_right_arithmetic3A_1093 = arith.shrsi %get3A_1081, %shift_right_arithmetic3A_1092 : vector<16xi32>
      %mul3A_1094 = arith.constant 2048 : i32
      %mul3A_1095 = vector.broadcast %mul3A_1094 : i32 to vector<16xi32>
      %mul3A_1096 = arith.muli %shift_right_arithmetic3A_1093, %mul3A_1095 : vector<16xi32>
      %and3A_1097 = arith.constant 127 : i32
      %and3A_1098 = vector.broadcast %and3A_1097 : i32 to vector<16xi32>
      %and3A_1099 = arith.andi %get3A_1081, %and3A_1098 : vector<16xi32>
      %add3A_1100 = arith.addi %mul3A_1096, %and3A_1099 : vector<16xi32>
      %swap3A_1101 = arith.index_cast %mul3A_1078 : i32 to index
      %swap3A_1102 = tpu.vector_load %arg13[%swap3A_1101] {strides = array<i32>} : memref<512xi32, #tpu.memory_space<vmem>>, vector<16xi32>,
      tpu.vector_store %arg13[%swap3A_1101], %add3A_1100 {strides = array<i32>} : memref<512xi32, #tpu.memory_space<vmem>>, vector<16xi32>,
    }
    %scan3A_7 = arith.constant 32 : i32
    %scan3A_8 = arith.constant 0 : i32
    %scan3A_9 = arith.constant 0 : i32
    %scan3A_10 = arith.constant 32 : i32
    %scan3A_11 = arith.addi %scan3A_9, %scan3A_10 : i32
    %scan3A_12 = arith.constant 1 : i32
    scf.for %scan3A_1076 = %scan3A_9 to %scan3A_11 step %scan3A_12  : i32 {
      %mul3A_1077 = arith.constant 16 : i32
      %mul3A_1078 = arith.muli %scan3A_1076, %mul3A_1077 : i32
      %get3A = arith.index_cast %mul3A_1078 : i32 to index
      %get3A_1079 = tpu.vector_load %arg12[%get3A] {strides = array<i32>} : memref<512xi32, #tpu.memory_space<vmem>>, vector<16xi32>,
      %add3A_1080 = arith.constant 0 : i32
      %add3A_1081 = vector.broadcast %add3A_1080 : i32 to vector<16xi32>
      %add3A_1082 = arith.addi %get3A_1079, %add3A_1081 : vector<16xi32>
      %swap3A = arith.constant 0 : i32
      %swap3A_1083 = arith.constant 0 : i32
      %swap3A_1084 = tpu.memref_slice %arg14[%swap3A, %swap3A_1083] : memref<16x512xi32, #tpu.memory_space<vmem>> -> memref<1x512xi32, #tpu.memory_space<vmem>>
      %swap3A_1085 = tpu.memref_squeeze %swap3A_1084 : memref<1x512xi32, #tpu.memory_space<vmem>> -> memref<512xi32, #tpu.memory_space<vmem>>
      %swap3A_1086 = arith.index_cast %mul3A_1078 : i32 to index
      %swap3A_1087 = tpu.vector_load %swap3A_1085[%swap3A_1086] {strides = array<i32>} : memref<512xi32, #tpu.memory_space<vmem>>, vector<16xi32>,
      tpu.vector_store %swap3A_1085[%swap3A_1086], %add3A_1082 {strides = array<i32>} : memref<512xi32, #tpu.memory_space<vmem>>, vector<16xi32>,
      %get3A_1088 = arith.index_cast %mul3A_1078 : i32 to index
      %get3A_1089 = tpu.vector_load %arg13[%get3A_1088] {strides = array<i32>} : memref<512xi32, #tpu.memory_space<vmem>>, vector<16xi32>,
      %add3A_1090 = arith.constant 0 : i32
      %add3A_1091 = vector.broadcast %add3A_1090 : i32 to vector<16xi32>
      %add3A_1092 = arith.addi %get3A_1089, %add3A_1091 : vector<16xi32>
      %swap3A_1093 = arith.constant 0 : i32
      %swap3A_1094 = arith.constant 0 : i32
      %swap3A_1095 = tpu.memref_slice %arg15[%swap3A_1093, %swap3A_1094] : memref<16x512xi32, #tpu.memory_space<vmem>> -> memref<1x512xi32, #tpu.memory_space<vmem>>
      %swap3A_1096 = tpu.memref_squeeze %swap3A_1095 : memref<1x512xi32, #tpu.memory_space<vmem>> -> memref<512xi32, #tpu.memory_space<vmem>>
      %swap3A_1097 = arith.index_cast %mul3A_1078 : i32 to index
      %swap3A_1098 = tpu.vector_load %swap3A_1096[%swap3A_1097] {strides = array<i32>} : memref<512xi32, #tpu.memory_space<vmem>>, vector<16xi32>,
      tpu.vector_store %swap3A_1096[%swap3A_1097], %add3A_1092 {strides = array<i32>} : memref<512xi32, #tpu.memory_space<vmem>>, vector<16xi32>,
    }
    %scan3A_13 = arith.constant 32 : i32
    %scan3A_14 = arith.constant 0 : i32
    %scan3A_15 = arith.constant 0 : i32
    %scan3A_16 = arith.constant 32 : i32
    %scan3A_17 = arith.addi %scan3A_15, %scan3A_16 : i32
    %scan3A_18 = arith.constant 1 : i32
    scf.for %scan3A_1076 = %scan3A_15 to %scan3A_17 step %scan3A_18  : i32 {
      %mul3A_1077 = arith.constant 16 : i32
      %mul3A_1078 = arith.muli %scan3A_1076, %mul3A_1077 : i32
      %get3A = arith.index_cast %mul3A_1078 : i32 to index
      %get3A_1079 = tpu.vector_load %arg12[%get3A] {strides = array<i32>} : memref<512xi32, #tpu.memory_space<vmem>>, vector<16xi32>,
      %add3A_1080 = arith.constant 128 : i32
      %add3A_1081 = vector.broadcast %add3A_1080 : i32 to vector<16xi32>
      %add3A_1082 = arith.addi %get3A_1079, %add3A_1081 : vector<16xi32>
      %swap3A = arith.constant 1 : i32
      %swap3A_1083 = arith.constant 0 : i32
      %swap3A_1084 = tpu.memref_slice %arg14[%swap3A, %swap3A_1083] : memref<16x512xi32, #tpu.memory_space<vmem>> -> memref<1x512xi32, #tpu.memory_space<vmem>>
      %swap3A_1085 = tpu.memref_squeeze %swap3A_1084 : memref<1x512xi32, #tpu.memory_space<vmem>> -> memref<512xi32, #tpu.memory_space<vmem>>
      %swap3A_1086 = arith.index_cast %mul3A_1078 : i32 to index
      %swap3A_1087 = tpu.vector_load %swap3A_1085[%swap3A_1086] {strides = array<i32>} : memref<512xi32, #tpu.memory_space<vmem>>, vector<16xi32>,
      tpu.vector_store %swap3A_1085[%swap3A_1086], %add3A_1082 {strides = array<i32>} : memref<512xi32, #tpu.memory_space<vmem>>, vector<16xi32>,
      %get3A_1088 = arith.index_cast %mul3A_1078 : i32 to index
      %get3A_1089 = tpu.vector_load %arg13[%get3A_1088] {strides = array<i32>} : memref<512xi32, #tpu.memory_space<vmem>>, vector<16xi32>,
      %add3A_1090 = arith.constant 128 : i32
      %add3A_1091 = vector.broadcast %add3A_1090 : i32 to vector<16xi32>
      %add3A_1092 = arith.addi %get3A_1089, %add3A_1091 : vector<16xi32>
      %swap3A_1093 = arith.constant 1 : i32
      %swap3A_1094 = arith.constant 0 : i32
      %swap3A_1095 = tpu.memref_slice %arg15[%swap3A_1093, %swap3A_1094] : memref<16x512xi32, #tpu.memory_space<vmem>> -> memref<1x512xi32, #tpu.memory_space<vmem>>
      %swap3A_1096 = tpu.memref_squeeze %swap3A_1095 : memref<1x512xi32, #tpu.memory_space<vmem>> -> memref<512xi32, #tpu.memory_space<vmem>>
      %swap3A_1097 = arith.index_cast %mul3A_1078 : i32 to index
      %swap3A_1098 = tpu.vector_load %swap3A_1096[%swap3A_1097] {strides = array<i32>} : memref<512xi32, #tpu.memory_space<vmem>>, vector<16xi32>,
      tpu.vector_store %swap3A_1096[%swap3A_1097], %add3A_1092 {strides = array<i32>} : memref<512xi32, #tpu.memory_space<vmem>>, vector<16xi32>,
    }
    %scan3A_19 = arith.constant 32 : i32
    %scan3A_20 = arith.constant 0 : i32
    %scan3A_21 = arith.constant 0 : i32
    %scan3A_22 = arith.constant 32 : i32
    %scan3A_23 = arith.addi %scan3A_21, %scan3A_22 : i32
    %scan3A_24 = arith.constant 1 : i32
    scf.for %scan3A_1076 = %scan3A_21 to %scan3A_23 step %scan3A_24  : i32 {
      %mul3A_1077 = arith.constant 16 : i32
      %mul3A_1078 = arith.muli %scan3A_1076, %mul3A_1077 : i32
      %get3A = arith.index_cast %mul3A_1078 : i32 to index
      %get3A_1079 = tpu.vector_load %arg12[%get3A] {strides = array<i32>} : memref<512xi32, #tpu.memory_space<vmem>>, vector<16xi32>,
      %add3A_1080 = arith.constant 256 : i32
      %add3A_1081 = vector.broadcast %add3A_1080 : i32 to vector<16xi32>
      %add3A_1082 = arith.addi %get3A_1079, %add3A_1081 : vector<16xi32>
      %swap3A = arith.constant 2 : i32
      %swap3A_1083 = arith.constant 0 : i32
      %swap3A_1084 = tpu.memref_slice %arg14[%swap3A, %swap3A_1083] : memref<16x512xi32, #tpu.memory_space<vmem>> -> memref<1x512xi32, #tpu.memory_space<vmem>>
      %swap3A_1085 = tpu.memref_squeeze %swap3A_1084 : memref<1x512xi32, #tpu.memory_space<vmem>> -> memref<512xi32, #tpu.memory_space<vmem>>
      %swap3A_1086 = arith.index_cast %mul3A_1078 : i32 to index
      %swap3A_1087 = tpu.vector_load %swap3A_1085[%swap3A_1086] {strides = array<i32>} : memref<512xi32, #tpu.memory_space<vmem>>, vector<16xi32>,
      tpu.vector_store %swap3A_1085[%swap3A_1086], %add3A_1082 {strides = array<i32>} : memref<512xi32, #tpu.memory_space<vmem>>, vector<16xi32>,
      %get3A_1088 = arith.index_cast %mul3A_1078 : i32 to index
      %get3A_1089 = tpu.vector_load %arg13[%get3A_1088] {strides = array<i32>} : memref<512xi32, #tpu.memory_space<vmem>>, vector<16xi32>,
      %add3A_1090 = arith.constant 256 : i32
      %add3A_1091 = vector.broadcast %add3A_1090 : i32 to vector<16xi32>
      %add3A_1092 = arith.addi %get3A_1089, %add3A_1091 : vector<16xi32>
      %swap3A_1093 = arith.constant 2 : i32
      %swap3A_1094 = arith.constant 0 : i32
      %swap3A_1095 = tpu.memref_slice %arg15[%swap3A_1093, %swap3A_1094] : memref<16x512xi32, #tpu.memory_space<vmem>> -> memref<1x512xi32, #tpu.memory_space<vmem>>
      %swap3A_1096 = tpu.memref_squeeze %swap3A_1095 : memref<1x512xi32, #tpu.memory_space<vmem>> -> memref<512xi32, #tpu.memory_space<vmem>>
      %swap3A_1097 = arith.index_cast %mul3A_1078 : i32 to index
      %swap3A_1098 = tpu.vector_load %swap3A_1096[%swap3A_1097] {strides = array<i32>} : memref<512xi32, #tpu.memory_space<vmem>>, vector<16xi32>,
      tpu.vector_store %swap3A_1096[%swap3A_1097], %add3A_1092 {strides = array<i32>} : memref<512xi32, #tpu.memory_space<vmem>>, vector<16xi32>,
    }
    %scan3A_25 = arith.constant 32 : i32
    %scan3A_26 = arith.constant 0 : i32
    %scan3A_27 = arith.constant 0 : i32
    %scan3A_28 = arith.constant 32 : i32
    %scan3A_29 = arith.addi %scan3A_27, %scan3A_28 : i32
    %scan3A_30 = arith.constant 1 : i32
    scf.for %scan3A_1076 = %scan3A_27 to %scan3A_29 step %scan3A_30  : i32 {
      %mul3A_1077 = arith.constant 16 : i32
      %mul3A_1078 = arith.muli %scan3A_1076, %mul3A_1077 : i32
      %get3A = arith.index_cast %mul3A_1078 : i32 to index
      %get3A_1079 = tpu.vector_load %arg12[%get3A] {strides = array<i32>} : memref<512xi32, #tpu.memory_space<vmem>>, vector<16xi32>,
      %add3A_1080 = arith.constant 384 : i32
      %add3A_1081 = vector.broadcast %add3A_1080 : i32 to vector<16xi32>
      %add3A_1082 = arith.addi %get3A_1079, %add3A_1081 : vector<16xi32>
      %swap3A = arith.constant 3 : i32
      %swap3A_1083 = arith.constant 0 : i32
      %swap3A_1084 = tpu.memref_slice %arg14[%swap3A, %swap3A_1083] : memref<16x512xi32, #tpu.memory_space<vmem>> -> memref<1x512xi32, #tpu.memory_space<vmem>>
      %swap3A_1085 = tpu.memref_squeeze %swap3A_1084 : memref<1x512xi32, #tpu.memory_space<vmem>> -> memref<512xi32, #tpu.memory_space<vmem>>
      %swap3A_1086 = arith.index_cast %mul3A_1078 : i32 to index
      %swap3A_1087 = tpu.vector_load %swap3A_1085[%swap3A_1086] {strides = array<i32>} : memref<512xi32, #tpu.memory_space<vmem>>, vector<16xi32>,
      tpu.vector_store %swap3A_1085[%swap3A_1086], %add3A_1082 {strides = array<i32>} : memref<512xi32, #tpu.memory_space<vmem>>, vector<16xi32>,
      %get3A_1088 = arith.index_cast %mul3A_1078 : i32 to index
      %get3A_1089 = tpu.vector_load %arg13[%get3A_1088] {strides = array<i32>} : memref<512xi32, #tpu.memory_space<vmem>>, vector<16xi32>,
      %add3A_1090 = arith.constant 384 : i32
      %add3A_1091 = vector.broadcast %add3A_1090 : i32 to vector<16xi32>
      %add3A_1092 = arith.addi %get3A_1089, %add3A_1091 : vector<16xi32>
      %swap3A_1093 = arith.constant 3 : i32
      %swap3A_1094 = arith.constant 0 : i32
      %swap3A_1095 = tpu.memref_slice %arg15[%swap3A_1093, %swap3A_1094] : memref<16x512xi32, #tpu.memory_space<vmem>> -> memref<1x512xi32, #tpu.memory_space<vmem>>
      %swap3A_1096 = tpu.memref_squeeze %swap3A_1095 : memref<1x512xi32, #tpu.memory_space<vmem>> -> memref<512xi32, #tpu.memory_space<vmem>>
      %swap3A_1097 = arith.index_cast %mul3A_1078 : i32 to index
      %swap3A_1098 = tpu.vector_load %swap3A_1096[%swap3A_1097] {strides = array<i32>} : memref<512xi32, #tpu.memory_space<vmem>>, vector<16xi32>,
      tpu.vector_store %swap3A_1096[%swap3A_1097], %add3A_1092 {strides = array<i32>} : memref<512xi32, #tpu.memory_space<vmem>>, vector<16xi32>,
    }
    %scan3A_31 = arith.constant 32 : i32
    %scan3A_32 = arith.constant 0 : i32
    %scan3A_33 = arith.constant 0 : i32
    %scan3A_34 = arith.constant 32 : i32
    %scan3A_35 = arith.addi %scan3A_33, %scan3A_34 : i32
    %scan3A_36 = arith.constant 1 : i32
    scf.for %scan3A_1076 = %scan3A_33 to %scan3A_35 step %scan3A_36  : i32 {
      %mul3A_1077 = arith.constant 16 : i32
      %mul3A_1078 = arith.muli %scan3A_1076, %mul3A_1077 : i32
      %get3A = arith.index_cast %mul3A_1078 : i32 to index
      %get3A_1079 = tpu.vector_load %arg12[%get3A] {strides = array<i32>} : memref<512xi32, #tpu.memory_space<vmem>>, vector<16xi32>,
      %add3A_1080 = arith.constant 512 : i32
      %add3A_1081 = vector.broadcast %add3A_1080 : i32 to vector<16xi32>
      %add3A_1082 = arith.addi %get3A_1079, %add3A_1081 : vector<16xi32>
      %swap3A = arith.constant 4 : i32
      %swap3A_1083 = arith.constant 0 : i32
      %swap3A_1084 = tpu.memref_slice %arg14[%swap3A, %swap3A_1083] : memref<16x512xi32, #tpu.memory_space<vmem>> -> memref<1x512xi32, #tpu.memory_space<vmem>>
      %swap3A_1085 = tpu.memref_squeeze %swap3A_1084 : memref<1x512xi32, #tpu.memory_space<vmem>> -> memref<512xi32, #tpu.memory_space<vmem>>
      %swap3A_1086 = arith.index_cast %mul3A_1078 : i32 to index
      %swap3A_1087 = tpu.vector_load %swap3A_1085[%swap3A_1086] {strides = array<i32>} : memref<512xi32, #tpu.memory_space<vmem>>, vector<16xi32>,
      tpu.vector_store %swap3A_1085[%swap3A_1086], %add3A_1082 {strides = array<i32>} : memref<512xi32, #tpu.memory_space<vmem>>, vector<16xi32>,
      %get3A_1088 = arith.index_cast %mul3A_1078 : i32 to index
      %get3A_1089 = tpu.vector_load %arg13[%get3A_1088] {strides = array<i32>} : memref<512xi32, #tpu.memory_space<vmem>>, vector<16xi32>,
      %add3A_1090 = arith.constant 512 : i32
      %add3A_1091 = vector.broadcast %add3A_1090 : i32 to vector<16xi32>
      %add3A_1092 = arith.addi %get3A_1089, %add3A_1091 : vector<16xi32>
      %swap3A_1093 = arith.constant 4 : i32
      %swap3A_1094 = arith.constant 0 : i32
      %swap3A_1095 = tpu.memref_slice %arg15[%swap3A_1093, %swap3A_1094] : memref<16x512xi32, #tpu.memory_space<vmem>> -> memref<1x512xi32, #tpu.memory_space<vmem>>
      %swap3A_1096 = tpu.memref_squeeze %swap3A_1095 : memref<1x512xi32, #tpu.memory_space<vmem>> -> memref<512xi32, #tpu.memory_space<vmem>>
      %swap3A_1097 = arith.index_cast %mul3A_1078 : i32 to index
      %swap3A_1098 = tpu.vector_load %swap3A_1096[%swap3A_1097] {strides = array<i32>} : memref<512xi32, #tpu.memory_space<vmem>>, vector<16xi32>,
      tpu.vector_store %swap3A_1096[%swap3A_1097], %add3A_1092 {strides = array<i32>} : memref<512xi32, #tpu.memory_space<vmem>>, vector<16xi32>,
    }
    %scan3A_37 = arith.constant 32 : i32
    %scan3A_38 = arith.constant 0 : i32
    %scan3A_39 = arith.constant 0 : i32
    %scan3A_40 = arith.constant 32 : i32
    %scan3A_41 = arith.addi %scan3A_39, %scan3A_40 : i32
    %scan3A_42 = arith.constant 1 : i32
    scf.for %scan3A_1076 = %scan3A_39 to %scan3A_41 step %scan3A_42  : i32 {
      %mul3A_1077 = arith.constant 16 : i32
      %mul3A_1078 = arith.muli %scan3A_1076, %mul3A_1077 : i32
      %get3A = arith.index_cast %mul3A_1078 : i32 to index
      %get3A_1079 = tpu.vector_load %arg12[%get3A] {strides = array<i32>} : memref<512xi32, #tpu.memory_space<vmem>>, vector<16xi32>,
      %add3A_1080 = arith.constant 640 : i32
      %add3A_1081 = vector.broadcast %add3A_1080 : i32 to vector<16xi32>
      %add3A_1082 = arith.addi %get3A_1079, %add3A_1081 : vector<16xi32>
      %swap3A = arith.constant 5 : i32
      %swap3A_1083 = arith.constant 0 : i32
      %swap3A_1084 = tpu.memref_slice %arg14[%swap3A, %swap3A_1083] : memref<16x512xi32, #tpu.memory_space<vmem>> -> memref<1x512xi32, #tpu.memory_space<vmem>>
      %swap3A_1085 = tpu.memref_squeeze %swap3A_1084 : memref<1x512xi32, #tpu.memory_space<vmem>> -> memref<512xi32, #tpu.memory_space<vmem>>
      %swap3A_1086 = arith.index_cast %mul3A_1078 : i32 to index
      %swap3A_1087 = tpu.vector_load %swap3A_1085[%swap3A_1086] {strides = array<i32>} : memref<512xi32, #tpu.memory_space<vmem>>, vector<16xi32>,
      tpu.vector_store %swap3A_1085[%swap3A_1086], %add3A_1082 {strides = array<i32>} : memref<512xi32, #tpu.memory_space<vmem>>, vector<16xi32>,
      %get3A_1088 = arith.index_cast %mul3A_1078 : i32 to index
      %get3A_1089 = tpu.vector_load %arg13[%get3A_1088] {strides = array<i32>} : memref<512xi32, #tpu.memory_space<vmem>>, vector<16xi32>,
      %add3A_1090 = arith.constant 640 : i32
      %add3A_1091 = vector.broadcast %add3A_1090 : i32 to vector<16xi32>
      %add3A_1092 = arith.addi %get3A_1089, %add3A_1091 : vector<16xi32>
      %swap3A_1093 = arith.constant 5 : i32
      %swap3A_1094 = arith.constant 0 : i32
      %swap3A_1095 = tpu.memref_slice %arg15[%swap3A_1093, %swap3A_1094] : memref<16x512xi32, #tpu.memory_space<vmem>> -> memref<1x512xi32, #tpu.memory_space<vmem>>
      %swap3A_1096 = tpu.memref_squeeze %swap3A_1095 : memref<1x512xi32, #tpu.memory_space<vmem>> -> memref<512xi32, #tpu.memory_space<vmem>>
      %swap3A_1097 = arith.index_cast %mul3A_1078 : i32 to index
      %swap3A_1098 = tpu.vector_load %swap3A_1096[%swap3A_1097] {strides = array<i32>} : memref<512xi32, #tpu.memory_space<vmem>>, vector<16xi32>,
      tpu.vector_store %swap3A_1096[%swap3A_1097], %add3A_1092 {strides = array<i32>} : memref<512xi32, #tpu.memory_space<vmem>>, vector<16xi32>,
    }
    %scan3A_43 = arith.constant 32 : i32
    %scan3A_44 = arith.constant 0 : i32
    %scan3A_45 = arith.constant 0 : i32
    %scan3A_46 = arith.constant 32 : i32
    %scan3A_47 = arith.addi %scan3A_45, %scan3A_46 : i32
    %scan3A_48 = arith.constant 1 : i32
    scf.for %scan3A_1076 = %scan3A_45 to %scan3A_47 step %scan3A_48  : i32 {
      %mul3A_1077 = arith.constant 16 : i32
      %mul3A_1078 = arith.muli %scan3A_1076, %mul3A_1077 : i32
      %get3A = arith.index_cast %mul3A_1078 : i32 to index
      %get3A_1079 = tpu.vector_load %arg12[%get3A] {strides = array<i32>} : memref<512xi32, #tpu.memory_space<vmem>>, vector<16xi32>,
      %add3A_1080 = arith.constant 768 : i32
      %add3A_1081 = vector.broadcast %add3A_1080 : i32 to vector<16xi32>
      %add3A_1082 = arith.addi %get3A_1079, %add3A_1081 : vector<16xi32>
      %swap3A = arith.constant 6 : i32
      %swap3A_1083 = arith.constant 0 : i32
      %swap3A_1084 = tpu.memref_slice %arg14[%swap3A, %swap3A_1083] : memref<16x512xi32, #tpu.memory_space<vmem>> -> memref<1x512xi32, #tpu.memory_space<vmem>>
      %swap3A_1085 = tpu.memref_squeeze %swap3A_1084 : memref<1x512xi32, #tpu.memory_space<vmem>> -> memref<512xi32, #tpu.memory_space<vmem>>
      %swap3A_1086 = arith.index_cast %mul3A_1078 : i32 to index
      %swap3A_1087 = tpu.vector_load %swap3A_1085[%swap3A_1086] {strides = array<i32>} : memref<512xi32, #tpu.memory_space<vmem>>, vector<16xi32>,
      tpu.vector_store %swap3A_1085[%swap3A_1086], %add3A_1082 {strides = array<i32>} : memref<512xi32, #tpu.memory_space<vmem>>, vector<16xi32>,
      %get3A_1088 = arith.index_cast %mul3A_1078 : i32 to index
      %get3A_1089 = tpu.vector_load %arg13[%get3A_1088] {strides = array<i32>} : memref<512xi32, #tpu.memory_space<vmem>>, vector<16xi32>,
      %add3A_1090 = arith.constant 768 : i32
      %add3A_1091 = vector.broadcast %add3A_1090 : i32 to vector<16xi32>
      %add3A_1092 = arith.addi %get3A_1089, %add3A_1091 : vector<16xi32>
      %swap3A_1093 = arith.constant 6 : i32
      %swap3A_1094 = arith.constant 0 : i32
      %swap3A_1095 = tpu.memref_slice %arg15[%swap3A_1093, %swap3A_1094] : memref<16x512xi32, #tpu.memory_space<vmem>> -> memref<1x512xi32, #tpu.memory_space<vmem>>
      %swap3A_1096 = tpu.memref_squeeze %swap3A_1095 : memref<1x512xi32, #tpu.memory_space<vmem>> -> memref<512xi32, #tpu.memory_space<vmem>>
      %swap3A_1097 = arith.index_cast %mul3A_1078 : i32 to index
      %swap3A_1098 = tpu.vector_load %swap3A_1096[%swap3A_1097] {strides = array<i32>} : memref<512xi32, #tpu.memory_space<vmem>>, vector<16xi32>,
      tpu.vector_store %swap3A_1096[%swap3A_1097], %add3A_1092 {strides = array<i32>} : memref<512xi32, #tpu.memory_space<vmem>>, vector<16xi32>,
    }
    %scan3A_49 = arith.constant 32 : i32
    %scan3A_50 = arith.constant 0 : i32
    %scan3A_51 = arith.constant 0 : i32
    %scan3A_52 = arith.constant 32 : i32
    %scan3A_53 = arith.addi %scan3A_51, %scan3A_52 : i32
    %scan3A_54 = arith.constant 1 : i32
    scf.for %scan3A_1076 = %scan3A_51 to %scan3A_53 step %scan3A_54  : i32 {
      %mul3A_1077 = arith.constant 16 : i32
      %mul3A_1078 = arith.muli %scan3A_1076, %mul3A_1077 : i32
      %get3A = arith.index_cast %mul3A_1078 : i32 to index
      %get3A_1079 = tpu.vector_load %arg12[%get3A] {strides = array<i32>} : memref<512xi32, #tpu.memory_space<vmem>>, vector<16xi32>,
      %add3A_1080 = arith.constant 896 : i32
      %add3A_1081 = vector.broadcast %add3A_1080 : i32 to vector<16xi32>
      %add3A_1082 = arith.addi %get3A_1079, %add3A_1081 : vector<16xi32>
      %swap3A = arith.constant 7 : i32
      %swap3A_1083 = arith.constant 0 : i32
      %swap3A_1084 = tpu.memref_slice %arg14[%swap3A, %swap3A_1083] : memref<16x512xi32, #tpu.memory_space<vmem>> -> memref<1x512xi32, #tpu.memory_space<vmem>>
      %swap3A_1085 = tpu.memref_squeeze %swap3A_1084 : memref<1x512xi32, #tpu.memory_space<vmem>> -> memref<512xi32, #tpu.memory_space<vmem>>
      %swap3A_1086 = arith.index_cast %mul3A_1078 : i32 to index
      %swap3A_1087 = tpu.vector_load %swap3A_1085[%swap3A_1086] {strides = array<i32>} : memref<512xi32, #tpu.memory_space<vmem>>, vector<16xi32>,
      tpu.vector_store %swap3A_1085[%swap3A_1086], %add3A_1082 {strides = array<i32>} : memref<512xi32, #tpu.memory_space<vmem>>, vector<16xi32>,
      %get3A_1088 = arith.index_cast %mul3A_1078 : i32 to index
      %get3A_1089 = tpu.vector_load %arg13[%get3A_1088] {strides = array<i32>} : memref<512xi32, #tpu.memory_space<vmem>>, vector<16xi32>,
      %add3A_1090 = arith.constant 896 : i32
      %add3A_1091 = vector.broadcast %add3A_1090 : i32 to vector<16xi32>
      %add3A_1092 = arith.addi %get3A_1089, %add3A_1091 : vector<16xi32>
      %swap3A_1093 = arith.constant 7 : i32
      %swap3A_1094 = arith.constant 0 : i32
      %swap3A_1095 = tpu.memref_slice %arg15[%swap3A_1093, %swap3A_1094] : memref<16x512xi32, #tpu.memory_space<vmem>> -> memref<1x512xi32, #tpu.memory_space<vmem>>
      %swap3A_1096 = tpu.memref_squeeze %swap3A_1095 : memref<1x512xi32, #tpu.memory_space<vmem>> -> memref<512xi32, #tpu.memory_space<vmem>>
      %swap3A_1097 = arith.index_cast %mul3A_1078 : i32 to index
      %swap3A_1098 = tpu.vector_load %swap3A_1096[%swap3A_1097] {strides = array<i32>} : memref<512xi32, #tpu.memory_space<vmem>>, vector<16xi32>,
      tpu.vector_store %swap3A_1096[%swap3A_1097], %add3A_1092 {strides = array<i32>} : memref<512xi32, #tpu.memory_space<vmem>>, vector<16xi32>,
    }
    %scan3A_55 = arith.constant 32 : i32
    %scan3A_56 = arith.constant 0 : i32
    %scan3A_57 = arith.constant 0 : i32
    %scan3A_58 = arith.constant 32 : i32
    %scan3A_59 = arith.addi %scan3A_57, %scan3A_58 : i32
    %scan3A_60 = arith.constant 1 : i32
    scf.for %scan3A_1076 = %scan3A_57 to %scan3A_59 step %scan3A_60  : i32 {
      %mul3A_1077 = arith.constant 16 : i32
      %mul3A_1078 = arith.muli %scan3A_1076, %mul3A_1077 : i32
      %get3A = arith.index_cast %mul3A_1078 : i32 to index
      %get3A_1079 = tpu.vector_load %arg12[%get3A] {strides = array<i32>} : memref<512xi32, #tpu.memory_space<vmem>>, vector<16xi32>,
      %add3A_1080 = arith.constant 1024 : i32
      %add3A_1081 = vector.broadcast %add3A_1080 : i32 to vector<16xi32>
      %add3A_1082 = arith.addi %get3A_1079, %add3A_1081 : vector<16xi32>
      %swap3A = arith.constant 8 : i32
      %swap3A_1083 = arith.constant 0 : i32
      %swap3A_1084 = tpu.memref_slice %arg14[%swap3A, %swap3A_1083] : memref<16x512xi32, #tpu.memory_space<vmem>> -> memref<1x512xi32, #tpu.memory_space<vmem>>
      %swap3A_1085 = tpu.memref_squeeze %swap3A_1084 : memref<1x512xi32, #tpu.memory_space<vmem>> -> memref<512xi32, #tpu.memory_space<vmem>>
      %swap3A_1086 = arith.index_cast %mul3A_1078 : i32 to index
      %swap3A_1087 = tpu.vector_load %swap3A_1085[%swap3A_1086] {strides = array<i32>} : memref<512xi32, #tpu.memory_space<vmem>>, vector<16xi32>,
      tpu.vector_store %swap3A_1085[%swap3A_1086], %add3A_1082 {strides = array<i32>} : memref<512xi32, #tpu.memory_space<vmem>>, vector<16xi32>,
      %get3A_1088 = arith.index_cast %mul3A_1078 : i32 to index
      %get3A_1089 = tpu.vector_load %arg13[%get3A_1088] {strides = array<i32>} : memref<512xi32, #tpu.memory_space<vmem>>, vector<16xi32>,
      %add3A_1090 = arith.constant 1024 : i32
      %add3A_1091 = vector.broadcast %add3A_1090 : i32 to vector<16xi32>
      %add3A_1092 = arith.addi %get3A_1089, %add3A_1091 : vector<16xi32>
      %swap3A_1093 = arith.constant 8 : i32
      %swap3A_1094 = arith.constant 0 : i32
      %swap3A_1095 = tpu.memref_slice %arg15[%swap3A_1093, %swap3A_1094] : memref<16x512xi32, #tpu.memory_space<vmem>> -> memref<1x512xi32, #tpu.memory_space<vmem>>
      %swap3A_1096 = tpu.memref_squeeze %swap3A_1095 : memref<1x512xi32, #tpu.memory_space<vmem>> -> memref<512xi32, #tpu.memory_space<vmem>>
      %swap3A_1097 = arith.index_cast %mul3A_1078 : i32 to index
      %swap3A_1098 = tpu.vector_load %swap3A_1096[%swap3A_1097] {strides = array<i32>} : memref<512xi32, #tpu.memory_space<vmem>>, vector<16xi32>,
      tpu.vector_store %swap3A_1096[%swap3A_1097], %add3A_1092 {strides = array<i32>} : memref<512xi32, #tpu.memory_space<vmem>>, vector<16xi32>,
    }
    %scan3A_61 = arith.constant 32 : i32
    %scan3A_62 = arith.constant 0 : i32
    %scan3A_63 = arith.constant 0 : i32
    %scan3A_64 = arith.constant 32 : i32
    %scan3A_65 = arith.addi %scan3A_63, %scan3A_64 : i32
    %scan3A_66 = arith.constant 1 : i32
    scf.for %scan3A_1076 = %scan3A_63 to %scan3A_65 step %scan3A_66  : i32 {
      %mul3A_1077 = arith.constant 16 : i32
      %mul3A_1078 = arith.muli %scan3A_1076, %mul3A_1077 : i32
      %get3A = arith.index_cast %mul3A_1078 : i32 to index
      %get3A_1079 = tpu.vector_load %arg12[%get3A] {strides = array<i32>} : memref<512xi32, #tpu.memory_space<vmem>>, vector<16xi32>,
      %add3A_1080 = arith.constant 1152 : i32
      %add3A_1081 = vector.broadcast %add3A_1080 : i32 to vector<16xi32>
      %add3A_1082 = arith.addi %get3A_1079, %add3A_1081 : vector<16xi32>
      %swap3A = arith.constant 9 : i32
      %swap3A_1083 = arith.constant 0 : i32
      %swap3A_1084 = tpu.memref_slice %arg14[%swap3A, %swap3A_1083] : memref<16x512xi32, #tpu.memory_space<vmem>> -> memref<1x512xi32, #tpu.memory_space<vmem>>
      %swap3A_1085 = tpu.memref_squeeze %swap3A_1084 : memref<1x512xi32, #tpu.memory_space<vmem>> -> memref<512xi32, #tpu.memory_space<vmem>>
      %swap3A_1086 = arith.index_cast %mul3A_1078 : i32 to index
      %swap3A_1087 = tpu.vector_load %swap3A_1085[%swap3A_1086] {strides = array<i32>} : memref<512xi32, #tpu.memory_space<vmem>>, vector<16xi32>,
      tpu.vector_store %swap3A_1085[%swap3A_1086], %add3A_1082 {strides = array<i32>} : memref<512xi32, #tpu.memory_space<vmem>>, vector<16xi32>,
      %get3A_1088 = arith.index_cast %mul3A_1078 : i32 to index
      %get3A_1089 = tpu.vector_load %arg13[%get3A_1088] {strides = array<i32>} : memref<512xi32, #tpu.memory_space<vmem>>, vector<16xi32>,
      %add3A_1090 = arith.constant 1152 : i32
      %add3A_1091 = vector.broadcast %add3A_1090 : i32 to vector<16xi32>
      %add3A_1092 = arith.addi %get3A_1089, %add3A_1091 : vector<16xi32>
      %swap3A_1093 = arith.constant 9 : i32
      %swap3A_1094 = arith.constant 0 : i32
      %swap3A_1095 = tpu.memref_slice %arg15[%swap3A_1093, %swap3A_1094] : memref<16x512xi32, #tpu.memory_space<vmem>> -> memref<1x512xi32, #tpu.memory_space<vmem>>
      %swap3A_1096 = tpu.memref_squeeze %swap3A_1095 : memref<1x512xi32, #tpu.memory_space<vmem>> -> memref<512xi32, #tpu.memory_space<vmem>>
      %swap3A_1097 = arith.index_cast %mul3A_1078 : i32 to index
      %swap3A_1098 = tpu.vector_load %swap3A_1096[%swap3A_1097] {strides = array<i32>} : memref<512xi32, #tpu.memory_space<vmem>>, vector<16xi32>,
      tpu.vector_store %swap3A_1096[%swap3A_1097], %add3A_1092 {strides = array<i32>} : memref<512xi32, #tpu.memory_space<vmem>>, vector<16xi32>,
    }
    %scan3A_67 = arith.constant 32 : i32
    %scan3A_68 = arith.constant 0 : i32
    %scan3A_69 = arith.constant 0 : i32
    %scan3A_70 = arith.constant 32 : i32
    %scan3A_71 = arith.addi %scan3A_69, %scan3A_70 : i32
    %scan3A_72 = arith.constant 1 : i32
    scf.for %scan3A_1076 = %scan3A_69 to %scan3A_71 step %scan3A_72  : i32 {
      %mul3A_1077 = arith.constant 16 : i32
      %mul3A_1078 = arith.muli %scan3A_1076, %mul3A_1077 : i32
      %get3A = arith.index_cast %mul3A_1078 : i32 to index
      %get3A_1079 = tpu.vector_load %arg12[%get3A] {strides = array<i32>} : memref<512xi32, #tpu.memory_space<vmem>>, vector<16xi32>,
      %add3A_1080 = arith.constant 1280 : i32
      %add3A_1081 = vector.broadcast %add3A_1080 : i32 to vector<16xi32>
      %add3A_1082 = arith.addi %get3A_1079, %add3A_1081 : vector<16xi32>
      %swap3A = arith.constant 10 : i32
      %swap3A_1083 = arith.constant 0 : i32
      %swap3A_1084 = tpu.memref_slice %arg14[%swap3A, %swap3A_1083] : memref<16x512xi32, #tpu.memory_space<vmem>> -> memref<1x512xi32, #tpu.memory_space<vmem>>
      %swap3A_1085 = tpu.memref_squeeze %swap3A_1084 : memref<1x512xi32, #tpu.memory_space<vmem>> -> memref<512xi32, #tpu.memory_space<vmem>>
      %swap3A_1086 = arith.index_cast %mul3A_1078 : i32 to index
      %swap3A_1087 = tpu.vector_load %swap3A_1085[%swap3A_1086] {strides = array<i32>} : memref<512xi32, #tpu.memory_space<vmem>>, vector<16xi32>,
      tpu.vector_store %swap3A_1085[%swap3A_1086], %add3A_1082 {strides = array<i32>} : memref<512xi32, #tpu.memory_space<vmem>>, vector<16xi32>,
      %get3A_1088 = arith.index_cast %mul3A_1078 : i32 to index
      %get3A_1089 = tpu.vector_load %arg13[%get3A_1088] {strides = array<i32>} : memref<512xi32, #tpu.memory_space<vmem>>, vector<16xi32>,
      %add3A_1090 = arith.constant 1280 : i32
      %add3A_1091 = vector.broadcast %add3A_1090 : i32 to vector<16xi32>
      %add3A_1092 = arith.addi %get3A_1089, %add3A_1091 : vector<16xi32>
      %swap3A_1093 = arith.constant 10 : i32
      %swap3A_1094 = arith.constant 0 : i32
      %swap3A_1095 = tpu.memref_slice %arg15[%swap3A_1093, %swap3A_1094] : memref<16x512xi32, #tpu.memory_space<vmem>> -> memref<1x512xi32, #tpu.memory_space<vmem>>
      %swap3A_1096 = tpu.memref_squeeze %swap3A_1095 : memref<1x512xi32, #tpu.memory_space<vmem>> -> memref<512xi32, #tpu.memory_space<vmem>>
      %swap3A_1097 = arith.index_cast %mul3A_1078 : i32 to index
      %swap3A_1098 = tpu.vector_load %swap3A_1096[%swap3A_1097] {strides = array<i32>} : memref<512xi32, #tpu.memory_space<vmem>>, vector<16xi32>,
      tpu.vector_store %swap3A_1096[%swap3A_1097], %add3A_1092 {strides = array<i32>} : memref<512xi32, #tpu.memory_space<vmem>>, vector<16xi32>,
    }
    %scan3A_73 = arith.constant 32 : i32
    %scan3A_74 = arith.constant 0 : i32
    %scan3A_75 = arith.constant 0 : i32
    %scan3A_76 = arith.constant 32 : i32
    %scan3A_77 = arith.addi %scan3A_75, %scan3A_76 : i32
    %scan3A_78 = arith.constant 1 : i32
    scf.for %scan3A_1076 = %scan3A_75 to %scan3A_77 step %scan3A_78  : i32 {
      %mul3A_1077 = arith.constant 16 : i32
      %mul3A_1078 = arith.muli %scan3A_1076, %mul3A_1077 : i32
      %get3A = arith.index_cast %mul3A_1078 : i32 to index
      %get3A_1079 = tpu.vector_load %arg12[%get3A] {strides = array<i32>} : memref<512xi32, #tpu.memory_space<vmem>>, vector<16xi32>,
      %add3A_1080 = arith.constant 1408 : i32
      %add3A_1081 = vector.broadcast %add3A_1080 : i32 to vector<16xi32>
      %add3A_1082 = arith.addi %get3A_1079, %add3A_1081 : vector<16xi32>
      %swap3A = arith.constant 11 : i32
      %swap3A_1083 = arith.constant 0 : i32
      %swap3A_1084 = tpu.memref_slice %arg14[%swap3A, %swap3A_1083] : memref<16x512xi32, #tpu.memory_space<vmem>> -> memref<1x512xi32, #tpu.memory_space<vmem>>
      %swap3A_1085 = tpu.memref_squeeze %swap3A_1084 : memref<1x512xi32, #tpu.memory_space<vmem>> -> memref<512xi32, #tpu.memory_space<vmem>>
      %swap3A_1086 = arith.index_cast %mul3A_1078 : i32 to index
      %swap3A_1087 = tpu.vector_load %swap3A_1085[%swap3A_1086] {strides = array<i32>} : memref<512xi32, #tpu.memory_space<vmem>>, vector<16xi32>,
      tpu.vector_store %swap3A_1085[%swap3A_1086], %add3A_1082 {strides = array<i32>} : memref<512xi32, #tpu.memory_space<vmem>>, vector<16xi32>,
      %get3A_1088 = arith.index_cast %mul3A_1078 : i32 to index
      %get3A_1089 = tpu.vector_load %arg13[%get3A_1088] {strides = array<i32>} : memref<512xi32, #tpu.memory_space<vmem>>, vector<16xi32>,
      %add3A_1090 = arith.constant 1408 : i32
      %add3A_1091 = vector.broadcast %add3A_1090 : i32 to vector<16xi32>
      %add3A_1092 = arith.addi %get3A_1089, %add3A_1091 : vector<16xi32>
      %swap3A_1093 = arith.constant 11 : i32
      %swap3A_1094 = arith.constant 0 : i32
      %swap3A_1095 = tpu.memref_slice %arg15[%swap3A_1093, %swap3A_1094] : memref<16x512xi32, #tpu.memory_space<vmem>> -> memref<1x512xi32, #tpu.memory_space<vmem>>
      %swap3A_1096 = tpu.memref_squeeze %swap3A_1095 : memref<1x512xi32, #tpu.memory_space<vmem>> -> memref<512xi32, #tpu.memory_space<vmem>>
      %swap3A_1097 = arith.index_cast %mul3A_1078 : i32 to index
      %swap3A_1098 = tpu.vector_load %swap3A_1096[%swap3A_1097] {strides = array<i32>} : memref<512xi32, #tpu.memory_space<vmem>>, vector<16xi32>,
      tpu.vector_store %swap3A_1096[%swap3A_1097], %add3A_1092 {strides = array<i32>} : memref<512xi32, #tpu.memory_space<vmem>>, vector<16xi32>,
    }
    %scan3A_79 = arith.constant 32 : i32
    %scan3A_80 = arith.constant 0 : i32
    %scan3A_81 = arith.constant 0 : i32
    %scan3A_82 = arith.constant 32 : i32
    %scan3A_83 = arith.addi %scan3A_81, %scan3A_82 : i32
    %scan3A_84 = arith.constant 1 : i32
    scf.for %scan3A_1076 = %scan3A_81 to %scan3A_83 step %scan3A_84  : i32 {
      %mul3A_1077 = arith.constant 16 : i32
      %mul3A_1078 = arith.muli %scan3A_1076, %mul3A_1077 : i32
      %get3A = arith.index_cast %mul3A_1078 : i32 to index
      %get3A_1079 = tpu.vector_load %arg12[%get3A] {strides = array<i32>} : memref<512xi32, #tpu.memory_space<vmem>>, vector<16xi32>,
      %add3A_1080 = arith.constant 1536 : i32
      %add3A_1081 = vector.broadcast %add3A_1080 : i32 to vector<16xi32>
      %add3A_1082 = arith.addi %get3A_1079, %add3A_1081 : vector<16xi32>
      %swap3A = arith.constant 12 : i32
      %swap3A_1083 = arith.constant 0 : i32
      %swap3A_1084 = tpu.memref_slice %arg14[%swap3A, %swap3A_1083] : memref<16x512xi32, #tpu.memory_space<vmem>> -> memref<1x512xi32, #tpu.memory_space<vmem>>
      %swap3A_1085 = tpu.memref_squeeze %swap3A_1084 : memref<1x512xi32, #tpu.memory_space<vmem>> -> memref<512xi32, #tpu.memory_space<vmem>>
      %swap3A_1086 = arith.index_cast %mul3A_1078 : i32 to index
      %swap3A_1087 = tpu.vector_load %swap3A_1085[%swap3A_1086] {strides = array<i32>} : memref<512xi32, #tpu.memory_space<vmem>>, vector<16xi32>,
      tpu.vector_store %swap3A_1085[%swap3A_1086], %add3A_1082 {strides = array<i32>} : memref<512xi32, #tpu.memory_space<vmem>>, vector<16xi32>,
      %get3A_1088 = arith.index_cast %mul3A_1078 : i32 to index
      %get3A_1089 = tpu.vector_load %arg13[%get3A_1088] {strides = array<i32>} : memref<512xi32, #tpu.memory_space<vmem>>, vector<16xi32>,
      %add3A_1090 = arith.constant 1536 : i32
      %add3A_1091 = vector.broadcast %add3A_1090 : i32 to vector<16xi32>
      %add3A_1092 = arith.addi %get3A_1089, %add3A_1091 : vector<16xi32>
      %swap3A_1093 = arith.constant 12 : i32
      %swap3A_1094 = arith.constant 0 : i32
      %swap3A_1095 = tpu.memref_slice %arg15[%swap3A_1093, %swap3A_1094] : memref<16x512xi32, #tpu.memory_space<vmem>> -> memref<1x512xi32, #tpu.memory_space<vmem>>
      %swap3A_1096 = tpu.memref_squeeze %swap3A_1095 : memref<1x512xi32, #tpu.memory_space<vmem>> -> memref<512xi32, #tpu.memory_space<vmem>>
      %swap3A_1097 = arith.index_cast %mul3A_1078 : i32 to index
      %swap3A_1098 = tpu.vector_load %swap3A_1096[%swap3A_1097] {strides = array<i32>} : memref<512xi32, #tpu.memory_space<vmem>>, vector<16xi32>,
      tpu.vector_store %swap3A_1096[%swap3A_1097], %add3A_1092 {strides = array<i32>} : memref<512xi32, #tpu.memory_space<vmem>>, vector<16xi32>,
    }
    %scan3A_85 = arith.constant 32 : i32
    %scan3A_86 = arith.constant 0 : i32
    %scan3A_87 = arith.constant 0 : i32
    %scan3A_88 = arith.constant 32 : i32
    %scan3A_89 = arith.addi %scan3A_87, %scan3A_88 : i32
    %scan3A_90 = arith.constant 1 : i32
    scf.for %scan3A_1076 = %scan3A_87 to %scan3A_89 step %scan3A_90  : i32 {
      %mul3A_1077 = arith.constant 16 : i32
      %mul3A_1078 = arith.muli %scan3A_1076, %mul3A_1077 : i32
      %get3A = arith.index_cast %mul3A_1078 : i32 to index
      %get3A_1079 = tpu.vector_load %arg12[%get3A] {strides = array<i32>} : memref<512xi32, #tpu.memory_space<vmem>>, vector<16xi32>,
      %add3A_1080 = arith.constant 1664 : i32
      %add3A_1081 = vector.broadcast %add3A_1080 : i32 to vector<16xi32>
      %add3A_1082 = arith.addi %get3A_1079, %add3A_1081 : vector<16xi32>
      %swap3A = arith.constant 13 : i32
      %swap3A_1083 = arith.constant 0 : i32
      %swap3A_1084 = tpu.memref_slice %arg14[%swap3A, %swap3A_1083] : memref<16x512xi32, #tpu.memory_space<vmem>> -> memref<1x512xi32, #tpu.memory_space<vmem>>
      %swap3A_1085 = tpu.memref_squeeze %swap3A_1084 : memref<1x512xi32, #tpu.memory_space<vmem>> -> memref<512xi32, #tpu.memory_space<vmem>>
      %swap3A_1086 = arith.index_cast %mul3A_1078 : i32 to index
      %swap3A_1087 = tpu.vector_load %swap3A_1085[%swap3A_1086] {strides = array<i32>} : memref<512xi32, #tpu.memory_space<vmem>>, vector<16xi32>,
      tpu.vector_store %swap3A_1085[%swap3A_1086], %add3A_1082 {strides = array<i32>} : memref<512xi32, #tpu.memory_space<vmem>>, vector<16xi32>,
      %get3A_1088 = arith.index_cast %mul3A_1078 : i32 to index
      %get3A_1089 = tpu.vector_load %arg13[%get3A_1088] {strides = array<i32>} : memref<512xi32, #tpu.memory_space<vmem>>, vector<16xi32>,
      %add3A_1090 = arith.constant 1664 : i32
      %add3A_1091 = vector.broadcast %add3A_1090 : i32 to vector<16xi32>
      %add3A_1092 = arith.addi %get3A_1089, %add3A_1091 : vector<16xi32>
      %swap3A_1093 = arith.constant 13 : i32
      %swap3A_1094 = arith.constant 0 : i32
      %swap3A_1095 = tpu.memref_slice %arg15[%swap3A_1093, %swap3A_1094] : memref<16x512xi32, #tpu.memory_space<vmem>> -> memref<1x512xi32, #tpu.memory_space<vmem>>
      %swap3A_1096 = tpu.memref_squeeze %swap3A_1095 : memref<1x512xi32, #tpu.memory_space<vmem>> -> memref<512xi32, #tpu.memory_space<vmem>>
      %swap3A_1097 = arith.index_cast %mul3A_1078 : i32 to index
      %swap3A_1098 = tpu.vector_load %swap3A_1096[%swap3A_1097] {strides = array<i32>} : memref<512xi32, #tpu.memory_space<vmem>>, vector<16xi32>,
      tpu.vector_store %swap3A_1096[%swap3A_1097], %add3A_1092 {strides = array<i32>} : memref<512xi32, #tpu.memory_space<vmem>>, vector<16xi32>,
    }
    %scan3A_91 = arith.constant 32 : i32
    %scan3A_92 = arith.constant 0 : i32
    %scan3A_93 = arith.constant 0 : i32
    %scan3A_94 = arith.constant 32 : i32
    %scan3A_95 = arith.addi %scan3A_93, %scan3A_94 : i32
    %scan3A_96 = arith.constant 1 : i32
    scf.for %scan3A_1076 = %scan3A_93 to %scan3A_95 step %scan3A_96  : i32 {
      %mul3A_1077 = arith.constant 16 : i32
      %mul3A_1078 = arith.muli %scan3A_1076, %mul3A_1077 : i32
      %get3A = arith.index_cast %mul3A_1078 : i32 to index
      %get3A_1079 = tpu.vector_load %arg12[%get3A] {strides = array<i32>} : memref<512xi32, #tpu.memory_space<vmem>>, vector<16xi32>,
      %add3A_1080 = arith.constant 1792 : i32
      %add3A_1081 = vector.broadcast %add3A_1080 : i32 to vector<16xi32>
      %add3A_1082 = arith.addi %get3A_1079, %add3A_1081 : vector<16xi32>
      %swap3A = arith.constant 14 : i32
      %swap3A_1083 = arith.constant 0 : i32
      %swap3A_1084 = tpu.memref_slice %arg14[%swap3A, %swap3A_1083] : memref<16x512xi32, #tpu.memory_space<vmem>> -> memref<1x512xi32, #tpu.memory_space<vmem>>
      %swap3A_1085 = tpu.memref_squeeze %swap3A_1084 : memref<1x512xi32, #tpu.memory_space<vmem>> -> memref<512xi32, #tpu.memory_space<vmem>>
      %swap3A_1086 = arith.index_cast %mul3A_1078 : i32 to index
      %swap3A_1087 = tpu.vector_load %swap3A_1085[%swap3A_1086] {strides = array<i32>} : memref<512xi32, #tpu.memory_space<vmem>>, vector<16xi32>,
      tpu.vector_store %swap3A_1085[%swap3A_1086], %add3A_1082 {strides = array<i32>} : memref<512xi32, #tpu.memory_space<vmem>>, vector<16xi32>,
      %get3A_1088 = arith.index_cast %mul3A_1078 : i32 to index
      %get3A_1089 = tpu.vector_load %arg13[%get3A_1088] {strides = array<i32>} : memref<512xi32, #tpu.memory_space<vmem>>, vector<16xi32>,
      %add3A_1090 = arith.constant 1792 : i32
      %add3A_1091 = vector.broadcast %add3A_1090 : i32 to vector<16xi32>
      %add3A_1092 = arith.addi %get3A_1089, %add3A_1091 : vector<16xi32>
      %swap3A_1093 = arith.constant 14 : i32
      %swap3A_1094 = arith.constant 0 : i32
      %swap3A_1095 = tpu.memref_slice %arg15[%swap3A_1093, %swap3A_1094] : memref<16x512xi32, #tpu.memory_space<vmem>> -> memref<1x512xi32, #tpu.memory_space<vmem>>
      %swap3A_1096 = tpu.memref_squeeze %swap3A_1095 : memref<1x512xi32, #tpu.memory_space<vmem>> -> memref<512xi32, #tpu.memory_space<vmem>>
      %swap3A_1097 = arith.index_cast %mul3A_1078 : i32 to index
      %swap3A_1098 = tpu.vector_load %swap3A_1096[%swap3A_1097] {strides = array<i32>} : memref<512xi32, #tpu.memory_space<vmem>>, vector<16xi32>,
      tpu.vector_store %swap3A_1096[%swap3A_1097], %add3A_1092 {strides = array<i32>} : memref<512xi32, #tpu.memory_space<vmem>>, vector<16xi32>,
    }
    %scan3A_97 = arith.constant 32 : i32
    %scan3A_98 = arith.constant 0 : i32
    %scan3A_99 = arith.constant 0 : i32
    %scan3A_100 = arith.constant 32 : i32
    %scan3A_101 = arith.addi %scan3A_99, %scan3A_100 : i32
    %scan3A_102 = arith.constant 1 : i32
    scf.for %scan3A_1076 = %scan3A_99 to %scan3A_101 step %scan3A_102  : i32 {
      %mul3A_1077 = arith.constant 16 : i32
      %mul3A_1078 = arith.muli %scan3A_1076, %mul3A_1077 : i32
      %get3A = arith.index_cast %mul3A_1078 : i32 to index
      %get3A_1079 = tpu.vector_load %arg12[%get3A] {strides = array<i32>} : memref<512xi32, #tpu.memory_space<vmem>>, vector<16xi32>,
      %add3A_1080 = arith.constant 1920 : i32
      %add3A_1081 = vector.broadcast %add3A_1080 : i32 to vector<16xi32>
      %add3A_1082 = arith.addi %get3A_1079, %add3A_1081 : vector<16xi32>
      %swap3A = arith.constant 15 : i32
      %swap3A_1083 = arith.constant 0 : i32
      %swap3A_1084 = tpu.memref_slice %arg14[%swap3A, %swap3A_1083] : memref<16x512xi32, #tpu.memory_space<vmem>> -> memref<1x512xi32, #tpu.memory_space<vmem>>
      %swap3A_1085 = tpu.memref_squeeze %swap3A_1084 : memref<1x512xi32, #tpu.memory_space<vmem>> -> memref<512xi32, #tpu.memory_space<vmem>>
      %swap3A_1086 = arith.index_cast %mul3A_1078 : i32 to index
      %swap3A_1087 = tpu.vector_load %swap3A_1085[%swap3A_1086] {strides = array<i32>} : memref<512xi32, #tpu.memory_space<vmem>>, vector<16xi32>,
      tpu.vector_store %swap3A_1085[%swap3A_1086], %add3A_1082 {strides = array<i32>} : memref<512xi32, #tpu.memory_space<vmem>>, vector<16xi32>,
      %get3A_1088 = arith.index_cast %mul3A_1078 : i32 to index
      %get3A_1089 = tpu.vector_load %arg13[%get3A_1088] {strides = array<i32>} : memref<512xi32, #tpu.memory_space<vmem>>, vector<16xi32>,
      %add3A_1090 = arith.constant 1920 : i32
      %add3A_1091 = vector.broadcast %add3A_1090 : i32 to vector<16xi32>
      %add3A_1092 = arith.addi %get3A_1089, %add3A_1091 : vector<16xi32>
      %swap3A_1093 = arith.constant 15 : i32
      %swap3A_1094 = arith.constant 0 : i32
      %swap3A_1095 = tpu.memref_slice %arg15[%swap3A_1093, %swap3A_1094] : memref<16x512xi32, #tpu.memory_space<vmem>> -> memref<1x512xi32, #tpu.memory_space<vmem>>
      %swap3A_1096 = tpu.memref_squeeze %swap3A_1095 : memref<1x512xi32, #tpu.memory_space<vmem>> -> memref<512xi32, #tpu.memory_space<vmem>>
      %swap3A_1097 = arith.index_cast %mul3A_1078 : i32 to index
      %swap3A_1098 = tpu.vector_load %swap3A_1096[%swap3A_1097] {strides = array<i32>} : memref<512xi32, #tpu.memory_space<vmem>>, vector<16xi32>,
      tpu.vector_store %swap3A_1096[%swap3A_1097], %add3A_1092 {strides = array<i32>} : memref<512xi32, #tpu.memory_space<vmem>>, vector<16xi32>,
    }
    %scan3A_103 = arith.constant 32 : i32
    %dma_start3A = arith.constant 0 : i32
    %dma_start3A_104 = arith.constant 0 : i32
    %dma_start3A_105 = arith.constant 0 : i32
    %dma_start3A_106 = tpu.memref_slice %arg16[%dma_start3A_104, %dma_start3A_105] : memref<16x512xf32, #tpu.memory_space<vmem>> -> memref<1x512xf32, #tpu.memory_space<vmem>>
    %dma_start3A_107 = tpu.memref_squeeze %dma_start3A_106 : memref<1x512xf32, #tpu.memory_space<vmem>> -> memref<512xf32, #tpu.memory_space<vmem>>
    %dma_start3A_108 = arith.constant 0 : i32
    %dma_start3A_109 = tpu.memref_slice %arg14[%dma_start3A, %dma_start3A_108] : memref<16x512xi32, #tpu.memory_space<vmem>> -> memref<1x512xi32, #tpu.memory_space<vmem>>
    %dma_start3A_110 = tpu.memref_squeeze %dma_start3A_109 : memref<1x512xi32, #tpu.memory_space<vmem>> -> memref<512xi32, #tpu.memory_space<vmem>>
    %dma_start3A_111 = arith.constant 0 : i32
    %dma_start3A_112 = tpu.memref_slice %arg4[%dma_start3A_111] : memref<16001024xf32, #tpu.memory_space<hbm>> -> memref<16001024xf32, #tpu.memory_space<hbm>>
    tpu.enqueue_indirect_dma source(%dma_start3A_112 : memref<16001024xf32, #tpu.memory_space<hbm>>) target(%dma_start3A_107 : memref<512xf32, #tpu.memory_space<vmem>>) offsets(%dma_start3A_110 : memref<512xi32, #tpu.memory_space<vmem>>) semaphore(%arg22 : memref<!tpu.dma_semaphore, #tpu.memory_space<semaphore_mem>>)
    %dma_start3A_113 = arith.constant 0 : i32
    %dma_start3A_114 = arith.constant 0 : i32
    %dma_start3A_115 = arith.constant 0 : i32
    %dma_start3A_116 = tpu.memref_slice %arg17[%dma_start3A_114, %dma_start3A_115] : memref<16x512xf32, #tpu.memory_space<vmem>> -> memref<1x512xf32, #tpu.memory_space<vmem>>
    %dma_start3A_117 = tpu.memref_squeeze %dma_start3A_116 : memref<1x512xf32, #tpu.memory_space<vmem>> -> memref<512xf32, #tpu.memory_space<vmem>>
    %dma_start3A_118 = arith.constant 0 : i32
    %dma_start3A_119 = tpu.memref_slice %arg14[%dma_start3A_113, %dma_start3A_118] : memref<16x512xi32, #tpu.memory_space<vmem>> -> memref<1x512xi32, #tpu.memory_space<vmem>>
    %dma_start3A_120 = tpu.memref_squeeze %dma_start3A_119 : memref<1x512xi32, #tpu.memory_space<vmem>> -> memref<512xi32, #tpu.memory_space<vmem>>
    %dma_start3A_121 = arith.constant 0 : i32
    %dma_start3A_122 = tpu.memref_slice %arg6[%dma_start3A_121] : memref<16001024xf32, #tpu.memory_space<hbm>> -> memref<16001024xf32, #tpu.memory_space<hbm>>
    tpu.enqueue_indirect_dma source(%dma_start3A_122 : memref<16001024xf32, #tpu.memory_space<hbm>>) target(%dma_start3A_117 : memref<512xf32, #tpu.memory_space<vmem>>) offsets(%dma_start3A_120 : memref<512xi32, #tpu.memory_space<vmem>>) semaphore(%arg22 : memref<!tpu.dma_semaphore, #tpu.memory_space<semaphore_mem>>)
    %dma_start3A_123 = arith.constant 0 : i32
    %dma_start3A_124 = arith.constant 0 : i32
    %dma_start3A_125 = arith.constant 0 : i32
    %dma_start3A_126 = tpu.memref_slice %arg18[%dma_start3A_124, %dma_start3A_125] : memref<16x512xf32, #tpu.memory_space<vmem>> -> memref<1x512xf32, #tpu.memory_space<vmem>>
    %dma_start3A_127 = tpu.memref_squeeze %dma_start3A_126 : memref<1x512xf32, #tpu.memory_space<vmem>> -> memref<512xf32, #tpu.memory_space<vmem>>
    %dma_start3A_128 = arith.constant 0 : i32
    %dma_start3A_129 = tpu.memref_slice %arg15[%dma_start3A_123, %dma_start3A_128] : memref<16x512xi32, #tpu.memory_space<vmem>> -> memref<1x512xi32, #tpu.memory_space<vmem>>
    %dma_start3A_130 = tpu.memref_squeeze %dma_start3A_129 : memref<1x512xi32, #tpu.memory_space<vmem>> -> memref<512xi32, #tpu.memory_space<vmem>>
    %dma_start3A_131 = arith.constant 0 : i32
    %dma_start3A_132 = tpu.memref_slice %arg5[%dma_start3A_131] : memref<16001024xf32, #tpu.memory_space<hbm>> -> memref<16001024xf32, #tpu.memory_space<hbm>>
    tpu.enqueue_indirect_dma source(%dma_start3A_132 : memref<16001024xf32, #tpu.memory_space<hbm>>) target(%dma_start3A_127 : memref<512xf32, #tpu.memory_space<vmem>>) offsets(%dma_start3A_130 : memref<512xi32, #tpu.memory_space<vmem>>) semaphore(%arg22 : memref<!tpu.dma_semaphore, #tpu.memory_space<semaphore_mem>>)
    %dma_start3A_133 = arith.constant 1 : i32
    %dma_start3A_134 = arith.constant 1 : i32
    %dma_start3A_135 = arith.constant 0 : i32
    %dma_start3A_136 = tpu.memref_slice %arg16[%dma_start3A_134, %dma_start3A_135] : memref<16x512xf32, #tpu.memory_space<vmem>> -> memref<1x512xf32, #tpu.memory_space<vmem>>
    %dma_start3A_137 = tpu.memref_squeeze %dma_start3A_136 : memref<1x512xf32, #tpu.memory_space<vmem>> -> memref<512xf32, #tpu.memory_space<vmem>>
    %dma_start3A_138 = arith.constant 0 : i32
    %dma_start3A_139 = tpu.memref_slice %arg14[%dma_start3A_133, %dma_start3A_138] : memref<16x512xi32, #tpu.memory_space<vmem>> -> memref<1x512xi32, #tpu.memory_space<vmem>>
    %dma_start3A_140 = tpu.memref_squeeze %dma_start3A_139 : memref<1x512xi32, #tpu.memory_space<vmem>> -> memref<512xi32, #tpu.memory_space<vmem>>
    %dma_start3A_141 = arith.constant 0 : i32
    %dma_start3A_142 = tpu.memref_slice %arg4[%dma_start3A_141] : memref<16001024xf32, #tpu.memory_space<hbm>> -> memref<16001024xf32, #tpu.memory_space<hbm>>
    tpu.enqueue_indirect_dma source(%dma_start3A_142 : memref<16001024xf32, #tpu.memory_space<hbm>>) target(%dma_start3A_137 : memref<512xf32, #tpu.memory_space<vmem>>) offsets(%dma_start3A_140 : memref<512xi32, #tpu.memory_space<vmem>>) semaphore(%arg22 : memref<!tpu.dma_semaphore, #tpu.memory_space<semaphore_mem>>)
    %dma_start3A_143 = arith.constant 1 : i32
    %dma_start3A_144 = arith.constant 1 : i32
    %dma_start3A_145 = arith.constant 0 : i32
    %dma_start3A_146 = tpu.memref_slice %arg17[%dma_start3A_144, %dma_start3A_145] : memref<16x512xf32, #tpu.memory_space<vmem>> -> memref<1x512xf32, #tpu.memory_space<vmem>>
    %dma_start3A_147 = tpu.memref_squeeze %dma_start3A_146 : memref<1x512xf32, #tpu.memory_space<vmem>> -> memref<512xf32, #tpu.memory_space<vmem>>
    %dma_start3A_148 = arith.constant 0 : i32
    %dma_start3A_149 = tpu.memref_slice %arg14[%dma_start3A_143, %dma_start3A_148] : memref<16x512xi32, #tpu.memory_space<vmem>> -> memref<1x512xi32, #tpu.memory_space<vmem>>
    %dma_start3A_150 = tpu.memref_squeeze %dma_start3A_149 : memref<1x512xi32, #tpu.memory_space<vmem>> -> memref<512xi32, #tpu.memory_space<vmem>>
    %dma_start3A_151 = arith.constant 0 : i32
    %dma_start3A_152 = tpu.memref_slice %arg6[%dma_start3A_151] : memref<16001024xf32, #tpu.memory_space<hbm>> -> memref<16001024xf32, #tpu.memory_space<hbm>>
    tpu.enqueue_indirect_dma source(%dma_start3A_152 : memref<16001024xf32, #tpu.memory_space<hbm>>) target(%dma_start3A_147 : memref<512xf32, #tpu.memory_space<vmem>>) offsets(%dma_start3A_150 : memref<512xi32, #tpu.memory_space<vmem>>) semaphore(%arg22 : memref<!tpu.dma_semaphore, #tpu.memory_space<semaphore_mem>>)
    %dma_start3A_153 = arith.constant 1 : i32
    %dma_start3A_154 = arith.constant 1 : i32
    %dma_start3A_155 = arith.constant 0 : i32
    %dma_start3A_156 = tpu.memref_slice %arg18[%dma_start3A_154, %dma_start3A_155] : memref<16x512xf32, #tpu.memory_space<vmem>> -> memref<1x512xf32, #tpu.memory_space<vmem>>
    %dma_start3A_157 = tpu.memref_squeeze %dma_start3A_156 : memref<1x512xf32, #tpu.memory_space<vmem>> -> memref<512xf32, #tpu.memory_space<vmem>>
    %dma_start3A_158 = arith.constant 0 : i32
    %dma_start3A_159 = tpu.memref_slice %arg15[%dma_start3A_153, %dma_start3A_158] : memref<16x512xi32, #tpu.memory_space<vmem>> -> memref<1x512xi32, #tpu.memory_space<vmem>>
    %dma_start3A_160 = tpu.memref_squeeze %dma_start3A_159 : memref<1x512xi32, #tpu.memory_space<vmem>> -> memref<512xi32, #tpu.memory_space<vmem>>
    %dma_start3A_161 = arith.constant 0 : i32
    %dma_start3A_162 = tpu.memref_slice %arg5[%dma_start3A_161] : memref<16001024xf32, #tpu.memory_space<hbm>> -> memref<16001024xf32, #tpu.memory_space<hbm>>
    tpu.enqueue_indirect_dma source(%dma_start3A_162 : memref<16001024xf32, #tpu.memory_space<hbm>>) target(%dma_start3A_157 : memref<512xf32, #tpu.memory_space<vmem>>) offsets(%dma_start3A_160 : memref<512xi32, #tpu.memory_space<vmem>>) semaphore(%arg22 : memref<!tpu.dma_semaphore, #tpu.memory_space<semaphore_mem>>)
    %dma_start3A_163 = arith.constant 2 : i32
    %dma_start3A_164 = arith.constant 2 : i32
    %dma_start3A_165 = arith.constant 0 : i32
    %dma_start3A_166 = tpu.memref_slice %arg16[%dma_start3A_164, %dma_start3A_165] : memref<16x512xf32, #tpu.memory_space<vmem>> -> memref<1x512xf32, #tpu.memory_space<vmem>>
    %dma_start3A_167 = tpu.memref_squeeze %dma_start3A_166 : memref<1x512xf32, #tpu.memory_space<vmem>> -> memref<512xf32, #tpu.memory_space<vmem>>
    %dma_start3A_168 = arith.constant 0 : i32
    %dma_start3A_169 = tpu.memref_slice %arg14[%dma_start3A_163, %dma_start3A_168] : memref<16x512xi32, #tpu.memory_space<vmem>> -> memref<1x512xi32, #tpu.memory_space<vmem>>
    %dma_start3A_170 = tpu.memref_squeeze %dma_start3A_169 : memref<1x512xi32, #tpu.memory_space<vmem>> -> memref<512xi32, #tpu.memory_space<vmem>>
    %dma_start3A_171 = arith.constant 0 : i32
    %dma_start3A_172 = tpu.memref_slice %arg4[%dma_start3A_171] : memref<16001024xf32, #tpu.memory_space<hbm>> -> memref<16001024xf32, #tpu.memory_space<hbm>>
    tpu.enqueue_indirect_dma source(%dma_start3A_172 : memref<16001024xf32, #tpu.memory_space<hbm>>) target(%dma_start3A_167 : memref<512xf32, #tpu.memory_space<vmem>>) offsets(%dma_start3A_170 : memref<512xi32, #tpu.memory_space<vmem>>) semaphore(%arg22 : memref<!tpu.dma_semaphore, #tpu.memory_space<semaphore_mem>>)
    %dma_start3A_173 = arith.constant 2 : i32
    %dma_start3A_174 = arith.constant 2 : i32
    %dma_start3A_175 = arith.constant 0 : i32
    %dma_start3A_176 = tpu.memref_slice %arg17[%dma_start3A_174, %dma_start3A_175] : memref<16x512xf32, #tpu.memory_space<vmem>> -> memref<1x512xf32, #tpu.memory_space<vmem>>
    %dma_start3A_177 = tpu.memref_squeeze %dma_start3A_176 : memref<1x512xf32, #tpu.memory_space<vmem>> -> memref<512xf32, #tpu.memory_space<vmem>>
    %dma_start3A_178 = arith.constant 0 : i32
    %dma_start3A_179 = tpu.memref_slice %arg14[%dma_start3A_173, %dma_start3A_178] : memref<16x512xi32, #tpu.memory_space<vmem>> -> memref<1x512xi32, #tpu.memory_space<vmem>>
    %dma_start3A_180 = tpu.memref_squeeze %dma_start3A_179 : memref<1x512xi32, #tpu.memory_space<vmem>> -> memref<512xi32, #tpu.memory_space<vmem>>
    %dma_start3A_181 = arith.constant 0 : i32
    %dma_start3A_182 = tpu.memref_slice %arg6[%dma_start3A_181] : memref<16001024xf32, #tpu.memory_space<hbm>> -> memref<16001024xf32, #tpu.memory_space<hbm>>
    tpu.enqueue_indirect_dma source(%dma_start3A_182 : memref<16001024xf32, #tpu.memory_space<hbm>>) target(%dma_start3A_177 : memref<512xf32, #tpu.memory_space<vmem>>) offsets(%dma_start3A_180 : memref<512xi32, #tpu.memory_space<vmem>>) semaphore(%arg22 : memref<!tpu.dma_semaphore, #tpu.memory_space<semaphore_mem>>)
    %dma_start3A_183 = arith.constant 2 : i32
    %dma_start3A_184 = arith.constant 2 : i32
    %dma_start3A_185 = arith.constant 0 : i32
    %dma_start3A_186 = tpu.memref_slice %arg18[%dma_start3A_184, %dma_start3A_185] : memref<16x512xf32, #tpu.memory_space<vmem>> -> memref<1x512xf32, #tpu.memory_space<vmem>>
    %dma_start3A_187 = tpu.memref_squeeze %dma_start3A_186 : memref<1x512xf32, #tpu.memory_space<vmem>> -> memref<512xf32, #tpu.memory_space<vmem>>
    %dma_start3A_188 = arith.constant 0 : i32
    %dma_start3A_189 = tpu.memref_slice %arg15[%dma_start3A_183, %dma_start3A_188] : memref<16x512xi32, #tpu.memory_space<vmem>> -> memref<1x512xi32, #tpu.memory_space<vmem>>
    %dma_start3A_190 = tpu.memref_squeeze %dma_start3A_189 : memref<1x512xi32, #tpu.memory_space<vmem>> -> memref<512xi32, #tpu.memory_space<vmem>>
    %dma_start3A_191 = arith.constant 0 : i32
    %dma_start3A_192 = tpu.memref_slice %arg5[%dma_start3A_191] : memref<16001024xf32, #tpu.memory_space<hbm>> -> memref<16001024xf32, #tpu.memory_space<hbm>>
    tpu.enqueue_indirect_dma source(%dma_start3A_192 : memref<16001024xf32, #tpu.memory_space<hbm>>) target(%dma_start3A_187 : memref<512xf32, #tpu.memory_space<vmem>>) offsets(%dma_start3A_190 : memref<512xi32, #tpu.memory_space<vmem>>) semaphore(%arg22 : memref<!tpu.dma_semaphore, #tpu.memory_space<semaphore_mem>>)
    %dma_start3A_193 = arith.constant 3 : i32
    %dma_start3A_194 = arith.constant 3 : i32
    %dma_start3A_195 = arith.constant 0 : i32
    %dma_start3A_196 = tpu.memref_slice %arg16[%dma_start3A_194, %dma_start3A_195] : memref<16x512xf32, #tpu.memory_space<vmem>> -> memref<1x512xf32, #tpu.memory_space<vmem>>
    %dma_start3A_197 = tpu.memref_squeeze %dma_start3A_196 : memref<1x512xf32, #tpu.memory_space<vmem>> -> memref<512xf32, #tpu.memory_space<vmem>>
    %dma_start3A_198 = arith.constant 0 : i32
    %dma_start3A_199 = tpu.memref_slice %arg14[%dma_start3A_193, %dma_start3A_198] : memref<16x512xi32, #tpu.memory_space<vmem>> -> memref<1x512xi32, #tpu.memory_space<vmem>>
    %dma_start3A_200 = tpu.memref_squeeze %dma_start3A_199 : memref<1x512xi32, #tpu.memory_space<vmem>> -> memref<512xi32, #tpu.memory_space<vmem>>
    %dma_start3A_201 = arith.constant 0 : i32
    %dma_start3A_202 = tpu.memref_slice %arg4[%dma_start3A_201] : memref<16001024xf32, #tpu.memory_space<hbm>> -> memref<16001024xf32, #tpu.memory_space<hbm>>
    tpu.enqueue_indirect_dma source(%dma_start3A_202 : memref<16001024xf32, #tpu.memory_space<hbm>>) target(%dma_start3A_197 : memref<512xf32, #tpu.memory_space<vmem>>) offsets(%dma_start3A_200 : memref<512xi32, #tpu.memory_space<vmem>>) semaphore(%arg22 : memref<!tpu.dma_semaphore, #tpu.memory_space<semaphore_mem>>)
    %dma_start3A_203 = arith.constant 3 : i32
    %dma_start3A_204 = arith.constant 3 : i32
    %dma_start3A_205 = arith.constant 0 : i32
    %dma_start3A_206 = tpu.memref_slice %arg17[%dma_start3A_204, %dma_start3A_205] : memref<16x512xf32, #tpu.memory_space<vmem>> -> memref<1x512xf32, #tpu.memory_space<vmem>>
    %dma_start3A_207 = tpu.memref_squeeze %dma_start3A_206 : memref<1x512xf32, #tpu.memory_space<vmem>> -> memref<512xf32, #tpu.memory_space<vmem>>
    %dma_start3A_208 = arith.constant 0 : i32
    %dma_start3A_209 = tpu.memref_slice %arg14[%dma_start3A_203, %dma_start3A_208] : memref<16x512xi32, #tpu.memory_space<vmem>> -> memref<1x512xi32, #tpu.memory_space<vmem>>
    %dma_start3A_210 = tpu.memref_squeeze %dma_start3A_209 : memref<1x512xi32, #tpu.memory_space<vmem>> -> memref<512xi32, #tpu.memory_space<vmem>>
    %dma_start3A_211 = arith.constant 0 : i32
    %dma_start3A_212 = tpu.memref_slice %arg6[%dma_start3A_211] : memref<16001024xf32, #tpu.memory_space<hbm>> -> memref<16001024xf32, #tpu.memory_space<hbm>>
    tpu.enqueue_indirect_dma source(%dma_start3A_212 : memref<16001024xf32, #tpu.memory_space<hbm>>) target(%dma_start3A_207 : memref<512xf32, #tpu.memory_space<vmem>>) offsets(%dma_start3A_210 : memref<512xi32, #tpu.memory_space<vmem>>) semaphore(%arg22 : memref<!tpu.dma_semaphore, #tpu.memory_space<semaphore_mem>>)
    %dma_start3A_213 = arith.constant 3 : i32
    %dma_start3A_214 = arith.constant 3 : i32
    %dma_start3A_215 = arith.constant 0 : i32
    %dma_start3A_216 = tpu.memref_slice %arg18[%dma_start3A_214, %dma_start3A_215] : memref<16x512xf32, #tpu.memory_space<vmem>> -> memref<1x512xf32, #tpu.memory_space<vmem>>
    %dma_start3A_217 = tpu.memref_squeeze %dma_start3A_216 : memref<1x512xf32, #tpu.memory_space<vmem>> -> memref<512xf32, #tpu.memory_space<vmem>>
    %dma_start3A_218 = arith.constant 0 : i32
    %dma_start3A_219 = tpu.memref_slice %arg15[%dma_start3A_213, %dma_start3A_218] : memref<16x512xi32, #tpu.memory_space<vmem>> -> memref<1x512xi32, #tpu.memory_space<vmem>>
    %dma_start3A_220 = tpu.memref_squeeze %dma_start3A_219 : memref<1x512xi32, #tpu.memory_space<vmem>> -> memref<512xi32, #tpu.memory_space<vmem>>
    %dma_start3A_221 = arith.constant 0 : i32
    %dma_start3A_222 = tpu.memref_slice %arg5[%dma_start3A_221] : memref<16001024xf32, #tpu.memory_space<hbm>> -> memref<16001024xf32, #tpu.memory_space<hbm>>
    tpu.enqueue_indirect_dma source(%dma_start3A_222 : memref<16001024xf32, #tpu.memory_space<hbm>>) target(%dma_start3A_217 : memref<512xf32, #tpu.memory_space<vmem>>) offsets(%dma_start3A_220 : memref<512xi32, #tpu.memory_space<vmem>>) semaphore(%arg22 : memref<!tpu.dma_semaphore, #tpu.memory_space<semaphore_mem>>)
    %dma_start3A_223 = arith.constant 4 : i32
    %dma_start3A_224 = arith.constant 4 : i32
    %dma_start3A_225 = arith.constant 0 : i32
    %dma_start3A_226 = tpu.memref_slice %arg16[%dma_start3A_224, %dma_start3A_225] : memref<16x512xf32, #tpu.memory_space<vmem>> -> memref<1x512xf32, #tpu.memory_space<vmem>>
    %dma_start3A_227 = tpu.memref_squeeze %dma_start3A_226 : memref<1x512xf32, #tpu.memory_space<vmem>> -> memref<512xf32, #tpu.memory_space<vmem>>
    %dma_start3A_228 = arith.constant 0 : i32
    %dma_start3A_229 = tpu.memref_slice %arg14[%dma_start3A_223, %dma_start3A_228] : memref<16x512xi32, #tpu.memory_space<vmem>> -> memref<1x512xi32, #tpu.memory_space<vmem>>
    %dma_start3A_230 = tpu.memref_squeeze %dma_start3A_229 : memref<1x512xi32, #tpu.memory_space<vmem>> -> memref<512xi32, #tpu.memory_space<vmem>>
    %dma_start3A_231 = arith.constant 0 : i32
    %dma_start3A_232 = tpu.memref_slice %arg4[%dma_start3A_231] : memref<16001024xf32, #tpu.memory_space<hbm>> -> memref<16001024xf32, #tpu.memory_space<hbm>>
    tpu.enqueue_indirect_dma source(%dma_start3A_232 : memref<16001024xf32, #tpu.memory_space<hbm>>) target(%dma_start3A_227 : memref<512xf32, #tpu.memory_space<vmem>>) offsets(%dma_start3A_230 : memref<512xi32, #tpu.memory_space<vmem>>) semaphore(%arg22 : memref<!tpu.dma_semaphore, #tpu.memory_space<semaphore_mem>>)
    %dma_start3A_233 = arith.constant 4 : i32
    %dma_start3A_234 = arith.constant 4 : i32
    %dma_start3A_235 = arith.constant 0 : i32
    %dma_start3A_236 = tpu.memref_slice %arg17[%dma_start3A_234, %dma_start3A_235] : memref<16x512xf32, #tpu.memory_space<vmem>> -> memref<1x512xf32, #tpu.memory_space<vmem>>
    %dma_start3A_237 = tpu.memref_squeeze %dma_start3A_236 : memref<1x512xf32, #tpu.memory_space<vmem>> -> memref<512xf32, #tpu.memory_space<vmem>>
    %dma_start3A_238 = arith.constant 0 : i32
    %dma_start3A_239 = tpu.memref_slice %arg14[%dma_start3A_233, %dma_start3A_238] : memref<16x512xi32, #tpu.memory_space<vmem>> -> memref<1x512xi32, #tpu.memory_space<vmem>>
    %dma_start3A_240 = tpu.memref_squeeze %dma_start3A_239 : memref<1x512xi32, #tpu.memory_space<vmem>> -> memref<512xi32, #tpu.memory_space<vmem>>
    %dma_start3A_241 = arith.constant 0 : i32
    %dma_start3A_242 = tpu.memref_slice %arg6[%dma_start3A_241] : memref<16001024xf32, #tpu.memory_space<hbm>> -> memref<16001024xf32, #tpu.memory_space<hbm>>
    tpu.enqueue_indirect_dma source(%dma_start3A_242 : memref<16001024xf32, #tpu.memory_space<hbm>>) target(%dma_start3A_237 : memref<512xf32, #tpu.memory_space<vmem>>) offsets(%dma_start3A_240 : memref<512xi32, #tpu.memory_space<vmem>>) semaphore(%arg22 : memref<!tpu.dma_semaphore, #tpu.memory_space<semaphore_mem>>)
    %dma_start3A_243 = arith.constant 4 : i32
    %dma_start3A_244 = arith.constant 4 : i32
    %dma_start3A_245 = arith.constant 0 : i32
    %dma_start3A_246 = tpu.memref_slice %arg18[%dma_start3A_244, %dma_start3A_245] : memref<16x512xf32, #tpu.memory_space<vmem>> -> memref<1x512xf32, #tpu.memory_space<vmem>>
    %dma_start3A_247 = tpu.memref_squeeze %dma_start3A_246 : memref<1x512xf32, #tpu.memory_space<vmem>> -> memref<512xf32, #tpu.memory_space<vmem>>
    %dma_start3A_248 = arith.constant 0 : i32
    %dma_start3A_249 = tpu.memref_slice %arg15[%dma_start3A_243, %dma_start3A_248] : memref<16x512xi32, #tpu.memory_space<vmem>> -> memref<1x512xi32, #tpu.memory_space<vmem>>
    %dma_start3A_250 = tpu.memref_squeeze %dma_start3A_249 : memref<1x512xi32, #tpu.memory_space<vmem>> -> memref<512xi32, #tpu.memory_space<vmem>>
    %dma_start3A_251 = arith.constant 0 : i32
    %dma_start3A_252 = tpu.memref_slice %arg5[%dma_start3A_251] : memref<16001024xf32, #tpu.memory_space<hbm>> -> memref<16001024xf32, #tpu.memory_space<hbm>>
    tpu.enqueue_indirect_dma source(%dma_start3A_252 : memref<16001024xf32, #tpu.memory_space<hbm>>) target(%dma_start3A_247 : memref<512xf32, #tpu.memory_space<vmem>>) offsets(%dma_start3A_250 : memref<512xi32, #tpu.memory_space<vmem>>) semaphore(%arg22 : memref<!tpu.dma_semaphore, #tpu.memory_space<semaphore_mem>>)
    %dma_start3A_253 = arith.constant 5 : i32
    %dma_start3A_254 = arith.constant 5 : i32
    %dma_start3A_255 = arith.constant 0 : i32
    %dma_start3A_256 = tpu.memref_slice %arg16[%dma_start3A_254, %dma_start3A_255] : memref<16x512xf32, #tpu.memory_space<vmem>> -> memref<1x512xf32, #tpu.memory_space<vmem>>
    %dma_start3A_257 = tpu.memref_squeeze %dma_start3A_256 : memref<1x512xf32, #tpu.memory_space<vmem>> -> memref<512xf32, #tpu.memory_space<vmem>>
    %dma_start3A_258 = arith.constant 0 : i32
    %dma_start3A_259 = tpu.memref_slice %arg14[%dma_start3A_253, %dma_start3A_258] : memref<16x512xi32, #tpu.memory_space<vmem>> -> memref<1x512xi32, #tpu.memory_space<vmem>>
    %dma_start3A_260 = tpu.memref_squeeze %dma_start3A_259 : memref<1x512xi32, #tpu.memory_space<vmem>> -> memref<512xi32, #tpu.memory_space<vmem>>
    %dma_start3A_261 = arith.constant 0 : i32
    %dma_start3A_262 = tpu.memref_slice %arg4[%dma_start3A_261] : memref<16001024xf32, #tpu.memory_space<hbm>> -> memref<16001024xf32, #tpu.memory_space<hbm>>
    tpu.enqueue_indirect_dma source(%dma_start3A_262 : memref<16001024xf32, #tpu.memory_space<hbm>>) target(%dma_start3A_257 : memref<512xf32, #tpu.memory_space<vmem>>) offsets(%dma_start3A_260 : memref<512xi32, #tpu.memory_space<vmem>>) semaphore(%arg22 : memref<!tpu.dma_semaphore, #tpu.memory_space<semaphore_mem>>)
    %dma_start3A_263 = arith.constant 5 : i32
    %dma_start3A_264 = arith.constant 5 : i32
    %dma_start3A_265 = arith.constant 0 : i32
    %dma_start3A_266 = tpu.memref_slice %arg17[%dma_start3A_264, %dma_start3A_265] : memref<16x512xf32, #tpu.memory_space<vmem>> -> memref<1x512xf32, #tpu.memory_space<vmem>>
    %dma_start3A_267 = tpu.memref_squeeze %dma_start3A_266 : memref<1x512xf32, #tpu.memory_space<vmem>> -> memref<512xf32, #tpu.memory_space<vmem>>
    %dma_start3A_268 = arith.constant 0 : i32
    %dma_start3A_269 = tpu.memref_slice %arg14[%dma_start3A_263, %dma_start3A_268] : memref<16x512xi32, #tpu.memory_space<vmem>> -> memref<1x512xi32, #tpu.memory_space<vmem>>
    %dma_start3A_270 = tpu.memref_squeeze %dma_start3A_269 : memref<1x512xi32, #tpu.memory_space<vmem>> -> memref<512xi32, #tpu.memory_space<vmem>>
    %dma_start3A_271 = arith.constant 0 : i32
    %dma_start3A_272 = tpu.memref_slice %arg6[%dma_start3A_271] : memref<16001024xf32, #tpu.memory_space<hbm>> -> memref<16001024xf32, #tpu.memory_space<hbm>>
    tpu.enqueue_indirect_dma source(%dma_start3A_272 : memref<16001024xf32, #tpu.memory_space<hbm>>) target(%dma_start3A_267 : memref<512xf32, #tpu.memory_space<vmem>>) offsets(%dma_start3A_270 : memref<512xi32, #tpu.memory_space<vmem>>) semaphore(%arg22 : memref<!tpu.dma_semaphore, #tpu.memory_space<semaphore_mem>>)
    %dma_start3A_273 = arith.constant 5 : i32
    %dma_start3A_274 = arith.constant 5 : i32
    %dma_start3A_275 = arith.constant 0 : i32
    %dma_start3A_276 = tpu.memref_slice %arg18[%dma_start3A_274, %dma_start3A_275] : memref<16x512xf32, #tpu.memory_space<vmem>> -> memref<1x512xf32, #tpu.memory_space<vmem>>
    %dma_start3A_277 = tpu.memref_squeeze %dma_start3A_276 : memref<1x512xf32, #tpu.memory_space<vmem>> -> memref<512xf32, #tpu.memory_space<vmem>>
    %dma_start3A_278 = arith.constant 0 : i32
    %dma_start3A_279 = tpu.memref_slice %arg15[%dma_start3A_273, %dma_start3A_278] : memref<16x512xi32, #tpu.memory_space<vmem>> -> memref<1x512xi32, #tpu.memory_space<vmem>>
    %dma_start3A_280 = tpu.memref_squeeze %dma_start3A_279 : memref<1x512xi32, #tpu.memory_space<vmem>> -> memref<512xi32, #tpu.memory_space<vmem>>
    %dma_start3A_281 = arith.constant 0 : i32
    %dma_start3A_282 = tpu.memref_slice %arg5[%dma_start3A_281] : memref<16001024xf32, #tpu.memory_space<hbm>> -> memref<16001024xf32, #tpu.memory_space<hbm>>
    tpu.enqueue_indirect_dma source(%dma_start3A_282 : memref<16001024xf32, #tpu.memory_space<hbm>>) target(%dma_start3A_277 : memref<512xf32, #tpu.memory_space<vmem>>) offsets(%dma_start3A_280 : memref<512xi32, #tpu.memory_space<vmem>>) semaphore(%arg22 : memref<!tpu.dma_semaphore, #tpu.memory_space<semaphore_mem>>)
    %dma_start3A_283 = arith.constant 6 : i32
    %dma_start3A_284 = arith.constant 6 : i32
    %dma_start3A_285 = arith.constant 0 : i32
    %dma_start3A_286 = tpu.memref_slice %arg16[%dma_start3A_284, %dma_start3A_285] : memref<16x512xf32, #tpu.memory_space<vmem>> -> memref<1x512xf32, #tpu.memory_space<vmem>>
    %dma_start3A_287 = tpu.memref_squeeze %dma_start3A_286 : memref<1x512xf32, #tpu.memory_space<vmem>> -> memref<512xf32, #tpu.memory_space<vmem>>
    %dma_start3A_288 = arith.constant 0 : i32
    %dma_start3A_289 = tpu.memref_slice %arg14[%dma_start3A_283, %dma_start3A_288] : memref<16x512xi32, #tpu.memory_space<vmem>> -> memref<1x512xi32, #tpu.memory_space<vmem>>
    %dma_start3A_290 = tpu.memref_squeeze %dma_start3A_289 : memref<1x512xi32, #tpu.memory_space<vmem>> -> memref<512xi32, #tpu.memory_space<vmem>>
    %dma_start3A_291 = arith.constant 0 : i32
    %dma_start3A_292 = tpu.memref_slice %arg4[%dma_start3A_291] : memref<16001024xf32, #tpu.memory_space<hbm>> -> memref<16001024xf32, #tpu.memory_space<hbm>>
    tpu.enqueue_indirect_dma source(%dma_start3A_292 : memref<16001024xf32, #tpu.memory_space<hbm>>) target(%dma_start3A_287 : memref<512xf32, #tpu.memory_space<vmem>>) offsets(%dma_start3A_290 : memref<512xi32, #tpu.memory_space<vmem>>) semaphore(%arg22 : memref<!tpu.dma_semaphore, #tpu.memory_space<semaphore_mem>>)
    %dma_start3A_293 = arith.constant 6 : i32
    %dma_start3A_294 = arith.constant 6 : i32
    %dma_start3A_295 = arith.constant 0 : i32
    %dma_start3A_296 = tpu.memref_slice %arg17[%dma_start3A_294, %dma_start3A_295] : memref<16x512xf32, #tpu.memory_space<vmem>> -> memref<1x512xf32, #tpu.memory_space<vmem>>
    %dma_start3A_297 = tpu.memref_squeeze %dma_start3A_296 : memref<1x512xf32, #tpu.memory_space<vmem>> -> memref<512xf32, #tpu.memory_space<vmem>>
    %dma_start3A_298 = arith.constant 0 : i32
    %dma_start3A_299 = tpu.memref_slice %arg14[%dma_start3A_293, %dma_start3A_298] : memref<16x512xi32, #tpu.memory_space<vmem>> -> memref<1x512xi32, #tpu.memory_space<vmem>>
    %dma_start3A_300 = tpu.memref_squeeze %dma_start3A_299 : memref<1x512xi32, #tpu.memory_space<vmem>> -> memref<512xi32, #tpu.memory_space<vmem>>
    %dma_start3A_301 = arith.constant 0 : i32
    %dma_start3A_302 = tpu.memref_slice %arg6[%dma_start3A_301] : memref<16001024xf32, #tpu.memory_space<hbm>> -> memref<16001024xf32, #tpu.memory_space<hbm>>
    tpu.enqueue_indirect_dma source(%dma_start3A_302 : memref<16001024xf32, #tpu.memory_space<hbm>>) target(%dma_start3A_297 : memref<512xf32, #tpu.memory_space<vmem>>) offsets(%dma_start3A_300 : memref<512xi32, #tpu.memory_space<vmem>>) semaphore(%arg22 : memref<!tpu.dma_semaphore, #tpu.memory_space<semaphore_mem>>)
    %dma_start3A_303 = arith.constant 6 : i32
    %dma_start3A_304 = arith.constant 6 : i32
    %dma_start3A_305 = arith.constant 0 : i32
    %dma_start3A_306 = tpu.memref_slice %arg18[%dma_start3A_304, %dma_start3A_305] : memref<16x512xf32, #tpu.memory_space<vmem>> -> memref<1x512xf32, #tpu.memory_space<vmem>>
    %dma_start3A_307 = tpu.memref_squeeze %dma_start3A_306 : memref<1x512xf32, #tpu.memory_space<vmem>> -> memref<512xf32, #tpu.memory_space<vmem>>
    %dma_start3A_308 = arith.constant 0 : i32
    %dma_start3A_309 = tpu.memref_slice %arg15[%dma_start3A_303, %dma_start3A_308] : memref<16x512xi32, #tpu.memory_space<vmem>> -> memref<1x512xi32, #tpu.memory_space<vmem>>
    %dma_start3A_310 = tpu.memref_squeeze %dma_start3A_309 : memref<1x512xi32, #tpu.memory_space<vmem>> -> memref<512xi32, #tpu.memory_space<vmem>>
    %dma_start3A_311 = arith.constant 0 : i32
    %dma_start3A_312 = tpu.memref_slice %arg5[%dma_start3A_311] : memref<16001024xf32, #tpu.memory_space<hbm>> -> memref<16001024xf32, #tpu.memory_space<hbm>>
    tpu.enqueue_indirect_dma source(%dma_start3A_312 : memref<16001024xf32, #tpu.memory_space<hbm>>) target(%dma_start3A_307 : memref<512xf32, #tpu.memory_space<vmem>>) offsets(%dma_start3A_310 : memref<512xi32, #tpu.memory_space<vmem>>) semaphore(%arg22 : memref<!tpu.dma_semaphore, #tpu.memory_space<semaphore_mem>>)
    %dma_start3A_313 = arith.constant 7 : i32
    %dma_start3A_314 = arith.constant 7 : i32
    %dma_start3A_315 = arith.constant 0 : i32
    %dma_start3A_316 = tpu.memref_slice %arg16[%dma_start3A_314, %dma_start3A_315] : memref<16x512xf32, #tpu.memory_space<vmem>> -> memref<1x512xf32, #tpu.memory_space<vmem>>
    %dma_start3A_317 = tpu.memref_squeeze %dma_start3A_316 : memref<1x512xf32, #tpu.memory_space<vmem>> -> memref<512xf32, #tpu.memory_space<vmem>>
    %dma_start3A_318 = arith.constant 0 : i32
    %dma_start3A_319 = tpu.memref_slice %arg14[%dma_start3A_313, %dma_start3A_318] : memref<16x512xi32, #tpu.memory_space<vmem>> -> memref<1x512xi32, #tpu.memory_space<vmem>>
    %dma_start3A_320 = tpu.memref_squeeze %dma_start3A_319 : memref<1x512xi32, #tpu.memory_space<vmem>> -> memref<512xi32, #tpu.memory_space<vmem>>
    %dma_start3A_321 = arith.constant 0 : i32
    %dma_start3A_322 = tpu.memref_slice %arg4[%dma_start3A_321] : memref<16001024xf32, #tpu.memory_space<hbm>> -> memref<16001024xf32, #tpu.memory_space<hbm>>
    tpu.enqueue_indirect_dma source(%dma_start3A_322 : memref<16001024xf32, #tpu.memory_space<hbm>>) target(%dma_start3A_317 : memref<512xf32, #tpu.memory_space<vmem>>) offsets(%dma_start3A_320 : memref<512xi32, #tpu.memory_space<vmem>>) semaphore(%arg22 : memref<!tpu.dma_semaphore, #tpu.memory_space<semaphore_mem>>)
    %dma_start3A_323 = arith.constant 7 : i32
    %dma_start3A_324 = arith.constant 7 : i32
    %dma_start3A_325 = arith.constant 0 : i32
    %dma_start3A_326 = tpu.memref_slice %arg17[%dma_start3A_324, %dma_start3A_325] : memref<16x512xf32, #tpu.memory_space<vmem>> -> memref<1x512xf32, #tpu.memory_space<vmem>>
    %dma_start3A_327 = tpu.memref_squeeze %dma_start3A_326 : memref<1x512xf32, #tpu.memory_space<vmem>> -> memref<512xf32, #tpu.memory_space<vmem>>
    %dma_start3A_328 = arith.constant 0 : i32
    %dma_start3A_329 = tpu.memref_slice %arg14[%dma_start3A_323, %dma_start3A_328] : memref<16x512xi32, #tpu.memory_space<vmem>> -> memref<1x512xi32, #tpu.memory_space<vmem>>
    %dma_start3A_330 = tpu.memref_squeeze %dma_start3A_329 : memref<1x512xi32, #tpu.memory_space<vmem>> -> memref<512xi32, #tpu.memory_space<vmem>>
    %dma_start3A_331 = arith.constant 0 : i32
    %dma_start3A_332 = tpu.memref_slice %arg6[%dma_start3A_331] : memref<16001024xf32, #tpu.memory_space<hbm>> -> memref<16001024xf32, #tpu.memory_space<hbm>>
    tpu.enqueue_indirect_dma source(%dma_start3A_332 : memref<16001024xf32, #tpu.memory_space<hbm>>) target(%dma_start3A_327 : memref<512xf32, #tpu.memory_space<vmem>>) offsets(%dma_start3A_330 : memref<512xi32, #tpu.memory_space<vmem>>) semaphore(%arg22 : memref<!tpu.dma_semaphore, #tpu.memory_space<semaphore_mem>>)
    %dma_start3A_333 = arith.constant 7 : i32
    %dma_start3A_334 = arith.constant 7 : i32
    %dma_start3A_335 = arith.constant 0 : i32
    %dma_start3A_336 = tpu.memref_slice %arg18[%dma_start3A_334, %dma_start3A_335] : memref<16x512xf32, #tpu.memory_space<vmem>> -> memref<1x512xf32, #tpu.memory_space<vmem>>
    %dma_start3A_337 = tpu.memref_squeeze %dma_start3A_336 : memref<1x512xf32, #tpu.memory_space<vmem>> -> memref<512xf32, #tpu.memory_space<vmem>>
    %dma_start3A_338 = arith.constant 0 : i32
    %dma_start3A_339 = tpu.memref_slice %arg15[%dma_start3A_333, %dma_start3A_338] : memref<16x512xi32, #tpu.memory_space<vmem>> -> memref<1x512xi32, #tpu.memory_space<vmem>>
    %dma_start3A_340 = tpu.memref_squeeze %dma_start3A_339 : memref<1x512xi32, #tpu.memory_space<vmem>> -> memref<512xi32, #tpu.memory_space<vmem>>
    %dma_start3A_341 = arith.constant 0 : i32
    %dma_start3A_342 = tpu.memref_slice %arg5[%dma_start3A_341] : memref<16001024xf32, #tpu.memory_space<hbm>> -> memref<16001024xf32, #tpu.memory_space<hbm>>
    tpu.enqueue_indirect_dma source(%dma_start3A_342 : memref<16001024xf32, #tpu.memory_space<hbm>>) target(%dma_start3A_337 : memref<512xf32, #tpu.memory_space<vmem>>) offsets(%dma_start3A_340 : memref<512xi32, #tpu.memory_space<vmem>>) semaphore(%arg22 : memref<!tpu.dma_semaphore, #tpu.memory_space<semaphore_mem>>)
    %dma_start3A_343 = arith.constant 8 : i32
    %dma_start3A_344 = arith.constant 8 : i32
    %dma_start3A_345 = arith.constant 0 : i32
    %dma_start3A_346 = tpu.memref_slice %arg16[%dma_start3A_344, %dma_start3A_345] : memref<16x512xf32, #tpu.memory_space<vmem>> -> memref<1x512xf32, #tpu.memory_space<vmem>>
    %dma_start3A_347 = tpu.memref_squeeze %dma_start3A_346 : memref<1x512xf32, #tpu.memory_space<vmem>> -> memref<512xf32, #tpu.memory_space<vmem>>
    %dma_start3A_348 = arith.constant 0 : i32
    %dma_start3A_349 = tpu.memref_slice %arg14[%dma_start3A_343, %dma_start3A_348] : memref<16x512xi32, #tpu.memory_space<vmem>> -> memref<1x512xi32, #tpu.memory_space<vmem>>
    %dma_start3A_350 = tpu.memref_squeeze %dma_start3A_349 : memref<1x512xi32, #tpu.memory_space<vmem>> -> memref<512xi32, #tpu.memory_space<vmem>>
    %dma_start3A_351 = arith.constant 0 : i32
    %dma_start3A_352 = tpu.memref_slice %arg4[%dma_start3A_351] : memref<16001024xf32, #tpu.memory_space<hbm>> -> memref<16001024xf32, #tpu.memory_space<hbm>>
    tpu.enqueue_indirect_dma source(%dma_start3A_352 : memref<16001024xf32, #tpu.memory_space<hbm>>) target(%dma_start3A_347 : memref<512xf32, #tpu.memory_space<vmem>>) offsets(%dma_start3A_350 : memref<512xi32, #tpu.memory_space<vmem>>) semaphore(%arg22 : memref<!tpu.dma_semaphore, #tpu.memory_space<semaphore_mem>>)
    %dma_start3A_353 = arith.constant 8 : i32
    %dma_start3A_354 = arith.constant 8 : i32
    %dma_start3A_355 = arith.constant 0 : i32
    %dma_start3A_356 = tpu.memref_slice %arg17[%dma_start3A_354, %dma_start3A_355] : memref<16x512xf32, #tpu.memory_space<vmem>> -> memref<1x512xf32, #tpu.memory_space<vmem>>
    %dma_start3A_357 = tpu.memref_squeeze %dma_start3A_356 : memref<1x512xf32, #tpu.memory_space<vmem>> -> memref<512xf32, #tpu.memory_space<vmem>>
    %dma_start3A_358 = arith.constant 0 : i32
    %dma_start3A_359 = tpu.memref_slice %arg14[%dma_start3A_353, %dma_start3A_358] : memref<16x512xi32, #tpu.memory_space<vmem>> -> memref<1x512xi32, #tpu.memory_space<vmem>>
    %dma_start3A_360 = tpu.memref_squeeze %dma_start3A_359 : memref<1x512xi32, #tpu.memory_space<vmem>> -> memref<512xi32, #tpu.memory_space<vmem>>
    %dma_start3A_361 = arith.constant 0 : i32
    %dma_start3A_362 = tpu.memref_slice %arg6[%dma_start3A_361] : memref<16001024xf32, #tpu.memory_space<hbm>> -> memref<16001024xf32, #tpu.memory_space<hbm>>
    tpu.enqueue_indirect_dma source(%dma_start3A_362 : memref<16001024xf32, #tpu.memory_space<hbm>>) target(%dma_start3A_357 : memref<512xf32, #tpu.memory_space<vmem>>) offsets(%dma_start3A_360 : memref<512xi32, #tpu.memory_space<vmem>>) semaphore(%arg22 : memref<!tpu.dma_semaphore, #tpu.memory_space<semaphore_mem>>)
    %dma_start3A_363 = arith.constant 8 : i32
    %dma_start3A_364 = arith.constant 8 : i32
    %dma_start3A_365 = arith.constant 0 : i32
    %dma_start3A_366 = tpu.memref_slice %arg18[%dma_start3A_364, %dma_start3A_365] : memref<16x512xf32, #tpu.memory_space<vmem>> -> memref<1x512xf32, #tpu.memory_space<vmem>>
    %dma_start3A_367 = tpu.memref_squeeze %dma_start3A_366 : memref<1x512xf32, #tpu.memory_space<vmem>> -> memref<512xf32, #tpu.memory_space<vmem>>
    %dma_start3A_368 = arith.constant 0 : i32
    %dma_start3A_369 = tpu.memref_slice %arg15[%dma_start3A_363, %dma_start3A_368] : memref<16x512xi32, #tpu.memory_space<vmem>> -> memref<1x512xi32, #tpu.memory_space<vmem>>
    %dma_start3A_370 = tpu.memref_squeeze %dma_start3A_369 : memref<1x512xi32, #tpu.memory_space<vmem>> -> memref<512xi32, #tpu.memory_space<vmem>>
    %dma_start3A_371 = arith.constant 0 : i32
    %dma_start3A_372 = tpu.memref_slice %arg5[%dma_start3A_371] : memref<16001024xf32, #tpu.memory_space<hbm>> -> memref<16001024xf32, #tpu.memory_space<hbm>>
    tpu.enqueue_indirect_dma source(%dma_start3A_372 : memref<16001024xf32, #tpu.memory_space<hbm>>) target(%dma_start3A_367 : memref<512xf32, #tpu.memory_space<vmem>>) offsets(%dma_start3A_370 : memref<512xi32, #tpu.memory_space<vmem>>) semaphore(%arg22 : memref<!tpu.dma_semaphore, #tpu.memory_space<semaphore_mem>>)
    %dma_start3A_373 = arith.constant 9 : i32
    %dma_start3A_374 = arith.constant 9 : i32
    %dma_start3A_375 = arith.constant 0 : i32
    %dma_start3A_376 = tpu.memref_slice %arg16[%dma_start3A_374, %dma_start3A_375] : memref<16x512xf32, #tpu.memory_space<vmem>> -> memref<1x512xf32, #tpu.memory_space<vmem>>
    %dma_start3A_377 = tpu.memref_squeeze %dma_start3A_376 : memref<1x512xf32, #tpu.memory_space<vmem>> -> memref<512xf32, #tpu.memory_space<vmem>>
    %dma_start3A_378 = arith.constant 0 : i32
    %dma_start3A_379 = tpu.memref_slice %arg14[%dma_start3A_373, %dma_start3A_378] : memref<16x512xi32, #tpu.memory_space<vmem>> -> memref<1x512xi32, #tpu.memory_space<vmem>>
    %dma_start3A_380 = tpu.memref_squeeze %dma_start3A_379 : memref<1x512xi32, #tpu.memory_space<vmem>> -> memref<512xi32, #tpu.memory_space<vmem>>
    %dma_start3A_381 = arith.constant 0 : i32
    %dma_start3A_382 = tpu.memref_slice %arg4[%dma_start3A_381] : memref<16001024xf32, #tpu.memory_space<hbm>> -> memref<16001024xf32, #tpu.memory_space<hbm>>
    tpu.enqueue_indirect_dma source(%dma_start3A_382 : memref<16001024xf32, #tpu.memory_space<hbm>>) target(%dma_start3A_377 : memref<512xf32, #tpu.memory_space<vmem>>) offsets(%dma_start3A_380 : memref<512xi32, #tpu.memory_space<vmem>>) semaphore(%arg22 : memref<!tpu.dma_semaphore, #tpu.memory_space<semaphore_mem>>)
    %dma_start3A_383 = arith.constant 9 : i32
    %dma_start3A_384 = arith.constant 9 : i32
    %dma_start3A_385 = arith.constant 0 : i32
    %dma_start3A_386 = tpu.memref_slice %arg17[%dma_start3A_384, %dma_start3A_385] : memref<16x512xf32, #tpu.memory_space<vmem>> -> memref<1x512xf32, #tpu.memory_space<vmem>>
    %dma_start3A_387 = tpu.memref_squeeze %dma_start3A_386 : memref<1x512xf32, #tpu.memory_space<vmem>> -> memref<512xf32, #tpu.memory_space<vmem>>
    %dma_start3A_388 = arith.constant 0 : i32
    %dma_start3A_389 = tpu.memref_slice %arg14[%dma_start3A_383, %dma_start3A_388] : memref<16x512xi32, #tpu.memory_space<vmem>> -> memref<1x512xi32, #tpu.memory_space<vmem>>
    %dma_start3A_390 = tpu.memref_squeeze %dma_start3A_389 : memref<1x512xi32, #tpu.memory_space<vmem>> -> memref<512xi32, #tpu.memory_space<vmem>>
    %dma_start3A_391 = arith.constant 0 : i32
    %dma_start3A_392 = tpu.memref_slice %arg6[%dma_start3A_391] : memref<16001024xf32, #tpu.memory_space<hbm>> -> memref<16001024xf32, #tpu.memory_space<hbm>>
    tpu.enqueue_indirect_dma source(%dma_start3A_392 : memref<16001024xf32, #tpu.memory_space<hbm>>) target(%dma_start3A_387 : memref<512xf32, #tpu.memory_space<vmem>>) offsets(%dma_start3A_390 : memref<512xi32, #tpu.memory_space<vmem>>) semaphore(%arg22 : memref<!tpu.dma_semaphore, #tpu.memory_space<semaphore_mem>>)
    %dma_start3A_393 = arith.constant 9 : i32
    %dma_start3A_394 = arith.constant 9 : i32
    %dma_start3A_395 = arith.constant 0 : i32
    %dma_start3A_396 = tpu.memref_slice %arg18[%dma_start3A_394, %dma_start3A_395] : memref<16x512xf32, #tpu.memory_space<vmem>> -> memref<1x512xf32, #tpu.memory_space<vmem>>
    %dma_start3A_397 = tpu.memref_squeeze %dma_start3A_396 : memref<1x512xf32, #tpu.memory_space<vmem>> -> memref<512xf32, #tpu.memory_space<vmem>>
    %dma_start3A_398 = arith.constant 0 : i32
    %dma_start3A_399 = tpu.memref_slice %arg15[%dma_start3A_393, %dma_start3A_398] : memref<16x512xi32, #tpu.memory_space<vmem>> -> memref<1x512xi32, #tpu.memory_space<vmem>>
    %dma_start3A_400 = tpu.memref_squeeze %dma_start3A_399 : memref<1x512xi32, #tpu.memory_space<vmem>> -> memref<512xi32, #tpu.memory_space<vmem>>
    %dma_start3A_401 = arith.constant 0 : i32
    %dma_start3A_402 = tpu.memref_slice %arg5[%dma_start3A_401] : memref<16001024xf32, #tpu.memory_space<hbm>> -> memref<16001024xf32, #tpu.memory_space<hbm>>
    tpu.enqueue_indirect_dma source(%dma_start3A_402 : memref<16001024xf32, #tpu.memory_space<hbm>>) target(%dma_start3A_397 : memref<512xf32, #tpu.memory_space<vmem>>) offsets(%dma_start3A_400 : memref<512xi32, #tpu.memory_space<vmem>>) semaphore(%arg22 : memref<!tpu.dma_semaphore, #tpu.memory_space<semaphore_mem>>)
    %dma_start3A_403 = arith.constant 10 : i32
    %dma_start3A_404 = arith.constant 10 : i32
    %dma_start3A_405 = arith.constant 0 : i32
    %dma_start3A_406 = tpu.memref_slice %arg16[%dma_start3A_404, %dma_start3A_405] : memref<16x512xf32, #tpu.memory_space<vmem>> -> memref<1x512xf32, #tpu.memory_space<vmem>>
    %dma_start3A_407 = tpu.memref_squeeze %dma_start3A_406 : memref<1x512xf32, #tpu.memory_space<vmem>> -> memref<512xf32, #tpu.memory_space<vmem>>
    %dma_start3A_408 = arith.constant 0 : i32
    %dma_start3A_409 = tpu.memref_slice %arg14[%dma_start3A_403, %dma_start3A_408] : memref<16x512xi32, #tpu.memory_space<vmem>> -> memref<1x512xi32, #tpu.memory_space<vmem>>
    %dma_start3A_410 = tpu.memref_squeeze %dma_start3A_409 : memref<1x512xi32, #tpu.memory_space<vmem>> -> memref<512xi32, #tpu.memory_space<vmem>>
    %dma_start3A_411 = arith.constant 0 : i32
    %dma_start3A_412 = tpu.memref_slice %arg4[%dma_start3A_411] : memref<16001024xf32, #tpu.memory_space<hbm>> -> memref<16001024xf32, #tpu.memory_space<hbm>>
    tpu.enqueue_indirect_dma source(%dma_start3A_412 : memref<16001024xf32, #tpu.memory_space<hbm>>) target(%dma_start3A_407 : memref<512xf32, #tpu.memory_space<vmem>>) offsets(%dma_start3A_410 : memref<512xi32, #tpu.memory_space<vmem>>) semaphore(%arg22 : memref<!tpu.dma_semaphore, #tpu.memory_space<semaphore_mem>>)
    %dma_start3A_413 = arith.constant 10 : i32
    %dma_start3A_414 = arith.constant 10 : i32
    %dma_start3A_415 = arith.constant 0 : i32
    %dma_start3A_416 = tpu.memref_slice %arg17[%dma_start3A_414, %dma_start3A_415] : memref<16x512xf32, #tpu.memory_space<vmem>> -> memref<1x512xf32, #tpu.memory_space<vmem>>
    %dma_start3A_417 = tpu.memref_squeeze %dma_start3A_416 : memref<1x512xf32, #tpu.memory_space<vmem>> -> memref<512xf32, #tpu.memory_space<vmem>>
    %dma_start3A_418 = arith.constant 0 : i32
    %dma_start3A_419 = tpu.memref_slice %arg14[%dma_start3A_413, %dma_start3A_418] : memref<16x512xi32, #tpu.memory_space<vmem>> -> memref<1x512xi32, #tpu.memory_space<vmem>>
    %dma_start3A_420 = tpu.memref_squeeze %dma_start3A_419 : memref<1x512xi32, #tpu.memory_space<vmem>> -> memref<512xi32, #tpu.memory_space<vmem>>
    %dma_start3A_421 = arith.constant 0 : i32
    %dma_start3A_422 = tpu.memref_slice %arg6[%dma_start3A_421] : memref<16001024xf32, #tpu.memory_space<hbm>> -> memref<16001024xf32, #tpu.memory_space<hbm>>
    tpu.enqueue_indirect_dma source(%dma_start3A_422 : memref<16001024xf32, #tpu.memory_space<hbm>>) target(%dma_start3A_417 : memref<512xf32, #tpu.memory_space<vmem>>) offsets(%dma_start3A_420 : memref<512xi32, #tpu.memory_space<vmem>>) semaphore(%arg22 : memref<!tpu.dma_semaphore, #tpu.memory_space<semaphore_mem>>)
    %dma_start3A_423 = arith.constant 10 : i32
    %dma_start3A_424 = arith.constant 10 : i32
    %dma_start3A_425 = arith.constant 0 : i32
    %dma_start3A_426 = tpu.memref_slice %arg18[%dma_start3A_424, %dma_start3A_425] : memref<16x512xf32, #tpu.memory_space<vmem>> -> memref<1x512xf32, #tpu.memory_space<vmem>>
    %dma_start3A_427 = tpu.memref_squeeze %dma_start3A_426 : memref<1x512xf32, #tpu.memory_space<vmem>> -> memref<512xf32, #tpu.memory_space<vmem>>
    %dma_start3A_428 = arith.constant 0 : i32
    %dma_start3A_429 = tpu.memref_slice %arg15[%dma_start3A_423, %dma_start3A_428] : memref<16x512xi32, #tpu.memory_space<vmem>> -> memref<1x512xi32, #tpu.memory_space<vmem>>
    %dma_start3A_430 = tpu.memref_squeeze %dma_start3A_429 : memref<1x512xi32, #tpu.memory_space<vmem>> -> memref<512xi32, #tpu.memory_space<vmem>>
    %dma_start3A_431 = arith.constant 0 : i32
    %dma_start3A_432 = tpu.memref_slice %arg5[%dma_start3A_431] : memref<16001024xf32, #tpu.memory_space<hbm>> -> memref<16001024xf32, #tpu.memory_space<hbm>>
    tpu.enqueue_indirect_dma source(%dma_start3A_432 : memref<16001024xf32, #tpu.memory_space<hbm>>) target(%dma_start3A_427 : memref<512xf32, #tpu.memory_space<vmem>>) offsets(%dma_start3A_430 : memref<512xi32, #tpu.memory_space<vmem>>) semaphore(%arg22 : memref<!tpu.dma_semaphore, #tpu.memory_space<semaphore_mem>>)
    %dma_start3A_433 = arith.constant 11 : i32
    %dma_start3A_434 = arith.constant 11 : i32
    %dma_start3A_435 = arith.constant 0 : i32
    %dma_start3A_436 = tpu.memref_slice %arg16[%dma_start3A_434, %dma_start3A_435] : memref<16x512xf32, #tpu.memory_space<vmem>> -> memref<1x512xf32, #tpu.memory_space<vmem>>
    %dma_start3A_437 = tpu.memref_squeeze %dma_start3A_436 : memref<1x512xf32, #tpu.memory_space<vmem>> -> memref<512xf32, #tpu.memory_space<vmem>>
    %dma_start3A_438 = arith.constant 0 : i32
    %dma_start3A_439 = tpu.memref_slice %arg14[%dma_start3A_433, %dma_start3A_438] : memref<16x512xi32, #tpu.memory_space<vmem>> -> memref<1x512xi32, #tpu.memory_space<vmem>>
    %dma_start3A_440 = tpu.memref_squeeze %dma_start3A_439 : memref<1x512xi32, #tpu.memory_space<vmem>> -> memref<512xi32, #tpu.memory_space<vmem>>
    %dma_start3A_441 = arith.constant 0 : i32
    %dma_start3A_442 = tpu.memref_slice %arg4[%dma_start3A_441] : memref<16001024xf32, #tpu.memory_space<hbm>> -> memref<16001024xf32, #tpu.memory_space<hbm>>
    tpu.enqueue_indirect_dma source(%dma_start3A_442 : memref<16001024xf32, #tpu.memory_space<hbm>>) target(%dma_start3A_437 : memref<512xf32, #tpu.memory_space<vmem>>) offsets(%dma_start3A_440 : memref<512xi32, #tpu.memory_space<vmem>>) semaphore(%arg22 : memref<!tpu.dma_semaphore, #tpu.memory_space<semaphore_mem>>)
    %dma_start3A_443 = arith.constant 11 : i32
    %dma_start3A_444 = arith.constant 11 : i32
    %dma_start3A_445 = arith.constant 0 : i32
    %dma_start3A_446 = tpu.memref_slice %arg17[%dma_start3A_444, %dma_start3A_445] : memref<16x512xf32, #tpu.memory_space<vmem>> -> memref<1x512xf32, #tpu.memory_space<vmem>>
    %dma_start3A_447 = tpu.memref_squeeze %dma_start3A_446 : memref<1x512xf32, #tpu.memory_space<vmem>> -> memref<512xf32, #tpu.memory_space<vmem>>
    %dma_start3A_448 = arith.constant 0 : i32
    %dma_start3A_449 = tpu.memref_slice %arg14[%dma_start3A_443, %dma_start3A_448] : memref<16x512xi32, #tpu.memory_space<vmem>> -> memref<1x512xi32, #tpu.memory_space<vmem>>
    %dma_start3A_450 = tpu.memref_squeeze %dma_start3A_449 : memref<1x512xi32, #tpu.memory_space<vmem>> -> memref<512xi32, #tpu.memory_space<vmem>>
    %dma_start3A_451 = arith.constant 0 : i32
    %dma_start3A_452 = tpu.memref_slice %arg6[%dma_start3A_451] : memref<16001024xf32, #tpu.memory_space<hbm>> -> memref<16001024xf32, #tpu.memory_space<hbm>>
    tpu.enqueue_indirect_dma source(%dma_start3A_452 : memref<16001024xf32, #tpu.memory_space<hbm>>) target(%dma_start3A_447 : memref<512xf32, #tpu.memory_space<vmem>>) offsets(%dma_start3A_450 : memref<512xi32, #tpu.memory_space<vmem>>) semaphore(%arg22 : memref<!tpu.dma_semaphore, #tpu.memory_space<semaphore_mem>>)
    %dma_start3A_453 = arith.constant 11 : i32
    %dma_start3A_454 = arith.constant 11 : i32
    %dma_start3A_455 = arith.constant 0 : i32
    %dma_start3A_456 = tpu.memref_slice %arg18[%dma_start3A_454, %dma_start3A_455] : memref<16x512xf32, #tpu.memory_space<vmem>> -> memref<1x512xf32, #tpu.memory_space<vmem>>
    %dma_start3A_457 = tpu.memref_squeeze %dma_start3A_456 : memref<1x512xf32, #tpu.memory_space<vmem>> -> memref<512xf32, #tpu.memory_space<vmem>>
    %dma_start3A_458 = arith.constant 0 : i32
    %dma_start3A_459 = tpu.memref_slice %arg15[%dma_start3A_453, %dma_start3A_458] : memref<16x512xi32, #tpu.memory_space<vmem>> -> memref<1x512xi32, #tpu.memory_space<vmem>>
    %dma_start3A_460 = tpu.memref_squeeze %dma_start3A_459 : memref<1x512xi32, #tpu.memory_space<vmem>> -> memref<512xi32, #tpu.memory_space<vmem>>
    %dma_start3A_461 = arith.constant 0 : i32
    %dma_start3A_462 = tpu.memref_slice %arg5[%dma_start3A_461] : memref<16001024xf32, #tpu.memory_space<hbm>> -> memref<16001024xf32, #tpu.memory_space<hbm>>
    tpu.enqueue_indirect_dma source(%dma_start3A_462 : memref<16001024xf32, #tpu.memory_space<hbm>>) target(%dma_start3A_457 : memref<512xf32, #tpu.memory_space<vmem>>) offsets(%dma_start3A_460 : memref<512xi32, #tpu.memory_space<vmem>>) semaphore(%arg22 : memref<!tpu.dma_semaphore, #tpu.memory_space<semaphore_mem>>)
    %dma_start3A_463 = arith.constant 12 : i32
    %dma_start3A_464 = arith.constant 12 : i32
    %dma_start3A_465 = arith.constant 0 : i32
    %dma_start3A_466 = tpu.memref_slice %arg16[%dma_start3A_464, %dma_start3A_465] : memref<16x512xf32, #tpu.memory_space<vmem>> -> memref<1x512xf32, #tpu.memory_space<vmem>>
    %dma_start3A_467 = tpu.memref_squeeze %dma_start3A_466 : memref<1x512xf32, #tpu.memory_space<vmem>> -> memref<512xf32, #tpu.memory_space<vmem>>
    %dma_start3A_468 = arith.constant 0 : i32
    %dma_start3A_469 = tpu.memref_slice %arg14[%dma_start3A_463, %dma_start3A_468] : memref<16x512xi32, #tpu.memory_space<vmem>> -> memref<1x512xi32, #tpu.memory_space<vmem>>
    %dma_start3A_470 = tpu.memref_squeeze %dma_start3A_469 : memref<1x512xi32, #tpu.memory_space<vmem>> -> memref<512xi32, #tpu.memory_space<vmem>>
    %dma_start3A_471 = arith.constant 0 : i32
    %dma_start3A_472 = tpu.memref_slice %arg4[%dma_start3A_471] : memref<16001024xf32, #tpu.memory_space<hbm>> -> memref<16001024xf32, #tpu.memory_space<hbm>>
    tpu.enqueue_indirect_dma source(%dma_start3A_472 : memref<16001024xf32, #tpu.memory_space<hbm>>) target(%dma_start3A_467 : memref<512xf32, #tpu.memory_space<vmem>>) offsets(%dma_start3A_470 : memref<512xi32, #tpu.memory_space<vmem>>) semaphore(%arg22 : memref<!tpu.dma_semaphore, #tpu.memory_space<semaphore_mem>>)
    %dma_start3A_473 = arith.constant 12 : i32
    %dma_start3A_474 = arith.constant 12 : i32
    %dma_start3A_475 = arith.constant 0 : i32
    %dma_start3A_476 = tpu.memref_slice %arg17[%dma_start3A_474, %dma_start3A_475] : memref<16x512xf32, #tpu.memory_space<vmem>> -> memref<1x512xf32, #tpu.memory_space<vmem>>
    %dma_start3A_477 = tpu.memref_squeeze %dma_start3A_476 : memref<1x512xf32, #tpu.memory_space<vmem>> -> memref<512xf32, #tpu.memory_space<vmem>>
    %dma_start3A_478 = arith.constant 0 : i32
    %dma_start3A_479 = tpu.memref_slice %arg14[%dma_start3A_473, %dma_start3A_478] : memref<16x512xi32, #tpu.memory_space<vmem>> -> memref<1x512xi32, #tpu.memory_space<vmem>>
    %dma_start3A_480 = tpu.memref_squeeze %dma_start3A_479 : memref<1x512xi32, #tpu.memory_space<vmem>> -> memref<512xi32, #tpu.memory_space<vmem>>
    %dma_start3A_481 = arith.constant 0 : i32
    %dma_start3A_482 = tpu.memref_slice %arg6[%dma_start3A_481] : memref<16001024xf32, #tpu.memory_space<hbm>> -> memref<16001024xf32, #tpu.memory_space<hbm>>
    tpu.enqueue_indirect_dma source(%dma_start3A_482 : memref<16001024xf32, #tpu.memory_space<hbm>>) target(%dma_start3A_477 : memref<512xf32, #tpu.memory_space<vmem>>) offsets(%dma_start3A_480 : memref<512xi32, #tpu.memory_space<vmem>>) semaphore(%arg22 : memref<!tpu.dma_semaphore, #tpu.memory_space<semaphore_mem>>)
    %dma_start3A_483 = arith.constant 12 : i32
    %dma_start3A_484 = arith.constant 12 : i32
    %dma_start3A_485 = arith.constant 0 : i32
    %dma_start3A_486 = tpu.memref_slice %arg18[%dma_start3A_484, %dma_start3A_485] : memref<16x512xf32, #tpu.memory_space<vmem>> -> memref<1x512xf32, #tpu.memory_space<vmem>>
    %dma_start3A_487 = tpu.memref_squeeze %dma_start3A_486 : memref<1x512xf32, #tpu.memory_space<vmem>> -> memref<512xf32, #tpu.memory_space<vmem>>
    %dma_start3A_488 = arith.constant 0 : i32
    %dma_start3A_489 = tpu.memref_slice %arg15[%dma_start3A_483, %dma_start3A_488] : memref<16x512xi32, #tpu.memory_space<vmem>> -> memref<1x512xi32, #tpu.memory_space<vmem>>
    %dma_start3A_490 = tpu.memref_squeeze %dma_start3A_489 : memref<1x512xi32, #tpu.memory_space<vmem>> -> memref<512xi32, #tpu.memory_space<vmem>>
    %dma_start3A_491 = arith.constant 0 : i32
    %dma_start3A_492 = tpu.memref_slice %arg5[%dma_start3A_491] : memref<16001024xf32, #tpu.memory_space<hbm>> -> memref<16001024xf32, #tpu.memory_space<hbm>>
    tpu.enqueue_indirect_dma source(%dma_start3A_492 : memref<16001024xf32, #tpu.memory_space<hbm>>) target(%dma_start3A_487 : memref<512xf32, #tpu.memory_space<vmem>>) offsets(%dma_start3A_490 : memref<512xi32, #tpu.memory_space<vmem>>) semaphore(%arg22 : memref<!tpu.dma_semaphore, #tpu.memory_space<semaphore_mem>>)
    %dma_start3A_493 = arith.constant 13 : i32
    %dma_start3A_494 = arith.constant 13 : i32
    %dma_start3A_495 = arith.constant 0 : i32
    %dma_start3A_496 = tpu.memref_slice %arg16[%dma_start3A_494, %dma_start3A_495] : memref<16x512xf32, #tpu.memory_space<vmem>> -> memref<1x512xf32, #tpu.memory_space<vmem>>
    %dma_start3A_497 = tpu.memref_squeeze %dma_start3A_496 : memref<1x512xf32, #tpu.memory_space<vmem>> -> memref<512xf32, #tpu.memory_space<vmem>>
    %dma_start3A_498 = arith.constant 0 : i32
    %dma_start3A_499 = tpu.memref_slice %arg14[%dma_start3A_493, %dma_start3A_498] : memref<16x512xi32, #tpu.memory_space<vmem>> -> memref<1x512xi32, #tpu.memory_space<vmem>>
    %dma_start3A_500 = tpu.memref_squeeze %dma_start3A_499 : memref<1x512xi32, #tpu.memory_space<vmem>> -> memref<512xi32, #tpu.memory_space<vmem>>
    %dma_start3A_501 = arith.constant 0 : i32
    %dma_start3A_502 = tpu.memref_slice %arg4[%dma_start3A_501] : memref<16001024xf32, #tpu.memory_space<hbm>> -> memref<16001024xf32, #tpu.memory_space<hbm>>
    tpu.enqueue_indirect_dma source(%dma_start3A_502 : memref<16001024xf32, #tpu.memory_space<hbm>>) target(%dma_start3A_497 : memref<512xf32, #tpu.memory_space<vmem>>) offsets(%dma_start3A_500 : memref<512xi32, #tpu.memory_space<vmem>>) semaphore(%arg22 : memref<!tpu.dma_semaphore, #tpu.memory_space<semaphore_mem>>)
    %dma_start3A_503 = arith.constant 13 : i32
    %dma_start3A_504 = arith.constant 13 : i32
    %dma_start3A_505 = arith.constant 0 : i32
    %dma_start3A_506 = tpu.memref_slice %arg17[%dma_start3A_504, %dma_start3A_505] : memref<16x512xf32, #tpu.memory_space<vmem>> -> memref<1x512xf32, #tpu.memory_space<vmem>>
    %dma_start3A_507 = tpu.memref_squeeze %dma_start3A_506 : memref<1x512xf32, #tpu.memory_space<vmem>> -> memref<512xf32, #tpu.memory_space<vmem>>
    %dma_start3A_508 = arith.constant 0 : i32
    %dma_start3A_509 = tpu.memref_slice %arg14[%dma_start3A_503, %dma_start3A_508] : memref<16x512xi32, #tpu.memory_space<vmem>> -> memref<1x512xi32, #tpu.memory_space<vmem>>
    %dma_start3A_510 = tpu.memref_squeeze %dma_start3A_509 : memref<1x512xi32, #tpu.memory_space<vmem>> -> memref<512xi32, #tpu.memory_space<vmem>>
    %dma_start3A_511 = arith.constant 0 : i32
    %dma_start3A_512 = tpu.memref_slice %arg6[%dma_start3A_511] : memref<16001024xf32, #tpu.memory_space<hbm>> -> memref<16001024xf32, #tpu.memory_space<hbm>>
    tpu.enqueue_indirect_dma source(%dma_start3A_512 : memref<16001024xf32, #tpu.memory_space<hbm>>) target(%dma_start3A_507 : memref<512xf32, #tpu.memory_space<vmem>>) offsets(%dma_start3A_510 : memref<512xi32, #tpu.memory_space<vmem>>) semaphore(%arg22 : memref<!tpu.dma_semaphore, #tpu.memory_space<semaphore_mem>>)
    %dma_start3A_513 = arith.constant 13 : i32
    %dma_start3A_514 = arith.constant 13 : i32
    %dma_start3A_515 = arith.constant 0 : i32
    %dma_start3A_516 = tpu.memref_slice %arg18[%dma_start3A_514, %dma_start3A_515] : memref<16x512xf32, #tpu.memory_space<vmem>> -> memref<1x512xf32, #tpu.memory_space<vmem>>
    %dma_start3A_517 = tpu.memref_squeeze %dma_start3A_516 : memref<1x512xf32, #tpu.memory_space<vmem>> -> memref<512xf32, #tpu.memory_space<vmem>>
    %dma_start3A_518 = arith.constant 0 : i32
    %dma_start3A_519 = tpu.memref_slice %arg15[%dma_start3A_513, %dma_start3A_518] : memref<16x512xi32, #tpu.memory_space<vmem>> -> memref<1x512xi32, #tpu.memory_space<vmem>>
    %dma_start3A_520 = tpu.memref_squeeze %dma_start3A_519 : memref<1x512xi32, #tpu.memory_space<vmem>> -> memref<512xi32, #tpu.memory_space<vmem>>
    %dma_start3A_521 = arith.constant 0 : i32
    %dma_start3A_522 = tpu.memref_slice %arg5[%dma_start3A_521] : memref<16001024xf32, #tpu.memory_space<hbm>> -> memref<16001024xf32, #tpu.memory_space<hbm>>
    tpu.enqueue_indirect_dma source(%dma_start3A_522 : memref<16001024xf32, #tpu.memory_space<hbm>>) target(%dma_start3A_517 : memref<512xf32, #tpu.memory_space<vmem>>) offsets(%dma_start3A_520 : memref<512xi32, #tpu.memory_space<vmem>>) semaphore(%arg22 : memref<!tpu.dma_semaphore, #tpu.memory_space<semaphore_mem>>)
    %dma_start3A_523 = arith.constant 14 : i32
    %dma_start3A_524 = arith.constant 14 : i32
    %dma_start3A_525 = arith.constant 0 : i32
    %dma_start3A_526 = tpu.memref_slice %arg16[%dma_start3A_524, %dma_start3A_525] : memref<16x512xf32, #tpu.memory_space<vmem>> -> memref<1x512xf32, #tpu.memory_space<vmem>>
    %dma_start3A_527 = tpu.memref_squeeze %dma_start3A_526 : memref<1x512xf32, #tpu.memory_space<vmem>> -> memref<512xf32, #tpu.memory_space<vmem>>
    %dma_start3A_528 = arith.constant 0 : i32
    %dma_start3A_529 = tpu.memref_slice %arg14[%dma_start3A_523, %dma_start3A_528] : memref<16x512xi32, #tpu.memory_space<vmem>> -> memref<1x512xi32, #tpu.memory_space<vmem>>
    %dma_start3A_530 = tpu.memref_squeeze %dma_start3A_529 : memref<1x512xi32, #tpu.memory_space<vmem>> -> memref<512xi32, #tpu.memory_space<vmem>>
    %dma_start3A_531 = arith.constant 0 : i32
    %dma_start3A_532 = tpu.memref_slice %arg4[%dma_start3A_531] : memref<16001024xf32, #tpu.memory_space<hbm>> -> memref<16001024xf32, #tpu.memory_space<hbm>>
    tpu.enqueue_indirect_dma source(%dma_start3A_532 : memref<16001024xf32, #tpu.memory_space<hbm>>) target(%dma_start3A_527 : memref<512xf32, #tpu.memory_space<vmem>>) offsets(%dma_start3A_530 : memref<512xi32, #tpu.memory_space<vmem>>) semaphore(%arg22 : memref<!tpu.dma_semaphore, #tpu.memory_space<semaphore_mem>>)
    %dma_start3A_533 = arith.constant 14 : i32
    %dma_start3A_534 = arith.constant 14 : i32
    %dma_start3A_535 = arith.constant 0 : i32
    %dma_start3A_536 = tpu.memref_slice %arg17[%dma_start3A_534, %dma_start3A_535] : memref<16x512xf32, #tpu.memory_space<vmem>> -> memref<1x512xf32, #tpu.memory_space<vmem>>
    %dma_start3A_537 = tpu.memref_squeeze %dma_start3A_536 : memref<1x512xf32, #tpu.memory_space<vmem>> -> memref<512xf32, #tpu.memory_space<vmem>>
    %dma_start3A_538 = arith.constant 0 : i32
    %dma_start3A_539 = tpu.memref_slice %arg14[%dma_start3A_533, %dma_start3A_538] : memref<16x512xi32, #tpu.memory_space<vmem>> -> memref<1x512xi32, #tpu.memory_space<vmem>>
    %dma_start3A_540 = tpu.memref_squeeze %dma_start3A_539 : memref<1x512xi32, #tpu.memory_space<vmem>> -> memref<512xi32, #tpu.memory_space<vmem>>
    %dma_start3A_541 = arith.constant 0 : i32
    %dma_start3A_542 = tpu.memref_slice %arg6[%dma_start3A_541] : memref<16001024xf32, #tpu.memory_space<hbm>> -> memref<16001024xf32, #tpu.memory_space<hbm>>
    tpu.enqueue_indirect_dma source(%dma_start3A_542 : memref<16001024xf32, #tpu.memory_space<hbm>>) target(%dma_start3A_537 : memref<512xf32, #tpu.memory_space<vmem>>) offsets(%dma_start3A_540 : memref<512xi32, #tpu.memory_space<vmem>>) semaphore(%arg22 : memref<!tpu.dma_semaphore, #tpu.memory_space<semaphore_mem>>)
    %dma_start3A_543 = arith.constant 14 : i32
    %dma_start3A_544 = arith.constant 14 : i32
    %dma_start3A_545 = arith.constant 0 : i32
    %dma_start3A_546 = tpu.memref_slice %arg18[%dma_start3A_544, %dma_start3A_545] : memref<16x512xf32, #tpu.memory_space<vmem>> -> memref<1x512xf32, #tpu.memory_space<vmem>>
    %dma_start3A_547 = tpu.memref_squeeze %dma_start3A_546 : memref<1x512xf32, #tpu.memory_space<vmem>> -> memref<512xf32, #tpu.memory_space<vmem>>
    %dma_start3A_548 = arith.constant 0 : i32
    %dma_start3A_549 = tpu.memref_slice %arg15[%dma_start3A_543, %dma_start3A_548] : memref<16x512xi32, #tpu.memory_space<vmem>> -> memref<1x512xi32, #tpu.memory_space<vmem>>
    %dma_start3A_550 = tpu.memref_squeeze %dma_start3A_549 : memref<1x512xi32, #tpu.memory_space<vmem>> -> memref<512xi32, #tpu.memory_space<vmem>>
    %dma_start3A_551 = arith.constant 0 : i32
    %dma_start3A_552 = tpu.memref_slice %arg5[%dma_start3A_551] : memref<16001024xf32, #tpu.memory_space<hbm>> -> memref<16001024xf32, #tpu.memory_space<hbm>>
    tpu.enqueue_indirect_dma source(%dma_start3A_552 : memref<16001024xf32, #tpu.memory_space<hbm>>) target(%dma_start3A_547 : memref<512xf32, #tpu.memory_space<vmem>>) offsets(%dma_start3A_550 : memref<512xi32, #tpu.memory_space<vmem>>) semaphore(%arg22 : memref<!tpu.dma_semaphore, #tpu.memory_space<semaphore_mem>>)
    %dma_start3A_553 = arith.constant 15 : i32
    %dma_start3A_554 = arith.constant 15 : i32
    %dma_start3A_555 = arith.constant 0 : i32
    %dma_start3A_556 = tpu.memref_slice %arg16[%dma_start3A_554, %dma_start3A_555] : memref<16x512xf32, #tpu.memory_space<vmem>> -> memref<1x512xf32, #tpu.memory_space<vmem>>
    %dma_start3A_557 = tpu.memref_squeeze %dma_start3A_556 : memref<1x512xf32, #tpu.memory_space<vmem>> -> memref<512xf32, #tpu.memory_space<vmem>>
    %dma_start3A_558 = arith.constant 0 : i32
    %dma_start3A_559 = tpu.memref_slice %arg14[%dma_start3A_553, %dma_start3A_558] : memref<16x512xi32, #tpu.memory_space<vmem>> -> memref<1x512xi32, #tpu.memory_space<vmem>>
    %dma_start3A_560 = tpu.memref_squeeze %dma_start3A_559 : memref<1x512xi32, #tpu.memory_space<vmem>> -> memref<512xi32, #tpu.memory_space<vmem>>
    %dma_start3A_561 = arith.constant 0 : i32
    %dma_start3A_562 = tpu.memref_slice %arg4[%dma_start3A_561] : memref<16001024xf32, #tpu.memory_space<hbm>> -> memref<16001024xf32, #tpu.memory_space<hbm>>
    tpu.enqueue_indirect_dma source(%dma_start3A_562 : memref<16001024xf32, #tpu.memory_space<hbm>>) target(%dma_start3A_557 : memref<512xf32, #tpu.memory_space<vmem>>) offsets(%dma_start3A_560 : memref<512xi32, #tpu.memory_space<vmem>>) semaphore(%arg22 : memref<!tpu.dma_semaphore, #tpu.memory_space<semaphore_mem>>)
    %dma_start3A_563 = arith.constant 15 : i32
    %dma_start3A_564 = arith.constant 15 : i32
    %dma_start3A_565 = arith.constant 0 : i32
    %dma_start3A_566 = tpu.memref_slice %arg17[%dma_start3A_564, %dma_start3A_565] : memref<16x512xf32, #tpu.memory_space<vmem>> -> memref<1x512xf32, #tpu.memory_space<vmem>>
    %dma_start3A_567 = tpu.memref_squeeze %dma_start3A_566 : memref<1x512xf32, #tpu.memory_space<vmem>> -> memref<512xf32, #tpu.memory_space<vmem>>
    %dma_start3A_568 = arith.constant 0 : i32
    %dma_start3A_569 = tpu.memref_slice %arg14[%dma_start3A_563, %dma_start3A_568] : memref<16x512xi32, #tpu.memory_space<vmem>> -> memref<1x512xi32, #tpu.memory_space<vmem>>
    %dma_start3A_570 = tpu.memref_squeeze %dma_start3A_569 : memref<1x512xi32, #tpu.memory_space<vmem>> -> memref<512xi32, #tpu.memory_space<vmem>>
    %dma_start3A_571 = arith.constant 0 : i32
    %dma_start3A_572 = tpu.memref_slice %arg6[%dma_start3A_571] : memref<16001024xf32, #tpu.memory_space<hbm>> -> memref<16001024xf32, #tpu.memory_space<hbm>>
    tpu.enqueue_indirect_dma source(%dma_start3A_572 : memref<16001024xf32, #tpu.memory_space<hbm>>) target(%dma_start3A_567 : memref<512xf32, #tpu.memory_space<vmem>>) offsets(%dma_start3A_570 : memref<512xi32, #tpu.memory_space<vmem>>) semaphore(%arg22 : memref<!tpu.dma_semaphore, #tpu.memory_space<semaphore_mem>>)
    %dma_start3A_573 = arith.constant 15 : i32
    %dma_start3A_574 = arith.constant 15 : i32
    %dma_start3A_575 = arith.constant 0 : i32
    %dma_start3A_576 = tpu.memref_slice %arg18[%dma_start3A_574, %dma_start3A_575] : memref<16x512xf32, #tpu.memory_space<vmem>> -> memref<1x512xf32, #tpu.memory_space<vmem>>
    %dma_start3A_577 = tpu.memref_squeeze %dma_start3A_576 : memref<1x512xf32, #tpu.memory_space<vmem>> -> memref<512xf32, #tpu.memory_space<vmem>>
    %dma_start3A_578 = arith.constant 0 : i32
    %dma_start3A_579 = tpu.memref_slice %arg15[%dma_start3A_573, %dma_start3A_578] : memref<16x512xi32, #tpu.memory_space<vmem>> -> memref<1x512xi32, #tpu.memory_space<vmem>>
    %dma_start3A_580 = tpu.memref_squeeze %dma_start3A_579 : memref<1x512xi32, #tpu.memory_space<vmem>> -> memref<512xi32, #tpu.memory_space<vmem>>
    %dma_start3A_581 = arith.constant 0 : i32
    %dma_start3A_582 = tpu.memref_slice %arg5[%dma_start3A_581] : memref<16001024xf32, #tpu.memory_space<hbm>> -> memref<16001024xf32, #tpu.memory_space<hbm>>
    tpu.enqueue_indirect_dma source(%dma_start3A_582 : memref<16001024xf32, #tpu.memory_space<hbm>>) target(%dma_start3A_577 : memref<512xf32, #tpu.memory_space<vmem>>) offsets(%dma_start3A_580 : memref<512xi32, #tpu.memory_space<vmem>>) semaphore(%arg22 : memref<!tpu.dma_semaphore, #tpu.memory_space<semaphore_mem>>)
    %dma_start3A_583 = arith.constant 0 : i32
    %dma_start3A_584 = tpu.memref_slice %arg7[%dma_start3A_583] : memref<1000000xf32, #tpu.memory_space<hbm>> -> memref<1000000xf32, #tpu.memory_space<hbm>>
    tpu.enqueue_indirect_dma source(%dma_start3A_584 : memref<1000000xf32, #tpu.memory_space<hbm>>) target(%arg19 : memref<512xf32, #tpu.memory_space<vmem>>) offsets(%arg10 : memref<512xi32, #tpu.memory_space<vmem>>) semaphore(%arg22 : memref<!tpu.dma_semaphore, #tpu.memory_space<semaphore_mem>>)
    %dma_start3A_585 = arith.constant 0 : i32
    %dma_start3A_586 = tpu.memref_slice %arg8[%dma_start3A_585] : memref<1000000xf32, #tpu.memory_space<hbm>> -> memref<1000000xf32, #tpu.memory_space<hbm>>
    tpu.enqueue_indirect_dma source(%dma_start3A_586 : memref<1000000xf32, #tpu.memory_space<hbm>>) target(%arg20 : memref<512xf32, #tpu.memory_space<vmem>>) offsets(%arg11 : memref<512xi32, #tpu.memory_space<vmem>>) semaphore(%arg22 : memref<!tpu.dma_semaphore, #tpu.memory_space<semaphore_mem>>)
    %dma_wait3A = arith.constant 0 : i32
    %dma_wait3A_587 = arith.constant 0 : i32
    %dma_wait3A_588 = arith.constant 0 : i32
    %dma_wait3A_589 = tpu.memref_slice %arg16[%dma_wait3A_587, %dma_wait3A_588] : memref<16x512xf32, #tpu.memory_space<vmem>> -> memref<1x512xf32, #tpu.memory_space<vmem>>
    %dma_wait3A_590 = tpu.memref_squeeze %dma_wait3A_589 : memref<1x512xf32, #tpu.memory_space<vmem>> -> memref<512xf32, #tpu.memory_space<vmem>>
    %dma_wait3A_591 = arith.constant 0 : i32
    %dma_wait3A_592 = tpu.memref_slice %arg14[%dma_wait3A, %dma_wait3A_591] : memref<16x512xi32, #tpu.memory_space<vmem>> -> memref<1x512xi32, #tpu.memory_space<vmem>>
    %dma_wait3A_593 = tpu.memref_squeeze %dma_wait3A_592 : memref<1x512xi32, #tpu.memory_space<vmem>> -> memref<512xi32, #tpu.memory_space<vmem>>
    %dma_wait3A_594 = arith.constant 0 : i32
    %dma_wait3A_595 = tpu.memref_slice %arg4[%dma_wait3A_594] : memref<16001024xf32, #tpu.memory_space<hbm>> -> memref<16001024xf32, #tpu.memory_space<hbm>>
    tpu.wait_indirect_dma semaphore(%arg22 : memref<!tpu.dma_semaphore, #tpu.memory_space<semaphore_mem>>) src(%dma_wait3A_595 : memref<16001024xf32, #tpu.memory_space<hbm>>) dst(%dma_wait3A_590 : memref<512xf32, #tpu.memory_space<vmem>>)
    %dma_wait3A_596 = arith.constant 0 : i32
    %dma_wait3A_597 = arith.constant 0 : i32
    %dma_wait3A_598 = arith.constant 0 : i32
    %dma_wait3A_599 = tpu.memref_slice %arg17[%dma_wait3A_597, %dma_wait3A_598] : memref<16x512xf32, #tpu.memory_space<vmem>> -> memref<1x512xf32, #tpu.memory_space<vmem>>
    %dma_wait3A_600 = tpu.memref_squeeze %dma_wait3A_599 : memref<1x512xf32, #tpu.memory_space<vmem>> -> memref<512xf32, #tpu.memory_space<vmem>>
    %dma_wait3A_601 = arith.constant 0 : i32
    %dma_wait3A_602 = tpu.memref_slice %arg14[%dma_wait3A_596, %dma_wait3A_601] : memref<16x512xi32, #tpu.memory_space<vmem>> -> memref<1x512xi32, #tpu.memory_space<vmem>>
    %dma_wait3A_603 = tpu.memref_squeeze %dma_wait3A_602 : memref<1x512xi32, #tpu.memory_space<vmem>> -> memref<512xi32, #tpu.memory_space<vmem>>
    %dma_wait3A_604 = arith.constant 0 : i32
    %dma_wait3A_605 = tpu.memref_slice %arg6[%dma_wait3A_604] : memref<16001024xf32, #tpu.memory_space<hbm>> -> memref<16001024xf32, #tpu.memory_space<hbm>>
    tpu.wait_indirect_dma semaphore(%arg22 : memref<!tpu.dma_semaphore, #tpu.memory_space<semaphore_mem>>) src(%dma_wait3A_605 : memref<16001024xf32, #tpu.memory_space<hbm>>) dst(%dma_wait3A_600 : memref<512xf32, #tpu.memory_space<vmem>>)
    %dma_wait3A_606 = arith.constant 0 : i32
    %dma_wait3A_607 = arith.constant 0 : i32
    %dma_wait3A_608 = arith.constant 0 : i32
    %dma_wait3A_609 = tpu.memref_slice %arg18[%dma_wait3A_607, %dma_wait3A_608] : memref<16x512xf32, #tpu.memory_space<vmem>> -> memref<1x512xf32, #tpu.memory_space<vmem>>
    %dma_wait3A_610 = tpu.memref_squeeze %dma_wait3A_609 : memref<1x512xf32, #tpu.memory_space<vmem>> -> memref<512xf32, #tpu.memory_space<vmem>>
    %dma_wait3A_611 = arith.constant 0 : i32
    %dma_wait3A_612 = tpu.memref_slice %arg15[%dma_wait3A_606, %dma_wait3A_611] : memref<16x512xi32, #tpu.memory_space<vmem>> -> memref<1x512xi32, #tpu.memory_space<vmem>>
    %dma_wait3A_613 = tpu.memref_squeeze %dma_wait3A_612 : memref<1x512xi32, #tpu.memory_space<vmem>> -> memref<512xi32, #tpu.memory_space<vmem>>
    %dma_wait3A_614 = arith.constant 0 : i32
    %dma_wait3A_615 = tpu.memref_slice %arg5[%dma_wait3A_614] : memref<16001024xf32, #tpu.memory_space<hbm>> -> memref<16001024xf32, #tpu.memory_space<hbm>>
    tpu.wait_indirect_dma semaphore(%arg22 : memref<!tpu.dma_semaphore, #tpu.memory_space<semaphore_mem>>) src(%dma_wait3A_615 : memref<16001024xf32, #tpu.memory_space<hbm>>) dst(%dma_wait3A_610 : memref<512xf32, #tpu.memory_space<vmem>>)
    %dma_wait3A_616 = arith.constant 1 : i32
    %dma_wait3A_617 = arith.constant 1 : i32
    %dma_wait3A_618 = arith.constant 0 : i32
    %dma_wait3A_619 = tpu.memref_slice %arg16[%dma_wait3A_617, %dma_wait3A_618] : memref<16x512xf32, #tpu.memory_space<vmem>> -> memref<1x512xf32, #tpu.memory_space<vmem>>
    %dma_wait3A_620 = tpu.memref_squeeze %dma_wait3A_619 : memref<1x512xf32, #tpu.memory_space<vmem>> -> memref<512xf32, #tpu.memory_space<vmem>>
    %dma_wait3A_621 = arith.constant 0 : i32
    %dma_wait3A_622 = tpu.memref_slice %arg14[%dma_wait3A_616, %dma_wait3A_621] : memref<16x512xi32, #tpu.memory_space<vmem>> -> memref<1x512xi32, #tpu.memory_space<vmem>>
    %dma_wait3A_623 = tpu.memref_squeeze %dma_wait3A_622 : memref<1x512xi32, #tpu.memory_space<vmem>> -> memref<512xi32, #tpu.memory_space<vmem>>
    %dma_wait3A_624 = arith.constant 0 : i32
    %dma_wait3A_625 = tpu.memref_slice %arg4[%dma_wait3A_624] : memref<16001024xf32, #tpu.memory_space<hbm>> -> memref<16001024xf32, #tpu.memory_space<hbm>>
    tpu.wait_indirect_dma semaphore(%arg22 : memref<!tpu.dma_semaphore, #tpu.memory_space<semaphore_mem>>) src(%dma_wait3A_625 : memref<16001024xf32, #tpu.memory_space<hbm>>) dst(%dma_wait3A_620 : memref<512xf32, #tpu.memory_space<vmem>>)
    %dma_wait3A_626 = arith.constant 1 : i32
    %dma_wait3A_627 = arith.constant 1 : i32
    %dma_wait3A_628 = arith.constant 0 : i32
    %dma_wait3A_629 = tpu.memref_slice %arg17[%dma_wait3A_627, %dma_wait3A_628] : memref<16x512xf32, #tpu.memory_space<vmem>> -> memref<1x512xf32, #tpu.memory_space<vmem>>
    %dma_wait3A_630 = tpu.memref_squeeze %dma_wait3A_629 : memref<1x512xf32, #tpu.memory_space<vmem>> -> memref<512xf32, #tpu.memory_space<vmem>>
    %dma_wait3A_631 = arith.constant 0 : i32
    %dma_wait3A_632 = tpu.memref_slice %arg14[%dma_wait3A_626, %dma_wait3A_631] : memref<16x512xi32, #tpu.memory_space<vmem>> -> memref<1x512xi32, #tpu.memory_space<vmem>>
    %dma_wait3A_633 = tpu.memref_squeeze %dma_wait3A_632 : memref<1x512xi32, #tpu.memory_space<vmem>> -> memref<512xi32, #tpu.memory_space<vmem>>
    %dma_wait3A_634 = arith.constant 0 : i32
    %dma_wait3A_635 = tpu.memref_slice %arg6[%dma_wait3A_634] : memref<16001024xf32, #tpu.memory_space<hbm>> -> memref<16001024xf32, #tpu.memory_space<hbm>>
    tpu.wait_indirect_dma semaphore(%arg22 : memref<!tpu.dma_semaphore, #tpu.memory_space<semaphore_mem>>) src(%dma_wait3A_635 : memref<16001024xf32, #tpu.memory_space<hbm>>) dst(%dma_wait3A_630 : memref<512xf32, #tpu.memory_space<vmem>>)
    %dma_wait3A_636 = arith.constant 1 : i32
    %dma_wait3A_637 = arith.constant 1 : i32
    %dma_wait3A_638 = arith.constant 0 : i32
    %dma_wait3A_639 = tpu.memref_slice %arg18[%dma_wait3A_637, %dma_wait3A_638] : memref<16x512xf32, #tpu.memory_space<vmem>> -> memref<1x512xf32, #tpu.memory_space<vmem>>
    %dma_wait3A_640 = tpu.memref_squeeze %dma_wait3A_639 : memref<1x512xf32, #tpu.memory_space<vmem>> -> memref<512xf32, #tpu.memory_space<vmem>>
    %dma_wait3A_641 = arith.constant 0 : i32
    %dma_wait3A_642 = tpu.memref_slice %arg15[%dma_wait3A_636, %dma_wait3A_641] : memref<16x512xi32, #tpu.memory_space<vmem>> -> memref<1x512xi32, #tpu.memory_space<vmem>>
    %dma_wait3A_643 = tpu.memref_squeeze %dma_wait3A_642 : memref<1x512xi32, #tpu.memory_space<vmem>> -> memref<512xi32, #tpu.memory_space<vmem>>
    %dma_wait3A_644 = arith.constant 0 : i32
    %dma_wait3A_645 = tpu.memref_slice %arg5[%dma_wait3A_644] : memref<16001024xf32, #tpu.memory_space<hbm>> -> memref<16001024xf32, #tpu.memory_space<hbm>>
    tpu.wait_indirect_dma semaphore(%arg22 : memref<!tpu.dma_semaphore, #tpu.memory_space<semaphore_mem>>) src(%dma_wait3A_645 : memref<16001024xf32, #tpu.memory_space<hbm>>) dst(%dma_wait3A_640 : memref<512xf32, #tpu.memory_space<vmem>>)
    %dma_wait3A_646 = arith.constant 2 : i32
    %dma_wait3A_647 = arith.constant 2 : i32
    %dma_wait3A_648 = arith.constant 0 : i32
    %dma_wait3A_649 = tpu.memref_slice %arg16[%dma_wait3A_647, %dma_wait3A_648] : memref<16x512xf32, #tpu.memory_space<vmem>> -> memref<1x512xf32, #tpu.memory_space<vmem>>
    %dma_wait3A_650 = tpu.memref_squeeze %dma_wait3A_649 : memref<1x512xf32, #tpu.memory_space<vmem>> -> memref<512xf32, #tpu.memory_space<vmem>>
    %dma_wait3A_651 = arith.constant 0 : i32
    %dma_wait3A_652 = tpu.memref_slice %arg14[%dma_wait3A_646, %dma_wait3A_651] : memref<16x512xi32, #tpu.memory_space<vmem>> -> memref<1x512xi32, #tpu.memory_space<vmem>>
    %dma_wait3A_653 = tpu.memref_squeeze %dma_wait3A_652 : memref<1x512xi32, #tpu.memory_space<vmem>> -> memref<512xi32, #tpu.memory_space<vmem>>
    %dma_wait3A_654 = arith.constant 0 : i32
    %dma_wait3A_655 = tpu.memref_slice %arg4[%dma_wait3A_654] : memref<16001024xf32, #tpu.memory_space<hbm>> -> memref<16001024xf32, #tpu.memory_space<hbm>>
    tpu.wait_indirect_dma semaphore(%arg22 : memref<!tpu.dma_semaphore, #tpu.memory_space<semaphore_mem>>) src(%dma_wait3A_655 : memref<16001024xf32, #tpu.memory_space<hbm>>) dst(%dma_wait3A_650 : memref<512xf32, #tpu.memory_space<vmem>>)
    %dma_wait3A_656 = arith.constant 2 : i32
    %dma_wait3A_657 = arith.constant 2 : i32
    %dma_wait3A_658 = arith.constant 0 : i32
    %dma_wait3A_659 = tpu.memref_slice %arg17[%dma_wait3A_657, %dma_wait3A_658] : memref<16x512xf32, #tpu.memory_space<vmem>> -> memref<1x512xf32, #tpu.memory_space<vmem>>
    %dma_wait3A_660 = tpu.memref_squeeze %dma_wait3A_659 : memref<1x512xf32, #tpu.memory_space<vmem>> -> memref<512xf32, #tpu.memory_space<vmem>>
    %dma_wait3A_661 = arith.constant 0 : i32
    %dma_wait3A_662 = tpu.memref_slice %arg14[%dma_wait3A_656, %dma_wait3A_661] : memref<16x512xi32, #tpu.memory_space<vmem>> -> memref<1x512xi32, #tpu.memory_space<vmem>>
    %dma_wait3A_663 = tpu.memref_squeeze %dma_wait3A_662 : memref<1x512xi32, #tpu.memory_space<vmem>> -> memref<512xi32, #tpu.memory_space<vmem>>
    %dma_wait3A_664 = arith.constant 0 : i32
    %dma_wait3A_665 = tpu.memref_slice %arg6[%dma_wait3A_664] : memref<16001024xf32, #tpu.memory_space<hbm>> -> memref<16001024xf32, #tpu.memory_space<hbm>>
    tpu.wait_indirect_dma semaphore(%arg22 : memref<!tpu.dma_semaphore, #tpu.memory_space<semaphore_mem>>) src(%dma_wait3A_665 : memref<16001024xf32, #tpu.memory_space<hbm>>) dst(%dma_wait3A_660 : memref<512xf32, #tpu.memory_space<vmem>>)
    %dma_wait3A_666 = arith.constant 2 : i32
    %dma_wait3A_667 = arith.constant 2 : i32
    %dma_wait3A_668 = arith.constant 0 : i32
    %dma_wait3A_669 = tpu.memref_slice %arg18[%dma_wait3A_667, %dma_wait3A_668] : memref<16x512xf32, #tpu.memory_space<vmem>> -> memref<1x512xf32, #tpu.memory_space<vmem>>
    %dma_wait3A_670 = tpu.memref_squeeze %dma_wait3A_669 : memref<1x512xf32, #tpu.memory_space<vmem>> -> memref<512xf32, #tpu.memory_space<vmem>>
    %dma_wait3A_671 = arith.constant 0 : i32
    %dma_wait3A_672 = tpu.memref_slice %arg15[%dma_wait3A_666, %dma_wait3A_671] : memref<16x512xi32, #tpu.memory_space<vmem>> -> memref<1x512xi32, #tpu.memory_space<vmem>>
    %dma_wait3A_673 = tpu.memref_squeeze %dma_wait3A_672 : memref<1x512xi32, #tpu.memory_space<vmem>> -> memref<512xi32, #tpu.memory_space<vmem>>
    %dma_wait3A_674 = arith.constant 0 : i32
    %dma_wait3A_675 = tpu.memref_slice %arg5[%dma_wait3A_674] : memref<16001024xf32, #tpu.memory_space<hbm>> -> memref<16001024xf32, #tpu.memory_space<hbm>>
    tpu.wait_indirect_dma semaphore(%arg22 : memref<!tpu.dma_semaphore, #tpu.memory_space<semaphore_mem>>) src(%dma_wait3A_675 : memref<16001024xf32, #tpu.memory_space<hbm>>) dst(%dma_wait3A_670 : memref<512xf32, #tpu.memory_space<vmem>>)
    %dma_wait3A_676 = arith.constant 3 : i32
    %dma_wait3A_677 = arith.constant 3 : i32
    %dma_wait3A_678 = arith.constant 0 : i32
    %dma_wait3A_679 = tpu.memref_slice %arg16[%dma_wait3A_677, %dma_wait3A_678] : memref<16x512xf32, #tpu.memory_space<vmem>> -> memref<1x512xf32, #tpu.memory_space<vmem>>
    %dma_wait3A_680 = tpu.memref_squeeze %dma_wait3A_679 : memref<1x512xf32, #tpu.memory_space<vmem>> -> memref<512xf32, #tpu.memory_space<vmem>>
    %dma_wait3A_681 = arith.constant 0 : i32
    %dma_wait3A_682 = tpu.memref_slice %arg14[%dma_wait3A_676, %dma_wait3A_681] : memref<16x512xi32, #tpu.memory_space<vmem>> -> memref<1x512xi32, #tpu.memory_space<vmem>>
    %dma_wait3A_683 = tpu.memref_squeeze %dma_wait3A_682 : memref<1x512xi32, #tpu.memory_space<vmem>> -> memref<512xi32, #tpu.memory_space<vmem>>
    %dma_wait3A_684 = arith.constant 0 : i32
    %dma_wait3A_685 = tpu.memref_slice %arg4[%dma_wait3A_684] : memref<16001024xf32, #tpu.memory_space<hbm>> -> memref<16001024xf32, #tpu.memory_space<hbm>>
    tpu.wait_indirect_dma semaphore(%arg22 : memref<!tpu.dma_semaphore, #tpu.memory_space<semaphore_mem>>) src(%dma_wait3A_685 : memref<16001024xf32, #tpu.memory_space<hbm>>) dst(%dma_wait3A_680 : memref<512xf32, #tpu.memory_space<vmem>>)
    %dma_wait3A_686 = arith.constant 3 : i32
    %dma_wait3A_687 = arith.constant 3 : i32
    %dma_wait3A_688 = arith.constant 0 : i32
    %dma_wait3A_689 = tpu.memref_slice %arg17[%dma_wait3A_687, %dma_wait3A_688] : memref<16x512xf32, #tpu.memory_space<vmem>> -> memref<1x512xf32, #tpu.memory_space<vmem>>
    %dma_wait3A_690 = tpu.memref_squeeze %dma_wait3A_689 : memref<1x512xf32, #tpu.memory_space<vmem>> -> memref<512xf32, #tpu.memory_space<vmem>>
    %dma_wait3A_691 = arith.constant 0 : i32
    %dma_wait3A_692 = tpu.memref_slice %arg14[%dma_wait3A_686, %dma_wait3A_691] : memref<16x512xi32, #tpu.memory_space<vmem>> -> memref<1x512xi32, #tpu.memory_space<vmem>>
    %dma_wait3A_693 = tpu.memref_squeeze %dma_wait3A_692 : memref<1x512xi32, #tpu.memory_space<vmem>> -> memref<512xi32, #tpu.memory_space<vmem>>
    %dma_wait3A_694 = arith.constant 0 : i32
    %dma_wait3A_695 = tpu.memref_slice %arg6[%dma_wait3A_694] : memref<16001024xf32, #tpu.memory_space<hbm>> -> memref<16001024xf32, #tpu.memory_space<hbm>>
    tpu.wait_indirect_dma semaphore(%arg22 : memref<!tpu.dma_semaphore, #tpu.memory_space<semaphore_mem>>) src(%dma_wait3A_695 : memref<16001024xf32, #tpu.memory_space<hbm>>) dst(%dma_wait3A_690 : memref<512xf32, #tpu.memory_space<vmem>>)
    %dma_wait3A_696 = arith.constant 3 : i32
    %dma_wait3A_697 = arith.constant 3 : i32
    %dma_wait3A_698 = arith.constant 0 : i32
    %dma_wait3A_699 = tpu.memref_slice %arg18[%dma_wait3A_697, %dma_wait3A_698] : memref<16x512xf32, #tpu.memory_space<vmem>> -> memref<1x512xf32, #tpu.memory_space<vmem>>
    %dma_wait3A_700 = tpu.memref_squeeze %dma_wait3A_699 : memref<1x512xf32, #tpu.memory_space<vmem>> -> memref<512xf32, #tpu.memory_space<vmem>>
    %dma_wait3A_701 = arith.constant 0 : i32
    %dma_wait3A_702 = tpu.memref_slice %arg15[%dma_wait3A_696, %dma_wait3A_701] : memref<16x512xi32, #tpu.memory_space<vmem>> -> memref<1x512xi32, #tpu.memory_space<vmem>>
    %dma_wait3A_703 = tpu.memref_squeeze %dma_wait3A_702 : memref<1x512xi32, #tpu.memory_space<vmem>> -> memref<512xi32, #tpu.memory_space<vmem>>
    %dma_wait3A_704 = arith.constant 0 : i32
    %dma_wait3A_705 = tpu.memref_slice %arg5[%dma_wait3A_704] : memref<16001024xf32, #tpu.memory_space<hbm>> -> memref<16001024xf32, #tpu.memory_space<hbm>>
    tpu.wait_indirect_dma semaphore(%arg22 : memref<!tpu.dma_semaphore, #tpu.memory_space<semaphore_mem>>) src(%dma_wait3A_705 : memref<16001024xf32, #tpu.memory_space<hbm>>) dst(%dma_wait3A_700 : memref<512xf32, #tpu.memory_space<vmem>>)
    %dma_wait3A_706 = arith.constant 4 : i32
    %dma_wait3A_707 = arith.constant 4 : i32
    %dma_wait3A_708 = arith.constant 0 : i32
    %dma_wait3A_709 = tpu.memref_slice %arg16[%dma_wait3A_707, %dma_wait3A_708] : memref<16x512xf32, #tpu.memory_space<vmem>> -> memref<1x512xf32, #tpu.memory_space<vmem>>
    %dma_wait3A_710 = tpu.memref_squeeze %dma_wait3A_709 : memref<1x512xf32, #tpu.memory_space<vmem>> -> memref<512xf32, #tpu.memory_space<vmem>>
    %dma_wait3A_711 = arith.constant 0 : i32
    %dma_wait3A_712 = tpu.memref_slice %arg14[%dma_wait3A_706, %dma_wait3A_711] : memref<16x512xi32, #tpu.memory_space<vmem>> -> memref<1x512xi32, #tpu.memory_space<vmem>>
    %dma_wait3A_713 = tpu.memref_squeeze %dma_wait3A_712 : memref<1x512xi32, #tpu.memory_space<vmem>> -> memref<512xi32, #tpu.memory_space<vmem>>
    %dma_wait3A_714 = arith.constant 0 : i32
    %dma_wait3A_715 = tpu.memref_slice %arg4[%dma_wait3A_714] : memref<16001024xf32, #tpu.memory_space<hbm>> -> memref<16001024xf32, #tpu.memory_space<hbm>>
    tpu.wait_indirect_dma semaphore(%arg22 : memref<!tpu.dma_semaphore, #tpu.memory_space<semaphore_mem>>) src(%dma_wait3A_715 : memref<16001024xf32, #tpu.memory_space<hbm>>) dst(%dma_wait3A_710 : memref<512xf32, #tpu.memory_space<vmem>>)
    %dma_wait3A_716 = arith.constant 4 : i32
    %dma_wait3A_717 = arith.constant 4 : i32
    %dma_wait3A_718 = arith.constant 0 : i32
    %dma_wait3A_719 = tpu.memref_slice %arg17[%dma_wait3A_717, %dma_wait3A_718] : memref<16x512xf32, #tpu.memory_space<vmem>> -> memref<1x512xf32, #tpu.memory_space<vmem>>
    %dma_wait3A_720 = tpu.memref_squeeze %dma_wait3A_719 : memref<1x512xf32, #tpu.memory_space<vmem>> -> memref<512xf32, #tpu.memory_space<vmem>>
    %dma_wait3A_721 = arith.constant 0 : i32
    %dma_wait3A_722 = tpu.memref_slice %arg14[%dma_wait3A_716, %dma_wait3A_721] : memref<16x512xi32, #tpu.memory_space<vmem>> -> memref<1x512xi32, #tpu.memory_space<vmem>>
    %dma_wait3A_723 = tpu.memref_squeeze %dma_wait3A_722 : memref<1x512xi32, #tpu.memory_space<vmem>> -> memref<512xi32, #tpu.memory_space<vmem>>
    %dma_wait3A_724 = arith.constant 0 : i32
    %dma_wait3A_725 = tpu.memref_slice %arg6[%dma_wait3A_724] : memref<16001024xf32, #tpu.memory_space<hbm>> -> memref<16001024xf32, #tpu.memory_space<hbm>>
    tpu.wait_indirect_dma semaphore(%arg22 : memref<!tpu.dma_semaphore, #tpu.memory_space<semaphore_mem>>) src(%dma_wait3A_725 : memref<16001024xf32, #tpu.memory_space<hbm>>) dst(%dma_wait3A_720 : memref<512xf32, #tpu.memory_space<vmem>>)
    %dma_wait3A_726 = arith.constant 4 : i32
    %dma_wait3A_727 = arith.constant 4 : i32
    %dma_wait3A_728 = arith.constant 0 : i32
    %dma_wait3A_729 = tpu.memref_slice %arg18[%dma_wait3A_727, %dma_wait3A_728] : memref<16x512xf32, #tpu.memory_space<vmem>> -> memref<1x512xf32, #tpu.memory_space<vmem>>
    %dma_wait3A_730 = tpu.memref_squeeze %dma_wait3A_729 : memref<1x512xf32, #tpu.memory_space<vmem>> -> memref<512xf32, #tpu.memory_space<vmem>>
    %dma_wait3A_731 = arith.constant 0 : i32
    %dma_wait3A_732 = tpu.memref_slice %arg15[%dma_wait3A_726, %dma_wait3A_731] : memref<16x512xi32, #tpu.memory_space<vmem>> -> memref<1x512xi32, #tpu.memory_space<vmem>>
    %dma_wait3A_733 = tpu.memref_squeeze %dma_wait3A_732 : memref<1x512xi32, #tpu.memory_space<vmem>> -> memref<512xi32, #tpu.memory_space<vmem>>
    %dma_wait3A_734 = arith.constant 0 : i32
    %dma_wait3A_735 = tpu.memref_slice %arg5[%dma_wait3A_734] : memref<16001024xf32, #tpu.memory_space<hbm>> -> memref<16001024xf32, #tpu.memory_space<hbm>>
    tpu.wait_indirect_dma semaphore(%arg22 : memref<!tpu.dma_semaphore, #tpu.memory_space<semaphore_mem>>) src(%dma_wait3A_735 : memref<16001024xf32, #tpu.memory_space<hbm>>) dst(%dma_wait3A_730 : memref<512xf32, #tpu.memory_space<vmem>>)
    %dma_wait3A_736 = arith.constant 5 : i32
    %dma_wait3A_737 = arith.constant 5 : i32
    %dma_wait3A_738 = arith.constant 0 : i32
    %dma_wait3A_739 = tpu.memref_slice %arg16[%dma_wait3A_737, %dma_wait3A_738] : memref<16x512xf32, #tpu.memory_space<vmem>> -> memref<1x512xf32, #tpu.memory_space<vmem>>
    %dma_wait3A_740 = tpu.memref_squeeze %dma_wait3A_739 : memref<1x512xf32, #tpu.memory_space<vmem>> -> memref<512xf32, #tpu.memory_space<vmem>>
    %dma_wait3A_741 = arith.constant 0 : i32
    %dma_wait3A_742 = tpu.memref_slice %arg14[%dma_wait3A_736, %dma_wait3A_741] : memref<16x512xi32, #tpu.memory_space<vmem>> -> memref<1x512xi32, #tpu.memory_space<vmem>>
    %dma_wait3A_743 = tpu.memref_squeeze %dma_wait3A_742 : memref<1x512xi32, #tpu.memory_space<vmem>> -> memref<512xi32, #tpu.memory_space<vmem>>
    %dma_wait3A_744 = arith.constant 0 : i32
    %dma_wait3A_745 = tpu.memref_slice %arg4[%dma_wait3A_744] : memref<16001024xf32, #tpu.memory_space<hbm>> -> memref<16001024xf32, #tpu.memory_space<hbm>>
    tpu.wait_indirect_dma semaphore(%arg22 : memref<!tpu.dma_semaphore, #tpu.memory_space<semaphore_mem>>) src(%dma_wait3A_745 : memref<16001024xf32, #tpu.memory_space<hbm>>) dst(%dma_wait3A_740 : memref<512xf32, #tpu.memory_space<vmem>>)
    %dma_wait3A_746 = arith.constant 5 : i32
    %dma_wait3A_747 = arith.constant 5 : i32
    %dma_wait3A_748 = arith.constant 0 : i32
    %dma_wait3A_749 = tpu.memref_slice %arg17[%dma_wait3A_747, %dma_wait3A_748] : memref<16x512xf32, #tpu.memory_space<vmem>> -> memref<1x512xf32, #tpu.memory_space<vmem>>
    %dma_wait3A_750 = tpu.memref_squeeze %dma_wait3A_749 : memref<1x512xf32, #tpu.memory_space<vmem>> -> memref<512xf32, #tpu.memory_space<vmem>>
    %dma_wait3A_751 = arith.constant 0 : i32
    %dma_wait3A_752 = tpu.memref_slice %arg14[%dma_wait3A_746, %dma_wait3A_751] : memref<16x512xi32, #tpu.memory_space<vmem>> -> memref<1x512xi32, #tpu.memory_space<vmem>>
    %dma_wait3A_753 = tpu.memref_squeeze %dma_wait3A_752 : memref<1x512xi32, #tpu.memory_space<vmem>> -> memref<512xi32, #tpu.memory_space<vmem>>
    %dma_wait3A_754 = arith.constant 0 : i32
    %dma_wait3A_755 = tpu.memref_slice %arg6[%dma_wait3A_754] : memref<16001024xf32, #tpu.memory_space<hbm>> -> memref<16001024xf32, #tpu.memory_space<hbm>>
    tpu.wait_indirect_dma semaphore(%arg22 : memref<!tpu.dma_semaphore, #tpu.memory_space<semaphore_mem>>) src(%dma_wait3A_755 : memref<16001024xf32, #tpu.memory_space<hbm>>) dst(%dma_wait3A_750 : memref<512xf32, #tpu.memory_space<vmem>>)
    %dma_wait3A_756 = arith.constant 5 : i32
    %dma_wait3A_757 = arith.constant 5 : i32
    %dma_wait3A_758 = arith.constant 0 : i32
    %dma_wait3A_759 = tpu.memref_slice %arg18[%dma_wait3A_757, %dma_wait3A_758] : memref<16x512xf32, #tpu.memory_space<vmem>> -> memref<1x512xf32, #tpu.memory_space<vmem>>
    %dma_wait3A_760 = tpu.memref_squeeze %dma_wait3A_759 : memref<1x512xf32, #tpu.memory_space<vmem>> -> memref<512xf32, #tpu.memory_space<vmem>>
    %dma_wait3A_761 = arith.constant 0 : i32
    %dma_wait3A_762 = tpu.memref_slice %arg15[%dma_wait3A_756, %dma_wait3A_761] : memref<16x512xi32, #tpu.memory_space<vmem>> -> memref<1x512xi32, #tpu.memory_space<vmem>>
    %dma_wait3A_763 = tpu.memref_squeeze %dma_wait3A_762 : memref<1x512xi32, #tpu.memory_space<vmem>> -> memref<512xi32, #tpu.memory_space<vmem>>
    %dma_wait3A_764 = arith.constant 0 : i32
    %dma_wait3A_765 = tpu.memref_slice %arg5[%dma_wait3A_764] : memref<16001024xf32, #tpu.memory_space<hbm>> -> memref<16001024xf32, #tpu.memory_space<hbm>>
    tpu.wait_indirect_dma semaphore(%arg22 : memref<!tpu.dma_semaphore, #tpu.memory_space<semaphore_mem>>) src(%dma_wait3A_765 : memref<16001024xf32, #tpu.memory_space<hbm>>) dst(%dma_wait3A_760 : memref<512xf32, #tpu.memory_space<vmem>>)
    %dma_wait3A_766 = arith.constant 6 : i32
    %dma_wait3A_767 = arith.constant 6 : i32
    %dma_wait3A_768 = arith.constant 0 : i32
    %dma_wait3A_769 = tpu.memref_slice %arg16[%dma_wait3A_767, %dma_wait3A_768] : memref<16x512xf32, #tpu.memory_space<vmem>> -> memref<1x512xf32, #tpu.memory_space<vmem>>
    %dma_wait3A_770 = tpu.memref_squeeze %dma_wait3A_769 : memref<1x512xf32, #tpu.memory_space<vmem>> -> memref<512xf32, #tpu.memory_space<vmem>>
    %dma_wait3A_771 = arith.constant 0 : i32
    %dma_wait3A_772 = tpu.memref_slice %arg14[%dma_wait3A_766, %dma_wait3A_771] : memref<16x512xi32, #tpu.memory_space<vmem>> -> memref<1x512xi32, #tpu.memory_space<vmem>>
    %dma_wait3A_773 = tpu.memref_squeeze %dma_wait3A_772 : memref<1x512xi32, #tpu.memory_space<vmem>> -> memref<512xi32, #tpu.memory_space<vmem>>
    %dma_wait3A_774 = arith.constant 0 : i32
    %dma_wait3A_775 = tpu.memref_slice %arg4[%dma_wait3A_774] : memref<16001024xf32, #tpu.memory_space<hbm>> -> memref<16001024xf32, #tpu.memory_space<hbm>>
    tpu.wait_indirect_dma semaphore(%arg22 : memref<!tpu.dma_semaphore, #tpu.memory_space<semaphore_mem>>) src(%dma_wait3A_775 : memref<16001024xf32, #tpu.memory_space<hbm>>) dst(%dma_wait3A_770 : memref<512xf32, #tpu.memory_space<vmem>>)
    %dma_wait3A_776 = arith.constant 6 : i32
    %dma_wait3A_777 = arith.constant 6 : i32
    %dma_wait3A_778 = arith.constant 0 : i32
    %dma_wait3A_779 = tpu.memref_slice %arg17[%dma_wait3A_777, %dma_wait3A_778] : memref<16x512xf32, #tpu.memory_space<vmem>> -> memref<1x512xf32, #tpu.memory_space<vmem>>
    %dma_wait3A_780 = tpu.memref_squeeze %dma_wait3A_779 : memref<1x512xf32, #tpu.memory_space<vmem>> -> memref<512xf32, #tpu.memory_space<vmem>>
    %dma_wait3A_781 = arith.constant 0 : i32
    %dma_wait3A_782 = tpu.memref_slice %arg14[%dma_wait3A_776, %dma_wait3A_781] : memref<16x512xi32, #tpu.memory_space<vmem>> -> memref<1x512xi32, #tpu.memory_space<vmem>>
    %dma_wait3A_783 = tpu.memref_squeeze %dma_wait3A_782 : memref<1x512xi32, #tpu.memory_space<vmem>> -> memref<512xi32, #tpu.memory_space<vmem>>
    %dma_wait3A_784 = arith.constant 0 : i32
    %dma_wait3A_785 = tpu.memref_slice %arg6[%dma_wait3A_784] : memref<16001024xf32, #tpu.memory_space<hbm>> -> memref<16001024xf32, #tpu.memory_space<hbm>>
    tpu.wait_indirect_dma semaphore(%arg22 : memref<!tpu.dma_semaphore, #tpu.memory_space<semaphore_mem>>) src(%dma_wait3A_785 : memref<16001024xf32, #tpu.memory_space<hbm>>) dst(%dma_wait3A_780 : memref<512xf32, #tpu.memory_space<vmem>>)
    %dma_wait3A_786 = arith.constant 6 : i32
    %dma_wait3A_787 = arith.constant 6 : i32
    %dma_wait3A_788 = arith.constant 0 : i32
    %dma_wait3A_789 = tpu.memref_slice %arg18[%dma_wait3A_787, %dma_wait3A_788] : memref<16x512xf32, #tpu.memory_space<vmem>> -> memref<1x512xf32, #tpu.memory_space<vmem>>
    %dma_wait3A_790 = tpu.memref_squeeze %dma_wait3A_789 : memref<1x512xf32, #tpu.memory_space<vmem>> -> memref<512xf32, #tpu.memory_space<vmem>>
    %dma_wait3A_791 = arith.constant 0 : i32
    %dma_wait3A_792 = tpu.memref_slice %arg15[%dma_wait3A_786, %dma_wait3A_791] : memref<16x512xi32, #tpu.memory_space<vmem>> -> memref<1x512xi32, #tpu.memory_space<vmem>>
    %dma_wait3A_793 = tpu.memref_squeeze %dma_wait3A_792 : memref<1x512xi32, #tpu.memory_space<vmem>> -> memref<512xi32, #tpu.memory_space<vmem>>
    %dma_wait3A_794 = arith.constant 0 : i32
    %dma_wait3A_795 = tpu.memref_slice %arg5[%dma_wait3A_794] : memref<16001024xf32, #tpu.memory_space<hbm>> -> memref<16001024xf32, #tpu.memory_space<hbm>>
    tpu.wait_indirect_dma semaphore(%arg22 : memref<!tpu.dma_semaphore, #tpu.memory_space<semaphore_mem>>) src(%dma_wait3A_795 : memref<16001024xf32, #tpu.memory_space<hbm>>) dst(%dma_wait3A_790 : memref<512xf32, #tpu.memory_space<vmem>>)
    %dma_wait3A_796 = arith.constant 7 : i32
    %dma_wait3A_797 = arith.constant 7 : i32
    %dma_wait3A_798 = arith.constant 0 : i32
    %dma_wait3A_799 = tpu.memref_slice %arg16[%dma_wait3A_797, %dma_wait3A_798] : memref<16x512xf32, #tpu.memory_space<vmem>> -> memref<1x512xf32, #tpu.memory_space<vmem>>
    %dma_wait3A_800 = tpu.memref_squeeze %dma_wait3A_799 : memref<1x512xf32, #tpu.memory_space<vmem>> -> memref<512xf32, #tpu.memory_space<vmem>>
    %dma_wait3A_801 = arith.constant 0 : i32
    %dma_wait3A_802 = tpu.memref_slice %arg14[%dma_wait3A_796, %dma_wait3A_801] : memref<16x512xi32, #tpu.memory_space<vmem>> -> memref<1x512xi32, #tpu.memory_space<vmem>>
    %dma_wait3A_803 = tpu.memref_squeeze %dma_wait3A_802 : memref<1x512xi32, #tpu.memory_space<vmem>> -> memref<512xi32, #tpu.memory_space<vmem>>
    %dma_wait3A_804 = arith.constant 0 : i32
    %dma_wait3A_805 = tpu.memref_slice %arg4[%dma_wait3A_804] : memref<16001024xf32, #tpu.memory_space<hbm>> -> memref<16001024xf32, #tpu.memory_space<hbm>>
    tpu.wait_indirect_dma semaphore(%arg22 : memref<!tpu.dma_semaphore, #tpu.memory_space<semaphore_mem>>) src(%dma_wait3A_805 : memref<16001024xf32, #tpu.memory_space<hbm>>) dst(%dma_wait3A_800 : memref<512xf32, #tpu.memory_space<vmem>>)
    %dma_wait3A_806 = arith.constant 7 : i32
    %dma_wait3A_807 = arith.constant 7 : i32
    %dma_wait3A_808 = arith.constant 0 : i32
    %dma_wait3A_809 = tpu.memref_slice %arg17[%dma_wait3A_807, %dma_wait3A_808] : memref<16x512xf32, #tpu.memory_space<vmem>> -> memref<1x512xf32, #tpu.memory_space<vmem>>
    %dma_wait3A_810 = tpu.memref_squeeze %dma_wait3A_809 : memref<1x512xf32, #tpu.memory_space<vmem>> -> memref<512xf32, #tpu.memory_space<vmem>>
    %dma_wait3A_811 = arith.constant 0 : i32
    %dma_wait3A_812 = tpu.memref_slice %arg14[%dma_wait3A_806, %dma_wait3A_811] : memref<16x512xi32, #tpu.memory_space<vmem>> -> memref<1x512xi32, #tpu.memory_space<vmem>>
    %dma_wait3A_813 = tpu.memref_squeeze %dma_wait3A_812 : memref<1x512xi32, #tpu.memory_space<vmem>> -> memref<512xi32, #tpu.memory_space<vmem>>
    %dma_wait3A_814 = arith.constant 0 : i32
    %dma_wait3A_815 = tpu.memref_slice %arg6[%dma_wait3A_814] : memref<16001024xf32, #tpu.memory_space<hbm>> -> memref<16001024xf32, #tpu.memory_space<hbm>>
    tpu.wait_indirect_dma semaphore(%arg22 : memref<!tpu.dma_semaphore, #tpu.memory_space<semaphore_mem>>) src(%dma_wait3A_815 : memref<16001024xf32, #tpu.memory_space<hbm>>) dst(%dma_wait3A_810 : memref<512xf32, #tpu.memory_space<vmem>>)
    %dma_wait3A_816 = arith.constant 7 : i32
    %dma_wait3A_817 = arith.constant 7 : i32
    %dma_wait3A_818 = arith.constant 0 : i32
    %dma_wait3A_819 = tpu.memref_slice %arg18[%dma_wait3A_817, %dma_wait3A_818] : memref<16x512xf32, #tpu.memory_space<vmem>> -> memref<1x512xf32, #tpu.memory_space<vmem>>
    %dma_wait3A_820 = tpu.memref_squeeze %dma_wait3A_819 : memref<1x512xf32, #tpu.memory_space<vmem>> -> memref<512xf32, #tpu.memory_space<vmem>>
    %dma_wait3A_821 = arith.constant 0 : i32
    %dma_wait3A_822 = tpu.memref_slice %arg15[%dma_wait3A_816, %dma_wait3A_821] : memref<16x512xi32, #tpu.memory_space<vmem>> -> memref<1x512xi32, #tpu.memory_space<vmem>>
    %dma_wait3A_823 = tpu.memref_squeeze %dma_wait3A_822 : memref<1x512xi32, #tpu.memory_space<vmem>> -> memref<512xi32, #tpu.memory_space<vmem>>
    %dma_wait3A_824 = arith.constant 0 : i32
    %dma_wait3A_825 = tpu.memref_slice %arg5[%dma_wait3A_824] : memref<16001024xf32, #tpu.memory_space<hbm>> -> memref<16001024xf32, #tpu.memory_space<hbm>>
    tpu.wait_indirect_dma semaphore(%arg22 : memref<!tpu.dma_semaphore, #tpu.memory_space<semaphore_mem>>) src(%dma_wait3A_825 : memref<16001024xf32, #tpu.memory_space<hbm>>) dst(%dma_wait3A_820 : memref<512xf32, #tpu.memory_space<vmem>>)
    %dma_wait3A_826 = arith.constant 8 : i32
    %dma_wait3A_827 = arith.constant 8 : i32
    %dma_wait3A_828 = arith.constant 0 : i32
    %dma_wait3A_829 = tpu.memref_slice %arg16[%dma_wait3A_827, %dma_wait3A_828] : memref<16x512xf32, #tpu.memory_space<vmem>> -> memref<1x512xf32, #tpu.memory_space<vmem>>
    %dma_wait3A_830 = tpu.memref_squeeze %dma_wait3A_829 : memref<1x512xf32, #tpu.memory_space<vmem>> -> memref<512xf32, #tpu.memory_space<vmem>>
    %dma_wait3A_831 = arith.constant 0 : i32
    %dma_wait3A_832 = tpu.memref_slice %arg14[%dma_wait3A_826, %dma_wait3A_831] : memref<16x512xi32, #tpu.memory_space<vmem>> -> memref<1x512xi32, #tpu.memory_space<vmem>>
    %dma_wait3A_833 = tpu.memref_squeeze %dma_wait3A_832 : memref<1x512xi32, #tpu.memory_space<vmem>> -> memref<512xi32, #tpu.memory_space<vmem>>
    %dma_wait3A_834 = arith.constant 0 : i32
    %dma_wait3A_835 = tpu.memref_slice %arg4[%dma_wait3A_834] : memref<16001024xf32, #tpu.memory_space<hbm>> -> memref<16001024xf32, #tpu.memory_space<hbm>>
    tpu.wait_indirect_dma semaphore(%arg22 : memref<!tpu.dma_semaphore, #tpu.memory_space<semaphore_mem>>) src(%dma_wait3A_835 : memref<16001024xf32, #tpu.memory_space<hbm>>) dst(%dma_wait3A_830 : memref<512xf32, #tpu.memory_space<vmem>>)
    %dma_wait3A_836 = arith.constant 8 : i32
    %dma_wait3A_837 = arith.constant 8 : i32
    %dma_wait3A_838 = arith.constant 0 : i32
    %dma_wait3A_839 = tpu.memref_slice %arg17[%dma_wait3A_837, %dma_wait3A_838] : memref<16x512xf32, #tpu.memory_space<vmem>> -> memref<1x512xf32, #tpu.memory_space<vmem>>
    %dma_wait3A_840 = tpu.memref_squeeze %dma_wait3A_839 : memref<1x512xf32, #tpu.memory_space<vmem>> -> memref<512xf32, #tpu.memory_space<vmem>>
    %dma_wait3A_841 = arith.constant 0 : i32
    %dma_wait3A_842 = tpu.memref_slice %arg14[%dma_wait3A_836, %dma_wait3A_841] : memref<16x512xi32, #tpu.memory_space<vmem>> -> memref<1x512xi32, #tpu.memory_space<vmem>>
    %dma_wait3A_843 = tpu.memref_squeeze %dma_wait3A_842 : memref<1x512xi32, #tpu.memory_space<vmem>> -> memref<512xi32, #tpu.memory_space<vmem>>
    %dma_wait3A_844 = arith.constant 0 : i32
    %dma_wait3A_845 = tpu.memref_slice %arg6[%dma_wait3A_844] : memref<16001024xf32, #tpu.memory_space<hbm>> -> memref<16001024xf32, #tpu.memory_space<hbm>>
    tpu.wait_indirect_dma semaphore(%arg22 : memref<!tpu.dma_semaphore, #tpu.memory_space<semaphore_mem>>) src(%dma_wait3A_845 : memref<16001024xf32, #tpu.memory_space<hbm>>) dst(%dma_wait3A_840 : memref<512xf32, #tpu.memory_space<vmem>>)
    %dma_wait3A_846 = arith.constant 8 : i32
    %dma_wait3A_847 = arith.constant 8 : i32
    %dma_wait3A_848 = arith.constant 0 : i32
    %dma_wait3A_849 = tpu.memref_slice %arg18[%dma_wait3A_847, %dma_wait3A_848] : memref<16x512xf32, #tpu.memory_space<vmem>> -> memref<1x512xf32, #tpu.memory_space<vmem>>
    %dma_wait3A_850 = tpu.memref_squeeze %dma_wait3A_849 : memref<1x512xf32, #tpu.memory_space<vmem>> -> memref<512xf32, #tpu.memory_space<vmem>>
    %dma_wait3A_851 = arith.constant 0 : i32
    %dma_wait3A_852 = tpu.memref_slice %arg15[%dma_wait3A_846, %dma_wait3A_851] : memref<16x512xi32, #tpu.memory_space<vmem>> -> memref<1x512xi32, #tpu.memory_space<vmem>>
    %dma_wait3A_853 = tpu.memref_squeeze %dma_wait3A_852 : memref<1x512xi32, #tpu.memory_space<vmem>> -> memref<512xi32, #tpu.memory_space<vmem>>
    %dma_wait3A_854 = arith.constant 0 : i32
    %dma_wait3A_855 = tpu.memref_slice %arg5[%dma_wait3A_854] : memref<16001024xf32, #tpu.memory_space<hbm>> -> memref<16001024xf32, #tpu.memory_space<hbm>>
    tpu.wait_indirect_dma semaphore(%arg22 : memref<!tpu.dma_semaphore, #tpu.memory_space<semaphore_mem>>) src(%dma_wait3A_855 : memref<16001024xf32, #tpu.memory_space<hbm>>) dst(%dma_wait3A_850 : memref<512xf32, #tpu.memory_space<vmem>>)
    %dma_wait3A_856 = arith.constant 9 : i32
    %dma_wait3A_857 = arith.constant 9 : i32
    %dma_wait3A_858 = arith.constant 0 : i32
    %dma_wait3A_859 = tpu.memref_slice %arg16[%dma_wait3A_857, %dma_wait3A_858] : memref<16x512xf32, #tpu.memory_space<vmem>> -> memref<1x512xf32, #tpu.memory_space<vmem>>
    %dma_wait3A_860 = tpu.memref_squeeze %dma_wait3A_859 : memref<1x512xf32, #tpu.memory_space<vmem>> -> memref<512xf32, #tpu.memory_space<vmem>>
    %dma_wait3A_861 = arith.constant 0 : i32
    %dma_wait3A_862 = tpu.memref_slice %arg14[%dma_wait3A_856, %dma_wait3A_861] : memref<16x512xi32, #tpu.memory_space<vmem>> -> memref<1x512xi32, #tpu.memory_space<vmem>>
    %dma_wait3A_863 = tpu.memref_squeeze %dma_wait3A_862 : memref<1x512xi32, #tpu.memory_space<vmem>> -> memref<512xi32, #tpu.memory_space<vmem>>
    %dma_wait3A_864 = arith.constant 0 : i32
    %dma_wait3A_865 = tpu.memref_slice %arg4[%dma_wait3A_864] : memref<16001024xf32, #tpu.memory_space<hbm>> -> memref<16001024xf32, #tpu.memory_space<hbm>>
    tpu.wait_indirect_dma semaphore(%arg22 : memref<!tpu.dma_semaphore, #tpu.memory_space<semaphore_mem>>) src(%dma_wait3A_865 : memref<16001024xf32, #tpu.memory_space<hbm>>) dst(%dma_wait3A_860 : memref<512xf32, #tpu.memory_space<vmem>>)
    %dma_wait3A_866 = arith.constant 9 : i32
    %dma_wait3A_867 = arith.constant 9 : i32
    %dma_wait3A_868 = arith.constant 0 : i32
    %dma_wait3A_869 = tpu.memref_slice %arg17[%dma_wait3A_867, %dma_wait3A_868] : memref<16x512xf32, #tpu.memory_space<vmem>> -> memref<1x512xf32, #tpu.memory_space<vmem>>
    %dma_wait3A_870 = tpu.memref_squeeze %dma_wait3A_869 : memref<1x512xf32, #tpu.memory_space<vmem>> -> memref<512xf32, #tpu.memory_space<vmem>>
    %dma_wait3A_871 = arith.constant 0 : i32
    %dma_wait3A_872 = tpu.memref_slice %arg14[%dma_wait3A_866, %dma_wait3A_871] : memref<16x512xi32, #tpu.memory_space<vmem>> -> memref<1x512xi32, #tpu.memory_space<vmem>>
    %dma_wait3A_873 = tpu.memref_squeeze %dma_wait3A_872 : memref<1x512xi32, #tpu.memory_space<vmem>> -> memref<512xi32, #tpu.memory_space<vmem>>
    %dma_wait3A_874 = arith.constant 0 : i32
    %dma_wait3A_875 = tpu.memref_slice %arg6[%dma_wait3A_874] : memref<16001024xf32, #tpu.memory_space<hbm>> -> memref<16001024xf32, #tpu.memory_space<hbm>>
    tpu.wait_indirect_dma semaphore(%arg22 : memref<!tpu.dma_semaphore, #tpu.memory_space<semaphore_mem>>) src(%dma_wait3A_875 : memref<16001024xf32, #tpu.memory_space<hbm>>) dst(%dma_wait3A_870 : memref<512xf32, #tpu.memory_space<vmem>>)
    %dma_wait3A_876 = arith.constant 9 : i32
    %dma_wait3A_877 = arith.constant 9 : i32
    %dma_wait3A_878 = arith.constant 0 : i32
    %dma_wait3A_879 = tpu.memref_slice %arg18[%dma_wait3A_877, %dma_wait3A_878] : memref<16x512xf32, #tpu.memory_space<vmem>> -> memref<1x512xf32, #tpu.memory_space<vmem>>
    %dma_wait3A_880 = tpu.memref_squeeze %dma_wait3A_879 : memref<1x512xf32, #tpu.memory_space<vmem>> -> memref<512xf32, #tpu.memory_space<vmem>>
    %dma_wait3A_881 = arith.constant 0 : i32
    %dma_wait3A_882 = tpu.memref_slice %arg15[%dma_wait3A_876, %dma_wait3A_881] : memref<16x512xi32, #tpu.memory_space<vmem>> -> memref<1x512xi32, #tpu.memory_space<vmem>>
    %dma_wait3A_883 = tpu.memref_squeeze %dma_wait3A_882 : memref<1x512xi32, #tpu.memory_space<vmem>> -> memref<512xi32, #tpu.memory_space<vmem>>
    %dma_wait3A_884 = arith.constant 0 : i32
    %dma_wait3A_885 = tpu.memref_slice %arg5[%dma_wait3A_884] : memref<16001024xf32, #tpu.memory_space<hbm>> -> memref<16001024xf32, #tpu.memory_space<hbm>>
    tpu.wait_indirect_dma semaphore(%arg22 : memref<!tpu.dma_semaphore, #tpu.memory_space<semaphore_mem>>) src(%dma_wait3A_885 : memref<16001024xf32, #tpu.memory_space<hbm>>) dst(%dma_wait3A_880 : memref<512xf32, #tpu.memory_space<vmem>>)
    %dma_wait3A_886 = arith.constant 10 : i32
    %dma_wait3A_887 = arith.constant 10 : i32
    %dma_wait3A_888 = arith.constant 0 : i32
    %dma_wait3A_889 = tpu.memref_slice %arg16[%dma_wait3A_887, %dma_wait3A_888] : memref<16x512xf32, #tpu.memory_space<vmem>> -> memref<1x512xf32, #tpu.memory_space<vmem>>
    %dma_wait3A_890 = tpu.memref_squeeze %dma_wait3A_889 : memref<1x512xf32, #tpu.memory_space<vmem>> -> memref<512xf32, #tpu.memory_space<vmem>>
    %dma_wait3A_891 = arith.constant 0 : i32
    %dma_wait3A_892 = tpu.memref_slice %arg14[%dma_wait3A_886, %dma_wait3A_891] : memref<16x512xi32, #tpu.memory_space<vmem>> -> memref<1x512xi32, #tpu.memory_space<vmem>>
    %dma_wait3A_893 = tpu.memref_squeeze %dma_wait3A_892 : memref<1x512xi32, #tpu.memory_space<vmem>> -> memref<512xi32, #tpu.memory_space<vmem>>
    %dma_wait3A_894 = arith.constant 0 : i32
    %dma_wait3A_895 = tpu.memref_slice %arg4[%dma_wait3A_894] : memref<16001024xf32, #tpu.memory_space<hbm>> -> memref<16001024xf32, #tpu.memory_space<hbm>>
    tpu.wait_indirect_dma semaphore(%arg22 : memref<!tpu.dma_semaphore, #tpu.memory_space<semaphore_mem>>) src(%dma_wait3A_895 : memref<16001024xf32, #tpu.memory_space<hbm>>) dst(%dma_wait3A_890 : memref<512xf32, #tpu.memory_space<vmem>>)
    %dma_wait3A_896 = arith.constant 10 : i32
    %dma_wait3A_897 = arith.constant 10 : i32
    %dma_wait3A_898 = arith.constant 0 : i32
    %dma_wait3A_899 = tpu.memref_slice %arg17[%dma_wait3A_897, %dma_wait3A_898] : memref<16x512xf32, #tpu.memory_space<vmem>> -> memref<1x512xf32, #tpu.memory_space<vmem>>
    %dma_wait3A_900 = tpu.memref_squeeze %dma_wait3A_899 : memref<1x512xf32, #tpu.memory_space<vmem>> -> memref<512xf32, #tpu.memory_space<vmem>>
    %dma_wait3A_901 = arith.constant 0 : i32
    %dma_wait3A_902 = tpu.memref_slice %arg14[%dma_wait3A_896, %dma_wait3A_901] : memref<16x512xi32, #tpu.memory_space<vmem>> -> memref<1x512xi32, #tpu.memory_space<vmem>>
    %dma_wait3A_903 = tpu.memref_squeeze %dma_wait3A_902 : memref<1x512xi32, #tpu.memory_space<vmem>> -> memref<512xi32, #tpu.memory_space<vmem>>
    %dma_wait3A_904 = arith.constant 0 : i32
    %dma_wait3A_905 = tpu.memref_slice %arg6[%dma_wait3A_904] : memref<16001024xf32, #tpu.memory_space<hbm>> -> memref<16001024xf32, #tpu.memory_space<hbm>>
    tpu.wait_indirect_dma semaphore(%arg22 : memref<!tpu.dma_semaphore, #tpu.memory_space<semaphore_mem>>) src(%dma_wait3A_905 : memref<16001024xf32, #tpu.memory_space<hbm>>) dst(%dma_wait3A_900 : memref<512xf32, #tpu.memory_space<vmem>>)
    %dma_wait3A_906 = arith.constant 10 : i32
    %dma_wait3A_907 = arith.constant 10 : i32
    %dma_wait3A_908 = arith.constant 0 : i32
    %dma_wait3A_909 = tpu.memref_slice %arg18[%dma_wait3A_907, %dma_wait3A_908] : memref<16x512xf32, #tpu.memory_space<vmem>> -> memref<1x512xf32, #tpu.memory_space<vmem>>
    %dma_wait3A_910 = tpu.memref_squeeze %dma_wait3A_909 : memref<1x512xf32, #tpu.memory_space<vmem>> -> memref<512xf32, #tpu.memory_space<vmem>>
    %dma_wait3A_911 = arith.constant 0 : i32
    %dma_wait3A_912 = tpu.memref_slice %arg15[%dma_wait3A_906, %dma_wait3A_911] : memref<16x512xi32, #tpu.memory_space<vmem>> -> memref<1x512xi32, #tpu.memory_space<vmem>>
    %dma_wait3A_913 = tpu.memref_squeeze %dma_wait3A_912 : memref<1x512xi32, #tpu.memory_space<vmem>> -> memref<512xi32, #tpu.memory_space<vmem>>
    %dma_wait3A_914 = arith.constant 0 : i32
    %dma_wait3A_915 = tpu.memref_slice %arg5[%dma_wait3A_914] : memref<16001024xf32, #tpu.memory_space<hbm>> -> memref<16001024xf32, #tpu.memory_space<hbm>>
    tpu.wait_indirect_dma semaphore(%arg22 : memref<!tpu.dma_semaphore, #tpu.memory_space<semaphore_mem>>) src(%dma_wait3A_915 : memref<16001024xf32, #tpu.memory_space<hbm>>) dst(%dma_wait3A_910 : memref<512xf32, #tpu.memory_space<vmem>>)
    %dma_wait3A_916 = arith.constant 11 : i32
    %dma_wait3A_917 = arith.constant 11 : i32
    %dma_wait3A_918 = arith.constant 0 : i32
    %dma_wait3A_919 = tpu.memref_slice %arg16[%dma_wait3A_917, %dma_wait3A_918] : memref<16x512xf32, #tpu.memory_space<vmem>> -> memref<1x512xf32, #tpu.memory_space<vmem>>
    %dma_wait3A_920 = tpu.memref_squeeze %dma_wait3A_919 : memref<1x512xf32, #tpu.memory_space<vmem>> -> memref<512xf32, #tpu.memory_space<vmem>>
    %dma_wait3A_921 = arith.constant 0 : i32
    %dma_wait3A_922 = tpu.memref_slice %arg14[%dma_wait3A_916, %dma_wait3A_921] : memref<16x512xi32, #tpu.memory_space<vmem>> -> memref<1x512xi32, #tpu.memory_space<vmem>>
    %dma_wait3A_923 = tpu.memref_squeeze %dma_wait3A_922 : memref<1x512xi32, #tpu.memory_space<vmem>> -> memref<512xi32, #tpu.memory_space<vmem>>
    %dma_wait3A_924 = arith.constant 0 : i32
    %dma_wait3A_925 = tpu.memref_slice %arg4[%dma_wait3A_924] : memref<16001024xf32, #tpu.memory_space<hbm>> -> memref<16001024xf32, #tpu.memory_space<hbm>>
    tpu.wait_indirect_dma semaphore(%arg22 : memref<!tpu.dma_semaphore, #tpu.memory_space<semaphore_mem>>) src(%dma_wait3A_925 : memref<16001024xf32, #tpu.memory_space<hbm>>) dst(%dma_wait3A_920 : memref<512xf32, #tpu.memory_space<vmem>>)
    %dma_wait3A_926 = arith.constant 11 : i32
    %dma_wait3A_927 = arith.constant 11 : i32
    %dma_wait3A_928 = arith.constant 0 : i32
    %dma_wait3A_929 = tpu.memref_slice %arg17[%dma_wait3A_927, %dma_wait3A_928] : memref<16x512xf32, #tpu.memory_space<vmem>> -> memref<1x512xf32, #tpu.memory_space<vmem>>
    %dma_wait3A_930 = tpu.memref_squeeze %dma_wait3A_929 : memref<1x512xf32, #tpu.memory_space<vmem>> -> memref<512xf32, #tpu.memory_space<vmem>>
    %dma_wait3A_931 = arith.constant 0 : i32
    %dma_wait3A_932 = tpu.memref_slice %arg14[%dma_wait3A_926, %dma_wait3A_931] : memref<16x512xi32, #tpu.memory_space<vmem>> -> memref<1x512xi32, #tpu.memory_space<vmem>>
    %dma_wait3A_933 = tpu.memref_squeeze %dma_wait3A_932 : memref<1x512xi32, #tpu.memory_space<vmem>> -> memref<512xi32, #tpu.memory_space<vmem>>
    %dma_wait3A_934 = arith.constant 0 : i32
    %dma_wait3A_935 = tpu.memref_slice %arg6[%dma_wait3A_934] : memref<16001024xf32, #tpu.memory_space<hbm>> -> memref<16001024xf32, #tpu.memory_space<hbm>>
    tpu.wait_indirect_dma semaphore(%arg22 : memref<!tpu.dma_semaphore, #tpu.memory_space<semaphore_mem>>) src(%dma_wait3A_935 : memref<16001024xf32, #tpu.memory_space<hbm>>) dst(%dma_wait3A_930 : memref<512xf32, #tpu.memory_space<vmem>>)
    %dma_wait3A_936 = arith.constant 11 : i32
    %dma_wait3A_937 = arith.constant 11 : i32
    %dma_wait3A_938 = arith.constant 0 : i32
    %dma_wait3A_939 = tpu.memref_slice %arg18[%dma_wait3A_937, %dma_wait3A_938] : memref<16x512xf32, #tpu.memory_space<vmem>> -> memref<1x512xf32, #tpu.memory_space<vmem>>
    %dma_wait3A_940 = tpu.memref_squeeze %dma_wait3A_939 : memref<1x512xf32, #tpu.memory_space<vmem>> -> memref<512xf32, #tpu.memory_space<vmem>>
    %dma_wait3A_941 = arith.constant 0 : i32
    %dma_wait3A_942 = tpu.memref_slice %arg15[%dma_wait3A_936, %dma_wait3A_941] : memref<16x512xi32, #tpu.memory_space<vmem>> -> memref<1x512xi32, #tpu.memory_space<vmem>>
    %dma_wait3A_943 = tpu.memref_squeeze %dma_wait3A_942 : memref<1x512xi32, #tpu.memory_space<vmem>> -> memref<512xi32, #tpu.memory_space<vmem>>
    %dma_wait3A_944 = arith.constant 0 : i32
    %dma_wait3A_945 = tpu.memref_slice %arg5[%dma_wait3A_944] : memref<16001024xf32, #tpu.memory_space<hbm>> -> memref<16001024xf32, #tpu.memory_space<hbm>>
    tpu.wait_indirect_dma semaphore(%arg22 : memref<!tpu.dma_semaphore, #tpu.memory_space<semaphore_mem>>) src(%dma_wait3A_945 : memref<16001024xf32, #tpu.memory_space<hbm>>) dst(%dma_wait3A_940 : memref<512xf32, #tpu.memory_space<vmem>>)
    %dma_wait3A_946 = arith.constant 12 : i32
    %dma_wait3A_947 = arith.constant 12 : i32
    %dma_wait3A_948 = arith.constant 0 : i32
    %dma_wait3A_949 = tpu.memref_slice %arg16[%dma_wait3A_947, %dma_wait3A_948] : memref<16x512xf32, #tpu.memory_space<vmem>> -> memref<1x512xf32, #tpu.memory_space<vmem>>
    %dma_wait3A_950 = tpu.memref_squeeze %dma_wait3A_949 : memref<1x512xf32, #tpu.memory_space<vmem>> -> memref<512xf32, #tpu.memory_space<vmem>>
    %dma_wait3A_951 = arith.constant 0 : i32
    %dma_wait3A_952 = tpu.memref_slice %arg14[%dma_wait3A_946, %dma_wait3A_951] : memref<16x512xi32, #tpu.memory_space<vmem>> -> memref<1x512xi32, #tpu.memory_space<vmem>>
    %dma_wait3A_953 = tpu.memref_squeeze %dma_wait3A_952 : memref<1x512xi32, #tpu.memory_space<vmem>> -> memref<512xi32, #tpu.memory_space<vmem>>
    %dma_wait3A_954 = arith.constant 0 : i32
    %dma_wait3A_955 = tpu.memref_slice %arg4[%dma_wait3A_954] : memref<16001024xf32, #tpu.memory_space<hbm>> -> memref<16001024xf32, #tpu.memory_space<hbm>>
    tpu.wait_indirect_dma semaphore(%arg22 : memref<!tpu.dma_semaphore, #tpu.memory_space<semaphore_mem>>) src(%dma_wait3A_955 : memref<16001024xf32, #tpu.memory_space<hbm>>) dst(%dma_wait3A_950 : memref<512xf32, #tpu.memory_space<vmem>>)
    %dma_wait3A_956 = arith.constant 12 : i32
    %dma_wait3A_957 = arith.constant 12 : i32
    %dma_wait3A_958 = arith.constant 0 : i32
    %dma_wait3A_959 = tpu.memref_slice %arg17[%dma_wait3A_957, %dma_wait3A_958] : memref<16x512xf32, #tpu.memory_space<vmem>> -> memref<1x512xf32, #tpu.memory_space<vmem>>
    %dma_wait3A_960 = tpu.memref_squeeze %dma_wait3A_959 : memref<1x512xf32, #tpu.memory_space<vmem>> -> memref<512xf32, #tpu.memory_space<vmem>>
    %dma_wait3A_961 = arith.constant 0 : i32
    %dma_wait3A_962 = tpu.memref_slice %arg14[%dma_wait3A_956, %dma_wait3A_961] : memref<16x512xi32, #tpu.memory_space<vmem>> -> memref<1x512xi32, #tpu.memory_space<vmem>>
    %dma_wait3A_963 = tpu.memref_squeeze %dma_wait3A_962 : memref<1x512xi32, #tpu.memory_space<vmem>> -> memref<512xi32, #tpu.memory_space<vmem>>
    %dma_wait3A_964 = arith.constant 0 : i32
    %dma_wait3A_965 = tpu.memref_slice %arg6[%dma_wait3A_964] : memref<16001024xf32, #tpu.memory_space<hbm>> -> memref<16001024xf32, #tpu.memory_space<hbm>>
    tpu.wait_indirect_dma semaphore(%arg22 : memref<!tpu.dma_semaphore, #tpu.memory_space<semaphore_mem>>) src(%dma_wait3A_965 : memref<16001024xf32, #tpu.memory_space<hbm>>) dst(%dma_wait3A_960 : memref<512xf32, #tpu.memory_space<vmem>>)
    %dma_wait3A_966 = arith.constant 12 : i32
    %dma_wait3A_967 = arith.constant 12 : i32
    %dma_wait3A_968 = arith.constant 0 : i32
    %dma_wait3A_969 = tpu.memref_slice %arg18[%dma_wait3A_967, %dma_wait3A_968] : memref<16x512xf32, #tpu.memory_space<vmem>> -> memref<1x512xf32, #tpu.memory_space<vmem>>
    %dma_wait3A_970 = tpu.memref_squeeze %dma_wait3A_969 : memref<1x512xf32, #tpu.memory_space<vmem>> -> memref<512xf32, #tpu.memory_space<vmem>>
    %dma_wait3A_971 = arith.constant 0 : i32
    %dma_wait3A_972 = tpu.memref_slice %arg15[%dma_wait3A_966, %dma_wait3A_971] : memref<16x512xi32, #tpu.memory_space<vmem>> -> memref<1x512xi32, #tpu.memory_space<vmem>>
    %dma_wait3A_973 = tpu.memref_squeeze %dma_wait3A_972 : memref<1x512xi32, #tpu.memory_space<vmem>> -> memref<512xi32, #tpu.memory_space<vmem>>
    %dma_wait3A_974 = arith.constant 0 : i32
    %dma_wait3A_975 = tpu.memref_slice %arg5[%dma_wait3A_974] : memref<16001024xf32, #tpu.memory_space<hbm>> -> memref<16001024xf32, #tpu.memory_space<hbm>>
    tpu.wait_indirect_dma semaphore(%arg22 : memref<!tpu.dma_semaphore, #tpu.memory_space<semaphore_mem>>) src(%dma_wait3A_975 : memref<16001024xf32, #tpu.memory_space<hbm>>) dst(%dma_wait3A_970 : memref<512xf32, #tpu.memory_space<vmem>>)
    %dma_wait3A_976 = arith.constant 13 : i32
    %dma_wait3A_977 = arith.constant 13 : i32
    %dma_wait3A_978 = arith.constant 0 : i32
    %dma_wait3A_979 = tpu.memref_slice %arg16[%dma_wait3A_977, %dma_wait3A_978] : memref<16x512xf32, #tpu.memory_space<vmem>> -> memref<1x512xf32, #tpu.memory_space<vmem>>
    %dma_wait3A_980 = tpu.memref_squeeze %dma_wait3A_979 : memref<1x512xf32, #tpu.memory_space<vmem>> -> memref<512xf32, #tpu.memory_space<vmem>>
    %dma_wait3A_981 = arith.constant 0 : i32
    %dma_wait3A_982 = tpu.memref_slice %arg14[%dma_wait3A_976, %dma_wait3A_981] : memref<16x512xi32, #tpu.memory_space<vmem>> -> memref<1x512xi32, #tpu.memory_space<vmem>>
    %dma_wait3A_983 = tpu.memref_squeeze %dma_wait3A_982 : memref<1x512xi32, #tpu.memory_space<vmem>> -> memref<512xi32, #tpu.memory_space<vmem>>
    %dma_wait3A_984 = arith.constant 0 : i32
    %dma_wait3A_985 = tpu.memref_slice %arg4[%dma_wait3A_984] : memref<16001024xf32, #tpu.memory_space<hbm>> -> memref<16001024xf32, #tpu.memory_space<hbm>>
    tpu.wait_indirect_dma semaphore(%arg22 : memref<!tpu.dma_semaphore, #tpu.memory_space<semaphore_mem>>) src(%dma_wait3A_985 : memref<16001024xf32, #tpu.memory_space<hbm>>) dst(%dma_wait3A_980 : memref<512xf32, #tpu.memory_space<vmem>>)
    %dma_wait3A_986 = arith.constant 13 : i32
    %dma_wait3A_987 = arith.constant 13 : i32
    %dma_wait3A_988 = arith.constant 0 : i32
    %dma_wait3A_989 = tpu.memref_slice %arg17[%dma_wait3A_987, %dma_wait3A_988] : memref<16x512xf32, #tpu.memory_space<vmem>> -> memref<1x512xf32, #tpu.memory_space<vmem>>
    %dma_wait3A_990 = tpu.memref_squeeze %dma_wait3A_989 : memref<1x512xf32, #tpu.memory_space<vmem>> -> memref<512xf32, #tpu.memory_space<vmem>>
    %dma_wait3A_991 = arith.constant 0 : i32
    %dma_wait3A_992 = tpu.memref_slice %arg14[%dma_wait3A_986, %dma_wait3A_991] : memref<16x512xi32, #tpu.memory_space<vmem>> -> memref<1x512xi32, #tpu.memory_space<vmem>>
    %dma_wait3A_993 = tpu.memref_squeeze %dma_wait3A_992 : memref<1x512xi32, #tpu.memory_space<vmem>> -> memref<512xi32, #tpu.memory_space<vmem>>
    %dma_wait3A_994 = arith.constant 0 : i32
    %dma_wait3A_995 = tpu.memref_slice %arg6[%dma_wait3A_994] : memref<16001024xf32, #tpu.memory_space<hbm>> -> memref<16001024xf32, #tpu.memory_space<hbm>>
    tpu.wait_indirect_dma semaphore(%arg22 : memref<!tpu.dma_semaphore, #tpu.memory_space<semaphore_mem>>) src(%dma_wait3A_995 : memref<16001024xf32, #tpu.memory_space<hbm>>) dst(%dma_wait3A_990 : memref<512xf32, #tpu.memory_space<vmem>>)
    %dma_wait3A_996 = arith.constant 13 : i32
    %dma_wait3A_997 = arith.constant 13 : i32
    %dma_wait3A_998 = arith.constant 0 : i32
    %dma_wait3A_999 = tpu.memref_slice %arg18[%dma_wait3A_997, %dma_wait3A_998] : memref<16x512xf32, #tpu.memory_space<vmem>> -> memref<1x512xf32, #tpu.memory_space<vmem>>
    %dma_wait3A_1000 = tpu.memref_squeeze %dma_wait3A_999 : memref<1x512xf32, #tpu.memory_space<vmem>> -> memref<512xf32, #tpu.memory_space<vmem>>
    %dma_wait3A_1001 = arith.constant 0 : i32
    %dma_wait3A_1002 = tpu.memref_slice %arg15[%dma_wait3A_996, %dma_wait3A_1001] : memref<16x512xi32, #tpu.memory_space<vmem>> -> memref<1x512xi32, #tpu.memory_space<vmem>>
    %dma_wait3A_1003 = tpu.memref_squeeze %dma_wait3A_1002 : memref<1x512xi32, #tpu.memory_space<vmem>> -> memref<512xi32, #tpu.memory_space<vmem>>
    %dma_wait3A_1004 = arith.constant 0 : i32
    %dma_wait3A_1005 = tpu.memref_slice %arg5[%dma_wait3A_1004] : memref<16001024xf32, #tpu.memory_space<hbm>> -> memref<16001024xf32, #tpu.memory_space<hbm>>
    tpu.wait_indirect_dma semaphore(%arg22 : memref<!tpu.dma_semaphore, #tpu.memory_space<semaphore_mem>>) src(%dma_wait3A_1005 : memref<16001024xf32, #tpu.memory_space<hbm>>) dst(%dma_wait3A_1000 : memref<512xf32, #tpu.memory_space<vmem>>)
    %dma_wait3A_1006 = arith.constant 14 : i32
    %dma_wait3A_1007 = arith.constant 14 : i32
    %dma_wait3A_1008 = arith.constant 0 : i32
    %dma_wait3A_1009 = tpu.memref_slice %arg16[%dma_wait3A_1007, %dma_wait3A_1008] : memref<16x512xf32, #tpu.memory_space<vmem>> -> memref<1x512xf32, #tpu.memory_space<vmem>>
    %dma_wait3A_1010 = tpu.memref_squeeze %dma_wait3A_1009 : memref<1x512xf32, #tpu.memory_space<vmem>> -> memref<512xf32, #tpu.memory_space<vmem>>
    %dma_wait3A_1011 = arith.constant 0 : i32
    %dma_wait3A_1012 = tpu.memref_slice %arg14[%dma_wait3A_1006, %dma_wait3A_1011] : memref<16x512xi32, #tpu.memory_space<vmem>> -> memref<1x512xi32, #tpu.memory_space<vmem>>
    %dma_wait3A_1013 = tpu.memref_squeeze %dma_wait3A_1012 : memref<1x512xi32, #tpu.memory_space<vmem>> -> memref<512xi32, #tpu.memory_space<vmem>>
    %dma_wait3A_1014 = arith.constant 0 : i32
    %dma_wait3A_1015 = tpu.memref_slice %arg4[%dma_wait3A_1014] : memref<16001024xf32, #tpu.memory_space<hbm>> -> memref<16001024xf32, #tpu.memory_space<hbm>>
    tpu.wait_indirect_dma semaphore(%arg22 : memref<!tpu.dma_semaphore, #tpu.memory_space<semaphore_mem>>) src(%dma_wait3A_1015 : memref<16001024xf32, #tpu.memory_space<hbm>>) dst(%dma_wait3A_1010 : memref<512xf32, #tpu.memory_space<vmem>>)
    %dma_wait3A_1016 = arith.constant 14 : i32
    %dma_wait3A_1017 = arith.constant 14 : i32
    %dma_wait3A_1018 = arith.constant 0 : i32
    %dma_wait3A_1019 = tpu.memref_slice %arg17[%dma_wait3A_1017, %dma_wait3A_1018] : memref<16x512xf32, #tpu.memory_space<vmem>> -> memref<1x512xf32, #tpu.memory_space<vmem>>
    %dma_wait3A_1020 = tpu.memref_squeeze %dma_wait3A_1019 : memref<1x512xf32, #tpu.memory_space<vmem>> -> memref<512xf32, #tpu.memory_space<vmem>>
    %dma_wait3A_1021 = arith.constant 0 : i32
    %dma_wait3A_1022 = tpu.memref_slice %arg14[%dma_wait3A_1016, %dma_wait3A_1021] : memref<16x512xi32, #tpu.memory_space<vmem>> -> memref<1x512xi32, #tpu.memory_space<vmem>>
    %dma_wait3A_1023 = tpu.memref_squeeze %dma_wait3A_1022 : memref<1x512xi32, #tpu.memory_space<vmem>> -> memref<512xi32, #tpu.memory_space<vmem>>
    %dma_wait3A_1024 = arith.constant 0 : i32
    %dma_wait3A_1025 = tpu.memref_slice %arg6[%dma_wait3A_1024] : memref<16001024xf32, #tpu.memory_space<hbm>> -> memref<16001024xf32, #tpu.memory_space<hbm>>
    tpu.wait_indirect_dma semaphore(%arg22 : memref<!tpu.dma_semaphore, #tpu.memory_space<semaphore_mem>>) src(%dma_wait3A_1025 : memref<16001024xf32, #tpu.memory_space<hbm>>) dst(%dma_wait3A_1020 : memref<512xf32, #tpu.memory_space<vmem>>)
    %dma_wait3A_1026 = arith.constant 14 : i32
    %dma_wait3A_1027 = arith.constant 14 : i32
    %dma_wait3A_1028 = arith.constant 0 : i32
    %dma_wait3A_1029 = tpu.memref_slice %arg18[%dma_wait3A_1027, %dma_wait3A_1028] : memref<16x512xf32, #tpu.memory_space<vmem>> -> memref<1x512xf32, #tpu.memory_space<vmem>>
    %dma_wait3A_1030 = tpu.memref_squeeze %dma_wait3A_1029 : memref<1x512xf32, #tpu.memory_space<vmem>> -> memref<512xf32, #tpu.memory_space<vmem>>
    %dma_wait3A_1031 = arith.constant 0 : i32
    %dma_wait3A_1032 = tpu.memref_slice %arg15[%dma_wait3A_1026, %dma_wait3A_1031] : memref<16x512xi32, #tpu.memory_space<vmem>> -> memref<1x512xi32, #tpu.memory_space<vmem>>
    %dma_wait3A_1033 = tpu.memref_squeeze %dma_wait3A_1032 : memref<1x512xi32, #tpu.memory_space<vmem>> -> memref<512xi32, #tpu.memory_space<vmem>>
    %dma_wait3A_1034 = arith.constant 0 : i32
    %dma_wait3A_1035 = tpu.memref_slice %arg5[%dma_wait3A_1034] : memref<16001024xf32, #tpu.memory_space<hbm>> -> memref<16001024xf32, #tpu.memory_space<hbm>>
    tpu.wait_indirect_dma semaphore(%arg22 : memref<!tpu.dma_semaphore, #tpu.memory_space<semaphore_mem>>) src(%dma_wait3A_1035 : memref<16001024xf32, #tpu.memory_space<hbm>>) dst(%dma_wait3A_1030 : memref<512xf32, #tpu.memory_space<vmem>>)
    %dma_wait3A_1036 = arith.constant 15 : i32
    %dma_wait3A_1037 = arith.constant 15 : i32
    %dma_wait3A_1038 = arith.constant 0 : i32
    %dma_wait3A_1039 = tpu.memref_slice %arg16[%dma_wait3A_1037, %dma_wait3A_1038] : memref<16x512xf32, #tpu.memory_space<vmem>> -> memref<1x512xf32, #tpu.memory_space<vmem>>
    %dma_wait3A_1040 = tpu.memref_squeeze %dma_wait3A_1039 : memref<1x512xf32, #tpu.memory_space<vmem>> -> memref<512xf32, #tpu.memory_space<vmem>>
    %dma_wait3A_1041 = arith.constant 0 : i32
    %dma_wait3A_1042 = tpu.memref_slice %arg14[%dma_wait3A_1036, %dma_wait3A_1041] : memref<16x512xi32, #tpu.memory_space<vmem>> -> memref<1x512xi32, #tpu.memory_space<vmem>>
    %dma_wait3A_1043 = tpu.memref_squeeze %dma_wait3A_1042 : memref<1x512xi32, #tpu.memory_space<vmem>> -> memref<512xi32, #tpu.memory_space<vmem>>
    %dma_wait3A_1044 = arith.constant 0 : i32
    %dma_wait3A_1045 = tpu.memref_slice %arg4[%dma_wait3A_1044] : memref<16001024xf32, #tpu.memory_space<hbm>> -> memref<16001024xf32, #tpu.memory_space<hbm>>
    tpu.wait_indirect_dma semaphore(%arg22 : memref<!tpu.dma_semaphore, #tpu.memory_space<semaphore_mem>>) src(%dma_wait3A_1045 : memref<16001024xf32, #tpu.memory_space<hbm>>) dst(%dma_wait3A_1040 : memref<512xf32, #tpu.memory_space<vmem>>)
    %dma_wait3A_1046 = arith.constant 15 : i32
    %dma_wait3A_1047 = arith.constant 15 : i32
    %dma_wait3A_1048 = arith.constant 0 : i32
    %dma_wait3A_1049 = tpu.memref_slice %arg17[%dma_wait3A_1047, %dma_wait3A_1048] : memref<16x512xf32, #tpu.memory_space<vmem>> -> memref<1x512xf32, #tpu.memory_space<vmem>>
    %dma_wait3A_1050 = tpu.memref_squeeze %dma_wait3A_1049 : memref<1x512xf32, #tpu.memory_space<vmem>> -> memref<512xf32, #tpu.memory_space<vmem>>
    %dma_wait3A_1051 = arith.constant 0 : i32
    %dma_wait3A_1052 = tpu.memref_slice %arg14[%dma_wait3A_1046, %dma_wait3A_1051] : memref<16x512xi32, #tpu.memory_space<vmem>> -> memref<1x512xi32, #tpu.memory_space<vmem>>
    %dma_wait3A_1053 = tpu.memref_squeeze %dma_wait3A_1052 : memref<1x512xi32, #tpu.memory_space<vmem>> -> memref<512xi32, #tpu.memory_space<vmem>>
    %dma_wait3A_1054 = arith.constant 0 : i32
    %dma_wait3A_1055 = tpu.memref_slice %arg6[%dma_wait3A_1054] : memref<16001024xf32, #tpu.memory_space<hbm>> -> memref<16001024xf32, #tpu.memory_space<hbm>>
    tpu.wait_indirect_dma semaphore(%arg22 : memref<!tpu.dma_semaphore, #tpu.memory_space<semaphore_mem>>) src(%dma_wait3A_1055 : memref<16001024xf32, #tpu.memory_space<hbm>>) dst(%dma_wait3A_1050 : memref<512xf32, #tpu.memory_space<vmem>>)
    %dma_wait3A_1056 = arith.constant 15 : i32
    %dma_wait3A_1057 = arith.constant 15 : i32
    %dma_wait3A_1058 = arith.constant 0 : i32
    %dma_wait3A_1059 = tpu.memref_slice %arg18[%dma_wait3A_1057, %dma_wait3A_1058] : memref<16x512xf32, #tpu.memory_space<vmem>> -> memref<1x512xf32, #tpu.memory_space<vmem>>
    %dma_wait3A_1060 = tpu.memref_squeeze %dma_wait3A_1059 : memref<1x512xf32, #tpu.memory_space<vmem>> -> memref<512xf32, #tpu.memory_space<vmem>>
    %dma_wait3A_1061 = arith.constant 0 : i32
    %dma_wait3A_1062 = tpu.memref_slice %arg15[%dma_wait3A_1056, %dma_wait3A_1061] : memref<16x512xi32, #tpu.memory_space<vmem>> -> memref<1x512xi32, #tpu.memory_space<vmem>>
    %dma_wait3A_1063 = tpu.memref_squeeze %dma_wait3A_1062 : memref<1x512xi32, #tpu.memory_space<vmem>> -> memref<512xi32, #tpu.memory_space<vmem>>
    %dma_wait3A_1064 = arith.constant 0 : i32
    %dma_wait3A_1065 = tpu.memref_slice %arg5[%dma_wait3A_1064] : memref<16001024xf32, #tpu.memory_space<hbm>> -> memref<16001024xf32, #tpu.memory_space<hbm>>
    tpu.wait_indirect_dma semaphore(%arg22 : memref<!tpu.dma_semaphore, #tpu.memory_space<semaphore_mem>>) src(%dma_wait3A_1065 : memref<16001024xf32, #tpu.memory_space<hbm>>) dst(%dma_wait3A_1060 : memref<512xf32, #tpu.memory_space<vmem>>)
    %dma_wait3A_1066 = arith.constant 0 : i32
    %dma_wait3A_1067 = tpu.memref_slice %arg7[%dma_wait3A_1066] : memref<1000000xf32, #tpu.memory_space<hbm>> -> memref<1000000xf32, #tpu.memory_space<hbm>>
    tpu.wait_indirect_dma semaphore(%arg22 : memref<!tpu.dma_semaphore, #tpu.memory_space<semaphore_mem>>) src(%dma_wait3A_1067 : memref<1000000xf32, #tpu.memory_space<hbm>>) dst(%arg19 : memref<512xf32, #tpu.memory_space<vmem>>)
    %dma_wait3A_1068 = arith.constant 0 : i32
    %dma_wait3A_1069 = tpu.memref_slice %arg8[%dma_wait3A_1068] : memref<1000000xf32, #tpu.memory_space<hbm>> -> memref<1000000xf32, #tpu.memory_space<hbm>>
    tpu.wait_indirect_dma semaphore(%arg22 : memref<!tpu.dma_semaphore, #tpu.memory_space<semaphore_mem>>) src(%dma_wait3A_1069 : memref<1000000xf32, #tpu.memory_space<hbm>>) dst(%arg20 : memref<512xf32, #tpu.memory_space<vmem>>)
    %scan3A_1070 = arith.constant 0 : i32
    %scan3A_1071 = arith.constant 0 : i32
    %scan3A_1072 = arith.constant 32 : i32
    %scan3A_1073 = arith.addi %scan3A_1071, %scan3A_1072 : i32
    %scan3A_1074 = arith.constant 1 : i32
    scf.for %scan3A_1076 = %scan3A_1071 to %scan3A_1073 step %scan3A_1074  : i32 {
      %mul3A_1077 = arith.constant 16 : i32
      %mul3A_1078 = arith.muli %scan3A_1076, %mul3A_1077 : i32
      %get3A = arith.index_cast %mul3A_1078 : i32 to index
      %get3A_1079 = tpu.vector_load %arg19[%get3A] {strides = array<i32>} : memref<512xf32, #tpu.memory_space<vmem>>, vector<16xf32>,
      %get3A_1080 = arith.index_cast %mul3A_1078 : i32 to index
      %get3A_1081 = tpu.vector_load %arg20[%get3A_1080] {strides = array<i32>} : memref<512xf32, #tpu.memory_space<vmem>>, vector<16xf32>,
      %add3A_1082 = arith.addf %get3A_1079, %get3A_1081 : vector<16xf32>
      %get3A_1083 = arith.constant 0 : i32
      %get3A_1084 = arith.index_cast %get3A_1083 : i32 to index
      %get3A_1085 = arith.index_cast %mul3A_1078 : i32 to index
      %get3A_1086 = tpu.vector_load %arg16[%get3A_1084, %get3A_1085] {strides = array<i32>} : memref<16x512xf32, #tpu.memory_space<vmem>>, vector<16xf32>,
      %get3A_1087 = arith.constant 0 : i32
      %get3A_1088 = arith.index_cast %get3A_1087 : i32 to index
      %get3A_1089 = arith.index_cast %mul3A_1078 : i32 to index
      %get3A_1090 = tpu.vector_load %arg17[%get3A_1088, %get3A_1089] {strides = array<i32>} : memref<16x512xf32, #tpu.memory_space<vmem>>, vector<16xf32>,
      %add3A_1091 = arith.addf %get3A_1086, %get3A_1090 : vector<16xf32>
      %get3A_1092 = arith.constant 0 : i32
      %get3A_1093 = arith.index_cast %get3A_1092 : i32 to index
      %get3A_1094 = arith.index_cast %mul3A_1078 : i32 to index
      %get3A_1095 = tpu.vector_load %arg18[%get3A_1093, %get3A_1094] {strides = array<i32>} : memref<16x512xf32, #tpu.memory_space<vmem>>, vector<16xf32>,
      %mul3A_1096 = arith.mulf %add3A_1091, %get3A_1095 : vector<16xf32>
      %add3A_1097 = arith.addf %add3A_1082, %mul3A_1096 : vector<16xf32>
      %get3A_1098 = arith.constant 1 : i32
      %get3A_1099 = arith.index_cast %get3A_1098 : i32 to index
      %get3A_1100 = arith.index_cast %mul3A_1078 : i32 to index
      %get3A_1101 = tpu.vector_load %arg16[%get3A_1099, %get3A_1100] {strides = array<i32>} : memref<16x512xf32, #tpu.memory_space<vmem>>, vector<16xf32>,
      %get3A_1102 = arith.constant 1 : i32
      %get3A_1103 = arith.index_cast %get3A_1102 : i32 to index
      %get3A_1104 = arith.index_cast %mul3A_1078 : i32 to index
      %get3A_1105 = tpu.vector_load %arg17[%get3A_1103, %get3A_1104] {strides = array<i32>} : memref<16x512xf32, #tpu.memory_space<vmem>>, vector<16xf32>,
      %add3A_1106 = arith.addf %get3A_1101, %get3A_1105 : vector<16xf32>
      %get3A_1107 = arith.constant 1 : i32
      %get3A_1108 = arith.index_cast %get3A_1107 : i32 to index
      %get3A_1109 = arith.index_cast %mul3A_1078 : i32 to index
      %get3A_1110 = tpu.vector_load %arg18[%get3A_1108, %get3A_1109] {strides = array<i32>} : memref<16x512xf32, #tpu.memory_space<vmem>>, vector<16xf32>,
      %mul3A_1111 = arith.mulf %add3A_1106, %get3A_1110 : vector<16xf32>
      %add3A_1112 = arith.addf %add3A_1097, %mul3A_1111 : vector<16xf32>
      %get3A_1113 = arith.constant 2 : i32
      %get3A_1114 = arith.index_cast %get3A_1113 : i32 to index
      %get3A_1115 = arith.index_cast %mul3A_1078 : i32 to index
      %get3A_1116 = tpu.vector_load %arg16[%get3A_1114, %get3A_1115] {strides = array<i32>} : memref<16x512xf32, #tpu.memory_space<vmem>>, vector<16xf32>,
      %get3A_1117 = arith.constant 2 : i32
      %get3A_1118 = arith.index_cast %get3A_1117 : i32 to index
      %get3A_1119 = arith.index_cast %mul3A_1078 : i32 to index
      %get3A_1120 = tpu.vector_load %arg17[%get3A_1118, %get3A_1119] {strides = array<i32>} : memref<16x512xf32, #tpu.memory_space<vmem>>, vector<16xf32>,
      %add3A_1121 = arith.addf %get3A_1116, %get3A_1120 : vector<16xf32>
      %get3A_1122 = arith.constant 2 : i32
      %get3A_1123 = arith.index_cast %get3A_1122 : i32 to index
      %get3A_1124 = arith.index_cast %mul3A_1078 : i32 to index
      %get3A_1125 = tpu.vector_load %arg18[%get3A_1123, %get3A_1124] {strides = array<i32>} : memref<16x512xf32, #tpu.memory_space<vmem>>, vector<16xf32>,
      %mul3A_1126 = arith.mulf %add3A_1121, %get3A_1125 : vector<16xf32>
      %add3A_1127 = arith.addf %add3A_1112, %mul3A_1126 : vector<16xf32>
      %get3A_1128 = arith.constant 3 : i32
      %get3A_1129 = arith.index_cast %get3A_1128 : i32 to index
      %get3A_1130 = arith.index_cast %mul3A_1078 : i32 to index
      %get3A_1131 = tpu.vector_load %arg16[%get3A_1129, %get3A_1130] {strides = array<i32>} : memref<16x512xf32, #tpu.memory_space<vmem>>, vector<16xf32>,
      %get3A_1132 = arith.constant 3 : i32
      %get3A_1133 = arith.index_cast %get3A_1132 : i32 to index
      %get3A_1134 = arith.index_cast %mul3A_1078 : i32 to index
      %get3A_1135 = tpu.vector_load %arg17[%get3A_1133, %get3A_1134] {strides = array<i32>} : memref<16x512xf32, #tpu.memory_space<vmem>>, vector<16xf32>,
      %add3A_1136 = arith.addf %get3A_1131, %get3A_1135 : vector<16xf32>
      %get3A_1137 = arith.constant 3 : i32
      %get3A_1138 = arith.index_cast %get3A_1137 : i32 to index
      %get3A_1139 = arith.index_cast %mul3A_1078 : i32 to index
      %get3A_1140 = tpu.vector_load %arg18[%get3A_1138, %get3A_1139] {strides = array<i32>} : memref<16x512xf32, #tpu.memory_space<vmem>>, vector<16xf32>,
      %mul3A_1141 = arith.mulf %add3A_1136, %get3A_1140 : vector<16xf32>
      %add3A_1142 = arith.addf %add3A_1127, %mul3A_1141 : vector<16xf32>
      %get3A_1143 = arith.constant 4 : i32
      %get3A_1144 = arith.index_cast %get3A_1143 : i32 to index
      %get3A_1145 = arith.index_cast %mul3A_1078 : i32 to index
      %get3A_1146 = tpu.vector_load %arg16[%get3A_1144, %get3A_1145] {strides = array<i32>} : memref<16x512xf32, #tpu.memory_space<vmem>>, vector<16xf32>,
      %get3A_1147 = arith.constant 4 : i32
      %get3A_1148 = arith.index_cast %get3A_1147 : i32 to index
      %get3A_1149 = arith.index_cast %mul3A_1078 : i32 to index
      %get3A_1150 = tpu.vector_load %arg17[%get3A_1148, %get3A_1149] {strides = array<i32>} : memref<16x512xf32, #tpu.memory_space<vmem>>, vector<16xf32>,
      %add3A_1151 = arith.addf %get3A_1146, %get3A_1150 : vector<16xf32>
      %get3A_1152 = arith.constant 4 : i32
      %get3A_1153 = arith.index_cast %get3A_1152 : i32 to index
      %get3A_1154 = arith.index_cast %mul3A_1078 : i32 to index
      %get3A_1155 = tpu.vector_load %arg18[%get3A_1153, %get3A_1154] {strides = array<i32>} : memref<16x512xf32, #tpu.memory_space<vmem>>, vector<16xf32>,
      %mul3A_1156 = arith.mulf %add3A_1151, %get3A_1155 : vector<16xf32>
      %add3A_1157 = arith.addf %add3A_1142, %mul3A_1156 : vector<16xf32>
      %get3A_1158 = arith.constant 5 : i32
      %get3A_1159 = arith.index_cast %get3A_1158 : i32 to index
      %get3A_1160 = arith.index_cast %mul3A_1078 : i32 to index
      %get3A_1161 = tpu.vector_load %arg16[%get3A_1159, %get3A_1160] {strides = array<i32>} : memref<16x512xf32, #tpu.memory_space<vmem>>, vector<16xf32>,
      %get3A_1162 = arith.constant 5 : i32
      %get3A_1163 = arith.index_cast %get3A_1162 : i32 to index
      %get3A_1164 = arith.index_cast %mul3A_1078 : i32 to index
      %get3A_1165 = tpu.vector_load %arg17[%get3A_1163, %get3A_1164] {strides = array<i32>} : memref<16x512xf32, #tpu.memory_space<vmem>>, vector<16xf32>,
      %add3A_1166 = arith.addf %get3A_1161, %get3A_1165 : vector<16xf32>
      %get3A_1167 = arith.constant 5 : i32
      %get3A_1168 = arith.index_cast %get3A_1167 : i32 to index
      %get3A_1169 = arith.index_cast %mul3A_1078 : i32 to index
      %get3A_1170 = tpu.vector_load %arg18[%get3A_1168, %get3A_1169] {strides = array<i32>} : memref<16x512xf32, #tpu.memory_space<vmem>>, vector<16xf32>,
      %mul3A_1171 = arith.mulf %add3A_1166, %get3A_1170 : vector<16xf32>
      %add3A_1172 = arith.addf %add3A_1157, %mul3A_1171 : vector<16xf32>
      %get3A_1173 = arith.constant 6 : i32
      %get3A_1174 = arith.index_cast %get3A_1173 : i32 to index
      %get3A_1175 = arith.index_cast %mul3A_1078 : i32 to index
      %get3A_1176 = tpu.vector_load %arg16[%get3A_1174, %get3A_1175] {strides = array<i32>} : memref<16x512xf32, #tpu.memory_space<vmem>>, vector<16xf32>,
      %get3A_1177 = arith.constant 6 : i32
      %get3A_1178 = arith.index_cast %get3A_1177 : i32 to index
      %get3A_1179 = arith.index_cast %mul3A_1078 : i32 to index
      %get3A_1180 = tpu.vector_load %arg17[%get3A_1178, %get3A_1179] {strides = array<i32>} : memref<16x512xf32, #tpu.memory_space<vmem>>, vector<16xf32>,
      %add3A_1181 = arith.addf %get3A_1176, %get3A_1180 : vector<16xf32>
      %get3A_1182 = arith.constant 6 : i32
      %get3A_1183 = arith.index_cast %get3A_1182 : i32 to index
      %get3A_1184 = arith.index_cast %mul3A_1078 : i32 to index
      %get3A_1185 = tpu.vector_load %arg18[%get3A_1183, %get3A_1184] {strides = array<i32>} : memref<16x512xf32, #tpu.memory_space<vmem>>, vector<16xf32>,
      %mul3A_1186 = arith.mulf %add3A_1181, %get3A_1185 : vector<16xf32>
      %add3A_1187 = arith.addf %add3A_1172, %mul3A_1186 : vector<16xf32>
      %get3A_1188 = arith.constant 7 : i32
      %get3A_1189 = arith.index_cast %get3A_1188 : i32 to index
      %get3A_1190 = arith.index_cast %mul3A_1078 : i32 to index
      %get3A_1191 = tpu.vector_load %arg16[%get3A_1189, %get3A_1190] {strides = array<i32>} : memref<16x512xf32, #tpu.memory_space<vmem>>, vector<16xf32>,
      %get3A_1192 = arith.constant 7 : i32
      %get3A_1193 = arith.index_cast %get3A_1192 : i32 to index
      %get3A_1194 = arith.index_cast %mul3A_1078 : i32 to index
      %get3A_1195 = tpu.vector_load %arg17[%get3A_1193, %get3A_1194] {strides = array<i32>} : memref<16x512xf32, #tpu.memory_space<vmem>>, vector<16xf32>,
      %add3A_1196 = arith.addf %get3A_1191, %get3A_1195 : vector<16xf32>
      %get3A_1197 = arith.constant 7 : i32
      %get3A_1198 = arith.index_cast %get3A_1197 : i32 to index
      %get3A_1199 = arith.index_cast %mul3A_1078 : i32 to index
      %get3A_1200 = tpu.vector_load %arg18[%get3A_1198, %get3A_1199] {strides = array<i32>} : memref<16x512xf32, #tpu.memory_space<vmem>>, vector<16xf32>,
      %mul3A_1201 = arith.mulf %add3A_1196, %get3A_1200 : vector<16xf32>
      %add3A_1202 = arith.addf %add3A_1187, %mul3A_1201 : vector<16xf32>
      %get3A_1203 = arith.constant 8 : i32
      %get3A_1204 = arith.index_cast %get3A_1203 : i32 to index
      %get3A_1205 = arith.index_cast %mul3A_1078 : i32 to index
      %get3A_1206 = tpu.vector_load %arg16[%get3A_1204, %get3A_1205] {strides = array<i32>} : memref<16x512xf32, #tpu.memory_space<vmem>>, vector<16xf32>,
      %get3A_1207 = arith.constant 8 : i32
      %get3A_1208 = arith.index_cast %get3A_1207 : i32 to index
      %get3A_1209 = arith.index_cast %mul3A_1078 : i32 to index
      %get3A_1210 = tpu.vector_load %arg17[%get3A_1208, %get3A_1209] {strides = array<i32>} : memref<16x512xf32, #tpu.memory_space<vmem>>, vector<16xf32>,
      %add3A_1211 = arith.addf %get3A_1206, %get3A_1210 : vector<16xf32>
      %get3A_1212 = arith.constant 8 : i32
      %get3A_1213 = arith.index_cast %get3A_1212 : i32 to index
      %get3A_1214 = arith.index_cast %mul3A_1078 : i32 to index
      %get3A_1215 = tpu.vector_load %arg18[%get3A_1213, %get3A_1214] {strides = array<i32>} : memref<16x512xf32, #tpu.memory_space<vmem>>, vector<16xf32>,
      %mul3A_1216 = arith.mulf %add3A_1211, %get3A_1215 : vector<16xf32>
      %add3A_1217 = arith.addf %add3A_1202, %mul3A_1216 : vector<16xf32>
      %get3A_1218 = arith.constant 9 : i32
      %get3A_1219 = arith.index_cast %get3A_1218 : i32 to index
      %get3A_1220 = arith.index_cast %mul3A_1078 : i32 to index
      %get3A_1221 = tpu.vector_load %arg16[%get3A_1219, %get3A_1220] {strides = array<i32>} : memref<16x512xf32, #tpu.memory_space<vmem>>, vector<16xf32>,
      %get3A_1222 = arith.constant 9 : i32
      %get3A_1223 = arith.index_cast %get3A_1222 : i32 to index
      %get3A_1224 = arith.index_cast %mul3A_1078 : i32 to index
      %get3A_1225 = tpu.vector_load %arg17[%get3A_1223, %get3A_1224] {strides = array<i32>} : memref<16x512xf32, #tpu.memory_space<vmem>>, vector<16xf32>,
      %add3A_1226 = arith.addf %get3A_1221, %get3A_1225 : vector<16xf32>
      %get3A_1227 = arith.constant 9 : i32
      %get3A_1228 = arith.index_cast %get3A_1227 : i32 to index
      %get3A_1229 = arith.index_cast %mul3A_1078 : i32 to index
      %get3A_1230 = tpu.vector_load %arg18[%get3A_1228, %get3A_1229] {strides = array<i32>} : memref<16x512xf32, #tpu.memory_space<vmem>>, vector<16xf32>,
      %mul3A_1231 = arith.mulf %add3A_1226, %get3A_1230 : vector<16xf32>
      %add3A_1232 = arith.addf %add3A_1217, %mul3A_1231 : vector<16xf32>
      %get3A_1233 = arith.constant 10 : i32
      %get3A_1234 = arith.index_cast %get3A_1233 : i32 to index
      %get3A_1235 = arith.index_cast %mul3A_1078 : i32 to index
      %get3A_1236 = tpu.vector_load %arg16[%get3A_1234, %get3A_1235] {strides = array<i32>} : memref<16x512xf32, #tpu.memory_space<vmem>>, vector<16xf32>,
      %get3A_1237 = arith.constant 10 : i32
      %get3A_1238 = arith.index_cast %get3A_1237 : i32 to index
      %get3A_1239 = arith.index_cast %mul3A_1078 : i32 to index
      %get3A_1240 = tpu.vector_load %arg17[%get3A_1238, %get3A_1239] {strides = array<i32>} : memref<16x512xf32, #tpu.memory_space<vmem>>, vector<16xf32>,
      %add3A_1241 = arith.addf %get3A_1236, %get3A_1240 : vector<16xf32>
      %get3A_1242 = arith.constant 10 : i32
      %get3A_1243 = arith.index_cast %get3A_1242 : i32 to index
      %get3A_1244 = arith.index_cast %mul3A_1078 : i32 to index
      %get3A_1245 = tpu.vector_load %arg18[%get3A_1243, %get3A_1244] {strides = array<i32>} : memref<16x512xf32, #tpu.memory_space<vmem>>, vector<16xf32>,
      %mul3A_1246 = arith.mulf %add3A_1241, %get3A_1245 : vector<16xf32>
      %add3A_1247 = arith.addf %add3A_1232, %mul3A_1246 : vector<16xf32>
      %get3A_1248 = arith.constant 11 : i32
      %get3A_1249 = arith.index_cast %get3A_1248 : i32 to index
      %get3A_1250 = arith.index_cast %mul3A_1078 : i32 to index
      %get3A_1251 = tpu.vector_load %arg16[%get3A_1249, %get3A_1250] {strides = array<i32>} : memref<16x512xf32, #tpu.memory_space<vmem>>, vector<16xf32>,
      %get3A_1252 = arith.constant 11 : i32
      %get3A_1253 = arith.index_cast %get3A_1252 : i32 to index
      %get3A_1254 = arith.index_cast %mul3A_1078 : i32 to index
      %get3A_1255 = tpu.vector_load %arg17[%get3A_1253, %get3A_1254] {strides = array<i32>} : memref<16x512xf32, #tpu.memory_space<vmem>>, vector<16xf32>,
      %add3A_1256 = arith.addf %get3A_1251, %get3A_1255 : vector<16xf32>
      %get3A_1257 = arith.constant 11 : i32
      %get3A_1258 = arith.index_cast %get3A_1257 : i32 to index
      %get3A_1259 = arith.index_cast %mul3A_1078 : i32 to index
      %get3A_1260 = tpu.vector_load %arg18[%get3A_1258, %get3A_1259] {strides = array<i32>} : memref<16x512xf32, #tpu.memory_space<vmem>>, vector<16xf32>,
      %mul3A_1261 = arith.mulf %add3A_1256, %get3A_1260 : vector<16xf32>
      %add3A_1262 = arith.addf %add3A_1247, %mul3A_1261 : vector<16xf32>
      %get3A_1263 = arith.constant 12 : i32
      %get3A_1264 = arith.index_cast %get3A_1263 : i32 to index
      %get3A_1265 = arith.index_cast %mul3A_1078 : i32 to index
      %get3A_1266 = tpu.vector_load %arg16[%get3A_1264, %get3A_1265] {strides = array<i32>} : memref<16x512xf32, #tpu.memory_space<vmem>>, vector<16xf32>,
      %get3A_1267 = arith.constant 12 : i32
      %get3A_1268 = arith.index_cast %get3A_1267 : i32 to index
      %get3A_1269 = arith.index_cast %mul3A_1078 : i32 to index
      %get3A_1270 = tpu.vector_load %arg17[%get3A_1268, %get3A_1269] {strides = array<i32>} : memref<16x512xf32, #tpu.memory_space<vmem>>, vector<16xf32>,
      %add3A_1271 = arith.addf %get3A_1266, %get3A_1270 : vector<16xf32>
      %get3A_1272 = arith.constant 12 : i32
      %get3A_1273 = arith.index_cast %get3A_1272 : i32 to index
      %get3A_1274 = arith.index_cast %mul3A_1078 : i32 to index
      %get3A_1275 = tpu.vector_load %arg18[%get3A_1273, %get3A_1274] {strides = array<i32>} : memref<16x512xf32, #tpu.memory_space<vmem>>, vector<16xf32>,
      %mul3A_1276 = arith.mulf %add3A_1271, %get3A_1275 : vector<16xf32>
      %add3A_1277 = arith.addf %add3A_1262, %mul3A_1276 : vector<16xf32>
      %get3A_1278 = arith.constant 13 : i32
      %get3A_1279 = arith.index_cast %get3A_1278 : i32 to index
      %get3A_1280 = arith.index_cast %mul3A_1078 : i32 to index
      %get3A_1281 = tpu.vector_load %arg16[%get3A_1279, %get3A_1280] {strides = array<i32>} : memref<16x512xf32, #tpu.memory_space<vmem>>, vector<16xf32>,
      %get3A_1282 = arith.constant 13 : i32
      %get3A_1283 = arith.index_cast %get3A_1282 : i32 to index
      %get3A_1284 = arith.index_cast %mul3A_1078 : i32 to index
      %get3A_1285 = tpu.vector_load %arg17[%get3A_1283, %get3A_1284] {strides = array<i32>} : memref<16x512xf32, #tpu.memory_space<vmem>>, vector<16xf32>,
      %add3A_1286 = arith.addf %get3A_1281, %get3A_1285 : vector<16xf32>
      %get3A_1287 = arith.constant 13 : i32
      %get3A_1288 = arith.index_cast %get3A_1287 : i32 to index
      %get3A_1289 = arith.index_cast %mul3A_1078 : i32 to index
      %get3A_1290 = tpu.vector_load %arg18[%get3A_1288, %get3A_1289] {strides = array<i32>} : memref<16x512xf32, #tpu.memory_space<vmem>>, vector<16xf32>,
      %mul3A_1291 = arith.mulf %add3A_1286, %get3A_1290 : vector<16xf32>
      %add3A_1292 = arith.addf %add3A_1277, %mul3A_1291 : vector<16xf32>
      %get3A_1293 = arith.constant 14 : i32
      %get3A_1294 = arith.index_cast %get3A_1293 : i32 to index
      %get3A_1295 = arith.index_cast %mul3A_1078 : i32 to index
      %get3A_1296 = tpu.vector_load %arg16[%get3A_1294, %get3A_1295] {strides = array<i32>} : memref<16x512xf32, #tpu.memory_space<vmem>>, vector<16xf32>,
      %get3A_1297 = arith.constant 14 : i32
      %get3A_1298 = arith.index_cast %get3A_1297 : i32 to index
      %get3A_1299 = arith.index_cast %mul3A_1078 : i32 to index
      %get3A_1300 = tpu.vector_load %arg17[%get3A_1298, %get3A_1299] {strides = array<i32>} : memref<16x512xf32, #tpu.memory_space<vmem>>, vector<16xf32>,
      %add3A_1301 = arith.addf %get3A_1296, %get3A_1300 : vector<16xf32>
      %get3A_1302 = arith.constant 14 : i32
      %get3A_1303 = arith.index_cast %get3A_1302 : i32 to index
      %get3A_1304 = arith.index_cast %mul3A_1078 : i32 to index
      %get3A_1305 = tpu.vector_load %arg18[%get3A_1303, %get3A_1304] {strides = array<i32>} : memref<16x512xf32, #tpu.memory_space<vmem>>, vector<16xf32>,
      %mul3A_1306 = arith.mulf %add3A_1301, %get3A_1305 : vector<16xf32>
      %add3A_1307 = arith.addf %add3A_1292, %mul3A_1306 : vector<16xf32>
      %get3A_1308 = arith.constant 15 : i32
      %get3A_1309 = arith.index_cast %get3A_1308 : i32 to index
      %get3A_1310 = arith.index_cast %mul3A_1078 : i32 to index
      %get3A_1311 = tpu.vector_load %arg16[%get3A_1309, %get3A_1310] {strides = array<i32>} : memref<16x512xf32, #tpu.memory_space<vmem>>, vector<16xf32>,
      %get3A_1312 = arith.constant 15 : i32
      %get3A_1313 = arith.index_cast %get3A_1312 : i32 to index
      %get3A_1314 = arith.index_cast %mul3A_1078 : i32 to index
      %get3A_1315 = tpu.vector_load %arg17[%get3A_1313, %get3A_1314] {strides = array<i32>} : memref<16x512xf32, #tpu.memory_space<vmem>>, vector<16xf32>,
      %add3A_1316 = arith.addf %get3A_1311, %get3A_1315 : vector<16xf32>
      %get3A_1317 = arith.constant 15 : i32
      %get3A_1318 = arith.index_cast %get3A_1317 : i32 to index
      %get3A_1319 = arith.index_cast %mul3A_1078 : i32 to index
      %get3A_1320 = tpu.vector_load %arg18[%get3A_1318, %get3A_1319] {strides = array<i32>} : memref<16x512xf32, #tpu.memory_space<vmem>>, vector<16xf32>,
      %mul3A_1321 = arith.mulf %add3A_1316, %get3A_1320 : vector<16xf32>
      %add3A_1322 = arith.addf %add3A_1307, %mul3A_1321 : vector<16xf32>
      %neg3A = arith.constant 0.000000e+00 : f32
      %neg3A_1323 = vector.broadcast %neg3A : f32 to vector<16xf32>
      %neg3A_1324 = arith.subf %neg3A_1323, %add3A_1322 : vector<16xf32>
      %exp3A = math.exp %neg3A_1324 : vector<16xf32>
      %add3A_1325 = arith.constant 1.000000e+00 : f32
      %add3A_1326 = vector.broadcast %add3A_1325 : f32 to vector<16xf32>
      %add3A_1327 = arith.addf %add3A_1326, %exp3A : vector<16xf32>
      %div3A = arith.constant 1.000000e+00 : f32
      %div3A_1328 = vector.broadcast %div3A : f32 to vector<16xf32>
      %div3A_1329 = arith.divf %div3A_1328, %add3A_1327 : vector<16xf32>
      %swap3A = arith.index_cast %mul3A_1078 : i32 to index
      %swap3A_1330 = tpu.vector_load %arg21[%swap3A] {strides = array<i32>} : memref<512xf32, #tpu.memory_space<vmem>>, vector<16xf32>,
      tpu.vector_store %arg21[%swap3A], %div3A_1329 {strides = array<i32>} : memref<512xf32, #tpu.memory_space<vmem>>, vector<16xf32>,
    }
    %scan3A_1075 = arith.constant 32 : i32
    "tpu.region"() ({
      %run_scoped3A = tpu.sem_alloc : memref<!tpu.dma_semaphore, #tpu.memory_space<semaphore_mem>>
      %dma_start3A_1076 = tpu.memref_slice %arg9[%mul3A_2] : memref<16384xf32, #tpu.memory_space<hbm>> -> memref<512xf32, #tpu.memory_space<hbm>>
      %dma_start3A_1077 = tpu.memref_slice %arg9[%mul3A_2] : memref<16384xf32, #tpu.memory_space<hbm>> -> memref<512xf32, #tpu.memory_space<hbm>>
      tpu.enqueue_dma source(%arg21 : memref<512xf32, #tpu.memory_space<vmem>>) target(%dma_start3A_1077 : memref<512xf32, #tpu.memory_space<hbm>>) target_semaphore(%run_scoped3A : memref<!tpu.dma_semaphore, #tpu.memory_space<semaphore_mem>>)
      %dma_wait3A_1078 = tpu.memref_slice %arg9[%mul3A_2] : memref<16384xf32, #tpu.memory_space<hbm>> -> memref<512xf32, #tpu.memory_space<hbm>>
      %dma_wait3A_1079 = tpu.memref_slice %arg9[%mul3A_2] : memref<16384xf32, #tpu.memory_space<hbm>> -> memref<512xf32, #tpu.memory_space<hbm>>
      tpu.wait_dma2 semaphore(%run_scoped3A : memref<!tpu.dma_semaphore, #tpu.memory_space<semaphore_mem>>) src(%arg21 : memref<512xf32, #tpu.memory_space<vmem>>) dst(%dma_wait3A_1079 : memref<512xf32, #tpu.memory_space<hbm>>)
      tpu.yield
    }) : () -> ()
    return
  }
}

#map = affine_map<(d0, d1) -> (0, 0)>
module attributes {stable_mosaic.version = 14 : i64} {
  func.func @_relayout(%arg0: i32, %arg1: i32, %arg2: memref<16x1000000xf32, #tpu.memory_space<hbm>>, %arg3: memref<16x1000000xf32, #tpu.memory_space<hbm>>, %arg4: memref<16x1000000xf32, #tpu.memory_space<hbm>>, %arg5: memref<16x128xf32, #tpu.memory_space<hbm>>, %arg6: memref<16x128xf32, #tpu.memory_space<hbm>>, %arg7: memref<16x128xf32, #tpu.memory_space<hbm>>, %arg8: memref<125008x128xf32, #tpu.memory_space<hbm>>, %arg9: memref<125008x128xf32, #tpu.memory_space<hbm>>, %arg10: memref<125008x128xf32, #tpu.memory_space<hbm>>, %arg11: memref<15x16x128xf32, #tpu.memory_space<vmem>>, %arg12: memref<!tpu.dma_semaphore, #tpu.memory_space<semaphore_mem>>, %arg13: memref<!tpu.dma_semaphore, #tpu.memory_space<semaphore_mem>>) attributes {dimension_semantics = [#tpu.dimension_semantics<core_parallel>, #tpu.dimension_semantics<subcore_parallel>], iteration_bounds = array<i64: 2, 16>, scalar_prefetch = 0 : i64, scratch_operands = 3 : i64, tpu.core_type = #tpu.core_type<sc_vector_subcore>, window_params = [{transform_indices = #map}, {transform_indices = #map}, {transform_indices = #map}, {transform_indices = #map}, {transform_indices = #map}, {transform_indices = #map}, {transform_indices = #map}, {transform_indices = #map}, {transform_indices = #map}]} {
    %mul3A = arith.constant 2 : i32
    %mul3A_0 = arith.muli %arg1, %mul3A : i32
    %add3A = arith.addi %mul3A_0, %arg0 : i32
    %scan3A = arith.constant 0 : i32
    %scan3A_1 = arith.constant 0 : i32
    %scan3A_2 = arith.constant 49 : i32
    %scan3A_3 = arith.addi %scan3A_1, %scan3A_2 : i32
    %scan3A_4 = arith.constant 1 : i32
    scf.for %scan3A_8 = %scan3A_1 to %scan3A_3 step %scan3A_4  : i32 {
      %mul3A_9 = arith.constant 5 : i32
      %mul3A_10 = arith.muli %scan3A_8, %mul3A_9 : i32
      %add3A_11 = arith.constant 0 : i32
      %add3A_12 = arith.addi %mul3A_10, %add3A_11 : i32
      %mul3A_13 = arith.constant 32 : i32
      %mul3A_14 = arith.muli %add3A_12, %mul3A_13 : i32
      %add3A_15 = arith.addi %mul3A_14, %add3A : i32
      %min3A = arith.constant 7811 : i32
      %min3A_16 = arith.minsi %add3A_15, %min3A : i32
      %mul3A_17 = arith.constant 128 : i32
      %mul3A_18 = arith.muli %min3A_16, %mul3A_17 : i32
      %multiple_of3A = tpu.assume_multiple %mul3A_18, 128 : i32
      %dma_start3A = arith.constant 0 : i32
      %dma_start3A_19 = arith.constant 0 : i32
      %dma_start3A_20 = arith.constant 0 : i32
      %dma_start3A_21 = tpu.memref_slice %arg11[%dma_start3A, %dma_start3A_19, %dma_start3A_20] : memref<15x16x128xf32, #tpu.memory_space<vmem>> -> memref<1x16x128xf32, #tpu.memory_space<vmem>>
      %dma_start3A_22 = tpu.memref_squeeze %dma_start3A_21 : memref<1x16x128xf32, #tpu.memory_space<vmem>> -> memref<16x128xf32, #tpu.memory_space<vmem>>
      %dma_start3A_23 = arith.constant 0 : i32
      %dma_start3A_24 = tpu.memref_slice %arg2[%dma_start3A_23, %multiple_of3A] : memref<16x1000000xf32, #tpu.memory_space<hbm>> -> memref<16x128xf32, #tpu.memory_space<hbm>>
      %dma_start3A_25 = arith.constant 0 : i32
      %dma_start3A_26 = arith.constant 0 : i32
      %dma_start3A_27 = tpu.memref_slice %arg11[%dma_start3A, %dma_start3A_25, %dma_start3A_26] : memref<15x16x128xf32, #tpu.memory_space<vmem>> -> memref<1x16x128xf32, #tpu.memory_space<vmem>>
      %dma_start3A_28 = tpu.memref_squeeze %dma_start3A_27 : memref<1x16x128xf32, #tpu.memory_space<vmem>> -> memref<16x128xf32, #tpu.memory_space<vmem>>
      %dma_start3A_29 = arith.constant 0 : i32
      %dma_start3A_30 = tpu.memref_slice %arg2[%dma_start3A_29, %multiple_of3A] : memref<16x1000000xf32, #tpu.memory_space<hbm>> -> memref<16x128xf32, #tpu.memory_space<hbm>>
      tpu.enqueue_dma source(%dma_start3A_30 : memref<16x128xf32, #tpu.memory_space<hbm>>) target(%dma_start3A_28 : memref<16x128xf32, #tpu.memory_space<vmem>>) target_semaphore(%arg12 : memref<!tpu.dma_semaphore, #tpu.memory_space<semaphore_mem>>)
      %mul3A_31 = arith.constant 5 : i32
      %mul3A_32 = arith.muli %scan3A_8, %mul3A_31 : i32
      %add3A_33 = arith.constant 1 : i32
      %add3A_34 = arith.addi %mul3A_32, %add3A_33 : i32
      %mul3A_35 = arith.constant 32 : i32
      %mul3A_36 = arith.muli %add3A_34, %mul3A_35 : i32
      %add3A_37 = arith.addi %mul3A_36, %add3A : i32
      %min3A_38 = arith.constant 7811 : i32
      %min3A_39 = arith.minsi %add3A_37, %min3A_38 : i32
      %mul3A_40 = arith.constant 128 : i32
      %mul3A_41 = arith.muli %min3A_39, %mul3A_40 : i32
      %multiple_of3A_42 = tpu.assume_multiple %mul3A_41, 128 : i32
      %dma_start3A_43 = arith.constant 1 : i32
      %dma_start3A_44 = arith.constant 0 : i32
      %dma_start3A_45 = arith.constant 0 : i32
      %dma_start3A_46 = tpu.memref_slice %arg11[%dma_start3A_43, %dma_start3A_44, %dma_start3A_45] : memref<15x16x128xf32, #tpu.memory_space<vmem>> -> memref<1x16x128xf32, #tpu.memory_space<vmem>>
      %dma_start3A_47 = tpu.memref_squeeze %dma_start3A_46 : memref<1x16x128xf32, #tpu.memory_space<vmem>> -> memref<16x128xf32, #tpu.memory_space<vmem>>
      %dma_start3A_48 = arith.constant 0 : i32
      %dma_start3A_49 = tpu.memref_slice %arg2[%dma_start3A_48, %multiple_of3A_42] : memref<16x1000000xf32, #tpu.memory_space<hbm>> -> memref<16x128xf32, #tpu.memory_space<hbm>>
      %dma_start3A_50 = arith.constant 0 : i32
      %dma_start3A_51 = arith.constant 0 : i32
      %dma_start3A_52 = tpu.memref_slice %arg11[%dma_start3A_43, %dma_start3A_50, %dma_start3A_51] : memref<15x16x128xf32, #tpu.memory_space<vmem>> -> memref<1x16x128xf32, #tpu.memory_space<vmem>>
      %dma_start3A_53 = tpu.memref_squeeze %dma_start3A_52 : memref<1x16x128xf32, #tpu.memory_space<vmem>> -> memref<16x128xf32, #tpu.memory_space<vmem>>
      %dma_start3A_54 = arith.constant 0 : i32
      %dma_start3A_55 = tpu.memref_slice %arg2[%dma_start3A_54, %multiple_of3A_42] : memref<16x1000000xf32, #tpu.memory_space<hbm>> -> memref<16x128xf32, #tpu.memory_space<hbm>>
      tpu.enqueue_dma source(%dma_start3A_55 : memref<16x128xf32, #tpu.memory_space<hbm>>) target(%dma_start3A_53 : memref<16x128xf32, #tpu.memory_space<vmem>>) target_semaphore(%arg12 : memref<!tpu.dma_semaphore, #tpu.memory_space<semaphore_mem>>)
      %mul3A_56 = arith.constant 5 : i32
      %mul3A_57 = arith.muli %scan3A_8, %mul3A_56 : i32
      %add3A_58 = arith.constant 2 : i32
      %add3A_59 = arith.addi %mul3A_57, %add3A_58 : i32
      %mul3A_60 = arith.constant 32 : i32
      %mul3A_61 = arith.muli %add3A_59, %mul3A_60 : i32
      %add3A_62 = arith.addi %mul3A_61, %add3A : i32
      %min3A_63 = arith.constant 7811 : i32
      %min3A_64 = arith.minsi %add3A_62, %min3A_63 : i32
      %mul3A_65 = arith.constant 128 : i32
      %mul3A_66 = arith.muli %min3A_64, %mul3A_65 : i32
      %multiple_of3A_67 = tpu.assume_multiple %mul3A_66, 128 : i32
      %dma_start3A_68 = arith.constant 2 : i32
      %dma_start3A_69 = arith.constant 0 : i32
      %dma_start3A_70 = arith.constant 0 : i32
      %dma_start3A_71 = tpu.memref_slice %arg11[%dma_start3A_68, %dma_start3A_69, %dma_start3A_70] : memref<15x16x128xf32, #tpu.memory_space<vmem>> -> memref<1x16x128xf32, #tpu.memory_space<vmem>>
      %dma_start3A_72 = tpu.memref_squeeze %dma_start3A_71 : memref<1x16x128xf32, #tpu.memory_space<vmem>> -> memref<16x128xf32, #tpu.memory_space<vmem>>
      %dma_start3A_73 = arith.constant 0 : i32
      %dma_start3A_74 = tpu.memref_slice %arg2[%dma_start3A_73, %multiple_of3A_67] : memref<16x1000000xf32, #tpu.memory_space<hbm>> -> memref<16x128xf32, #tpu.memory_space<hbm>>
      %dma_start3A_75 = arith.constant 0 : i32
      %dma_start3A_76 = arith.constant 0 : i32
      %dma_start3A_77 = tpu.memref_slice %arg11[%dma_start3A_68, %dma_start3A_75, %dma_start3A_76] : memref<15x16x128xf32, #tpu.memory_space<vmem>> -> memref<1x16x128xf32, #tpu.memory_space<vmem>>
      %dma_start3A_78 = tpu.memref_squeeze %dma_start3A_77 : memref<1x16x128xf32, #tpu.memory_space<vmem>> -> memref<16x128xf32, #tpu.memory_space<vmem>>
      %dma_start3A_79 = arith.constant 0 : i32
      %dma_start3A_80 = tpu.memref_slice %arg2[%dma_start3A_79, %multiple_of3A_67] : memref<16x1000000xf32, #tpu.memory_space<hbm>> -> memref<16x128xf32, #tpu.memory_space<hbm>>
      tpu.enqueue_dma source(%dma_start3A_80 : memref<16x128xf32, #tpu.memory_space<hbm>>) target(%dma_start3A_78 : memref<16x128xf32, #tpu.memory_space<vmem>>) target_semaphore(%arg12 : memref<!tpu.dma_semaphore, #tpu.memory_space<semaphore_mem>>)
      %mul3A_81 = arith.constant 5 : i32
      %mul3A_82 = arith.muli %scan3A_8, %mul3A_81 : i32
      %add3A_83 = arith.constant 3 : i32
      %add3A_84 = arith.addi %mul3A_82, %add3A_83 : i32
      %mul3A_85 = arith.constant 32 : i32
      %mul3A_86 = arith.muli %add3A_84, %mul3A_85 : i32
      %add3A_87 = arith.addi %mul3A_86, %add3A : i32
      %min3A_88 = arith.constant 7811 : i32
      %min3A_89 = arith.minsi %add3A_87, %min3A_88 : i32
      %mul3A_90 = arith.constant 128 : i32
      %mul3A_91 = arith.muli %min3A_89, %mul3A_90 : i32
      %multiple_of3A_92 = tpu.assume_multiple %mul3A_91, 128 : i32
      %dma_start3A_93 = arith.constant 3 : i32
      %dma_start3A_94 = arith.constant 0 : i32
      %dma_start3A_95 = arith.constant 0 : i32
      %dma_start3A_96 = tpu.memref_slice %arg11[%dma_start3A_93, %dma_start3A_94, %dma_start3A_95] : memref<15x16x128xf32, #tpu.memory_space<vmem>> -> memref<1x16x128xf32, #tpu.memory_space<vmem>>
      %dma_start3A_97 = tpu.memref_squeeze %dma_start3A_96 : memref<1x16x128xf32, #tpu.memory_space<vmem>> -> memref<16x128xf32, #tpu.memory_space<vmem>>
      %dma_start3A_98 = arith.constant 0 : i32
      %dma_start3A_99 = tpu.memref_slice %arg2[%dma_start3A_98, %multiple_of3A_92] : memref<16x1000000xf32, #tpu.memory_space<hbm>> -> memref<16x128xf32, #tpu.memory_space<hbm>>
      %dma_start3A_100 = arith.constant 0 : i32
      %dma_start3A_101 = arith.constant 0 : i32
      %dma_start3A_102 = tpu.memref_slice %arg11[%dma_start3A_93, %dma_start3A_100, %dma_start3A_101] : memref<15x16x128xf32, #tpu.memory_space<vmem>> -> memref<1x16x128xf32, #tpu.memory_space<vmem>>
      %dma_start3A_103 = tpu.memref_squeeze %dma_start3A_102 : memref<1x16x128xf32, #tpu.memory_space<vmem>> -> memref<16x128xf32, #tpu.memory_space<vmem>>
      %dma_start3A_104 = arith.constant 0 : i32
      %dma_start3A_105 = tpu.memref_slice %arg2[%dma_start3A_104, %multiple_of3A_92] : memref<16x1000000xf32, #tpu.memory_space<hbm>> -> memref<16x128xf32, #tpu.memory_space<hbm>>
      tpu.enqueue_dma source(%dma_start3A_105 : memref<16x128xf32, #tpu.memory_space<hbm>>) target(%dma_start3A_103 : memref<16x128xf32, #tpu.memory_space<vmem>>) target_semaphore(%arg12 : memref<!tpu.dma_semaphore, #tpu.memory_space<semaphore_mem>>)
      %mul3A_106 = arith.constant 5 : i32
      %mul3A_107 = arith.muli %scan3A_8, %mul3A_106 : i32
      %add3A_108 = arith.constant 4 : i32
      %add3A_109 = arith.addi %mul3A_107, %add3A_108 : i32
      %mul3A_110 = arith.constant 32 : i32
      %mul3A_111 = arith.muli %add3A_109, %mul3A_110 : i32
      %add3A_112 = arith.addi %mul3A_111, %add3A : i32
      %min3A_113 = arith.constant 7811 : i32
      %min3A_114 = arith.minsi %add3A_112, %min3A_113 : i32
      %mul3A_115 = arith.constant 128 : i32
      %mul3A_116 = arith.muli %min3A_114, %mul3A_115 : i32
      %multiple_of3A_117 = tpu.assume_multiple %mul3A_116, 128 : i32
      %dma_start3A_118 = arith.constant 4 : i32
      %dma_start3A_119 = arith.constant 0 : i32
      %dma_start3A_120 = arith.constant 0 : i32
      %dma_start3A_121 = tpu.memref_slice %arg11[%dma_start3A_118, %dma_start3A_119, %dma_start3A_120] : memref<15x16x128xf32, #tpu.memory_space<vmem>> -> memref<1x16x128xf32, #tpu.memory_space<vmem>>
      %dma_start3A_122 = tpu.memref_squeeze %dma_start3A_121 : memref<1x16x128xf32, #tpu.memory_space<vmem>> -> memref<16x128xf32, #tpu.memory_space<vmem>>
      %dma_start3A_123 = arith.constant 0 : i32
      %dma_start3A_124 = tpu.memref_slice %arg2[%dma_start3A_123, %multiple_of3A_117] : memref<16x1000000xf32, #tpu.memory_space<hbm>> -> memref<16x128xf32, #tpu.memory_space<hbm>>
      %dma_start3A_125 = arith.constant 0 : i32
      %dma_start3A_126 = arith.constant 0 : i32
      %dma_start3A_127 = tpu.memref_slice %arg11[%dma_start3A_118, %dma_start3A_125, %dma_start3A_126] : memref<15x16x128xf32, #tpu.memory_space<vmem>> -> memref<1x16x128xf32, #tpu.memory_space<vmem>>
      %dma_start3A_128 = tpu.memref_squeeze %dma_start3A_127 : memref<1x16x128xf32, #tpu.memory_space<vmem>> -> memref<16x128xf32, #tpu.memory_space<vmem>>
      %dma_start3A_129 = arith.constant 0 : i32
      %dma_start3A_130 = tpu.memref_slice %arg2[%dma_start3A_129, %multiple_of3A_117] : memref<16x1000000xf32, #tpu.memory_space<hbm>> -> memref<16x128xf32, #tpu.memory_space<hbm>>
      tpu.enqueue_dma source(%dma_start3A_130 : memref<16x128xf32, #tpu.memory_space<hbm>>) target(%dma_start3A_128 : memref<16x128xf32, #tpu.memory_space<vmem>>) target_semaphore(%arg12 : memref<!tpu.dma_semaphore, #tpu.memory_space<semaphore_mem>>)
      %mul3A_131 = arith.constant 5 : i32
      %mul3A_132 = arith.muli %scan3A_8, %mul3A_131 : i32
      %add3A_133 = arith.constant 0 : i32
      %add3A_134 = arith.addi %mul3A_132, %add3A_133 : i32
      %mul3A_135 = arith.constant 32 : i32
      %mul3A_136 = arith.muli %add3A_134, %mul3A_135 : i32
      %add3A_137 = arith.addi %mul3A_136, %add3A : i32
      %min3A_138 = arith.constant 7811 : i32
      %min3A_139 = arith.minsi %add3A_137, %min3A_138 : i32
      %mul3A_140 = arith.constant 128 : i32
      %mul3A_141 = arith.muli %min3A_139, %mul3A_140 : i32
      %multiple_of3A_142 = tpu.assume_multiple %mul3A_141, 128 : i32
      %dma_start3A_143 = arith.constant 5 : i32
      %dma_start3A_144 = arith.constant 0 : i32
      %dma_start3A_145 = arith.constant 0 : i32
      %dma_start3A_146 = tpu.memref_slice %arg11[%dma_start3A_143, %dma_start3A_144, %dma_start3A_145] : memref<15x16x128xf32, #tpu.memory_space<vmem>> -> memref<1x16x128xf32, #tpu.memory_space<vmem>>
      %dma_start3A_147 = tpu.memref_squeeze %dma_start3A_146 : memref<1x16x128xf32, #tpu.memory_space<vmem>> -> memref<16x128xf32, #tpu.memory_space<vmem>>
      %dma_start3A_148 = arith.constant 0 : i32
      %dma_start3A_149 = tpu.memref_slice %arg3[%dma_start3A_148, %multiple_of3A_142] : memref<16x1000000xf32, #tpu.memory_space<hbm>> -> memref<16x128xf32, #tpu.memory_space<hbm>>
      %dma_start3A_150 = arith.constant 0 : i32
      %dma_start3A_151 = arith.constant 0 : i32
      %dma_start3A_152 = tpu.memref_slice %arg11[%dma_start3A_143, %dma_start3A_150, %dma_start3A_151] : memref<15x16x128xf32, #tpu.memory_space<vmem>> -> memref<1x16x128xf32, #tpu.memory_space<vmem>>
      %dma_start3A_153 = tpu.memref_squeeze %dma_start3A_152 : memref<1x16x128xf32, #tpu.memory_space<vmem>> -> memref<16x128xf32, #tpu.memory_space<vmem>>
      %dma_start3A_154 = arith.constant 0 : i32
      %dma_start3A_155 = tpu.memref_slice %arg3[%dma_start3A_154, %multiple_of3A_142] : memref<16x1000000xf32, #tpu.memory_space<hbm>> -> memref<16x128xf32, #tpu.memory_space<hbm>>
      tpu.enqueue_dma source(%dma_start3A_155 : memref<16x128xf32, #tpu.memory_space<hbm>>) target(%dma_start3A_153 : memref<16x128xf32, #tpu.memory_space<vmem>>) target_semaphore(%arg12 : memref<!tpu.dma_semaphore, #tpu.memory_space<semaphore_mem>>)
      %mul3A_156 = arith.constant 5 : i32
      %mul3A_157 = arith.muli %scan3A_8, %mul3A_156 : i32
      %add3A_158 = arith.constant 1 : i32
      %add3A_159 = arith.addi %mul3A_157, %add3A_158 : i32
      %mul3A_160 = arith.constant 32 : i32
      %mul3A_161 = arith.muli %add3A_159, %mul3A_160 : i32
      %add3A_162 = arith.addi %mul3A_161, %add3A : i32
      %min3A_163 = arith.constant 7811 : i32
      %min3A_164 = arith.minsi %add3A_162, %min3A_163 : i32
      %mul3A_165 = arith.constant 128 : i32
      %mul3A_166 = arith.muli %min3A_164, %mul3A_165 : i32
      %multiple_of3A_167 = tpu.assume_multiple %mul3A_166, 128 : i32
      %dma_start3A_168 = arith.constant 6 : i32
      %dma_start3A_169 = arith.constant 0 : i32
      %dma_start3A_170 = arith.constant 0 : i32
      %dma_start3A_171 = tpu.memref_slice %arg11[%dma_start3A_168, %dma_start3A_169, %dma_start3A_170] : memref<15x16x128xf32, #tpu.memory_space<vmem>> -> memref<1x16x128xf32, #tpu.memory_space<vmem>>
      %dma_start3A_172 = tpu.memref_squeeze %dma_start3A_171 : memref<1x16x128xf32, #tpu.memory_space<vmem>> -> memref<16x128xf32, #tpu.memory_space<vmem>>
      %dma_start3A_173 = arith.constant 0 : i32
      %dma_start3A_174 = tpu.memref_slice %arg3[%dma_start3A_173, %multiple_of3A_167] : memref<16x1000000xf32, #tpu.memory_space<hbm>> -> memref<16x128xf32, #tpu.memory_space<hbm>>
      %dma_start3A_175 = arith.constant 0 : i32
      %dma_start3A_176 = arith.constant 0 : i32
      %dma_start3A_177 = tpu.memref_slice %arg11[%dma_start3A_168, %dma_start3A_175, %dma_start3A_176] : memref<15x16x128xf32, #tpu.memory_space<vmem>> -> memref<1x16x128xf32, #tpu.memory_space<vmem>>
      %dma_start3A_178 = tpu.memref_squeeze %dma_start3A_177 : memref<1x16x128xf32, #tpu.memory_space<vmem>> -> memref<16x128xf32, #tpu.memory_space<vmem>>
      %dma_start3A_179 = arith.constant 0 : i32
      %dma_start3A_180 = tpu.memref_slice %arg3[%dma_start3A_179, %multiple_of3A_167] : memref<16x1000000xf32, #tpu.memory_space<hbm>> -> memref<16x128xf32, #tpu.memory_space<hbm>>
      tpu.enqueue_dma source(%dma_start3A_180 : memref<16x128xf32, #tpu.memory_space<hbm>>) target(%dma_start3A_178 : memref<16x128xf32, #tpu.memory_space<vmem>>) target_semaphore(%arg12 : memref<!tpu.dma_semaphore, #tpu.memory_space<semaphore_mem>>)
      %mul3A_181 = arith.constant 5 : i32
      %mul3A_182 = arith.muli %scan3A_8, %mul3A_181 : i32
      %add3A_183 = arith.constant 2 : i32
      %add3A_184 = arith.addi %mul3A_182, %add3A_183 : i32
      %mul3A_185 = arith.constant 32 : i32
      %mul3A_186 = arith.muli %add3A_184, %mul3A_185 : i32
      %add3A_187 = arith.addi %mul3A_186, %add3A : i32
      %min3A_188 = arith.constant 7811 : i32
      %min3A_189 = arith.minsi %add3A_187, %min3A_188 : i32
      %mul3A_190 = arith.constant 128 : i32
      %mul3A_191 = arith.muli %min3A_189, %mul3A_190 : i32
      %multiple_of3A_192 = tpu.assume_multiple %mul3A_191, 128 : i32
      %dma_start3A_193 = arith.constant 7 : i32
      %dma_start3A_194 = arith.constant 0 : i32
      %dma_start3A_195 = arith.constant 0 : i32
      %dma_start3A_196 = tpu.memref_slice %arg11[%dma_start3A_193, %dma_start3A_194, %dma_start3A_195] : memref<15x16x128xf32, #tpu.memory_space<vmem>> -> memref<1x16x128xf32, #tpu.memory_space<vmem>>
      %dma_start3A_197 = tpu.memref_squeeze %dma_start3A_196 : memref<1x16x128xf32, #tpu.memory_space<vmem>> -> memref<16x128xf32, #tpu.memory_space<vmem>>
      %dma_start3A_198 = arith.constant 0 : i32
      %dma_start3A_199 = tpu.memref_slice %arg3[%dma_start3A_198, %multiple_of3A_192] : memref<16x1000000xf32, #tpu.memory_space<hbm>> -> memref<16x128xf32, #tpu.memory_space<hbm>>
      %dma_start3A_200 = arith.constant 0 : i32
      %dma_start3A_201 = arith.constant 0 : i32
      %dma_start3A_202 = tpu.memref_slice %arg11[%dma_start3A_193, %dma_start3A_200, %dma_start3A_201] : memref<15x16x128xf32, #tpu.memory_space<vmem>> -> memref<1x16x128xf32, #tpu.memory_space<vmem>>
      %dma_start3A_203 = tpu.memref_squeeze %dma_start3A_202 : memref<1x16x128xf32, #tpu.memory_space<vmem>> -> memref<16x128xf32, #tpu.memory_space<vmem>>
      %dma_start3A_204 = arith.constant 0 : i32
      %dma_start3A_205 = tpu.memref_slice %arg3[%dma_start3A_204, %multiple_of3A_192] : memref<16x1000000xf32, #tpu.memory_space<hbm>> -> memref<16x128xf32, #tpu.memory_space<hbm>>
      tpu.enqueue_dma source(%dma_start3A_205 : memref<16x128xf32, #tpu.memory_space<hbm>>) target(%dma_start3A_203 : memref<16x128xf32, #tpu.memory_space<vmem>>) target_semaphore(%arg12 : memref<!tpu.dma_semaphore, #tpu.memory_space<semaphore_mem>>)
      %mul3A_206 = arith.constant 5 : i32
      %mul3A_207 = arith.muli %scan3A_8, %mul3A_206 : i32
      %add3A_208 = arith.constant 3 : i32
      %add3A_209 = arith.addi %mul3A_207, %add3A_208 : i32
      %mul3A_210 = arith.constant 32 : i32
      %mul3A_211 = arith.muli %add3A_209, %mul3A_210 : i32
      %add3A_212 = arith.addi %mul3A_211, %add3A : i32
      %min3A_213 = arith.constant 7811 : i32
      %min3A_214 = arith.minsi %add3A_212, %min3A_213 : i32
      %mul3A_215 = arith.constant 128 : i32
      %mul3A_216 = arith.muli %min3A_214, %mul3A_215 : i32
      %multiple_of3A_217 = tpu.assume_multiple %mul3A_216, 128 : i32
      %dma_start3A_218 = arith.constant 8 : i32
      %dma_start3A_219 = arith.constant 0 : i32
      %dma_start3A_220 = arith.constant 0 : i32
      %dma_start3A_221 = tpu.memref_slice %arg11[%dma_start3A_218, %dma_start3A_219, %dma_start3A_220] : memref<15x16x128xf32, #tpu.memory_space<vmem>> -> memref<1x16x128xf32, #tpu.memory_space<vmem>>
      %dma_start3A_222 = tpu.memref_squeeze %dma_start3A_221 : memref<1x16x128xf32, #tpu.memory_space<vmem>> -> memref<16x128xf32, #tpu.memory_space<vmem>>
      %dma_start3A_223 = arith.constant 0 : i32
      %dma_start3A_224 = tpu.memref_slice %arg3[%dma_start3A_223, %multiple_of3A_217] : memref<16x1000000xf32, #tpu.memory_space<hbm>> -> memref<16x128xf32, #tpu.memory_space<hbm>>
      %dma_start3A_225 = arith.constant 0 : i32
      %dma_start3A_226 = arith.constant 0 : i32
      %dma_start3A_227 = tpu.memref_slice %arg11[%dma_start3A_218, %dma_start3A_225, %dma_start3A_226] : memref<15x16x128xf32, #tpu.memory_space<vmem>> -> memref<1x16x128xf32, #tpu.memory_space<vmem>>
      %dma_start3A_228 = tpu.memref_squeeze %dma_start3A_227 : memref<1x16x128xf32, #tpu.memory_space<vmem>> -> memref<16x128xf32, #tpu.memory_space<vmem>>
      %dma_start3A_229 = arith.constant 0 : i32
      %dma_start3A_230 = tpu.memref_slice %arg3[%dma_start3A_229, %multiple_of3A_217] : memref<16x1000000xf32, #tpu.memory_space<hbm>> -> memref<16x128xf32, #tpu.memory_space<hbm>>
      tpu.enqueue_dma source(%dma_start3A_230 : memref<16x128xf32, #tpu.memory_space<hbm>>) target(%dma_start3A_228 : memref<16x128xf32, #tpu.memory_space<vmem>>) target_semaphore(%arg12 : memref<!tpu.dma_semaphore, #tpu.memory_space<semaphore_mem>>)
      %mul3A_231 = arith.constant 5 : i32
      %mul3A_232 = arith.muli %scan3A_8, %mul3A_231 : i32
      %add3A_233 = arith.constant 4 : i32
      %add3A_234 = arith.addi %mul3A_232, %add3A_233 : i32
      %mul3A_235 = arith.constant 32 : i32
      %mul3A_236 = arith.muli %add3A_234, %mul3A_235 : i32
      %add3A_237 = arith.addi %mul3A_236, %add3A : i32
      %min3A_238 = arith.constant 7811 : i32
      %min3A_239 = arith.minsi %add3A_237, %min3A_238 : i32
      %mul3A_240 = arith.constant 128 : i32
      %mul3A_241 = arith.muli %min3A_239, %mul3A_240 : i32
      %multiple_of3A_242 = tpu.assume_multiple %mul3A_241, 128 : i32
      %dma_start3A_243 = arith.constant 9 : i32
      %dma_start3A_244 = arith.constant 0 : i32
      %dma_start3A_245 = arith.constant 0 : i32
      %dma_start3A_246 = tpu.memref_slice %arg11[%dma_start3A_243, %dma_start3A_244, %dma_start3A_245] : memref<15x16x128xf32, #tpu.memory_space<vmem>> -> memref<1x16x128xf32, #tpu.memory_space<vmem>>
      %dma_start3A_247 = tpu.memref_squeeze %dma_start3A_246 : memref<1x16x128xf32, #tpu.memory_space<vmem>> -> memref<16x128xf32, #tpu.memory_space<vmem>>
      %dma_start3A_248 = arith.constant 0 : i32
      %dma_start3A_249 = tpu.memref_slice %arg3[%dma_start3A_248, %multiple_of3A_242] : memref<16x1000000xf32, #tpu.memory_space<hbm>> -> memref<16x128xf32, #tpu.memory_space<hbm>>
      %dma_start3A_250 = arith.constant 0 : i32
      %dma_start3A_251 = arith.constant 0 : i32
      %dma_start3A_252 = tpu.memref_slice %arg11[%dma_start3A_243, %dma_start3A_250, %dma_start3A_251] : memref<15x16x128xf32, #tpu.memory_space<vmem>> -> memref<1x16x128xf32, #tpu.memory_space<vmem>>
      %dma_start3A_253 = tpu.memref_squeeze %dma_start3A_252 : memref<1x16x128xf32, #tpu.memory_space<vmem>> -> memref<16x128xf32, #tpu.memory_space<vmem>>
      %dma_start3A_254 = arith.constant 0 : i32
      %dma_start3A_255 = tpu.memref_slice %arg3[%dma_start3A_254, %multiple_of3A_242] : memref<16x1000000xf32, #tpu.memory_space<hbm>> -> memref<16x128xf32, #tpu.memory_space<hbm>>
      tpu.enqueue_dma source(%dma_start3A_255 : memref<16x128xf32, #tpu.memory_space<hbm>>) target(%dma_start3A_253 : memref<16x128xf32, #tpu.memory_space<vmem>>) target_semaphore(%arg12 : memref<!tpu.dma_semaphore, #tpu.memory_space<semaphore_mem>>)
      %mul3A_256 = arith.constant 5 : i32
      %mul3A_257 = arith.muli %scan3A_8, %mul3A_256 : i32
      %add3A_258 = arith.constant 0 : i32
      %add3A_259 = arith.addi %mul3A_257, %add3A_258 : i32
      %mul3A_260 = arith.constant 32 : i32
      %mul3A_261 = arith.muli %add3A_259, %mul3A_260 : i32
      %add3A_262 = arith.addi %mul3A_261, %add3A : i32
      %min3A_263 = arith.constant 7811 : i32
      %min3A_264 = arith.minsi %add3A_262, %min3A_263 : i32
      %mul3A_265 = arith.constant 128 : i32
      %mul3A_266 = arith.muli %min3A_264, %mul3A_265 : i32
      %multiple_of3A_267 = tpu.assume_multiple %mul3A_266, 128 : i32
      %dma_start3A_268 = arith.constant 10 : i32
      %dma_start3A_269 = arith.constant 0 : i32
      %dma_start3A_270 = arith.constant 0 : i32
      %dma_start3A_271 = tpu.memref_slice %arg11[%dma_start3A_268, %dma_start3A_269, %dma_start3A_270] : memref<15x16x128xf32, #tpu.memory_space<vmem>> -> memref<1x16x128xf32, #tpu.memory_space<vmem>>
      %dma_start3A_272 = tpu.memref_squeeze %dma_start3A_271 : memref<1x16x128xf32, #tpu.memory_space<vmem>> -> memref<16x128xf32, #tpu.memory_space<vmem>>
      %dma_start3A_273 = arith.constant 0 : i32
      %dma_start3A_274 = tpu.memref_slice %arg4[%dma_start3A_273, %multiple_of3A_267] : memref<16x1000000xf32, #tpu.memory_space<hbm>> -> memref<16x128xf32, #tpu.memory_space<hbm>>
      %dma_start3A_275 = arith.constant 0 : i32
      %dma_start3A_276 = arith.constant 0 : i32
      %dma_start3A_277 = tpu.memref_slice %arg11[%dma_start3A_268, %dma_start3A_275, %dma_start3A_276] : memref<15x16x128xf32, #tpu.memory_space<vmem>> -> memref<1x16x128xf32, #tpu.memory_space<vmem>>
      %dma_start3A_278 = tpu.memref_squeeze %dma_start3A_277 : memref<1x16x128xf32, #tpu.memory_space<vmem>> -> memref<16x128xf32, #tpu.memory_space<vmem>>
      %dma_start3A_279 = arith.constant 0 : i32
      %dma_start3A_280 = tpu.memref_slice %arg4[%dma_start3A_279, %multiple_of3A_267] : memref<16x1000000xf32, #tpu.memory_space<hbm>> -> memref<16x128xf32, #tpu.memory_space<hbm>>
      tpu.enqueue_dma source(%dma_start3A_280 : memref<16x128xf32, #tpu.memory_space<hbm>>) target(%dma_start3A_278 : memref<16x128xf32, #tpu.memory_space<vmem>>) target_semaphore(%arg12 : memref<!tpu.dma_semaphore, #tpu.memory_space<semaphore_mem>>)
      %mul3A_281 = arith.constant 5 : i32
      %mul3A_282 = arith.muli %scan3A_8, %mul3A_281 : i32
      %add3A_283 = arith.constant 1 : i32
      %add3A_284 = arith.addi %mul3A_282, %add3A_283 : i32
      %mul3A_285 = arith.constant 32 : i32
      %mul3A_286 = arith.muli %add3A_284, %mul3A_285 : i32
      %add3A_287 = arith.addi %mul3A_286, %add3A : i32
      %min3A_288 = arith.constant 7811 : i32
      %min3A_289 = arith.minsi %add3A_287, %min3A_288 : i32
      %mul3A_290 = arith.constant 128 : i32
      %mul3A_291 = arith.muli %min3A_289, %mul3A_290 : i32
      %multiple_of3A_292 = tpu.assume_multiple %mul3A_291, 128 : i32
      %dma_start3A_293 = arith.constant 11 : i32
      %dma_start3A_294 = arith.constant 0 : i32
      %dma_start3A_295 = arith.constant 0 : i32
      %dma_start3A_296 = tpu.memref_slice %arg11[%dma_start3A_293, %dma_start3A_294, %dma_start3A_295] : memref<15x16x128xf32, #tpu.memory_space<vmem>> -> memref<1x16x128xf32, #tpu.memory_space<vmem>>
      %dma_start3A_297 = tpu.memref_squeeze %dma_start3A_296 : memref<1x16x128xf32, #tpu.memory_space<vmem>> -> memref<16x128xf32, #tpu.memory_space<vmem>>
      %dma_start3A_298 = arith.constant 0 : i32
      %dma_start3A_299 = tpu.memref_slice %arg4[%dma_start3A_298, %multiple_of3A_292] : memref<16x1000000xf32, #tpu.memory_space<hbm>> -> memref<16x128xf32, #tpu.memory_space<hbm>>
      %dma_start3A_300 = arith.constant 0 : i32
      %dma_start3A_301 = arith.constant 0 : i32
      %dma_start3A_302 = tpu.memref_slice %arg11[%dma_start3A_293, %dma_start3A_300, %dma_start3A_301] : memref<15x16x128xf32, #tpu.memory_space<vmem>> -> memref<1x16x128xf32, #tpu.memory_space<vmem>>
      %dma_start3A_303 = tpu.memref_squeeze %dma_start3A_302 : memref<1x16x128xf32, #tpu.memory_space<vmem>> -> memref<16x128xf32, #tpu.memory_space<vmem>>
      %dma_start3A_304 = arith.constant 0 : i32
      %dma_start3A_305 = tpu.memref_slice %arg4[%dma_start3A_304, %multiple_of3A_292] : memref<16x1000000xf32, #tpu.memory_space<hbm>> -> memref<16x128xf32, #tpu.memory_space<hbm>>
      tpu.enqueue_dma source(%dma_start3A_305 : memref<16x128xf32, #tpu.memory_space<hbm>>) target(%dma_start3A_303 : memref<16x128xf32, #tpu.memory_space<vmem>>) target_semaphore(%arg12 : memref<!tpu.dma_semaphore, #tpu.memory_space<semaphore_mem>>)
      %mul3A_306 = arith.constant 5 : i32
      %mul3A_307 = arith.muli %scan3A_8, %mul3A_306 : i32
      %add3A_308 = arith.constant 2 : i32
      %add3A_309 = arith.addi %mul3A_307, %add3A_308 : i32
      %mul3A_310 = arith.constant 32 : i32
      %mul3A_311 = arith.muli %add3A_309, %mul3A_310 : i32
      %add3A_312 = arith.addi %mul3A_311, %add3A : i32
      %min3A_313 = arith.constant 7811 : i32
      %min3A_314 = arith.minsi %add3A_312, %min3A_313 : i32
      %mul3A_315 = arith.constant 128 : i32
      %mul3A_316 = arith.muli %min3A_314, %mul3A_315 : i32
      %multiple_of3A_317 = tpu.assume_multiple %mul3A_316, 128 : i32
      %dma_start3A_318 = arith.constant 12 : i32
      %dma_start3A_319 = arith.constant 0 : i32
      %dma_start3A_320 = arith.constant 0 : i32
      %dma_start3A_321 = tpu.memref_slice %arg11[%dma_start3A_318, %dma_start3A_319, %dma_start3A_320] : memref<15x16x128xf32, #tpu.memory_space<vmem>> -> memref<1x16x128xf32, #tpu.memory_space<vmem>>
      %dma_start3A_322 = tpu.memref_squeeze %dma_start3A_321 : memref<1x16x128xf32, #tpu.memory_space<vmem>> -> memref<16x128xf32, #tpu.memory_space<vmem>>
      %dma_start3A_323 = arith.constant 0 : i32
      %dma_start3A_324 = tpu.memref_slice %arg4[%dma_start3A_323, %multiple_of3A_317] : memref<16x1000000xf32, #tpu.memory_space<hbm>> -> memref<16x128xf32, #tpu.memory_space<hbm>>
      %dma_start3A_325 = arith.constant 0 : i32
      %dma_start3A_326 = arith.constant 0 : i32
      %dma_start3A_327 = tpu.memref_slice %arg11[%dma_start3A_318, %dma_start3A_325, %dma_start3A_326] : memref<15x16x128xf32, #tpu.memory_space<vmem>> -> memref<1x16x128xf32, #tpu.memory_space<vmem>>
      %dma_start3A_328 = tpu.memref_squeeze %dma_start3A_327 : memref<1x16x128xf32, #tpu.memory_space<vmem>> -> memref<16x128xf32, #tpu.memory_space<vmem>>
      %dma_start3A_329 = arith.constant 0 : i32
      %dma_start3A_330 = tpu.memref_slice %arg4[%dma_start3A_329, %multiple_of3A_317] : memref<16x1000000xf32, #tpu.memory_space<hbm>> -> memref<16x128xf32, #tpu.memory_space<hbm>>
      tpu.enqueue_dma source(%dma_start3A_330 : memref<16x128xf32, #tpu.memory_space<hbm>>) target(%dma_start3A_328 : memref<16x128xf32, #tpu.memory_space<vmem>>) target_semaphore(%arg12 : memref<!tpu.dma_semaphore, #tpu.memory_space<semaphore_mem>>)
      %mul3A_331 = arith.constant 5 : i32
      %mul3A_332 = arith.muli %scan3A_8, %mul3A_331 : i32
      %add3A_333 = arith.constant 3 : i32
      %add3A_334 = arith.addi %mul3A_332, %add3A_333 : i32
      %mul3A_335 = arith.constant 32 : i32
      %mul3A_336 = arith.muli %add3A_334, %mul3A_335 : i32
      %add3A_337 = arith.addi %mul3A_336, %add3A : i32
      %min3A_338 = arith.constant 7811 : i32
      %min3A_339 = arith.minsi %add3A_337, %min3A_338 : i32
      %mul3A_340 = arith.constant 128 : i32
      %mul3A_341 = arith.muli %min3A_339, %mul3A_340 : i32
      %multiple_of3A_342 = tpu.assume_multiple %mul3A_341, 128 : i32
      %dma_start3A_343 = arith.constant 13 : i32
      %dma_start3A_344 = arith.constant 0 : i32
      %dma_start3A_345 = arith.constant 0 : i32
      %dma_start3A_346 = tpu.memref_slice %arg11[%dma_start3A_343, %dma_start3A_344, %dma_start3A_345] : memref<15x16x128xf32, #tpu.memory_space<vmem>> -> memref<1x16x128xf32, #tpu.memory_space<vmem>>
      %dma_start3A_347 = tpu.memref_squeeze %dma_start3A_346 : memref<1x16x128xf32, #tpu.memory_space<vmem>> -> memref<16x128xf32, #tpu.memory_space<vmem>>
      %dma_start3A_348 = arith.constant 0 : i32
      %dma_start3A_349 = tpu.memref_slice %arg4[%dma_start3A_348, %multiple_of3A_342] : memref<16x1000000xf32, #tpu.memory_space<hbm>> -> memref<16x128xf32, #tpu.memory_space<hbm>>
      %dma_start3A_350 = arith.constant 0 : i32
      %dma_start3A_351 = arith.constant 0 : i32
      %dma_start3A_352 = tpu.memref_slice %arg11[%dma_start3A_343, %dma_start3A_350, %dma_start3A_351] : memref<15x16x128xf32, #tpu.memory_space<vmem>> -> memref<1x16x128xf32, #tpu.memory_space<vmem>>
      %dma_start3A_353 = tpu.memref_squeeze %dma_start3A_352 : memref<1x16x128xf32, #tpu.memory_space<vmem>> -> memref<16x128xf32, #tpu.memory_space<vmem>>
      %dma_start3A_354 = arith.constant 0 : i32
      %dma_start3A_355 = tpu.memref_slice %arg4[%dma_start3A_354, %multiple_of3A_342] : memref<16x1000000xf32, #tpu.memory_space<hbm>> -> memref<16x128xf32, #tpu.memory_space<hbm>>
      tpu.enqueue_dma source(%dma_start3A_355 : memref<16x128xf32, #tpu.memory_space<hbm>>) target(%dma_start3A_353 : memref<16x128xf32, #tpu.memory_space<vmem>>) target_semaphore(%arg12 : memref<!tpu.dma_semaphore, #tpu.memory_space<semaphore_mem>>)
      %mul3A_356 = arith.constant 5 : i32
      %mul3A_357 = arith.muli %scan3A_8, %mul3A_356 : i32
      %add3A_358 = arith.constant 4 : i32
      %add3A_359 = arith.addi %mul3A_357, %add3A_358 : i32
      %mul3A_360 = arith.constant 32 : i32
      %mul3A_361 = arith.muli %add3A_359, %mul3A_360 : i32
      %add3A_362 = arith.addi %mul3A_361, %add3A : i32
      %min3A_363 = arith.constant 7811 : i32
      %min3A_364 = arith.minsi %add3A_362, %min3A_363 : i32
      %mul3A_365 = arith.constant 128 : i32
      %mul3A_366 = arith.muli %min3A_364, %mul3A_365 : i32
      %multiple_of3A_367 = tpu.assume_multiple %mul3A_366, 128 : i32
      %dma_start3A_368 = arith.constant 14 : i32
      %dma_start3A_369 = arith.constant 0 : i32
      %dma_start3A_370 = arith.constant 0 : i32
      %dma_start3A_371 = tpu.memref_slice %arg11[%dma_start3A_368, %dma_start3A_369, %dma_start3A_370] : memref<15x16x128xf32, #tpu.memory_space<vmem>> -> memref<1x16x128xf32, #tpu.memory_space<vmem>>
      %dma_start3A_372 = tpu.memref_squeeze %dma_start3A_371 : memref<1x16x128xf32, #tpu.memory_space<vmem>> -> memref<16x128xf32, #tpu.memory_space<vmem>>
      %dma_start3A_373 = arith.constant 0 : i32
      %dma_start3A_374 = tpu.memref_slice %arg4[%dma_start3A_373, %multiple_of3A_367] : memref<16x1000000xf32, #tpu.memory_space<hbm>> -> memref<16x128xf32, #tpu.memory_space<hbm>>
      %dma_start3A_375 = arith.constant 0 : i32
      %dma_start3A_376 = arith.constant 0 : i32
      %dma_start3A_377 = tpu.memref_slice %arg11[%dma_start3A_368, %dma_start3A_375, %dma_start3A_376] : memref<15x16x128xf32, #tpu.memory_space<vmem>> -> memref<1x16x128xf32, #tpu.memory_space<vmem>>
      %dma_start3A_378 = tpu.memref_squeeze %dma_start3A_377 : memref<1x16x128xf32, #tpu.memory_space<vmem>> -> memref<16x128xf32, #tpu.memory_space<vmem>>
      %dma_start3A_379 = arith.constant 0 : i32
      %dma_start3A_380 = tpu.memref_slice %arg4[%dma_start3A_379, %multiple_of3A_367] : memref<16x1000000xf32, #tpu.memory_space<hbm>> -> memref<16x128xf32, #tpu.memory_space<hbm>>
      tpu.enqueue_dma source(%dma_start3A_380 : memref<16x128xf32, #tpu.memory_space<hbm>>) target(%dma_start3A_378 : memref<16x128xf32, #tpu.memory_space<vmem>>) target_semaphore(%arg12 : memref<!tpu.dma_semaphore, #tpu.memory_space<semaphore_mem>>)
      %dma_wait3A = arith.constant 0 : i32
      %dma_wait3A_381 = arith.constant 0 : i32
      %dma_wait3A_382 = arith.constant 0 : i32
      %dma_wait3A_383 = tpu.memref_slice %arg11[%dma_wait3A, %dma_wait3A_381, %dma_wait3A_382] : memref<15x16x128xf32, #tpu.memory_space<vmem>> -> memref<1x16x128xf32, #tpu.memory_space<vmem>>
      %dma_wait3A_384 = tpu.memref_squeeze %dma_wait3A_383 : memref<1x16x128xf32, #tpu.memory_space<vmem>> -> memref<16x128xf32, #tpu.memory_space<vmem>>
      %dma_wait3A_385 = arith.constant 0 : i32
      %dma_wait3A_386 = tpu.memref_slice %arg2[%dma_wait3A_385, %multiple_of3A] : memref<16x1000000xf32, #tpu.memory_space<hbm>> -> memref<16x128xf32, #tpu.memory_space<hbm>>
      %dma_wait3A_387 = arith.constant 0 : i32
      %dma_wait3A_388 = arith.constant 0 : i32
      %dma_wait3A_389 = tpu.memref_slice %arg11[%dma_wait3A, %dma_wait3A_387, %dma_wait3A_388] : memref<15x16x128xf32, #tpu.memory_space<vmem>> -> memref<1x16x128xf32, #tpu.memory_space<vmem>>
      %dma_wait3A_390 = tpu.memref_squeeze %dma_wait3A_389 : memref<1x16x128xf32, #tpu.memory_space<vmem>> -> memref<16x128xf32, #tpu.memory_space<vmem>>
      %dma_wait3A_391 = arith.constant 0 : i32
      %dma_wait3A_392 = tpu.memref_slice %arg2[%dma_wait3A_391, %multiple_of3A] : memref<16x1000000xf32, #tpu.memory_space<hbm>> -> memref<16x128xf32, #tpu.memory_space<hbm>>
      tpu.wait_dma2 semaphore(%arg12 : memref<!tpu.dma_semaphore, #tpu.memory_space<semaphore_mem>>) src(%dma_wait3A_392 : memref<16x128xf32, #tpu.memory_space<hbm>>) dst(%dma_wait3A_390 : memref<16x128xf32, #tpu.memory_space<vmem>>)
      %mul3A_393 = arith.constant 16 : i32
      %mul3A_394 = arith.muli %min3A_16, %mul3A_393 : i32
      %dma_start3A_395 = arith.constant 0 : i32
      %dma_start3A_396 = arith.constant 0 : i32
      %dma_start3A_397 = arith.constant 0 : i32
      %dma_start3A_398 = tpu.memref_slice %arg11[%dma_start3A_395, %dma_start3A_396, %dma_start3A_397] : memref<15x16x128xf32, #tpu.memory_space<vmem>> -> memref<1x16x128xf32, #tpu.memory_space<vmem>>
      %dma_start3A_399 = tpu.memref_squeeze %dma_start3A_398 : memref<1x16x128xf32, #tpu.memory_space<vmem>> -> memref<16x128xf32, #tpu.memory_space<vmem>>
      %dma_start3A_400 = arith.constant 0 : i32
      %dma_start3A_401 = tpu.memref_slice %arg8[%mul3A_394, %dma_start3A_400] : memref<125008x128xf32, #tpu.memory_space<hbm>> -> memref<16x128xf32, #tpu.memory_space<hbm>>
      %dma_start3A_402 = arith.constant 0 : i32
      %dma_start3A_403 = tpu.memref_slice %arg8[%mul3A_394, %dma_start3A_402] : memref<125008x128xf32, #tpu.memory_space<hbm>> -> memref<16x128xf32, #tpu.memory_space<hbm>>
      %dma_start3A_404 = arith.constant 0 : i32
      %dma_start3A_405 = arith.constant 0 : i32
      %dma_start3A_406 = tpu.memref_slice %arg11[%dma_start3A_395, %dma_start3A_404, %dma_start3A_405] : memref<15x16x128xf32, #tpu.memory_space<vmem>> -> memref<1x16x128xf32, #tpu.memory_space<vmem>>
      %dma_start3A_407 = tpu.memref_squeeze %dma_start3A_406 : memref<1x16x128xf32, #tpu.memory_space<vmem>> -> memref<16x128xf32, #tpu.memory_space<vmem>>
      tpu.enqueue_dma source(%dma_start3A_407 : memref<16x128xf32, #tpu.memory_space<vmem>>) target(%dma_start3A_403 : memref<16x128xf32, #tpu.memory_space<hbm>>) target_semaphore(%arg13 : memref<!tpu.dma_semaphore, #tpu.memory_space<semaphore_mem>>)
      %dma_wait3A_408 = arith.constant 1 : i32
      %dma_wait3A_409 = arith.constant 0 : i32
      %dma_wait3A_410 = arith.constant 0 : i32
      %dma_wait3A_411 = tpu.memref_slice %arg11[%dma_wait3A_408, %dma_wait3A_409, %dma_wait3A_410] : memref<15x16x128xf32, #tpu.memory_space<vmem>> -> memref<1x16x128xf32, #tpu.memory_space<vmem>>
      %dma_wait3A_412 = tpu.memref_squeeze %dma_wait3A_411 : memref<1x16x128xf32, #tpu.memory_space<vmem>> -> memref<16x128xf32, #tpu.memory_space<vmem>>
      %dma_wait3A_413 = arith.constant 0 : i32
      %dma_wait3A_414 = tpu.memref_slice %arg2[%dma_wait3A_413, %multiple_of3A_42] : memref<16x1000000xf32, #tpu.memory_space<hbm>> -> memref<16x128xf32, #tpu.memory_space<hbm>>
      %dma_wait3A_415 = arith.constant 0 : i32
      %dma_wait3A_416 = arith.constant 0 : i32
      %dma_wait3A_417 = tpu.memref_slice %arg11[%dma_wait3A_408, %dma_wait3A_415, %dma_wait3A_416] : memref<15x16x128xf32, #tpu.memory_space<vmem>> -> memref<1x16x128xf32, #tpu.memory_space<vmem>>
      %dma_wait3A_418 = tpu.memref_squeeze %dma_wait3A_417 : memref<1x16x128xf32, #tpu.memory_space<vmem>> -> memref<16x128xf32, #tpu.memory_space<vmem>>
      %dma_wait3A_419 = arith.constant 0 : i32
      %dma_wait3A_420 = tpu.memref_slice %arg2[%dma_wait3A_419, %multiple_of3A_42] : memref<16x1000000xf32, #tpu.memory_space<hbm>> -> memref<16x128xf32, #tpu.memory_space<hbm>>
      tpu.wait_dma2 semaphore(%arg12 : memref<!tpu.dma_semaphore, #tpu.memory_space<semaphore_mem>>) src(%dma_wait3A_420 : memref<16x128xf32, #tpu.memory_space<hbm>>) dst(%dma_wait3A_418 : memref<16x128xf32, #tpu.memory_space<vmem>>)
      %mul3A_421 = arith.constant 16 : i32
      %mul3A_422 = arith.muli %min3A_39, %mul3A_421 : i32
      %dma_start3A_423 = arith.constant 1 : i32
      %dma_start3A_424 = arith.constant 0 : i32
      %dma_start3A_425 = arith.constant 0 : i32
      %dma_start3A_426 = tpu.memref_slice %arg11[%dma_start3A_423, %dma_start3A_424, %dma_start3A_425] : memref<15x16x128xf32, #tpu.memory_space<vmem>> -> memref<1x16x128xf32, #tpu.memory_space<vmem>>
      %dma_start3A_427 = tpu.memref_squeeze %dma_start3A_426 : memref<1x16x128xf32, #tpu.memory_space<vmem>> -> memref<16x128xf32, #tpu.memory_space<vmem>>
      %dma_start3A_428 = arith.constant 0 : i32
      %dma_start3A_429 = tpu.memref_slice %arg8[%mul3A_422, %dma_start3A_428] : memref<125008x128xf32, #tpu.memory_space<hbm>> -> memref<16x128xf32, #tpu.memory_space<hbm>>
      %dma_start3A_430 = arith.constant 0 : i32
      %dma_start3A_431 = tpu.memref_slice %arg8[%mul3A_422, %dma_start3A_430] : memref<125008x128xf32, #tpu.memory_space<hbm>> -> memref<16x128xf32, #tpu.memory_space<hbm>>
      %dma_start3A_432 = arith.constant 0 : i32
      %dma_start3A_433 = arith.constant 0 : i32
      %dma_start3A_434 = tpu.memref_slice %arg11[%dma_start3A_423, %dma_start3A_432, %dma_start3A_433] : memref<15x16x128xf32, #tpu.memory_space<vmem>> -> memref<1x16x128xf32, #tpu.memory_space<vmem>>
      %dma_start3A_435 = tpu.memref_squeeze %dma_start3A_434 : memref<1x16x128xf32, #tpu.memory_space<vmem>> -> memref<16x128xf32, #tpu.memory_space<vmem>>
      tpu.enqueue_dma source(%dma_start3A_435 : memref<16x128xf32, #tpu.memory_space<vmem>>) target(%dma_start3A_431 : memref<16x128xf32, #tpu.memory_space<hbm>>) target_semaphore(%arg13 : memref<!tpu.dma_semaphore, #tpu.memory_space<semaphore_mem>>)
      %dma_wait3A_436 = arith.constant 2 : i32
      %dma_wait3A_437 = arith.constant 0 : i32
      %dma_wait3A_438 = arith.constant 0 : i32
      %dma_wait3A_439 = tpu.memref_slice %arg11[%dma_wait3A_436, %dma_wait3A_437, %dma_wait3A_438] : memref<15x16x128xf32, #tpu.memory_space<vmem>> -> memref<1x16x128xf32, #tpu.memory_space<vmem>>
      %dma_wait3A_440 = tpu.memref_squeeze %dma_wait3A_439 : memref<1x16x128xf32, #tpu.memory_space<vmem>> -> memref<16x128xf32, #tpu.memory_space<vmem>>
      %dma_wait3A_441 = arith.constant 0 : i32
      %dma_wait3A_442 = tpu.memref_slice %arg2[%dma_wait3A_441, %multiple_of3A_67] : memref<16x1000000xf32, #tpu.memory_space<hbm>> -> memref<16x128xf32, #tpu.memory_space<hbm>>
      %dma_wait3A_443 = arith.constant 0 : i32
      %dma_wait3A_444 = arith.constant 0 : i32
      %dma_wait3A_445 = tpu.memref_slice %arg11[%dma_wait3A_436, %dma_wait3A_443, %dma_wait3A_444] : memref<15x16x128xf32, #tpu.memory_space<vmem>> -> memref<1x16x128xf32, #tpu.memory_space<vmem>>
      %dma_wait3A_446 = tpu.memref_squeeze %dma_wait3A_445 : memref<1x16x128xf32, #tpu.memory_space<vmem>> -> memref<16x128xf32, #tpu.memory_space<vmem>>
      %dma_wait3A_447 = arith.constant 0 : i32
      %dma_wait3A_448 = tpu.memref_slice %arg2[%dma_wait3A_447, %multiple_of3A_67] : memref<16x1000000xf32, #tpu.memory_space<hbm>> -> memref<16x128xf32, #tpu.memory_space<hbm>>
      tpu.wait_dma2 semaphore(%arg12 : memref<!tpu.dma_semaphore, #tpu.memory_space<semaphore_mem>>) src(%dma_wait3A_448 : memref<16x128xf32, #tpu.memory_space<hbm>>) dst(%dma_wait3A_446 : memref<16x128xf32, #tpu.memory_space<vmem>>)
      %mul3A_449 = arith.constant 16 : i32
      %mul3A_450 = arith.muli %min3A_64, %mul3A_449 : i32
      %dma_start3A_451 = arith.constant 2 : i32
      %dma_start3A_452 = arith.constant 0 : i32
      %dma_start3A_453 = arith.constant 0 : i32
      %dma_start3A_454 = tpu.memref_slice %arg11[%dma_start3A_451, %dma_start3A_452, %dma_start3A_453] : memref<15x16x128xf32, #tpu.memory_space<vmem>> -> memref<1x16x128xf32, #tpu.memory_space<vmem>>
      %dma_start3A_455 = tpu.memref_squeeze %dma_start3A_454 : memref<1x16x128xf32, #tpu.memory_space<vmem>> -> memref<16x128xf32, #tpu.memory_space<vmem>>
      %dma_start3A_456 = arith.constant 0 : i32
      %dma_start3A_457 = tpu.memref_slice %arg8[%mul3A_450, %dma_start3A_456] : memref<125008x128xf32, #tpu.memory_space<hbm>> -> memref<16x128xf32, #tpu.memory_space<hbm>>
      %dma_start3A_458 = arith.constant 0 : i32
      %dma_start3A_459 = tpu.memref_slice %arg8[%mul3A_450, %dma_start3A_458] : memref<125008x128xf32, #tpu.memory_space<hbm>> -> memref<16x128xf32, #tpu.memory_space<hbm>>
      %dma_start3A_460 = arith.constant 0 : i32
      %dma_start3A_461 = arith.constant 0 : i32
      %dma_start3A_462 = tpu.memref_slice %arg11[%dma_start3A_451, %dma_start3A_460, %dma_start3A_461] : memref<15x16x128xf32, #tpu.memory_space<vmem>> -> memref<1x16x128xf32, #tpu.memory_space<vmem>>
      %dma_start3A_463 = tpu.memref_squeeze %dma_start3A_462 : memref<1x16x128xf32, #tpu.memory_space<vmem>> -> memref<16x128xf32, #tpu.memory_space<vmem>>
      tpu.enqueue_dma source(%dma_start3A_463 : memref<16x128xf32, #tpu.memory_space<vmem>>) target(%dma_start3A_459 : memref<16x128xf32, #tpu.memory_space<hbm>>) target_semaphore(%arg13 : memref<!tpu.dma_semaphore, #tpu.memory_space<semaphore_mem>>)
      %dma_wait3A_464 = arith.constant 3 : i32
      %dma_wait3A_465 = arith.constant 0 : i32
      %dma_wait3A_466 = arith.constant 0 : i32
      %dma_wait3A_467 = tpu.memref_slice %arg11[%dma_wait3A_464, %dma_wait3A_465, %dma_wait3A_466] : memref<15x16x128xf32, #tpu.memory_space<vmem>> -> memref<1x16x128xf32, #tpu.memory_space<vmem>>
      %dma_wait3A_468 = tpu.memref_squeeze %dma_wait3A_467 : memref<1x16x128xf32, #tpu.memory_space<vmem>> -> memref<16x128xf32, #tpu.memory_space<vmem>>
      %dma_wait3A_469 = arith.constant 0 : i32
      %dma_wait3A_470 = tpu.memref_slice %arg2[%dma_wait3A_469, %multiple_of3A_92] : memref<16x1000000xf32, #tpu.memory_space<hbm>> -> memref<16x128xf32, #tpu.memory_space<hbm>>
      %dma_wait3A_471 = arith.constant 0 : i32
      %dma_wait3A_472 = arith.constant 0 : i32
      %dma_wait3A_473 = tpu.memref_slice %arg11[%dma_wait3A_464, %dma_wait3A_471, %dma_wait3A_472] : memref<15x16x128xf32, #tpu.memory_space<vmem>> -> memref<1x16x128xf32, #tpu.memory_space<vmem>>
      %dma_wait3A_474 = tpu.memref_squeeze %dma_wait3A_473 : memref<1x16x128xf32, #tpu.memory_space<vmem>> -> memref<16x128xf32, #tpu.memory_space<vmem>>
      %dma_wait3A_475 = arith.constant 0 : i32
      %dma_wait3A_476 = tpu.memref_slice %arg2[%dma_wait3A_475, %multiple_of3A_92] : memref<16x1000000xf32, #tpu.memory_space<hbm>> -> memref<16x128xf32, #tpu.memory_space<hbm>>
      tpu.wait_dma2 semaphore(%arg12 : memref<!tpu.dma_semaphore, #tpu.memory_space<semaphore_mem>>) src(%dma_wait3A_476 : memref<16x128xf32, #tpu.memory_space<hbm>>) dst(%dma_wait3A_474 : memref<16x128xf32, #tpu.memory_space<vmem>>)
      %mul3A_477 = arith.constant 16 : i32
      %mul3A_478 = arith.muli %min3A_89, %mul3A_477 : i32
      %dma_start3A_479 = arith.constant 3 : i32
      %dma_start3A_480 = arith.constant 0 : i32
      %dma_start3A_481 = arith.constant 0 : i32
      %dma_start3A_482 = tpu.memref_slice %arg11[%dma_start3A_479, %dma_start3A_480, %dma_start3A_481] : memref<15x16x128xf32, #tpu.memory_space<vmem>> -> memref<1x16x128xf32, #tpu.memory_space<vmem>>
      %dma_start3A_483 = tpu.memref_squeeze %dma_start3A_482 : memref<1x16x128xf32, #tpu.memory_space<vmem>> -> memref<16x128xf32, #tpu.memory_space<vmem>>
      %dma_start3A_484 = arith.constant 0 : i32
      %dma_start3A_485 = tpu.memref_slice %arg8[%mul3A_478, %dma_start3A_484] : memref<125008x128xf32, #tpu.memory_space<hbm>> -> memref<16x128xf32, #tpu.memory_space<hbm>>
      %dma_start3A_486 = arith.constant 0 : i32
      %dma_start3A_487 = tpu.memref_slice %arg8[%mul3A_478, %dma_start3A_486] : memref<125008x128xf32, #tpu.memory_space<hbm>> -> memref<16x128xf32, #tpu.memory_space<hbm>>
      %dma_start3A_488 = arith.constant 0 : i32
      %dma_start3A_489 = arith.constant 0 : i32
      %dma_start3A_490 = tpu.memref_slice %arg11[%dma_start3A_479, %dma_start3A_488, %dma_start3A_489] : memref<15x16x128xf32, #tpu.memory_space<vmem>> -> memref<1x16x128xf32, #tpu.memory_space<vmem>>
      %dma_start3A_491 = tpu.memref_squeeze %dma_start3A_490 : memref<1x16x128xf32, #tpu.memory_space<vmem>> -> memref<16x128xf32, #tpu.memory_space<vmem>>
      tpu.enqueue_dma source(%dma_start3A_491 : memref<16x128xf32, #tpu.memory_space<vmem>>) target(%dma_start3A_487 : memref<16x128xf32, #tpu.memory_space<hbm>>) target_semaphore(%arg13 : memref<!tpu.dma_semaphore, #tpu.memory_space<semaphore_mem>>)
      %dma_wait3A_492 = arith.constant 4 : i32
      %dma_wait3A_493 = arith.constant 0 : i32
      %dma_wait3A_494 = arith.constant 0 : i32
      %dma_wait3A_495 = tpu.memref_slice %arg11[%dma_wait3A_492, %dma_wait3A_493, %dma_wait3A_494] : memref<15x16x128xf32, #tpu.memory_space<vmem>> -> memref<1x16x128xf32, #tpu.memory_space<vmem>>
      %dma_wait3A_496 = tpu.memref_squeeze %dma_wait3A_495 : memref<1x16x128xf32, #tpu.memory_space<vmem>> -> memref<16x128xf32, #tpu.memory_space<vmem>>
      %dma_wait3A_497 = arith.constant 0 : i32
      %dma_wait3A_498 = tpu.memref_slice %arg2[%dma_wait3A_497, %multiple_of3A_117] : memref<16x1000000xf32, #tpu.memory_space<hbm>> -> memref<16x128xf32, #tpu.memory_space<hbm>>
      %dma_wait3A_499 = arith.constant 0 : i32
      %dma_wait3A_500 = arith.constant 0 : i32
      %dma_wait3A_501 = tpu.memref_slice %arg11[%dma_wait3A_492, %dma_wait3A_499, %dma_wait3A_500] : memref<15x16x128xf32, #tpu.memory_space<vmem>> -> memref<1x16x128xf32, #tpu.memory_space<vmem>>
      %dma_wait3A_502 = tpu.memref_squeeze %dma_wait3A_501 : memref<1x16x128xf32, #tpu.memory_space<vmem>> -> memref<16x128xf32, #tpu.memory_space<vmem>>
      %dma_wait3A_503 = arith.constant 0 : i32
      %dma_wait3A_504 = tpu.memref_slice %arg2[%dma_wait3A_503, %multiple_of3A_117] : memref<16x1000000xf32, #tpu.memory_space<hbm>> -> memref<16x128xf32, #tpu.memory_space<hbm>>
      tpu.wait_dma2 semaphore(%arg12 : memref<!tpu.dma_semaphore, #tpu.memory_space<semaphore_mem>>) src(%dma_wait3A_504 : memref<16x128xf32, #tpu.memory_space<hbm>>) dst(%dma_wait3A_502 : memref<16x128xf32, #tpu.memory_space<vmem>>)
      %mul3A_505 = arith.constant 16 : i32
      %mul3A_506 = arith.muli %min3A_114, %mul3A_505 : i32
      %dma_start3A_507 = arith.constant 4 : i32
      %dma_start3A_508 = arith.constant 0 : i32
      %dma_start3A_509 = arith.constant 0 : i32
      %dma_start3A_510 = tpu.memref_slice %arg11[%dma_start3A_507, %dma_start3A_508, %dma_start3A_509] : memref<15x16x128xf32, #tpu.memory_space<vmem>> -> memref<1x16x128xf32, #tpu.memory_space<vmem>>
      %dma_start3A_511 = tpu.memref_squeeze %dma_start3A_510 : memref<1x16x128xf32, #tpu.memory_space<vmem>> -> memref<16x128xf32, #tpu.memory_space<vmem>>
      %dma_start3A_512 = arith.constant 0 : i32
      %dma_start3A_513 = tpu.memref_slice %arg8[%mul3A_506, %dma_start3A_512] : memref<125008x128xf32, #tpu.memory_space<hbm>> -> memref<16x128xf32, #tpu.memory_space<hbm>>
      %dma_start3A_514 = arith.constant 0 : i32
      %dma_start3A_515 = tpu.memref_slice %arg8[%mul3A_506, %dma_start3A_514] : memref<125008x128xf32, #tpu.memory_space<hbm>> -> memref<16x128xf32, #tpu.memory_space<hbm>>
      %dma_start3A_516 = arith.constant 0 : i32
      %dma_start3A_517 = arith.constant 0 : i32
      %dma_start3A_518 = tpu.memref_slice %arg11[%dma_start3A_507, %dma_start3A_516, %dma_start3A_517] : memref<15x16x128xf32, #tpu.memory_space<vmem>> -> memref<1x16x128xf32, #tpu.memory_space<vmem>>
      %dma_start3A_519 = tpu.memref_squeeze %dma_start3A_518 : memref<1x16x128xf32, #tpu.memory_space<vmem>> -> memref<16x128xf32, #tpu.memory_space<vmem>>
      tpu.enqueue_dma source(%dma_start3A_519 : memref<16x128xf32, #tpu.memory_space<vmem>>) target(%dma_start3A_515 : memref<16x128xf32, #tpu.memory_space<hbm>>) target_semaphore(%arg13 : memref<!tpu.dma_semaphore, #tpu.memory_space<semaphore_mem>>)
      %dma_wait3A_520 = arith.constant 5 : i32
      %dma_wait3A_521 = arith.constant 0 : i32
      %dma_wait3A_522 = arith.constant 0 : i32
      %dma_wait3A_523 = tpu.memref_slice %arg11[%dma_wait3A_520, %dma_wait3A_521, %dma_wait3A_522] : memref<15x16x128xf32, #tpu.memory_space<vmem>> -> memref<1x16x128xf32, #tpu.memory_space<vmem>>
      %dma_wait3A_524 = tpu.memref_squeeze %dma_wait3A_523 : memref<1x16x128xf32, #tpu.memory_space<vmem>> -> memref<16x128xf32, #tpu.memory_space<vmem>>
      %dma_wait3A_525 = arith.constant 0 : i32
      %dma_wait3A_526 = tpu.memref_slice %arg3[%dma_wait3A_525, %multiple_of3A_142] : memref<16x1000000xf32, #tpu.memory_space<hbm>> -> memref<16x128xf32, #tpu.memory_space<hbm>>
      %dma_wait3A_527 = arith.constant 0 : i32
      %dma_wait3A_528 = arith.constant 0 : i32
      %dma_wait3A_529 = tpu.memref_slice %arg11[%dma_wait3A_520, %dma_wait3A_527, %dma_wait3A_528] : memref<15x16x128xf32, #tpu.memory_space<vmem>> -> memref<1x16x128xf32, #tpu.memory_space<vmem>>
      %dma_wait3A_530 = tpu.memref_squeeze %dma_wait3A_529 : memref<1x16x128xf32, #tpu.memory_space<vmem>> -> memref<16x128xf32, #tpu.memory_space<vmem>>
      %dma_wait3A_531 = arith.constant 0 : i32
      %dma_wait3A_532 = tpu.memref_slice %arg3[%dma_wait3A_531, %multiple_of3A_142] : memref<16x1000000xf32, #tpu.memory_space<hbm>> -> memref<16x128xf32, #tpu.memory_space<hbm>>
      tpu.wait_dma2 semaphore(%arg12 : memref<!tpu.dma_semaphore, #tpu.memory_space<semaphore_mem>>) src(%dma_wait3A_532 : memref<16x128xf32, #tpu.memory_space<hbm>>) dst(%dma_wait3A_530 : memref<16x128xf32, #tpu.memory_space<vmem>>)
      %mul3A_533 = arith.constant 16 : i32
      %mul3A_534 = arith.muli %min3A_139, %mul3A_533 : i32
      %dma_start3A_535 = arith.constant 5 : i32
      %dma_start3A_536 = arith.constant 0 : i32
      %dma_start3A_537 = arith.constant 0 : i32
      %dma_start3A_538 = tpu.memref_slice %arg11[%dma_start3A_535, %dma_start3A_536, %dma_start3A_537] : memref<15x16x128xf32, #tpu.memory_space<vmem>> -> memref<1x16x128xf32, #tpu.memory_space<vmem>>
      %dma_start3A_539 = tpu.memref_squeeze %dma_start3A_538 : memref<1x16x128xf32, #tpu.memory_space<vmem>> -> memref<16x128xf32, #tpu.memory_space<vmem>>
      %dma_start3A_540 = arith.constant 0 : i32
      %dma_start3A_541 = tpu.memref_slice %arg9[%mul3A_534, %dma_start3A_540] : memref<125008x128xf32, #tpu.memory_space<hbm>> -> memref<16x128xf32, #tpu.memory_space<hbm>>
      %dma_start3A_542 = arith.constant 0 : i32
      %dma_start3A_543 = tpu.memref_slice %arg9[%mul3A_534, %dma_start3A_542] : memref<125008x128xf32, #tpu.memory_space<hbm>> -> memref<16x128xf32, #tpu.memory_space<hbm>>
      %dma_start3A_544 = arith.constant 0 : i32
      %dma_start3A_545 = arith.constant 0 : i32
      %dma_start3A_546 = tpu.memref_slice %arg11[%dma_start3A_535, %dma_start3A_544, %dma_start3A_545] : memref<15x16x128xf32, #tpu.memory_space<vmem>> -> memref<1x16x128xf32, #tpu.memory_space<vmem>>
      %dma_start3A_547 = tpu.memref_squeeze %dma_start3A_546 : memref<1x16x128xf32, #tpu.memory_space<vmem>> -> memref<16x128xf32, #tpu.memory_space<vmem>>
      tpu.enqueue_dma source(%dma_start3A_547 : memref<16x128xf32, #tpu.memory_space<vmem>>) target(%dma_start3A_543 : memref<16x128xf32, #tpu.memory_space<hbm>>) target_semaphore(%arg13 : memref<!tpu.dma_semaphore, #tpu.memory_space<semaphore_mem>>)
      %dma_wait3A_548 = arith.constant 6 : i32
      %dma_wait3A_549 = arith.constant 0 : i32
      %dma_wait3A_550 = arith.constant 0 : i32
      %dma_wait3A_551 = tpu.memref_slice %arg11[%dma_wait3A_548, %dma_wait3A_549, %dma_wait3A_550] : memref<15x16x128xf32, #tpu.memory_space<vmem>> -> memref<1x16x128xf32, #tpu.memory_space<vmem>>
      %dma_wait3A_552 = tpu.memref_squeeze %dma_wait3A_551 : memref<1x16x128xf32, #tpu.memory_space<vmem>> -> memref<16x128xf32, #tpu.memory_space<vmem>>
      %dma_wait3A_553 = arith.constant 0 : i32
      %dma_wait3A_554 = tpu.memref_slice %arg3[%dma_wait3A_553, %multiple_of3A_167] : memref<16x1000000xf32, #tpu.memory_space<hbm>> -> memref<16x128xf32, #tpu.memory_space<hbm>>
      %dma_wait3A_555 = arith.constant 0 : i32
      %dma_wait3A_556 = arith.constant 0 : i32
      %dma_wait3A_557 = tpu.memref_slice %arg11[%dma_wait3A_548, %dma_wait3A_555, %dma_wait3A_556] : memref<15x16x128xf32, #tpu.memory_space<vmem>> -> memref<1x16x128xf32, #tpu.memory_space<vmem>>
      %dma_wait3A_558 = tpu.memref_squeeze %dma_wait3A_557 : memref<1x16x128xf32, #tpu.memory_space<vmem>> -> memref<16x128xf32, #tpu.memory_space<vmem>>
      %dma_wait3A_559 = arith.constant 0 : i32
      %dma_wait3A_560 = tpu.memref_slice %arg3[%dma_wait3A_559, %multiple_of3A_167] : memref<16x1000000xf32, #tpu.memory_space<hbm>> -> memref<16x128xf32, #tpu.memory_space<hbm>>
      tpu.wait_dma2 semaphore(%arg12 : memref<!tpu.dma_semaphore, #tpu.memory_space<semaphore_mem>>) src(%dma_wait3A_560 : memref<16x128xf32, #tpu.memory_space<hbm>>) dst(%dma_wait3A_558 : memref<16x128xf32, #tpu.memory_space<vmem>>)
      %mul3A_561 = arith.constant 16 : i32
      %mul3A_562 = arith.muli %min3A_164, %mul3A_561 : i32
      %dma_start3A_563 = arith.constant 6 : i32
      %dma_start3A_564 = arith.constant 0 : i32
      %dma_start3A_565 = arith.constant 0 : i32
      %dma_start3A_566 = tpu.memref_slice %arg11[%dma_start3A_563, %dma_start3A_564, %dma_start3A_565] : memref<15x16x128xf32, #tpu.memory_space<vmem>> -> memref<1x16x128xf32, #tpu.memory_space<vmem>>
      %dma_start3A_567 = tpu.memref_squeeze %dma_start3A_566 : memref<1x16x128xf32, #tpu.memory_space<vmem>> -> memref<16x128xf32, #tpu.memory_space<vmem>>
      %dma_start3A_568 = arith.constant 0 : i32
      %dma_start3A_569 = tpu.memref_slice %arg9[%mul3A_562, %dma_start3A_568] : memref<125008x128xf32, #tpu.memory_space<hbm>> -> memref<16x128xf32, #tpu.memory_space<hbm>>
      %dma_start3A_570 = arith.constant 0 : i32
      %dma_start3A_571 = tpu.memref_slice %arg9[%mul3A_562, %dma_start3A_570] : memref<125008x128xf32, #tpu.memory_space<hbm>> -> memref<16x128xf32, #tpu.memory_space<hbm>>
      %dma_start3A_572 = arith.constant 0 : i32
      %dma_start3A_573 = arith.constant 0 : i32
      %dma_start3A_574 = tpu.memref_slice %arg11[%dma_start3A_563, %dma_start3A_572, %dma_start3A_573] : memref<15x16x128xf32, #tpu.memory_space<vmem>> -> memref<1x16x128xf32, #tpu.memory_space<vmem>>
      %dma_start3A_575 = tpu.memref_squeeze %dma_start3A_574 : memref<1x16x128xf32, #tpu.memory_space<vmem>> -> memref<16x128xf32, #tpu.memory_space<vmem>>
      tpu.enqueue_dma source(%dma_start3A_575 : memref<16x128xf32, #tpu.memory_space<vmem>>) target(%dma_start3A_571 : memref<16x128xf32, #tpu.memory_space<hbm>>) target_semaphore(%arg13 : memref<!tpu.dma_semaphore, #tpu.memory_space<semaphore_mem>>)
      %dma_wait3A_576 = arith.constant 7 : i32
      %dma_wait3A_577 = arith.constant 0 : i32
      %dma_wait3A_578 = arith.constant 0 : i32
      %dma_wait3A_579 = tpu.memref_slice %arg11[%dma_wait3A_576, %dma_wait3A_577, %dma_wait3A_578] : memref<15x16x128xf32, #tpu.memory_space<vmem>> -> memref<1x16x128xf32, #tpu.memory_space<vmem>>
      %dma_wait3A_580 = tpu.memref_squeeze %dma_wait3A_579 : memref<1x16x128xf32, #tpu.memory_space<vmem>> -> memref<16x128xf32, #tpu.memory_space<vmem>>
      %dma_wait3A_581 = arith.constant 0 : i32
      %dma_wait3A_582 = tpu.memref_slice %arg3[%dma_wait3A_581, %multiple_of3A_192] : memref<16x1000000xf32, #tpu.memory_space<hbm>> -> memref<16x128xf32, #tpu.memory_space<hbm>>
      %dma_wait3A_583 = arith.constant 0 : i32
      %dma_wait3A_584 = arith.constant 0 : i32
      %dma_wait3A_585 = tpu.memref_slice %arg11[%dma_wait3A_576, %dma_wait3A_583, %dma_wait3A_584] : memref<15x16x128xf32, #tpu.memory_space<vmem>> -> memref<1x16x128xf32, #tpu.memory_space<vmem>>
      %dma_wait3A_586 = tpu.memref_squeeze %dma_wait3A_585 : memref<1x16x128xf32, #tpu.memory_space<vmem>> -> memref<16x128xf32, #tpu.memory_space<vmem>>
      %dma_wait3A_587 = arith.constant 0 : i32
      %dma_wait3A_588 = tpu.memref_slice %arg3[%dma_wait3A_587, %multiple_of3A_192] : memref<16x1000000xf32, #tpu.memory_space<hbm>> -> memref<16x128xf32, #tpu.memory_space<hbm>>
      tpu.wait_dma2 semaphore(%arg12 : memref<!tpu.dma_semaphore, #tpu.memory_space<semaphore_mem>>) src(%dma_wait3A_588 : memref<16x128xf32, #tpu.memory_space<hbm>>) dst(%dma_wait3A_586 : memref<16x128xf32, #tpu.memory_space<vmem>>)
      %mul3A_589 = arith.constant 16 : i32
      %mul3A_590 = arith.muli %min3A_189, %mul3A_589 : i32
      %dma_start3A_591 = arith.constant 7 : i32
      %dma_start3A_592 = arith.constant 0 : i32
      %dma_start3A_593 = arith.constant 0 : i32
      %dma_start3A_594 = tpu.memref_slice %arg11[%dma_start3A_591, %dma_start3A_592, %dma_start3A_593] : memref<15x16x128xf32, #tpu.memory_space<vmem>> -> memref<1x16x128xf32, #tpu.memory_space<vmem>>
      %dma_start3A_595 = tpu.memref_squeeze %dma_start3A_594 : memref<1x16x128xf32, #tpu.memory_space<vmem>> -> memref<16x128xf32, #tpu.memory_space<vmem>>
      %dma_start3A_596 = arith.constant 0 : i32
      %dma_start3A_597 = tpu.memref_slice %arg9[%mul3A_590, %dma_start3A_596] : memref<125008x128xf32, #tpu.memory_space<hbm>> -> memref<16x128xf32, #tpu.memory_space<hbm>>
      %dma_start3A_598 = arith.constant 0 : i32
      %dma_start3A_599 = tpu.memref_slice %arg9[%mul3A_590, %dma_start3A_598] : memref<125008x128xf32, #tpu.memory_space<hbm>> -> memref<16x128xf32, #tpu.memory_space<hbm>>
      %dma_start3A_600 = arith.constant 0 : i32
      %dma_start3A_601 = arith.constant 0 : i32
      %dma_start3A_602 = tpu.memref_slice %arg11[%dma_start3A_591, %dma_start3A_600, %dma_start3A_601] : memref<15x16x128xf32, #tpu.memory_space<vmem>> -> memref<1x16x128xf32, #tpu.memory_space<vmem>>
      %dma_start3A_603 = tpu.memref_squeeze %dma_start3A_602 : memref<1x16x128xf32, #tpu.memory_space<vmem>> -> memref<16x128xf32, #tpu.memory_space<vmem>>
      tpu.enqueue_dma source(%dma_start3A_603 : memref<16x128xf32, #tpu.memory_space<vmem>>) target(%dma_start3A_599 : memref<16x128xf32, #tpu.memory_space<hbm>>) target_semaphore(%arg13 : memref<!tpu.dma_semaphore, #tpu.memory_space<semaphore_mem>>)
      %dma_wait3A_604 = arith.constant 8 : i32
      %dma_wait3A_605 = arith.constant 0 : i32
      %dma_wait3A_606 = arith.constant 0 : i32
      %dma_wait3A_607 = tpu.memref_slice %arg11[%dma_wait3A_604, %dma_wait3A_605, %dma_wait3A_606] : memref<15x16x128xf32, #tpu.memory_space<vmem>> -> memref<1x16x128xf32, #tpu.memory_space<vmem>>
      %dma_wait3A_608 = tpu.memref_squeeze %dma_wait3A_607 : memref<1x16x128xf32, #tpu.memory_space<vmem>> -> memref<16x128xf32, #tpu.memory_space<vmem>>
      %dma_wait3A_609 = arith.constant 0 : i32
      %dma_wait3A_610 = tpu.memref_slice %arg3[%dma_wait3A_609, %multiple_of3A_217] : memref<16x1000000xf32, #tpu.memory_space<hbm>> -> memref<16x128xf32, #tpu.memory_space<hbm>>
      %dma_wait3A_611 = arith.constant 0 : i32
      %dma_wait3A_612 = arith.constant 0 : i32
      %dma_wait3A_613 = tpu.memref_slice %arg11[%dma_wait3A_604, %dma_wait3A_611, %dma_wait3A_612] : memref<15x16x128xf32, #tpu.memory_space<vmem>> -> memref<1x16x128xf32, #tpu.memory_space<vmem>>
      %dma_wait3A_614 = tpu.memref_squeeze %dma_wait3A_613 : memref<1x16x128xf32, #tpu.memory_space<vmem>> -> memref<16x128xf32, #tpu.memory_space<vmem>>
      %dma_wait3A_615 = arith.constant 0 : i32
      %dma_wait3A_616 = tpu.memref_slice %arg3[%dma_wait3A_615, %multiple_of3A_217] : memref<16x1000000xf32, #tpu.memory_space<hbm>> -> memref<16x128xf32, #tpu.memory_space<hbm>>
      tpu.wait_dma2 semaphore(%arg12 : memref<!tpu.dma_semaphore, #tpu.memory_space<semaphore_mem>>) src(%dma_wait3A_616 : memref<16x128xf32, #tpu.memory_space<hbm>>) dst(%dma_wait3A_614 : memref<16x128xf32, #tpu.memory_space<vmem>>)
      %mul3A_617 = arith.constant 16 : i32
      %mul3A_618 = arith.muli %min3A_214, %mul3A_617 : i32
      %dma_start3A_619 = arith.constant 8 : i32
      %dma_start3A_620 = arith.constant 0 : i32
      %dma_start3A_621 = arith.constant 0 : i32
      %dma_start3A_622 = tpu.memref_slice %arg11[%dma_start3A_619, %dma_start3A_620, %dma_start3A_621] : memref<15x16x128xf32, #tpu.memory_space<vmem>> -> memref<1x16x128xf32, #tpu.memory_space<vmem>>
      %dma_start3A_623 = tpu.memref_squeeze %dma_start3A_622 : memref<1x16x128xf32, #tpu.memory_space<vmem>> -> memref<16x128xf32, #tpu.memory_space<vmem>>
      %dma_start3A_624 = arith.constant 0 : i32
      %dma_start3A_625 = tpu.memref_slice %arg9[%mul3A_618, %dma_start3A_624] : memref<125008x128xf32, #tpu.memory_space<hbm>> -> memref<16x128xf32, #tpu.memory_space<hbm>>
      %dma_start3A_626 = arith.constant 0 : i32
      %dma_start3A_627 = tpu.memref_slice %arg9[%mul3A_618, %dma_start3A_626] : memref<125008x128xf32, #tpu.memory_space<hbm>> -> memref<16x128xf32, #tpu.memory_space<hbm>>
      %dma_start3A_628 = arith.constant 0 : i32
      %dma_start3A_629 = arith.constant 0 : i32
      %dma_start3A_630 = tpu.memref_slice %arg11[%dma_start3A_619, %dma_start3A_628, %dma_start3A_629] : memref<15x16x128xf32, #tpu.memory_space<vmem>> -> memref<1x16x128xf32, #tpu.memory_space<vmem>>
      %dma_start3A_631 = tpu.memref_squeeze %dma_start3A_630 : memref<1x16x128xf32, #tpu.memory_space<vmem>> -> memref<16x128xf32, #tpu.memory_space<vmem>>
      tpu.enqueue_dma source(%dma_start3A_631 : memref<16x128xf32, #tpu.memory_space<vmem>>) target(%dma_start3A_627 : memref<16x128xf32, #tpu.memory_space<hbm>>) target_semaphore(%arg13 : memref<!tpu.dma_semaphore, #tpu.memory_space<semaphore_mem>>)
      %dma_wait3A_632 = arith.constant 9 : i32
      %dma_wait3A_633 = arith.constant 0 : i32
      %dma_wait3A_634 = arith.constant 0 : i32
      %dma_wait3A_635 = tpu.memref_slice %arg11[%dma_wait3A_632, %dma_wait3A_633, %dma_wait3A_634] : memref<15x16x128xf32, #tpu.memory_space<vmem>> -> memref<1x16x128xf32, #tpu.memory_space<vmem>>
      %dma_wait3A_636 = tpu.memref_squeeze %dma_wait3A_635 : memref<1x16x128xf32, #tpu.memory_space<vmem>> -> memref<16x128xf32, #tpu.memory_space<vmem>>
      %dma_wait3A_637 = arith.constant 0 : i32
      %dma_wait3A_638 = tpu.memref_slice %arg3[%dma_wait3A_637, %multiple_of3A_242] : memref<16x1000000xf32, #tpu.memory_space<hbm>> -> memref<16x128xf32, #tpu.memory_space<hbm>>
      %dma_wait3A_639 = arith.constant 0 : i32
      %dma_wait3A_640 = arith.constant 0 : i32
      %dma_wait3A_641 = tpu.memref_slice %arg11[%dma_wait3A_632, %dma_wait3A_639, %dma_wait3A_640] : memref<15x16x128xf32, #tpu.memory_space<vmem>> -> memref<1x16x128xf32, #tpu.memory_space<vmem>>
      %dma_wait3A_642 = tpu.memref_squeeze %dma_wait3A_641 : memref<1x16x128xf32, #tpu.memory_space<vmem>> -> memref<16x128xf32, #tpu.memory_space<vmem>>
      %dma_wait3A_643 = arith.constant 0 : i32
      %dma_wait3A_644 = tpu.memref_slice %arg3[%dma_wait3A_643, %multiple_of3A_242] : memref<16x1000000xf32, #tpu.memory_space<hbm>> -> memref<16x128xf32, #tpu.memory_space<hbm>>
      tpu.wait_dma2 semaphore(%arg12 : memref<!tpu.dma_semaphore, #tpu.memory_space<semaphore_mem>>) src(%dma_wait3A_644 : memref<16x128xf32, #tpu.memory_space<hbm>>) dst(%dma_wait3A_642 : memref<16x128xf32, #tpu.memory_space<vmem>>)
      %mul3A_645 = arith.constant 16 : i32
      %mul3A_646 = arith.muli %min3A_239, %mul3A_645 : i32
      %dma_start3A_647 = arith.constant 9 : i32
      %dma_start3A_648 = arith.constant 0 : i32
      %dma_start3A_649 = arith.constant 0 : i32
      %dma_start3A_650 = tpu.memref_slice %arg11[%dma_start3A_647, %dma_start3A_648, %dma_start3A_649] : memref<15x16x128xf32, #tpu.memory_space<vmem>> -> memref<1x16x128xf32, #tpu.memory_space<vmem>>
      %dma_start3A_651 = tpu.memref_squeeze %dma_start3A_650 : memref<1x16x128xf32, #tpu.memory_space<vmem>> -> memref<16x128xf32, #tpu.memory_space<vmem>>
      %dma_start3A_652 = arith.constant 0 : i32
      %dma_start3A_653 = tpu.memref_slice %arg9[%mul3A_646, %dma_start3A_652] : memref<125008x128xf32, #tpu.memory_space<hbm>> -> memref<16x128xf32, #tpu.memory_space<hbm>>
      %dma_start3A_654 = arith.constant 0 : i32
      %dma_start3A_655 = tpu.memref_slice %arg9[%mul3A_646, %dma_start3A_654] : memref<125008x128xf32, #tpu.memory_space<hbm>> -> memref<16x128xf32, #tpu.memory_space<hbm>>
      %dma_start3A_656 = arith.constant 0 : i32
      %dma_start3A_657 = arith.constant 0 : i32
      %dma_start3A_658 = tpu.memref_slice %arg11[%dma_start3A_647, %dma_start3A_656, %dma_start3A_657] : memref<15x16x128xf32, #tpu.memory_space<vmem>> -> memref<1x16x128xf32, #tpu.memory_space<vmem>>
      %dma_start3A_659 = tpu.memref_squeeze %dma_start3A_658 : memref<1x16x128xf32, #tpu.memory_space<vmem>> -> memref<16x128xf32, #tpu.memory_space<vmem>>
      tpu.enqueue_dma source(%dma_start3A_659 : memref<16x128xf32, #tpu.memory_space<vmem>>) target(%dma_start3A_655 : memref<16x128xf32, #tpu.memory_space<hbm>>) target_semaphore(%arg13 : memref<!tpu.dma_semaphore, #tpu.memory_space<semaphore_mem>>)
      %dma_wait3A_660 = arith.constant 10 : i32
      %dma_wait3A_661 = arith.constant 0 : i32
      %dma_wait3A_662 = arith.constant 0 : i32
      %dma_wait3A_663 = tpu.memref_slice %arg11[%dma_wait3A_660, %dma_wait3A_661, %dma_wait3A_662] : memref<15x16x128xf32, #tpu.memory_space<vmem>> -> memref<1x16x128xf32, #tpu.memory_space<vmem>>
      %dma_wait3A_664 = tpu.memref_squeeze %dma_wait3A_663 : memref<1x16x128xf32, #tpu.memory_space<vmem>> -> memref<16x128xf32, #tpu.memory_space<vmem>>
      %dma_wait3A_665 = arith.constant 0 : i32
      %dma_wait3A_666 = tpu.memref_slice %arg4[%dma_wait3A_665, %multiple_of3A_267] : memref<16x1000000xf32, #tpu.memory_space<hbm>> -> memref<16x128xf32, #tpu.memory_space<hbm>>
      %dma_wait3A_667 = arith.constant 0 : i32
      %dma_wait3A_668 = arith.constant 0 : i32
      %dma_wait3A_669 = tpu.memref_slice %arg11[%dma_wait3A_660, %dma_wait3A_667, %dma_wait3A_668] : memref<15x16x128xf32, #tpu.memory_space<vmem>> -> memref<1x16x128xf32, #tpu.memory_space<vmem>>
      %dma_wait3A_670 = tpu.memref_squeeze %dma_wait3A_669 : memref<1x16x128xf32, #tpu.memory_space<vmem>> -> memref<16x128xf32, #tpu.memory_space<vmem>>
      %dma_wait3A_671 = arith.constant 0 : i32
      %dma_wait3A_672 = tpu.memref_slice %arg4[%dma_wait3A_671, %multiple_of3A_267] : memref<16x1000000xf32, #tpu.memory_space<hbm>> -> memref<16x128xf32, #tpu.memory_space<hbm>>
      tpu.wait_dma2 semaphore(%arg12 : memref<!tpu.dma_semaphore, #tpu.memory_space<semaphore_mem>>) src(%dma_wait3A_672 : memref<16x128xf32, #tpu.memory_space<hbm>>) dst(%dma_wait3A_670 : memref<16x128xf32, #tpu.memory_space<vmem>>)
      %mul3A_673 = arith.constant 16 : i32
      %mul3A_674 = arith.muli %min3A_264, %mul3A_673 : i32
      %dma_start3A_675 = arith.constant 10 : i32
      %dma_start3A_676 = arith.constant 0 : i32
      %dma_start3A_677 = arith.constant 0 : i32
      %dma_start3A_678 = tpu.memref_slice %arg11[%dma_start3A_675, %dma_start3A_676, %dma_start3A_677] : memref<15x16x128xf32, #tpu.memory_space<vmem>> -> memref<1x16x128xf32, #tpu.memory_space<vmem>>
      %dma_start3A_679 = tpu.memref_squeeze %dma_start3A_678 : memref<1x16x128xf32, #tpu.memory_space<vmem>> -> memref<16x128xf32, #tpu.memory_space<vmem>>
      %dma_start3A_680 = arith.constant 0 : i32
      %dma_start3A_681 = tpu.memref_slice %arg10[%mul3A_674, %dma_start3A_680] : memref<125008x128xf32, #tpu.memory_space<hbm>> -> memref<16x128xf32, #tpu.memory_space<hbm>>
      %dma_start3A_682 = arith.constant 0 : i32
      %dma_start3A_683 = tpu.memref_slice %arg10[%mul3A_674, %dma_start3A_682] : memref<125008x128xf32, #tpu.memory_space<hbm>> -> memref<16x128xf32, #tpu.memory_space<hbm>>
      %dma_start3A_684 = arith.constant 0 : i32
      %dma_start3A_685 = arith.constant 0 : i32
      %dma_start3A_686 = tpu.memref_slice %arg11[%dma_start3A_675, %dma_start3A_684, %dma_start3A_685] : memref<15x16x128xf32, #tpu.memory_space<vmem>> -> memref<1x16x128xf32, #tpu.memory_space<vmem>>
      %dma_start3A_687 = tpu.memref_squeeze %dma_start3A_686 : memref<1x16x128xf32, #tpu.memory_space<vmem>> -> memref<16x128xf32, #tpu.memory_space<vmem>>
      tpu.enqueue_dma source(%dma_start3A_687 : memref<16x128xf32, #tpu.memory_space<vmem>>) target(%dma_start3A_683 : memref<16x128xf32, #tpu.memory_space<hbm>>) target_semaphore(%arg13 : memref<!tpu.dma_semaphore, #tpu.memory_space<semaphore_mem>>)
      %dma_wait3A_688 = arith.constant 11 : i32
      %dma_wait3A_689 = arith.constant 0 : i32
      %dma_wait3A_690 = arith.constant 0 : i32
      %dma_wait3A_691 = tpu.memref_slice %arg11[%dma_wait3A_688, %dma_wait3A_689, %dma_wait3A_690] : memref<15x16x128xf32, #tpu.memory_space<vmem>> -> memref<1x16x128xf32, #tpu.memory_space<vmem>>
      %dma_wait3A_692 = tpu.memref_squeeze %dma_wait3A_691 : memref<1x16x128xf32, #tpu.memory_space<vmem>> -> memref<16x128xf32, #tpu.memory_space<vmem>>
      %dma_wait3A_693 = arith.constant 0 : i32
      %dma_wait3A_694 = tpu.memref_slice %arg4[%dma_wait3A_693, %multiple_of3A_292] : memref<16x1000000xf32, #tpu.memory_space<hbm>> -> memref<16x128xf32, #tpu.memory_space<hbm>>
      %dma_wait3A_695 = arith.constant 0 : i32
      %dma_wait3A_696 = arith.constant 0 : i32
      %dma_wait3A_697 = tpu.memref_slice %arg11[%dma_wait3A_688, %dma_wait3A_695, %dma_wait3A_696] : memref<15x16x128xf32, #tpu.memory_space<vmem>> -> memref<1x16x128xf32, #tpu.memory_space<vmem>>
      %dma_wait3A_698 = tpu.memref_squeeze %dma_wait3A_697 : memref<1x16x128xf32, #tpu.memory_space<vmem>> -> memref<16x128xf32, #tpu.memory_space<vmem>>
      %dma_wait3A_699 = arith.constant 0 : i32
      %dma_wait3A_700 = tpu.memref_slice %arg4[%dma_wait3A_699, %multiple_of3A_292] : memref<16x1000000xf32, #tpu.memory_space<hbm>> -> memref<16x128xf32, #tpu.memory_space<hbm>>
      tpu.wait_dma2 semaphore(%arg12 : memref<!tpu.dma_semaphore, #tpu.memory_space<semaphore_mem>>) src(%dma_wait3A_700 : memref<16x128xf32, #tpu.memory_space<hbm>>) dst(%dma_wait3A_698 : memref<16x128xf32, #tpu.memory_space<vmem>>)
      %mul3A_701 = arith.constant 16 : i32
      %mul3A_702 = arith.muli %min3A_289, %mul3A_701 : i32
      %dma_start3A_703 = arith.constant 11 : i32
      %dma_start3A_704 = arith.constant 0 : i32
      %dma_start3A_705 = arith.constant 0 : i32
      %dma_start3A_706 = tpu.memref_slice %arg11[%dma_start3A_703, %dma_start3A_704, %dma_start3A_705] : memref<15x16x128xf32, #tpu.memory_space<vmem>> -> memref<1x16x128xf32, #tpu.memory_space<vmem>>
      %dma_start3A_707 = tpu.memref_squeeze %dma_start3A_706 : memref<1x16x128xf32, #tpu.memory_space<vmem>> -> memref<16x128xf32, #tpu.memory_space<vmem>>
      %dma_start3A_708 = arith.constant 0 : i32
      %dma_start3A_709 = tpu.memref_slice %arg10[%mul3A_702, %dma_start3A_708] : memref<125008x128xf32, #tpu.memory_space<hbm>> -> memref<16x128xf32, #tpu.memory_space<hbm>>
      %dma_start3A_710 = arith.constant 0 : i32
      %dma_start3A_711 = tpu.memref_slice %arg10[%mul3A_702, %dma_start3A_710] : memref<125008x128xf32, #tpu.memory_space<hbm>> -> memref<16x128xf32, #tpu.memory_space<hbm>>
      %dma_start3A_712 = arith.constant 0 : i32
      %dma_start3A_713 = arith.constant 0 : i32
      %dma_start3A_714 = tpu.memref_slice %arg11[%dma_start3A_703, %dma_start3A_712, %dma_start3A_713] : memref<15x16x128xf32, #tpu.memory_space<vmem>> -> memref<1x16x128xf32, #tpu.memory_space<vmem>>
      %dma_start3A_715 = tpu.memref_squeeze %dma_start3A_714 : memref<1x16x128xf32, #tpu.memory_space<vmem>> -> memref<16x128xf32, #tpu.memory_space<vmem>>
      tpu.enqueue_dma source(%dma_start3A_715 : memref<16x128xf32, #tpu.memory_space<vmem>>) target(%dma_start3A_711 : memref<16x128xf32, #tpu.memory_space<hbm>>) target_semaphore(%arg13 : memref<!tpu.dma_semaphore, #tpu.memory_space<semaphore_mem>>)
      %dma_wait3A_716 = arith.constant 12 : i32
      %dma_wait3A_717 = arith.constant 0 : i32
      %dma_wait3A_718 = arith.constant 0 : i32
      %dma_wait3A_719 = tpu.memref_slice %arg11[%dma_wait3A_716, %dma_wait3A_717, %dma_wait3A_718] : memref<15x16x128xf32, #tpu.memory_space<vmem>> -> memref<1x16x128xf32, #tpu.memory_space<vmem>>
      %dma_wait3A_720 = tpu.memref_squeeze %dma_wait3A_719 : memref<1x16x128xf32, #tpu.memory_space<vmem>> -> memref<16x128xf32, #tpu.memory_space<vmem>>
      %dma_wait3A_721 = arith.constant 0 : i32
      %dma_wait3A_722 = tpu.memref_slice %arg4[%dma_wait3A_721, %multiple_of3A_317] : memref<16x1000000xf32, #tpu.memory_space<hbm>> -> memref<16x128xf32, #tpu.memory_space<hbm>>
      %dma_wait3A_723 = arith.constant 0 : i32
      %dma_wait3A_724 = arith.constant 0 : i32
      %dma_wait3A_725 = tpu.memref_slice %arg11[%dma_wait3A_716, %dma_wait3A_723, %dma_wait3A_724] : memref<15x16x128xf32, #tpu.memory_space<vmem>> -> memref<1x16x128xf32, #tpu.memory_space<vmem>>
      %dma_wait3A_726 = tpu.memref_squeeze %dma_wait3A_725 : memref<1x16x128xf32, #tpu.memory_space<vmem>> -> memref<16x128xf32, #tpu.memory_space<vmem>>
      %dma_wait3A_727 = arith.constant 0 : i32
      %dma_wait3A_728 = tpu.memref_slice %arg4[%dma_wait3A_727, %multiple_of3A_317] : memref<16x1000000xf32, #tpu.memory_space<hbm>> -> memref<16x128xf32, #tpu.memory_space<hbm>>
      tpu.wait_dma2 semaphore(%arg12 : memref<!tpu.dma_semaphore, #tpu.memory_space<semaphore_mem>>) src(%dma_wait3A_728 : memref<16x128xf32, #tpu.memory_space<hbm>>) dst(%dma_wait3A_726 : memref<16x128xf32, #tpu.memory_space<vmem>>)
      %mul3A_729 = arith.constant 16 : i32
      %mul3A_730 = arith.muli %min3A_314, %mul3A_729 : i32
      %dma_start3A_731 = arith.constant 12 : i32
      %dma_start3A_732 = arith.constant 0 : i32
      %dma_start3A_733 = arith.constant 0 : i32
      %dma_start3A_734 = tpu.memref_slice %arg11[%dma_start3A_731, %dma_start3A_732, %dma_start3A_733] : memref<15x16x128xf32, #tpu.memory_space<vmem>> -> memref<1x16x128xf32, #tpu.memory_space<vmem>>
      %dma_start3A_735 = tpu.memref_squeeze %dma_start3A_734 : memref<1x16x128xf32, #tpu.memory_space<vmem>> -> memref<16x128xf32, #tpu.memory_space<vmem>>
      %dma_start3A_736 = arith.constant 0 : i32
      %dma_start3A_737 = tpu.memref_slice %arg10[%mul3A_730, %dma_start3A_736] : memref<125008x128xf32, #tpu.memory_space<hbm>> -> memref<16x128xf32, #tpu.memory_space<hbm>>
      %dma_start3A_738 = arith.constant 0 : i32
      %dma_start3A_739 = tpu.memref_slice %arg10[%mul3A_730, %dma_start3A_738] : memref<125008x128xf32, #tpu.memory_space<hbm>> -> memref<16x128xf32, #tpu.memory_space<hbm>>
      %dma_start3A_740 = arith.constant 0 : i32
      %dma_start3A_741 = arith.constant 0 : i32
      %dma_start3A_742 = tpu.memref_slice %arg11[%dma_start3A_731, %dma_start3A_740, %dma_start3A_741] : memref<15x16x128xf32, #tpu.memory_space<vmem>> -> memref<1x16x128xf32, #tpu.memory_space<vmem>>
      %dma_start3A_743 = tpu.memref_squeeze %dma_start3A_742 : memref<1x16x128xf32, #tpu.memory_space<vmem>> -> memref<16x128xf32, #tpu.memory_space<vmem>>
      tpu.enqueue_dma source(%dma_start3A_743 : memref<16x128xf32, #tpu.memory_space<vmem>>) target(%dma_start3A_739 : memref<16x128xf32, #tpu.memory_space<hbm>>) target_semaphore(%arg13 : memref<!tpu.dma_semaphore, #tpu.memory_space<semaphore_mem>>)
      %dma_wait3A_744 = arith.constant 13 : i32
      %dma_wait3A_745 = arith.constant 0 : i32
      %dma_wait3A_746 = arith.constant 0 : i32
      %dma_wait3A_747 = tpu.memref_slice %arg11[%dma_wait3A_744, %dma_wait3A_745, %dma_wait3A_746] : memref<15x16x128xf32, #tpu.memory_space<vmem>> -> memref<1x16x128xf32, #tpu.memory_space<vmem>>
      %dma_wait3A_748 = tpu.memref_squeeze %dma_wait3A_747 : memref<1x16x128xf32, #tpu.memory_space<vmem>> -> memref<16x128xf32, #tpu.memory_space<vmem>>
      %dma_wait3A_749 = arith.constant 0 : i32
      %dma_wait3A_750 = tpu.memref_slice %arg4[%dma_wait3A_749, %multiple_of3A_342] : memref<16x1000000xf32, #tpu.memory_space<hbm>> -> memref<16x128xf32, #tpu.memory_space<hbm>>
      %dma_wait3A_751 = arith.constant 0 : i32
      %dma_wait3A_752 = arith.constant 0 : i32
      %dma_wait3A_753 = tpu.memref_slice %arg11[%dma_wait3A_744, %dma_wait3A_751, %dma_wait3A_752] : memref<15x16x128xf32, #tpu.memory_space<vmem>> -> memref<1x16x128xf32, #tpu.memory_space<vmem>>
      %dma_wait3A_754 = tpu.memref_squeeze %dma_wait3A_753 : memref<1x16x128xf32, #tpu.memory_space<vmem>> -> memref<16x128xf32, #tpu.memory_space<vmem>>
      %dma_wait3A_755 = arith.constant 0 : i32
      %dma_wait3A_756 = tpu.memref_slice %arg4[%dma_wait3A_755, %multiple_of3A_342] : memref<16x1000000xf32, #tpu.memory_space<hbm>> -> memref<16x128xf32, #tpu.memory_space<hbm>>
      tpu.wait_dma2 semaphore(%arg12 : memref<!tpu.dma_semaphore, #tpu.memory_space<semaphore_mem>>) src(%dma_wait3A_756 : memref<16x128xf32, #tpu.memory_space<hbm>>) dst(%dma_wait3A_754 : memref<16x128xf32, #tpu.memory_space<vmem>>)
      %mul3A_757 = arith.constant 16 : i32
      %mul3A_758 = arith.muli %min3A_339, %mul3A_757 : i32
      %dma_start3A_759 = arith.constant 13 : i32
      %dma_start3A_760 = arith.constant 0 : i32
      %dma_start3A_761 = arith.constant 0 : i32
      %dma_start3A_762 = tpu.memref_slice %arg11[%dma_start3A_759, %dma_start3A_760, %dma_start3A_761] : memref<15x16x128xf32, #tpu.memory_space<vmem>> -> memref<1x16x128xf32, #tpu.memory_space<vmem>>
      %dma_start3A_763 = tpu.memref_squeeze %dma_start3A_762 : memref<1x16x128xf32, #tpu.memory_space<vmem>> -> memref<16x128xf32, #tpu.memory_space<vmem>>
      %dma_start3A_764 = arith.constant 0 : i32
      %dma_start3A_765 = tpu.memref_slice %arg10[%mul3A_758, %dma_start3A_764] : memref<125008x128xf32, #tpu.memory_space<hbm>> -> memref<16x128xf32, #tpu.memory_space<hbm>>
      %dma_start3A_766 = arith.constant 0 : i32
      %dma_start3A_767 = tpu.memref_slice %arg10[%mul3A_758, %dma_start3A_766] : memref<125008x128xf32, #tpu.memory_space<hbm>> -> memref<16x128xf32, #tpu.memory_space<hbm>>
      %dma_start3A_768 = arith.constant 0 : i32
      %dma_start3A_769 = arith.constant 0 : i32
      %dma_start3A_770 = tpu.memref_slice %arg11[%dma_start3A_759, %dma_start3A_768, %dma_start3A_769] : memref<15x16x128xf32, #tpu.memory_space<vmem>> -> memref<1x16x128xf32, #tpu.memory_space<vmem>>
      %dma_start3A_771 = tpu.memref_squeeze %dma_start3A_770 : memref<1x16x128xf32, #tpu.memory_space<vmem>> -> memref<16x128xf32, #tpu.memory_space<vmem>>
      tpu.enqueue_dma source(%dma_start3A_771 : memref<16x128xf32, #tpu.memory_space<vmem>>) target(%dma_start3A_767 : memref<16x128xf32, #tpu.memory_space<hbm>>) target_semaphore(%arg13 : memref<!tpu.dma_semaphore, #tpu.memory_space<semaphore_mem>>)
      %dma_wait3A_772 = arith.constant 14 : i32
      %dma_wait3A_773 = arith.constant 0 : i32
      %dma_wait3A_774 = arith.constant 0 : i32
      %dma_wait3A_775 = tpu.memref_slice %arg11[%dma_wait3A_772, %dma_wait3A_773, %dma_wait3A_774] : memref<15x16x128xf32, #tpu.memory_space<vmem>> -> memref<1x16x128xf32, #tpu.memory_space<vmem>>
      %dma_wait3A_776 = tpu.memref_squeeze %dma_wait3A_775 : memref<1x16x128xf32, #tpu.memory_space<vmem>> -> memref<16x128xf32, #tpu.memory_space<vmem>>
      %dma_wait3A_777 = arith.constant 0 : i32
      %dma_wait3A_778 = tpu.memref_slice %arg4[%dma_wait3A_777, %multiple_of3A_367] : memref<16x1000000xf32, #tpu.memory_space<hbm>> -> memref<16x128xf32, #tpu.memory_space<hbm>>
      %dma_wait3A_779 = arith.constant 0 : i32
      %dma_wait3A_780 = arith.constant 0 : i32
      %dma_wait3A_781 = tpu.memref_slice %arg11[%dma_wait3A_772, %dma_wait3A_779, %dma_wait3A_780] : memref<15x16x128xf32, #tpu.memory_space<vmem>> -> memref<1x16x128xf32, #tpu.memory_space<vmem>>
      %dma_wait3A_782 = tpu.memref_squeeze %dma_wait3A_781 : memref<1x16x128xf32, #tpu.memory_space<vmem>> -> memref<16x128xf32, #tpu.memory_space<vmem>>
      %dma_wait3A_783 = arith.constant 0 : i32
      %dma_wait3A_784 = tpu.memref_slice %arg4[%dma_wait3A_783, %multiple_of3A_367] : memref<16x1000000xf32, #tpu.memory_space<hbm>> -> memref<16x128xf32, #tpu.memory_space<hbm>>
      tpu.wait_dma2 semaphore(%arg12 : memref<!tpu.dma_semaphore, #tpu.memory_space<semaphore_mem>>) src(%dma_wait3A_784 : memref<16x128xf32, #tpu.memory_space<hbm>>) dst(%dma_wait3A_782 : memref<16x128xf32, #tpu.memory_space<vmem>>)
      %mul3A_785 = arith.constant 16 : i32
      %mul3A_786 = arith.muli %min3A_364, %mul3A_785 : i32
      %dma_start3A_787 = arith.constant 14 : i32
      %dma_start3A_788 = arith.constant 0 : i32
      %dma_start3A_789 = arith.constant 0 : i32
      %dma_start3A_790 = tpu.memref_slice %arg11[%dma_start3A_787, %dma_start3A_788, %dma_start3A_789] : memref<15x16x128xf32, #tpu.memory_space<vmem>> -> memref<1x16x128xf32, #tpu.memory_space<vmem>>
      %dma_start3A_791 = tpu.memref_squeeze %dma_start3A_790 : memref<1x16x128xf32, #tpu.memory_space<vmem>> -> memref<16x128xf32, #tpu.memory_space<vmem>>
      %dma_start3A_792 = arith.constant 0 : i32
      %dma_start3A_793 = tpu.memref_slice %arg10[%mul3A_786, %dma_start3A_792] : memref<125008x128xf32, #tpu.memory_space<hbm>> -> memref<16x128xf32, #tpu.memory_space<hbm>>
      %dma_start3A_794 = arith.constant 0 : i32
      %dma_start3A_795 = tpu.memref_slice %arg10[%mul3A_786, %dma_start3A_794] : memref<125008x128xf32, #tpu.memory_space<hbm>> -> memref<16x128xf32, #tpu.memory_space<hbm>>
      %dma_start3A_796 = arith.constant 0 : i32
      %dma_start3A_797 = arith.constant 0 : i32
      %dma_start3A_798 = tpu.memref_slice %arg11[%dma_start3A_787, %dma_start3A_796, %dma_start3A_797] : memref<15x16x128xf32, #tpu.memory_space<vmem>> -> memref<1x16x128xf32, #tpu.memory_space<vmem>>
      %dma_start3A_799 = tpu.memref_squeeze %dma_start3A_798 : memref<1x16x128xf32, #tpu.memory_space<vmem>> -> memref<16x128xf32, #tpu.memory_space<vmem>>
      tpu.enqueue_dma source(%dma_start3A_799 : memref<16x128xf32, #tpu.memory_space<vmem>>) target(%dma_start3A_795 : memref<16x128xf32, #tpu.memory_space<hbm>>) target_semaphore(%arg13 : memref<!tpu.dma_semaphore, #tpu.memory_space<semaphore_mem>>)
      %dma_wait3A_800 = arith.constant 0 : i32
      %dma_wait3A_801 = arith.constant 0 : i32
      %dma_wait3A_802 = arith.constant 0 : i32
      %dma_wait3A_803 = tpu.memref_slice %arg11[%dma_wait3A_800, %dma_wait3A_801, %dma_wait3A_802] : memref<15x16x128xf32, #tpu.memory_space<vmem>> -> memref<1x16x128xf32, #tpu.memory_space<vmem>>
      %dma_wait3A_804 = tpu.memref_squeeze %dma_wait3A_803 : memref<1x16x128xf32, #tpu.memory_space<vmem>> -> memref<16x128xf32, #tpu.memory_space<vmem>>
      %dma_wait3A_805 = arith.constant 0 : i32
      %dma_wait3A_806 = tpu.memref_slice %arg8[%mul3A_394, %dma_wait3A_805] : memref<125008x128xf32, #tpu.memory_space<hbm>> -> memref<16x128xf32, #tpu.memory_space<hbm>>
      %dma_wait3A_807 = arith.constant 0 : i32
      %dma_wait3A_808 = tpu.memref_slice %arg8[%mul3A_394, %dma_wait3A_807] : memref<125008x128xf32, #tpu.memory_space<hbm>> -> memref<16x128xf32, #tpu.memory_space<hbm>>
      %dma_wait3A_809 = arith.constant 0 : i32
      %dma_wait3A_810 = arith.constant 0 : i32
      %dma_wait3A_811 = tpu.memref_slice %arg11[%dma_wait3A_800, %dma_wait3A_809, %dma_wait3A_810] : memref<15x16x128xf32, #tpu.memory_space<vmem>> -> memref<1x16x128xf32, #tpu.memory_space<vmem>>
      %dma_wait3A_812 = tpu.memref_squeeze %dma_wait3A_811 : memref<1x16x128xf32, #tpu.memory_space<vmem>> -> memref<16x128xf32, #tpu.memory_space<vmem>>
      tpu.wait_dma2 semaphore(%arg13 : memref<!tpu.dma_semaphore, #tpu.memory_space<semaphore_mem>>) src(%dma_wait3A_812 : memref<16x128xf32, #tpu.memory_space<vmem>>) dst(%dma_wait3A_808 : memref<16x128xf32, #tpu.memory_space<hbm>>)
      %dma_wait3A_813 = arith.constant 1 : i32
      %dma_wait3A_814 = arith.constant 0 : i32
      %dma_wait3A_815 = arith.constant 0 : i32
      %dma_wait3A_816 = tpu.memref_slice %arg11[%dma_wait3A_813, %dma_wait3A_814, %dma_wait3A_815] : memref<15x16x128xf32, #tpu.memory_space<vmem>> -> memref<1x16x128xf32, #tpu.memory_space<vmem>>
      %dma_wait3A_817 = tpu.memref_squeeze %dma_wait3A_816 : memref<1x16x128xf32, #tpu.memory_space<vmem>> -> memref<16x128xf32, #tpu.memory_space<vmem>>
      %dma_wait3A_818 = arith.constant 0 : i32
      %dma_wait3A_819 = tpu.memref_slice %arg8[%mul3A_422, %dma_wait3A_818] : memref<125008x128xf32, #tpu.memory_space<hbm>> -> memref<16x128xf32, #tpu.memory_space<hbm>>
      %dma_wait3A_820 = arith.constant 0 : i32
      %dma_wait3A_821 = tpu.memref_slice %arg8[%mul3A_422, %dma_wait3A_820] : memref<125008x128xf32, #tpu.memory_space<hbm>> -> memref<16x128xf32, #tpu.memory_space<hbm>>
      %dma_wait3A_822 = arith.constant 0 : i32
      %dma_wait3A_823 = arith.constant 0 : i32
      %dma_wait3A_824 = tpu.memref_slice %arg11[%dma_wait3A_813, %dma_wait3A_822, %dma_wait3A_823] : memref<15x16x128xf32, #tpu.memory_space<vmem>> -> memref<1x16x128xf32, #tpu.memory_space<vmem>>
      %dma_wait3A_825 = tpu.memref_squeeze %dma_wait3A_824 : memref<1x16x128xf32, #tpu.memory_space<vmem>> -> memref<16x128xf32, #tpu.memory_space<vmem>>
      tpu.wait_dma2 semaphore(%arg13 : memref<!tpu.dma_semaphore, #tpu.memory_space<semaphore_mem>>) src(%dma_wait3A_825 : memref<16x128xf32, #tpu.memory_space<vmem>>) dst(%dma_wait3A_821 : memref<16x128xf32, #tpu.memory_space<hbm>>)
      %dma_wait3A_826 = arith.constant 2 : i32
      %dma_wait3A_827 = arith.constant 0 : i32
      %dma_wait3A_828 = arith.constant 0 : i32
      %dma_wait3A_829 = tpu.memref_slice %arg11[%dma_wait3A_826, %dma_wait3A_827, %dma_wait3A_828] : memref<15x16x128xf32, #tpu.memory_space<vmem>> -> memref<1x16x128xf32, #tpu.memory_space<vmem>>
      %dma_wait3A_830 = tpu.memref_squeeze %dma_wait3A_829 : memref<1x16x128xf32, #tpu.memory_space<vmem>> -> memref<16x128xf32, #tpu.memory_space<vmem>>
      %dma_wait3A_831 = arith.constant 0 : i32
      %dma_wait3A_832 = tpu.memref_slice %arg8[%mul3A_450, %dma_wait3A_831] : memref<125008x128xf32, #tpu.memory_space<hbm>> -> memref<16x128xf32, #tpu.memory_space<hbm>>
      %dma_wait3A_833 = arith.constant 0 : i32
      %dma_wait3A_834 = tpu.memref_slice %arg8[%mul3A_450, %dma_wait3A_833] : memref<125008x128xf32, #tpu.memory_space<hbm>> -> memref<16x128xf32, #tpu.memory_space<hbm>>
      %dma_wait3A_835 = arith.constant 0 : i32
      %dma_wait3A_836 = arith.constant 0 : i32
      %dma_wait3A_837 = tpu.memref_slice %arg11[%dma_wait3A_826, %dma_wait3A_835, %dma_wait3A_836] : memref<15x16x128xf32, #tpu.memory_space<vmem>> -> memref<1x16x128xf32, #tpu.memory_space<vmem>>
      %dma_wait3A_838 = tpu.memref_squeeze %dma_wait3A_837 : memref<1x16x128xf32, #tpu.memory_space<vmem>> -> memref<16x128xf32, #tpu.memory_space<vmem>>
      tpu.wait_dma2 semaphore(%arg13 : memref<!tpu.dma_semaphore, #tpu.memory_space<semaphore_mem>>) src(%dma_wait3A_838 : memref<16x128xf32, #tpu.memory_space<vmem>>) dst(%dma_wait3A_834 : memref<16x128xf32, #tpu.memory_space<hbm>>)
      %dma_wait3A_839 = arith.constant 3 : i32
      %dma_wait3A_840 = arith.constant 0 : i32
      %dma_wait3A_841 = arith.constant 0 : i32
      %dma_wait3A_842 = tpu.memref_slice %arg11[%dma_wait3A_839, %dma_wait3A_840, %dma_wait3A_841] : memref<15x16x128xf32, #tpu.memory_space<vmem>> -> memref<1x16x128xf32, #tpu.memory_space<vmem>>
      %dma_wait3A_843 = tpu.memref_squeeze %dma_wait3A_842 : memref<1x16x128xf32, #tpu.memory_space<vmem>> -> memref<16x128xf32, #tpu.memory_space<vmem>>
      %dma_wait3A_844 = arith.constant 0 : i32
      %dma_wait3A_845 = tpu.memref_slice %arg8[%mul3A_478, %dma_wait3A_844] : memref<125008x128xf32, #tpu.memory_space<hbm>> -> memref<16x128xf32, #tpu.memory_space<hbm>>
      %dma_wait3A_846 = arith.constant 0 : i32
      %dma_wait3A_847 = tpu.memref_slice %arg8[%mul3A_478, %dma_wait3A_846] : memref<125008x128xf32, #tpu.memory_space<hbm>> -> memref<16x128xf32, #tpu.memory_space<hbm>>
      %dma_wait3A_848 = arith.constant 0 : i32
      %dma_wait3A_849 = arith.constant 0 : i32
      %dma_wait3A_850 = tpu.memref_slice %arg11[%dma_wait3A_839, %dma_wait3A_848, %dma_wait3A_849] : memref<15x16x128xf32, #tpu.memory_space<vmem>> -> memref<1x16x128xf32, #tpu.memory_space<vmem>>
      %dma_wait3A_851 = tpu.memref_squeeze %dma_wait3A_850 : memref<1x16x128xf32, #tpu.memory_space<vmem>> -> memref<16x128xf32, #tpu.memory_space<vmem>>
      tpu.wait_dma2 semaphore(%arg13 : memref<!tpu.dma_semaphore, #tpu.memory_space<semaphore_mem>>) src(%dma_wait3A_851 : memref<16x128xf32, #tpu.memory_space<vmem>>) dst(%dma_wait3A_847 : memref<16x128xf32, #tpu.memory_space<hbm>>)
      %dma_wait3A_852 = arith.constant 4 : i32
      %dma_wait3A_853 = arith.constant 0 : i32
      %dma_wait3A_854 = arith.constant 0 : i32
      %dma_wait3A_855 = tpu.memref_slice %arg11[%dma_wait3A_852, %dma_wait3A_853, %dma_wait3A_854] : memref<15x16x128xf32, #tpu.memory_space<vmem>> -> memref<1x16x128xf32, #tpu.memory_space<vmem>>
      %dma_wait3A_856 = tpu.memref_squeeze %dma_wait3A_855 : memref<1x16x128xf32, #tpu.memory_space<vmem>> -> memref<16x128xf32, #tpu.memory_space<vmem>>
      %dma_wait3A_857 = arith.constant 0 : i32
      %dma_wait3A_858 = tpu.memref_slice %arg8[%mul3A_506, %dma_wait3A_857] : memref<125008x128xf32, #tpu.memory_space<hbm>> -> memref<16x128xf32, #tpu.memory_space<hbm>>
      %dma_wait3A_859 = arith.constant 0 : i32
      %dma_wait3A_860 = tpu.memref_slice %arg8[%mul3A_506, %dma_wait3A_859] : memref<125008x128xf32, #tpu.memory_space<hbm>> -> memref<16x128xf32, #tpu.memory_space<hbm>>
      %dma_wait3A_861 = arith.constant 0 : i32
      %dma_wait3A_862 = arith.constant 0 : i32
      %dma_wait3A_863 = tpu.memref_slice %arg11[%dma_wait3A_852, %dma_wait3A_861, %dma_wait3A_862] : memref<15x16x128xf32, #tpu.memory_space<vmem>> -> memref<1x16x128xf32, #tpu.memory_space<vmem>>
      %dma_wait3A_864 = tpu.memref_squeeze %dma_wait3A_863 : memref<1x16x128xf32, #tpu.memory_space<vmem>> -> memref<16x128xf32, #tpu.memory_space<vmem>>
      tpu.wait_dma2 semaphore(%arg13 : memref<!tpu.dma_semaphore, #tpu.memory_space<semaphore_mem>>) src(%dma_wait3A_864 : memref<16x128xf32, #tpu.memory_space<vmem>>) dst(%dma_wait3A_860 : memref<16x128xf32, #tpu.memory_space<hbm>>)
      %dma_wait3A_865 = arith.constant 5 : i32
      %dma_wait3A_866 = arith.constant 0 : i32
      %dma_wait3A_867 = arith.constant 0 : i32
      %dma_wait3A_868 = tpu.memref_slice %arg11[%dma_wait3A_865, %dma_wait3A_866, %dma_wait3A_867] : memref<15x16x128xf32, #tpu.memory_space<vmem>> -> memref<1x16x128xf32, #tpu.memory_space<vmem>>
      %dma_wait3A_869 = tpu.memref_squeeze %dma_wait3A_868 : memref<1x16x128xf32, #tpu.memory_space<vmem>> -> memref<16x128xf32, #tpu.memory_space<vmem>>
      %dma_wait3A_870 = arith.constant 0 : i32
      %dma_wait3A_871 = tpu.memref_slice %arg9[%mul3A_534, %dma_wait3A_870] : memref<125008x128xf32, #tpu.memory_space<hbm>> -> memref<16x128xf32, #tpu.memory_space<hbm>>
      %dma_wait3A_872 = arith.constant 0 : i32
      %dma_wait3A_873 = tpu.memref_slice %arg9[%mul3A_534, %dma_wait3A_872] : memref<125008x128xf32, #tpu.memory_space<hbm>> -> memref<16x128xf32, #tpu.memory_space<hbm>>
      %dma_wait3A_874 = arith.constant 0 : i32
      %dma_wait3A_875 = arith.constant 0 : i32
      %dma_wait3A_876 = tpu.memref_slice %arg11[%dma_wait3A_865, %dma_wait3A_874, %dma_wait3A_875] : memref<15x16x128xf32, #tpu.memory_space<vmem>> -> memref<1x16x128xf32, #tpu.memory_space<vmem>>
      %dma_wait3A_877 = tpu.memref_squeeze %dma_wait3A_876 : memref<1x16x128xf32, #tpu.memory_space<vmem>> -> memref<16x128xf32, #tpu.memory_space<vmem>>
      tpu.wait_dma2 semaphore(%arg13 : memref<!tpu.dma_semaphore, #tpu.memory_space<semaphore_mem>>) src(%dma_wait3A_877 : memref<16x128xf32, #tpu.memory_space<vmem>>) dst(%dma_wait3A_873 : memref<16x128xf32, #tpu.memory_space<hbm>>)
      %dma_wait3A_878 = arith.constant 6 : i32
      %dma_wait3A_879 = arith.constant 0 : i32
      %dma_wait3A_880 = arith.constant 0 : i32
      %dma_wait3A_881 = tpu.memref_slice %arg11[%dma_wait3A_878, %dma_wait3A_879, %dma_wait3A_880] : memref<15x16x128xf32, #tpu.memory_space<vmem>> -> memref<1x16x128xf32, #tpu.memory_space<vmem>>
      %dma_wait3A_882 = tpu.memref_squeeze %dma_wait3A_881 : memref<1x16x128xf32, #tpu.memory_space<vmem>> -> memref<16x128xf32, #tpu.memory_space<vmem>>
      %dma_wait3A_883 = arith.constant 0 : i32
      %dma_wait3A_884 = tpu.memref_slice %arg9[%mul3A_562, %dma_wait3A_883] : memref<125008x128xf32, #tpu.memory_space<hbm>> -> memref<16x128xf32, #tpu.memory_space<hbm>>
      %dma_wait3A_885 = arith.constant 0 : i32
      %dma_wait3A_886 = tpu.memref_slice %arg9[%mul3A_562, %dma_wait3A_885] : memref<125008x128xf32, #tpu.memory_space<hbm>> -> memref<16x128xf32, #tpu.memory_space<hbm>>
      %dma_wait3A_887 = arith.constant 0 : i32
      %dma_wait3A_888 = arith.constant 0 : i32
      %dma_wait3A_889 = tpu.memref_slice %arg11[%dma_wait3A_878, %dma_wait3A_887, %dma_wait3A_888] : memref<15x16x128xf32, #tpu.memory_space<vmem>> -> memref<1x16x128xf32, #tpu.memory_space<vmem>>
      %dma_wait3A_890 = tpu.memref_squeeze %dma_wait3A_889 : memref<1x16x128xf32, #tpu.memory_space<vmem>> -> memref<16x128xf32, #tpu.memory_space<vmem>>
      tpu.wait_dma2 semaphore(%arg13 : memref<!tpu.dma_semaphore, #tpu.memory_space<semaphore_mem>>) src(%dma_wait3A_890 : memref<16x128xf32, #tpu.memory_space<vmem>>) dst(%dma_wait3A_886 : memref<16x128xf32, #tpu.memory_space<hbm>>)
      %dma_wait3A_891 = arith.constant 7 : i32
      %dma_wait3A_892 = arith.constant 0 : i32
      %dma_wait3A_893 = arith.constant 0 : i32
      %dma_wait3A_894 = tpu.memref_slice %arg11[%dma_wait3A_891, %dma_wait3A_892, %dma_wait3A_893] : memref<15x16x128xf32, #tpu.memory_space<vmem>> -> memref<1x16x128xf32, #tpu.memory_space<vmem>>
      %dma_wait3A_895 = tpu.memref_squeeze %dma_wait3A_894 : memref<1x16x128xf32, #tpu.memory_space<vmem>> -> memref<16x128xf32, #tpu.memory_space<vmem>>
      %dma_wait3A_896 = arith.constant 0 : i32
      %dma_wait3A_897 = tpu.memref_slice %arg9[%mul3A_590, %dma_wait3A_896] : memref<125008x128xf32, #tpu.memory_space<hbm>> -> memref<16x128xf32, #tpu.memory_space<hbm>>
      %dma_wait3A_898 = arith.constant 0 : i32
      %dma_wait3A_899 = tpu.memref_slice %arg9[%mul3A_590, %dma_wait3A_898] : memref<125008x128xf32, #tpu.memory_space<hbm>> -> memref<16x128xf32, #tpu.memory_space<hbm>>
      %dma_wait3A_900 = arith.constant 0 : i32
      %dma_wait3A_901 = arith.constant 0 : i32
      %dma_wait3A_902 = tpu.memref_slice %arg11[%dma_wait3A_891, %dma_wait3A_900, %dma_wait3A_901] : memref<15x16x128xf32, #tpu.memory_space<vmem>> -> memref<1x16x128xf32, #tpu.memory_space<vmem>>
      %dma_wait3A_903 = tpu.memref_squeeze %dma_wait3A_902 : memref<1x16x128xf32, #tpu.memory_space<vmem>> -> memref<16x128xf32, #tpu.memory_space<vmem>>
      tpu.wait_dma2 semaphore(%arg13 : memref<!tpu.dma_semaphore, #tpu.memory_space<semaphore_mem>>) src(%dma_wait3A_903 : memref<16x128xf32, #tpu.memory_space<vmem>>) dst(%dma_wait3A_899 : memref<16x128xf32, #tpu.memory_space<hbm>>)
      %dma_wait3A_904 = arith.constant 8 : i32
      %dma_wait3A_905 = arith.constant 0 : i32
      %dma_wait3A_906 = arith.constant 0 : i32
      %dma_wait3A_907 = tpu.memref_slice %arg11[%dma_wait3A_904, %dma_wait3A_905, %dma_wait3A_906] : memref<15x16x128xf32, #tpu.memory_space<vmem>> -> memref<1x16x128xf32, #tpu.memory_space<vmem>>
      %dma_wait3A_908 = tpu.memref_squeeze %dma_wait3A_907 : memref<1x16x128xf32, #tpu.memory_space<vmem>> -> memref<16x128xf32, #tpu.memory_space<vmem>>
      %dma_wait3A_909 = arith.constant 0 : i32
      %dma_wait3A_910 = tpu.memref_slice %arg9[%mul3A_618, %dma_wait3A_909] : memref<125008x128xf32, #tpu.memory_space<hbm>> -> memref<16x128xf32, #tpu.memory_space<hbm>>
      %dma_wait3A_911 = arith.constant 0 : i32
      %dma_wait3A_912 = tpu.memref_slice %arg9[%mul3A_618, %dma_wait3A_911] : memref<125008x128xf32, #tpu.memory_space<hbm>> -> memref<16x128xf32, #tpu.memory_space<hbm>>
      %dma_wait3A_913 = arith.constant 0 : i32
      %dma_wait3A_914 = arith.constant 0 : i32
      %dma_wait3A_915 = tpu.memref_slice %arg11[%dma_wait3A_904, %dma_wait3A_913, %dma_wait3A_914] : memref<15x16x128xf32, #tpu.memory_space<vmem>> -> memref<1x16x128xf32, #tpu.memory_space<vmem>>
      %dma_wait3A_916 = tpu.memref_squeeze %dma_wait3A_915 : memref<1x16x128xf32, #tpu.memory_space<vmem>> -> memref<16x128xf32, #tpu.memory_space<vmem>>
      tpu.wait_dma2 semaphore(%arg13 : memref<!tpu.dma_semaphore, #tpu.memory_space<semaphore_mem>>) src(%dma_wait3A_916 : memref<16x128xf32, #tpu.memory_space<vmem>>) dst(%dma_wait3A_912 : memref<16x128xf32, #tpu.memory_space<hbm>>)
      %dma_wait3A_917 = arith.constant 9 : i32
      %dma_wait3A_918 = arith.constant 0 : i32
      %dma_wait3A_919 = arith.constant 0 : i32
      %dma_wait3A_920 = tpu.memref_slice %arg11[%dma_wait3A_917, %dma_wait3A_918, %dma_wait3A_919] : memref<15x16x128xf32, #tpu.memory_space<vmem>> -> memref<1x16x128xf32, #tpu.memory_space<vmem>>
      %dma_wait3A_921 = tpu.memref_squeeze %dma_wait3A_920 : memref<1x16x128xf32, #tpu.memory_space<vmem>> -> memref<16x128xf32, #tpu.memory_space<vmem>>
      %dma_wait3A_922 = arith.constant 0 : i32
      %dma_wait3A_923 = tpu.memref_slice %arg9[%mul3A_646, %dma_wait3A_922] : memref<125008x128xf32, #tpu.memory_space<hbm>> -> memref<16x128xf32, #tpu.memory_space<hbm>>
      %dma_wait3A_924 = arith.constant 0 : i32
      %dma_wait3A_925 = tpu.memref_slice %arg9[%mul3A_646, %dma_wait3A_924] : memref<125008x128xf32, #tpu.memory_space<hbm>> -> memref<16x128xf32, #tpu.memory_space<hbm>>
      %dma_wait3A_926 = arith.constant 0 : i32
      %dma_wait3A_927 = arith.constant 0 : i32
      %dma_wait3A_928 = tpu.memref_slice %arg11[%dma_wait3A_917, %dma_wait3A_926, %dma_wait3A_927] : memref<15x16x128xf32, #tpu.memory_space<vmem>> -> memref<1x16x128xf32, #tpu.memory_space<vmem>>
      %dma_wait3A_929 = tpu.memref_squeeze %dma_wait3A_928 : memref<1x16x128xf32, #tpu.memory_space<vmem>> -> memref<16x128xf32, #tpu.memory_space<vmem>>
      tpu.wait_dma2 semaphore(%arg13 : memref<!tpu.dma_semaphore, #tpu.memory_space<semaphore_mem>>) src(%dma_wait3A_929 : memref<16x128xf32, #tpu.memory_space<vmem>>) dst(%dma_wait3A_925 : memref<16x128xf32, #tpu.memory_space<hbm>>)
      %dma_wait3A_930 = arith.constant 10 : i32
      %dma_wait3A_931 = arith.constant 0 : i32
      %dma_wait3A_932 = arith.constant 0 : i32
      %dma_wait3A_933 = tpu.memref_slice %arg11[%dma_wait3A_930, %dma_wait3A_931, %dma_wait3A_932] : memref<15x16x128xf32, #tpu.memory_space<vmem>> -> memref<1x16x128xf32, #tpu.memory_space<vmem>>
      %dma_wait3A_934 = tpu.memref_squeeze %dma_wait3A_933 : memref<1x16x128xf32, #tpu.memory_space<vmem>> -> memref<16x128xf32, #tpu.memory_space<vmem>>
      %dma_wait3A_935 = arith.constant 0 : i32
      %dma_wait3A_936 = tpu.memref_slice %arg10[%mul3A_674, %dma_wait3A_935] : memref<125008x128xf32, #tpu.memory_space<hbm>> -> memref<16x128xf32, #tpu.memory_space<hbm>>
      %dma_wait3A_937 = arith.constant 0 : i32
      %dma_wait3A_938 = tpu.memref_slice %arg10[%mul3A_674, %dma_wait3A_937] : memref<125008x128xf32, #tpu.memory_space<hbm>> -> memref<16x128xf32, #tpu.memory_space<hbm>>
      %dma_wait3A_939 = arith.constant 0 : i32
      %dma_wait3A_940 = arith.constant 0 : i32
      %dma_wait3A_941 = tpu.memref_slice %arg11[%dma_wait3A_930, %dma_wait3A_939, %dma_wait3A_940] : memref<15x16x128xf32, #tpu.memory_space<vmem>> -> memref<1x16x128xf32, #tpu.memory_space<vmem>>
      %dma_wait3A_942 = tpu.memref_squeeze %dma_wait3A_941 : memref<1x16x128xf32, #tpu.memory_space<vmem>> -> memref<16x128xf32, #tpu.memory_space<vmem>>
      tpu.wait_dma2 semaphore(%arg13 : memref<!tpu.dma_semaphore, #tpu.memory_space<semaphore_mem>>) src(%dma_wait3A_942 : memref<16x128xf32, #tpu.memory_space<vmem>>) dst(%dma_wait3A_938 : memref<16x128xf32, #tpu.memory_space<hbm>>)
      %dma_wait3A_943 = arith.constant 11 : i32
      %dma_wait3A_944 = arith.constant 0 : i32
      %dma_wait3A_945 = arith.constant 0 : i32
      %dma_wait3A_946 = tpu.memref_slice %arg11[%dma_wait3A_943, %dma_wait3A_944, %dma_wait3A_945] : memref<15x16x128xf32, #tpu.memory_space<vmem>> -> memref<1x16x128xf32, #tpu.memory_space<vmem>>
      %dma_wait3A_947 = tpu.memref_squeeze %dma_wait3A_946 : memref<1x16x128xf32, #tpu.memory_space<vmem>> -> memref<16x128xf32, #tpu.memory_space<vmem>>
      %dma_wait3A_948 = arith.constant 0 : i32
      %dma_wait3A_949 = tpu.memref_slice %arg10[%mul3A_702, %dma_wait3A_948] : memref<125008x128xf32, #tpu.memory_space<hbm>> -> memref<16x128xf32, #tpu.memory_space<hbm>>
      %dma_wait3A_950 = arith.constant 0 : i32
      %dma_wait3A_951 = tpu.memref_slice %arg10[%mul3A_702, %dma_wait3A_950] : memref<125008x128xf32, #tpu.memory_space<hbm>> -> memref<16x128xf32, #tpu.memory_space<hbm>>
      %dma_wait3A_952 = arith.constant 0 : i32
      %dma_wait3A_953 = arith.constant 0 : i32
      %dma_wait3A_954 = tpu.memref_slice %arg11[%dma_wait3A_943, %dma_wait3A_952, %dma_wait3A_953] : memref<15x16x128xf32, #tpu.memory_space<vmem>> -> memref<1x16x128xf32, #tpu.memory_space<vmem>>
      %dma_wait3A_955 = tpu.memref_squeeze %dma_wait3A_954 : memref<1x16x128xf32, #tpu.memory_space<vmem>> -> memref<16x128xf32, #tpu.memory_space<vmem>>
      tpu.wait_dma2 semaphore(%arg13 : memref<!tpu.dma_semaphore, #tpu.memory_space<semaphore_mem>>) src(%dma_wait3A_955 : memref<16x128xf32, #tpu.memory_space<vmem>>) dst(%dma_wait3A_951 : memref<16x128xf32, #tpu.memory_space<hbm>>)
      %dma_wait3A_956 = arith.constant 12 : i32
      %dma_wait3A_957 = arith.constant 0 : i32
      %dma_wait3A_958 = arith.constant 0 : i32
      %dma_wait3A_959 = tpu.memref_slice %arg11[%dma_wait3A_956, %dma_wait3A_957, %dma_wait3A_958] : memref<15x16x128xf32, #tpu.memory_space<vmem>> -> memref<1x16x128xf32, #tpu.memory_space<vmem>>
      %dma_wait3A_960 = tpu.memref_squeeze %dma_wait3A_959 : memref<1x16x128xf32, #tpu.memory_space<vmem>> -> memref<16x128xf32, #tpu.memory_space<vmem>>
      %dma_wait3A_961 = arith.constant 0 : i32
      %dma_wait3A_962 = tpu.memref_slice %arg10[%mul3A_730, %dma_wait3A_961] : memref<125008x128xf32, #tpu.memory_space<hbm>> -> memref<16x128xf32, #tpu.memory_space<hbm>>
      %dma_wait3A_963 = arith.constant 0 : i32
      %dma_wait3A_964 = tpu.memref_slice %arg10[%mul3A_730, %dma_wait3A_963] : memref<125008x128xf32, #tpu.memory_space<hbm>> -> memref<16x128xf32, #tpu.memory_space<hbm>>
      %dma_wait3A_965 = arith.constant 0 : i32
      %dma_wait3A_966 = arith.constant 0 : i32
      %dma_wait3A_967 = tpu.memref_slice %arg11[%dma_wait3A_956, %dma_wait3A_965, %dma_wait3A_966] : memref<15x16x128xf32, #tpu.memory_space<vmem>> -> memref<1x16x128xf32, #tpu.memory_space<vmem>>
      %dma_wait3A_968 = tpu.memref_squeeze %dma_wait3A_967 : memref<1x16x128xf32, #tpu.memory_space<vmem>> -> memref<16x128xf32, #tpu.memory_space<vmem>>
      tpu.wait_dma2 semaphore(%arg13 : memref<!tpu.dma_semaphore, #tpu.memory_space<semaphore_mem>>) src(%dma_wait3A_968 : memref<16x128xf32, #tpu.memory_space<vmem>>) dst(%dma_wait3A_964 : memref<16x128xf32, #tpu.memory_space<hbm>>)
      %dma_wait3A_969 = arith.constant 13 : i32
      %dma_wait3A_970 = arith.constant 0 : i32
      %dma_wait3A_971 = arith.constant 0 : i32
      %dma_wait3A_972 = tpu.memref_slice %arg11[%dma_wait3A_969, %dma_wait3A_970, %dma_wait3A_971] : memref<15x16x128xf32, #tpu.memory_space<vmem>> -> memref<1x16x128xf32, #tpu.memory_space<vmem>>
      %dma_wait3A_973 = tpu.memref_squeeze %dma_wait3A_972 : memref<1x16x128xf32, #tpu.memory_space<vmem>> -> memref<16x128xf32, #tpu.memory_space<vmem>>
      %dma_wait3A_974 = arith.constant 0 : i32
      %dma_wait3A_975 = tpu.memref_slice %arg10[%mul3A_758, %dma_wait3A_974] : memref<125008x128xf32, #tpu.memory_space<hbm>> -> memref<16x128xf32, #tpu.memory_space<hbm>>
      %dma_wait3A_976 = arith.constant 0 : i32
      %dma_wait3A_977 = tpu.memref_slice %arg10[%mul3A_758, %dma_wait3A_976] : memref<125008x128xf32, #tpu.memory_space<hbm>> -> memref<16x128xf32, #tpu.memory_space<hbm>>
      %dma_wait3A_978 = arith.constant 0 : i32
      %dma_wait3A_979 = arith.constant 0 : i32
      %dma_wait3A_980 = tpu.memref_slice %arg11[%dma_wait3A_969, %dma_wait3A_978, %dma_wait3A_979] : memref<15x16x128xf32, #tpu.memory_space<vmem>> -> memref<1x16x128xf32, #tpu.memory_space<vmem>>
      %dma_wait3A_981 = tpu.memref_squeeze %dma_wait3A_980 : memref<1x16x128xf32, #tpu.memory_space<vmem>> -> memref<16x128xf32, #tpu.memory_space<vmem>>
      tpu.wait_dma2 semaphore(%arg13 : memref<!tpu.dma_semaphore, #tpu.memory_space<semaphore_mem>>) src(%dma_wait3A_981 : memref<16x128xf32, #tpu.memory_space<vmem>>) dst(%dma_wait3A_977 : memref<16x128xf32, #tpu.memory_space<hbm>>)
      %dma_wait3A_982 = arith.constant 14 : i32
      %dma_wait3A_983 = arith.constant 0 : i32
      %dma_wait3A_984 = arith.constant 0 : i32
      %dma_wait3A_985 = tpu.memref_slice %arg11[%dma_wait3A_982, %dma_wait3A_983, %dma_wait3A_984] : memref<15x16x128xf32, #tpu.memory_space<vmem>> -> memref<1x16x128xf32, #tpu.memory_space<vmem>>
      %dma_wait3A_986 = tpu.memref_squeeze %dma_wait3A_985 : memref<1x16x128xf32, #tpu.memory_space<vmem>> -> memref<16x128xf32, #tpu.memory_space<vmem>>
      %dma_wait3A_987 = arith.constant 0 : i32
      %dma_wait3A_988 = tpu.memref_slice %arg10[%mul3A_786, %dma_wait3A_987] : memref<125008x128xf32, #tpu.memory_space<hbm>> -> memref<16x128xf32, #tpu.memory_space<hbm>>
      %dma_wait3A_989 = arith.constant 0 : i32
      %dma_wait3A_990 = tpu.memref_slice %arg10[%mul3A_786, %dma_wait3A_989] : memref<125008x128xf32, #tpu.memory_space<hbm>> -> memref<16x128xf32, #tpu.memory_space<hbm>>
      %dma_wait3A_991 = arith.constant 0 : i32
      %dma_wait3A_992 = arith.constant 0 : i32
      %dma_wait3A_993 = tpu.memref_slice %arg11[%dma_wait3A_982, %dma_wait3A_991, %dma_wait3A_992] : memref<15x16x128xf32, #tpu.memory_space<vmem>> -> memref<1x16x128xf32, #tpu.memory_space<vmem>>
      %dma_wait3A_994 = tpu.memref_squeeze %dma_wait3A_993 : memref<1x16x128xf32, #tpu.memory_space<vmem>> -> memref<16x128xf32, #tpu.memory_space<vmem>>
      tpu.wait_dma2 semaphore(%arg13 : memref<!tpu.dma_semaphore, #tpu.memory_space<semaphore_mem>>) src(%dma_wait3A_994 : memref<16x128xf32, #tpu.memory_space<vmem>>) dst(%dma_wait3A_990 : memref<16x128xf32, #tpu.memory_space<hbm>>)
    }
    %scan3A_5 = arith.constant 49 : i32
    %eq3A = arith.constant 0 : i32
    %eq3A_6 = arith.cmpi eq, %add3A, %eq3A : i32
    %convert_element_type3A = arith.extui %eq3A_6 : i1 to i32
    %cond3A = arith.constant 0 : i32
    %cond3A_7 = arith.cmpi ne, %convert_element_type3A, %cond3A : i32
    scf.if %cond3A_7 {
      "tpu.region"() ({
        %run_scoped3A = tpu.sem_alloc : memref<!tpu.dma_semaphore, #tpu.memory_space<semaphore_mem>>
        %dma_start3A = arith.constant 124992 : i32
        %dma_start3A_8 = arith.constant 0 : i32
        %dma_start3A_9 = tpu.memref_slice %arg8[%dma_start3A, %dma_start3A_8] : memref<125008x128xf32, #tpu.memory_space<hbm>> -> memref<16x128xf32, #tpu.memory_space<hbm>>
        tpu.enqueue_dma source(%arg5 : memref<16x128xf32, #tpu.memory_space<hbm>>) target(%dma_start3A_9 : memref<16x128xf32, #tpu.memory_space<hbm>>) target_semaphore(%run_scoped3A : memref<!tpu.dma_semaphore, #tpu.memory_space<semaphore_mem>>)
        %dma_wait3A = arith.constant 124992 : i32
        %dma_wait3A_10 = arith.constant 0 : i32
        %dma_wait3A_11 = tpu.memref_slice %arg8[%dma_wait3A, %dma_wait3A_10] : memref<125008x128xf32, #tpu.memory_space<hbm>> -> memref<16x128xf32, #tpu.memory_space<hbm>>
        tpu.wait_dma2 semaphore(%run_scoped3A : memref<!tpu.dma_semaphore, #tpu.memory_space<semaphore_mem>>) src(%arg5 : memref<16x128xf32, #tpu.memory_space<hbm>>) dst(%dma_wait3A_11 : memref<16x128xf32, #tpu.memory_space<hbm>>)
        tpu.yield
      }) : () -> ()
      "tpu.region"() ({
        %run_scoped3A = tpu.sem_alloc : memref<!tpu.dma_semaphore, #tpu.memory_space<semaphore_mem>>
        %dma_start3A = arith.constant 124992 : i32
        %dma_start3A_8 = arith.constant 0 : i32
        %dma_start3A_9 = tpu.memref_slice %arg9[%dma_start3A, %dma_start3A_8] : memref<125008x128xf32, #tpu.memory_space<hbm>> -> memref<16x128xf32, #tpu.memory_space<hbm>>
        tpu.enqueue_dma source(%arg6 : memref<16x128xf32, #tpu.memory_space<hbm>>) target(%dma_start3A_9 : memref<16x128xf32, #tpu.memory_space<hbm>>) target_semaphore(%run_scoped3A : memref<!tpu.dma_semaphore, #tpu.memory_space<semaphore_mem>>)
        %dma_wait3A = arith.constant 124992 : i32
        %dma_wait3A_10 = arith.constant 0 : i32
        %dma_wait3A_11 = tpu.memref_slice %arg9[%dma_wait3A, %dma_wait3A_10] : memref<125008x128xf32, #tpu.memory_space<hbm>> -> memref<16x128xf32, #tpu.memory_space<hbm>>
        tpu.wait_dma2 semaphore(%run_scoped3A : memref<!tpu.dma_semaphore, #tpu.memory_space<semaphore_mem>>) src(%arg6 : memref<16x128xf32, #tpu.memory_space<hbm>>) dst(%dma_wait3A_11 : memref<16x128xf32, #tpu.memory_space<hbm>>)
        tpu.yield
      }) : () -> ()
      "tpu.region"() ({
        %run_scoped3A = tpu.sem_alloc : memref<!tpu.dma_semaphore, #tpu.memory_space<semaphore_mem>>
        %dma_start3A = arith.constant 124992 : i32
        %dma_start3A_8 = arith.constant 0 : i32
        %dma_start3A_9 = tpu.memref_slice %arg10[%dma_start3A, %dma_start3A_8] : memref<125008x128xf32, #tpu.memory_space<hbm>> -> memref<16x128xf32, #tpu.memory_space<hbm>>
        tpu.enqueue_dma source(%arg7 : memref<16x128xf32, #tpu.memory_space<hbm>>) target(%dma_start3A_9 : memref<16x128xf32, #tpu.memory_space<hbm>>) target_semaphore(%run_scoped3A : memref<!tpu.dma_semaphore, #tpu.memory_space<semaphore_mem>>)
        %dma_wait3A = arith.constant 124992 : i32
        %dma_wait3A_10 = arith.constant 0 : i32
        %dma_wait3A_11 = tpu.memref_slice %arg10[%dma_wait3A, %dma_wait3A_10] : memref<125008x128xf32, #tpu.memory_space<hbm>> -> memref<16x128xf32, #tpu.memory_space<hbm>>
        tpu.wait_dma2 semaphore(%run_scoped3A : memref<!tpu.dma_semaphore, #tpu.memory_space<semaphore_mem>>) src(%arg7 : memref<16x128xf32, #tpu.memory_space<hbm>>) dst(%dma_wait3A_11 : memref<16x128xf32, #tpu.memory_space<hbm>>)
        tpu.yield
      }) : () -> ()
    } else {
    }
    return
  }
}

</mosaic_0001>

<sc_bundles>
// kernel: kernel.4.cloned.1.call-start
scs
__scs_entry_jumppad:
0x0: {  	(pc) =	sbr.rel $0x88, $3  }
0x1: {  	(tag) =	ssettag $0x0;
	lr =	simm.s32 $0x1  }
0x2: {  	[smem:$0x3F9A] =	sst lr;
	_ =	strace $0xD0000000  }
0x3: {  	_ = 	snop  }
0x4: {  	_ = 	snop  }
0x5: {  	_ = 	snop  }
0x6: {  	_ = 	snop  }
0x7: {  	_ = 	snop  }
__scs_overlays_trampoline_lowered:
0x8: {  	[smem:$0x3FA9] =	sst s0  }
0x9: {  	[smem:$0x3FAA] =	sst s1  }
0xa: {  	[smem:$0x3FAB] =	sst s2  }
0xb: {  	[smem:$0x3FAC] =	sst s3  }
0xc: {  	[smem:$0x3FAD] =	sst s4  }
0xd: {  	[smem:$0x3FAE] =	sst s5  }
0xe: {  	[smem:$0x3FAF] =	sst s6  }
0xf: {  	[smem:$0x3FB0] =	sst s7  }
0x10: {  	[smem:$0x3FB1] =	sst s8  }
0x11: {  	[smem:$0x3FB2] =	sst s9;
	s0 =	simm.s32 @!p0 $0x0  }
0x12: {  	s1 =	sld [smem:$0x3F98];
	s0 =	simm.s32 @p0 $0x1  }
0x13: {  	[smem:$0x3FB3] =	sst s0;
	s0 =	simm.s32 @!p1 $0x0  }
0x14: {  	s2 =	sld [smem:$0x3F97];
	s0 =	simm.s32 @p1 $0x1  }
0x15: {  	[smem:$0x3FB4] =	sst s0;
	s0 =	simm.s32 @!p2 $0x0  }
0x16: {  	s3 =	sld [smem:$0x3FDB];
	s0 =	simm.s32 @p2 $0x1  }
0x17: {  	s4 =	simm.s32 $0x1BF5;
	[smem:$0x3FB6] =	sst s0  }
0x18: {  	s0 =	sld [smem:$0x3F99];
	_ =	swait.ge [sflag:s4], $0x0  }
0x19: {  	s7 =	sld [smem:$0x3F9A]  }
0x1a: {  	s8 =	sadd.s32 $0xFFFFE003, lr  }
0x1b: {  	s9 =	sadd.s32 $0xFFFFFEF7, lr;
	s5 =	simm.s32 $0xFFFFFFFF;
	p2 =	slt.u32 s8, $0xFFFFF086  }
0x1c: {  	p1 =	slt.u32 s9, $0xF7A;
	s5 =	simm.s32 @!p2 $0x0  }
0x1d: {  	s5 =	simm.s32 @p1 $0x1;
	p0 =	seq.s32 s7, s2  }
0x1e: {  	s7 =	smul.u32 @!p0 $0xF7A, s2;
	p2 =	seq.s32 @!p0 s5, $0x0  }
0x1f: {  	s9 =	smul.u32 $0xF7A, s1;
	s8 =	simm.s32 @!p0 $0x1BF5;
	p2 =	por !p2, p0  }
0x20: {  	[sflag:s8] =	ssyncset.s32 @!p0 $0xFFFFF086;
	s6 =	sadd.s32 @!p0 s3, s7;
	s7 =	simm.s32 @!p0 $0x108  }
0x21: {  	s3 =	sadd.s32 s3, s9;
	s6 =	sadd.s32 @!p0 $0x88, s6;
	s7 =	simm.s32 @p2 $0x1082  }
0x22: {  	[simem:s7], [sflag:s8] =	dma.local @!p0 [hbm:s6], $0xF7A  }
0x23: {  	s9 =	sor.u32 $0xD0000000, s2;
	s6 =	simm.s32 $0x108;
	_ =	swait.ge @!p0 [sflag:s8], $0x0  }
0x24: {  	s3 =	sadd.s32 $0x88, s3;
	s6 =	simm.s32 @!p1 $0x1082;
	[sflag:s4] =	ssyncset.s32 $0xFFFFF086  }
0x25: {  	[simem:s6], [sflag:s4] =	dma.local [hbm:s3], $0xF7A  }
0x26: {  	[smem:$0x3F9A] =	sst s1;
	(tag) =	ssettag s2;
	_ =	strace s9  }
0x27: {  	s1 =	sld [smem:$0x3FAA]  }
0x28: {  	s2 =	sld [smem:$0x3FAB]  }
0x29: {  	s4 =	sld [smem:$0x3FAD]  }
0x2a: {  	p0 =	seq.s32 s5, $0x0;
	s5 =	sld [smem:$0x3FAE]  }
0x2b: {  	s6 =	sld [smem:$0x3FAF]  }
0x2c: {  	s7 =	sld [smem:$0x3FB0]  }
0x2d: {  	s3 =	simm.s32 $0x108;
	s8 =	sld [smem:$0x3FB1]  }
0x2e: {  	s3 =	simm.s32 @!p0 $0x1082;
	s9 =	sld [smem:$0x3FB2]  }
0x2f: {  	lr =	sadd.s32 s0, s3;
	s0 =	sld [smem:$0x3FA9]  }
0x30: {  	s3 =	sld [smem:$0x3FAC]  }
0x31: {  	[smem:$0x3FB5] =	sst s10  }
0x32: {  	s10 =	sld [smem:$0x3FB3];
	_ =	sdelay $0x3  }
0x33: {  	p0 =	seq.s32 s10, $0x1;
	s10 =	sld [smem:$0x3FB5];
	_ =	sdelay $0x3  }
0x34: {  	[smem:$0x3FB5] =	sst s10  }
0x35: {  	s10 =	sld [smem:$0x3FB4];
	_ =	sdelay $0x3  }
0x36: {  	p1 =	seq.s32 s10, $0x1;
	s10 =	sld [smem:$0x3FB5];
	_ =	sdelay $0x3  }
0x37: {  	[smem:$0x3FB5] =	sst s10  }
0x38: {  	s10 =	sld [smem:$0x3FB6]  }
0x39: {  	_ = 	snop;
	(pc) =	sbr.ind lr, $3  }
0x3a: {  	_ = 	snop  }
0x3b: {  	_ = 	snop  }
0x3c: {  	p2 =	seq.s32 s10, $0x1;
	s10 =	sld [smem:$0x3FB5]  }
0x3d: {  	_ =	shalt  }
0x3e: {  	_ =	shalt  }
0x3f: {  	_ =	shalt  }
0x40: {  	_ =	shalt  }
0x41: {  	_ =	shalt  }
0x42: {  	_ =	shalt  }
0x43: {  	_ =	shalt  }
0x44: {  	_ =	shalt  }
0x45: {  	_ =	shalt  }
0x46: {  	_ =	shalt  }
0x47: {  	_ =	shalt  }
0x48: {  	_ =	shalt  }
0x49: {  	_ =	shalt  }
0x4a: {  	_ =	shalt  }
0x4b: {  	_ =	shalt  }
0x4c: {  	_ =	shalt  }
0x4d: {  	_ =	shalt  }
0x4e: {  	_ =	shalt  }
0x4f: {  	_ =	shalt  }
0x50: {  	_ =	shalt  }
0x51: {  	_ =	shalt  }
0x52: {  	_ =	shalt  }
0x53: {  	_ =	shalt  }
0x54: {  	_ =	shalt  }
0x55: {  	_ =	shalt  }
0x56: {  	_ =	shalt  }
0x57: {  	_ =	shalt  }
0x58: {  	_ =	shalt  }
0x59: {  	_ =	shalt  }
0x5a: {  	_ =	shalt  }
0x5b: {  	_ =	shalt  }
0x5c: {  	_ =	shalt  }
0x5d: {  	_ =	shalt  }
0x5e: {  	_ =	shalt  }
0x5f: {  	_ =	shalt  }
0x60: {  	_ =	shalt  }
0x61: {  	_ =	shalt  }
0x62: {  	_ =	shalt  }
0x63: {  	_ =	shalt  }
0x64: {  	_ =	shalt  }
0x65: {  	_ =	shalt  }
0x66: {  	_ =	shalt  }
0x67: {  	_ =	shalt  }
0x68: {  	_ =	shalt  }
0x69: {  	_ =	shalt  }
0x6a: {  	_ =	shalt  }
0x6b: {  	_ =	shalt  }
0x6c: {  	_ =	shalt  }
0x6d: {  	_ =	shalt  }
0x6e: {  	_ =	shalt  }
0x6f: {  	_ =	shalt  }
0x70: {  	_ =	shalt  }
0x71: {  	_ =	shalt  }
0x72: {  	_ =	shalt  }
0x73: {  	_ =	shalt  }
0x74: {  	_ =	shalt  }
0x75: {  	_ =	shalt  }
0x76: {  	_ =	shalt  }
0x77: {  	_ =	shalt  }
0x78: {  	_ =	shalt  }
0x79: {  	_ =	shalt  }
0x7a: {  	_ =	shalt  }
0x7b: {  	_ =	shalt  }
0x7c: {  	_ =	shalt  }
0x7d: {  	_ =	shalt  }
0x7e: {  	_ =	shalt  }
0x7f: {  	_ =	shalt  }
0x80: {  	_ =	shalt  }
0x81: {  	_ =	shalt  }
0x82: {  	_ =	shalt  }
0x83: {  	_ =	shalt  }
0x84: {  	_ =	shalt  }
0x85: {  	_ =	shalt  }
0x86: {  	_ =	shalt  }
0x87: {  	_ =	shalt  }
.Lfunc_end0:
.L_simem_size_0:
called_computation_lowered:
.L_overlay_start_0:
0x88: {  	s2 =	sld [smem:$0x3FD9]  }
0x89: {  	s3 =	sld [smem:$0x3FFE];
	_ =	sdelay $0x1  }
0x8a: {  	s1 =	srdreg.scid  }
0x8b: {  	s0 =	sand.u32 $0x1, s1  }
0x8c: {  	s17 =	sshll.u32 s0, $0xA;
	s2 =	sadd.s32 s3, s2  }
0x8d: {  	s2 =	sadd.s32 s2, s17  }
0x8e: {  	[smem:$0x3FC1] =	sst s2  }
0x8f: {  	_ = 	snop  }
0x90: {  	s2 =	sld [smem:$0x3FC7]  }
0x91: {  	s18 =	sld [smem:$0x3FC6]  }
0x92: {  	s4 =	sld [smem:$0x3FC3]  }
0x93: {  	s5 =	sld [smem:$0x3FD0];
	(tm) =	ssettm $0x1  }
0x94: {  	s6 =	sld [smem:$0x3FFB];
	_ =	sdelay $0x3  }
0x95: {  	_ =	strace s6  }
0x96: {  	s6 =	sld [smem:$0x3FFC];
	_ =	sdelay $0x3  }
0x97: {  	_ =	strace s6  }
0x98: {  	s6 =	sld [smem:$0x3FFD];
	_ =	sdelay $0x3  }
0x99: {  	_ =	strace s6  }
0x9a: {  	_ =	strace $0x8FFFFFFF  }
0x9b: {  	s19 =	sld [smem:$0x3FDB];
	_ =	sdelay $0x1  }
0x9c: {  	s7 =	simm.s32 $_scs_section_size  }
0x9d: {  	s8 =	simm.s32 $_size__tile_overlayer_lowered;
	s9 =	simm.s32 $_tile_overlayer_lowered  }
0x9e: {  	s22 =	simm.s32 $0x1BFF;
	s21 =	sshll.u32 s9, $0x1;
	s6 =	sadd.s32 s7, s19  }
0x9f: {  	s10 =	simm.s32 $0x0;
	s20 =	sshll.u32 s8, $0x1;
	s8 =	sadd.s32 s21, s6  }
0xa0: {  	[timem:s10], [sflag:s22] =	dma.local [hbm:s8], s20  }
0xa1: {  	_ =	swait.ge [sflag:s22], s20  }
0xa2: {  	s7 =	ssub.s32 $0x0, s20;
	[sflag:s22] =	ssyncset.done $0x0  }
0xa3: {  	[sflag:s22] =	ssyncadd.s32 s7;
	_ =	sdelay $0x1  }
0xa4: {  	s23 =	simm.s32 $0x1B8B  }
0xa5: {  	_ =	swait.ge [sflag:s23], $0x1  }
0xa6: {  	[sflag:s23] =	ssyncset.done $0x0  }
0xa7: {  	s25 =	simm.s32 $0x1B8E;
	s24 =	sld [smem:$0x3FFE];
	[sflag:s23] =	ssyncadd.s32 $0xFFFFFFFF  }
0xa8: {  	s26 =	simm.s32 $execute0_lowered;
	[smem:$0x3FD2] =	sst s25  }
0xa9: {  	s8 =	sshll.u32 s26, $0x1;
	_ =	strace $0x80000046;
	[dreg:$0x1] =	wrdreg $0xFFFFFFFF  }
0xaa: {  	s28 =	simm.s32 $_size_execute0_lowered;
	s6 =	sadd.s32 s6, s8;
	[dreg:$0x0] =	wrdreg $0x0  }
0xab: {  	s8 =	sshll.u32 s28, $0x1;
	[dreg:$0x2] =	wrdreg s6  }
0xac: {  	[dreg:$0x3] =	wrdreg s8  }
0xad: {  	[dreg:$0x4] =	wrdreg $0xC0  }
0xae: {  	_ =	task [dreg:s10], $0x5FFFF  }
0xaf: {  	[dreg:$0x1] =	wrdreg $0xFFFFFFFF  }
0xb0: {  	[dreg:$0x0] =	wrdreg $0x60  }
0xb1: {  	[dreg:$0x2] =	wrdreg s2  }
0xb2: {  	[dreg:$0x3] =	wrdreg s18  }
0xb3: {  	[dreg:$0x4] =	wrdreg s4  }
0xb4: {  	[dreg:$0x5] =	wrdreg s5  }
0xb5: {  	[dreg:$0x6] =	wrdreg s24  }
0xb6: {  	[dreg:$0x7] =	wrdreg $0x9  }
0xb7: {  	_ =	task.clear_ibuf [dreg:s10], $0x8FFFF;
	_ =	strace $0x90000046  }
0xb8: {  	s29 =	simm.s32 $0x9;
	_ =	strace $0x80000048  }
0xb9: {  	_ =	swait.ge [sflag:s29], $0x1  }
0xba: {  	[sflag:s29] =	ssyncadd.s32 $0xFFFFFFFF  }
0xbb: {  	_ =	strace $0x90000048  }
0xbc: {  	_ =	sfence  }
0xbd: {  	s30 =	sld [smem:$0x0];
	_ =	sdelay $0x2  }
0xbe: {  	s31 =	sshll.u32 s1, $0xD;
	s1 =	sshrl.u32 s1, $0x2  }
0xbf: {  	s3 =	sand.u32 $0x4000, s31;
	s1 =	sadd.s32 s1, s30  }
0xc0: {  	s0 =	sor.u32 s3, s0;
	s1 =	sshll.u32 s1, $0x11  }
0xc1: {  	s0 =	sor.u32 s1, s0  }
0xc2: {  	s0 =	sadd.s32 $0x8F2B, s0  }
0xc3: {  	[sflag:s0] =	ssyncadd.remote.s32 $0x1  }
0xc4: {  	_ =	sfence.sel $0xFFFF  }
0xc5: {  	[dreg:$0x0] =	wrdreg $0xFFFFFFFF;
	(pc) =	sbr.abs _section_cstart, $3  }
0xc6: {  	[dreg:$0x1] =	wrdreg $0xFFFFFFFF  }
0xc7: {  	_ =	task.clear_ibuf [dreg:s10], $0x2FFFF;
	_ =	strace $0x9FFFFFFF  }
0xc8: {  	(tm) =	ssettm $0x7FFFFFFF  }
0xc9: {  	_ =	shalt  }
tec
execute0_lowered:
.L_overlay_start_1:
0x0: {  	(tag) =	ssettag $0x1  }
0x1: {  	s3 =	rddreg [dreg:$0x0]  }
0x2: {  	s9 =	rddreg [dreg:$0x1]  }
0x3: {  	s7 =	rddreg [dreg:$0x2]  }
0x4: {  	s0 =	rddreg [dreg:$0x4];
	s5 =	simm.s32 $0x0  }
0x5: {  	s1 =	srdreg.scid;
	s10 =	stileid.u32;
	s28 =	simm.s32 $0x2000  }
0x6: {  	s29 =	simm.s32 $0x2800;
	s30 =	simm.s32 $0x3000;
	s31 =	simm.s32 $0x3800  }
0x7: {  	[smem:$0x7FF] =	sst s5;
	s2 =	sadd.s32 $0x600, s0;
	s1 =	sand.u32 $0x1, s1  }
0x8: {  	s14 =	sadd.s32 $0x800, s0;
	s11 =	sadd.s32 $0xA00, s0;
	s12 =	sadd.s32 $0x1E9000, s0  }
0x9: {  	s13 =	sadd.s32 $0x3D1600, s0;
	_ =	strace $0x80000047;
	[dreg:$0xc] =	wrdreg s2  }
0xa: {  	s16 =	sshll.u32 s10, $0x1;
	s6 =	sadd.s32 $0x1E8E00, s0;
	[dreg:$0xd] =	wrdreg s14  }
0xb: {  	s17 =	sshll.u32 s10, $0x8;
	s8 =	sadd.s32 $0x3D1400, s0;
	[dreg:$0xe] =	wrdreg s6  }
0xc: {  	s0 =	sadd.s32 $0x5B9A00, s0;
	s24 =	sshll.u32 s10, $0x9;
	[dreg:$0xf] =	wrdreg s8  }
0xd: {  	s15 =	ssub.s32 $0x2, s1;
	s7 =	sadd.s32 s17, s7;
	[dreg:$0x10] =	wrdreg s0  }
0xe: {  	s18 =	sshll.u32 s1, $0x7;
	s20 =	sadd.s32 s17, s9;
	[dreg:$0xa] =	wrdreg s13  }
0xf: {  	s6 =	sadd.s32 s17, s3;
	s17 =	sshll.u32 s1, $0x8;
	[dreg:$0x9] =	wrdreg s12  }
0x10: {  	s25 =	sadd.s32 s24, s13;
	s26 =	sadd.s32 s24, s12;
	[dreg:$0xb] =	wrdreg s11  }
0x11: {  	s0 =	sadd.s32 s24, s11;
	s8 =	simm.s32 $0x6800;
	s12 =	simm.s32 $0x7000  }
0x12: {  	s13 =	simm.s32 $0x1;
	s14 =	simm.s32 $0x2;
	[dreg:$0x13] =	wrdreg s25  }
0x13: {  	s4 =	sshrl.u32 s15, $0x1;
	s19 =	sadd.s32 s18, s7;
	[dreg:$0x14] =	wrdreg s26  }
0x14: {  	s21 =	sadd.s32 s18, s20;
	s22 =	sadd.s32 s18, s6;
	[dreg:$0x15] =	wrdreg s0  }
0x15: {  	s7 =	simm.s32 $0x5800;
	s6 =	simm.s32 $0x6000;
	[dreg:$0x6] =	wrdreg s19  }
0x16: {  	s0 =	simm.s32 $0x0;
	s2 =	ssub.s32 s15, s4;
	[dreg:$0x7] =	wrdreg s21  }
0x17: {  	s4 =	sor.u32 s1, s16;
	[dreg:$0x8] =	wrdreg s22;
	s2 =	smax.u32 s2, $0x1  }
0x18: {  	s21 =	simm.s32 $0x400;
	s23 =	sor.u32 $0x80, s4;
	[dreg:$0x11] =	wrdreg s2  }
0x19: {  	s22 =	simm.s32 $0x7A1400;
	p0 =	sne.s32 s4, $0x0;
	[dreg:$0x12] =	wrdreg s23  }
.LBB2_1:
0x1a: {  	s1 =	rddreg [dreg:$0x8]  }
0x1b: {  	s1 =	sadd.s32 $0x0, s1  }
0x1c: {  	[tilespmem:s5], [sflag:$0x1] =	stream.strided.gather [hbm4b:s1+s21], $0x800, s22, s21, $0x38;
	[tilespmem:$0x7800] =	vst v63  }
0x1d: {  	s10 =	simm.s32 $0x800;
	s9 =	rddreg [dreg:$0x12];
	s2 =	sadd.s32 $0x1000, s1  }
0x1e: {  	[tilespmem:s10], [sflag:$0x1] =	stream.strided.gather [hbm4b:s2+s21], $0x800, s22, s21, $0x38;
	[tilespmem:$0x7800] =	vst v63  }
0x1f: {  	s18 =	simm.s32 $0x1000;
	p1 =	slt.s32 s9, $0x1E83;
	s2 =	smov.u32 s9  }
0x20: {  	s19 =	simm.s32 $0x1800;
	s25 =	sadd.s32 $0x2000, s1;
	s2 =	simm.s32 @!p1 $0x1E83  }
0x21: {  	[tilespmem:s18], [sflag:$0x1] =	stream.strided.gather [hbm4b:s25+s21], $0x800, s22, s21, $0x38;
	[tilespmem:$0x7800] =	vst v63  }
0x22: {  	s3 =	rddreg [dreg:$0x0];
	s1 =	sadd.s32 $0x3000, s1;
	s15 =	sshll.u32 s2, $0x7  }
0x23: {  	[tilespmem:s19], [sflag:$0x1] =	stream.strided.gather [hbm4b:s1+s21], $0x800, s22, s21, $0x38;
	[tilespmem:$0x7800] =	vst v63  }
0x24: {  	s26 =	rddreg [dreg:$0x7];
	s16 =	sadd.s32 s3, s15;
	s3 =	simm.s32 $0x2000  }
0x25: {  	[tilespmem:s3], [sflag:$0x1] =	stream.strided.gather [hbm4b:s16+s21], $0x800, s22, s21, $0x38;
	[tilespmem:$0x7800] =	vst v63  }
0x26: {  	s20 =	simm.s32 $0x2800;
	s1 =	sadd.s32 $0x0, s26  }
0x27: {  	[tilespmem:s20], [sflag:$0x1] =	stream.strided.gather [hbm4b:s1+s21], $0x800, s22, s21, $0x38;
	[tilespmem:$0x7800] =	vst v63  }
0x28: {  	[dreg:$0x16] =	wrdreg s0;
	s23 =	simm.s32 $0x3000;
	s0 =	sadd.s32 $0x1000, s1  }
0x29: {  	[tilespmem:s23], [sflag:$0x1] =	stream.strided.gather [hbm4b:s0+s21], $0x800, s22, s21, $0x38;
	[tilespmem:$0x7800] =	vst v63  }
0x2a: {  	s24 =	simm.s32 $0x3800;
	s4 =	sadd.s32 $0x2000, s1  }
0x2b: {  	[tilespmem:s24], [sflag:$0x1] =	stream.strided.gather [hbm4b:s4+s21], $0x800, s22, s21, $0x38;
	[tilespmem:$0x7800] =	vst v63  }
0x2c: {  	s25 =	rddreg [dreg:$0x1];
	s1 =	sadd.s32 $0x3000, s1;
	s0 =	simm.s32 $0x4000  }
0x2d: {  	[tilespmem:s0], [sflag:$0x1] =	stream.strided.gather [hbm4b:s1+s21], $0x800, s22, s21, $0x38;
	[tilespmem:$0x7800] =	vst v63  }
0x2e: {  	s11 =	rddreg [dreg:$0x6];
	s4 =	simm.s32 $0x4800;
	s1 =	sadd.s32 s25, s15  }
0x2f: {  	[tilespmem:s4], [sflag:$0x1] =	stream.strided.gather [hbm4b:s1+s21], $0x800, s22, s21, $0x38;
	[tilespmem:$0x7800] =	vst v63  }
0x30: {  	s26 =	sadd.s32 $0x0, s11;
	s25 =	simm.s32 $0x5000  }
0x31: {  	[tilespmem:s25], [sflag:$0x1] =	stream.strided.gather [hbm4b:s26+s21], $0x800, s22, s21, $0x38;
	[tilespmem:$0x7800] =	vst v63  }
0x32: {  	s16 =	sadd.s32 $0x1000, s26  }
0x33: {  	[tilespmem:s7], [sflag:$0x1] =	stream.strided.gather [hbm4b:s16+s21], $0x800, s22, s21, $0x38;
	[tilespmem:$0x7800] =	vst v63  }
0x34: {  	s11 =	sadd.s32 $0x2000, s26  }
0x35: {  	[tilespmem:s6], [sflag:$0x1] =	stream.strided.gather [hbm4b:s11+s21], $0x800, s22, s21, $0x38;
	[tilespmem:$0x7800] =	vst v63  }
0x36: {  	s1 =	sadd.s32 $0x3000, s26;
	s16 =	rddreg [dreg:$0x2]  }
0x37: {  	[tilespmem:s8], [sflag:$0x1] =	stream.strided.gather [hbm4b:s1+s21], $0x800, s22, s21, $0x38;
	[tilespmem:$0x7800] =	vst v63  }
0x38: {  	s1 =	sadd.s32 s16, s15  }
0x39: {  	[tilespmem:s12], [sflag:$0x1] =	stream.strided.gather [hbm4b:s1+s21], $0x800, s22, s21, $0x38;
	[tilespmem:$0x7800] =	vst v63  }
0x3a: {  	_ =	swait.ge [sflag:s13], $0x800  }
0x3b: {  	[sflag:s13] =	ssyncset.done $0x0;
	s11 =	rddreg [dreg:$0x15]  }
0x3c: {  	s1 =	sadd.s32 s11, s17;
	[sflag:s13] =	ssyncadd.s32 $0xFFFFF800  }
0x3d: {  	[hbm4b:s1+s5] =	stream.linear.scatter [tilespmem:s5], [sflag:$0x2], $0x800, $0x38;
	[tilespmem:$0x7800] =	vst v63  }
0x3e: {  	_ =	swait.ge [sflag:s13], $0x800  }
0x3f: {  	[sflag:s13] =	ssyncset.done $0x0  }
0x40: {  	s26 =	sadd.s32 $0x2000, s1;
	[sflag:s13] =	ssyncadd.s32 $0xFFFFF800  }
0x41: {  	[hbm4b:s26+s5] =	stream.linear.scatter [tilespmem:s10], [sflag:$0x2], $0x800, $0x38;
	[tilespmem:$0x7800] =	vst v63  }
0x42: {  	_ =	swait.ge [sflag:s13], $0x800  }
0x43: {  	[sflag:s13] =	ssyncset.done $0x0  }
0x44: {  	s16 =	sadd.s32 $0x4000, s1;
	[sflag:s13] =	ssyncadd.s32 $0xFFFFF800  }
0x45: {  	[hbm4b:s16+s5] =	stream.linear.scatter [tilespmem:s18], [sflag:$0x2], $0x800, $0x38;
	[tilespmem:$0x7800] =	vst v63  }
0x46: {  	_ =	swait.ge [sflag:s13], $0x800  }
0x47: {  	[sflag:s13] =	ssyncset.done $0x0  }
0x48: {  	s1 =	sadd.s32 $0x6000, s1;
	[sflag:s13] =	ssyncadd.s32 $0xFFFFF800  }
0x49: {  	[hbm4b:s1+s5] =	stream.linear.scatter [tilespmem:s19], [sflag:$0x2], $0x800, $0x38;
	[tilespmem:$0x7800] =	vst v63  }
0x4a: {  	_ =	swait.ge [sflag:s13], $0x800  }
0x4b: {  	s1 =	sshll.u32 s2, $0x8;
	[sflag:s13] =	ssyncset.done $0x0;
	s19 =	rddreg [dreg:$0xb]  }
0x4c: {  	s2 =	sadd.s32 s19, s1;
	[sflag:s13] =	ssyncadd.s32 $0xFFFFF800  }
0x4d: {  	[hbm4b:s2+s5] =	stream.linear.scatter [tilespmem:s3], [sflag:$0x2], $0x800, $0x38;
	[tilespmem:$0x7800] =	vst v63  }
0x4e: {  	_ =	swait.ge [sflag:s13], $0x800  }
0x4f: {  	[sflag:s13] =	ssyncset.done $0x0;
	s10 =	rddreg [dreg:$0x14]  }
0x50: {  	s26 =	sadd.s32 s10, s17;
	[sflag:s13] =	ssyncadd.s32 $0xFFFFF800  }
0x51: {  	[hbm4b:s26+s5] =	stream.linear.scatter [tilespmem:s20], [sflag:$0x2], $0x800, $0x38;
	[tilespmem:$0x7800] =	vst v63  }
0x52: {  	_ =	swait.ge [sflag:s13], $0x800  }
0x53: {  	[sflag:s13] =	ssyncset.done $0x0  }
0x54: {  	s3 =	sadd.s32 $0x2000, s26;
	[sflag:s13] =	ssyncadd.s32 $0xFFFFF800  }
0x55: {  	[hbm4b:s3+s5] =	stream.linear.scatter [tilespmem:s23], [sflag:$0x2], $0x800, $0x38;
	[tilespmem:$0x7800] =	vst v63  }
0x56: {  	_ =	swait.ge [sflag:s13], $0x800  }
0x57: {  	[sflag:s13] =	ssyncset.done $0x0  }
0x58: {  	s16 =	sadd.s32 $0x4000, s26;
	[sflag:s13] =	ssyncadd.s32 $0xFFFFF800  }
0x59: {  	[hbm4b:s16+s5] =	stream.linear.scatter [tilespmem:s24], [sflag:$0x2], $0x800, $0x38;
	[tilespmem:$0x7800] =	vst v63  }
0x5a: {  	_ =	swait.ge [sflag:s13], $0x800  }
0x5b: {  	[sflag:s13] =	ssyncset.done $0x0  }
0x5c: {  	s2 =	sadd.s32 $0x6000, s26;
	[sflag:s13] =	ssyncadd.s32 $0xFFFFF800  }
0x5d: {  	[hbm4b:s2+s5] =	stream.linear.scatter [tilespmem:s0], [sflag:$0x2], $0x800, $0x38;
	[tilespmem:$0x7800] =	vst v63  }
0x5e: {  	_ =	swait.ge [sflag:s13], $0x800  }
0x5f: {  	[sflag:s13] =	ssyncset.done $0x0;
	s18 =	rddreg [dreg:$0x9]  }
0x60: {  	s2 =	sadd.s32 s18, s1;
	[sflag:s13] =	ssyncadd.s32 $0xFFFFF800  }
0x61: {  	[hbm4b:s2+s5] =	stream.linear.scatter [tilespmem:s4], [sflag:$0x2], $0x800, $0x38;
	[tilespmem:$0x7800] =	vst v63  }
0x62: {  	_ =	swait.ge [sflag:s13], $0x800  }
0x63: {  	[sflag:s13] =	ssyncset.done $0x0;
	s19 =	rddreg [dreg:$0x13]  }
0x64: {  	s23 =	sadd.s32 s19, s17;
	[sflag:s13] =	ssyncadd.s32 $0xFFFFF800  }
0x65: {  	[hbm4b:s23+s5] =	stream.linear.scatter [tilespmem:s25], [sflag:$0x2], $0x800, $0x38;
	[tilespmem:$0x7800] =	vst v63  }
0x66: {  	_ =	swait.ge [sflag:s13], $0x800  }
0x67: {  	[sflag:s13] =	ssyncset.done $0x0  }
0x68: {  	s24 =	sadd.s32 $0x2000, s23;
	[sflag:s13] =	ssyncadd.s32 $0xFFFFF800  }
0x69: {  	[hbm4b:s24+s5] =	stream.linear.scatter [tilespmem:s7], [sflag:$0x2], $0x800, $0x38;
	[tilespmem:$0x7800] =	vst v63  }
0x6a: {  	_ =	swait.ge [sflag:s13], $0x800  }
0x6b: {  	[sflag:s13] =	ssyncset.done $0x0  }
0x6c: {  	s25 =	sadd.s32 $0x4000, s23;
	[sflag:s13] =	ssyncadd.s32 $0xFFFFF800  }
0x6d: {  	[hbm4b:s25+s5] =	stream.linear.scatter [tilespmem:s6], [sflag:$0x2], $0x800, $0x38;
	[tilespmem:$0x7800] =	vst v63  }
0x6e: {  	_ =	swait.ge [sflag:s13], $0x800  }
0x6f: {  	[sflag:s13] =	ssyncset.done $0x0  }
0x70: {  	s2 =	sadd.s32 $0x6000, s23;
	[sflag:s13] =	ssyncadd.s32 $0xFFFFF800  }
0x71: {  	[hbm4b:s2+s5] =	stream.linear.scatter [tilespmem:s8], [sflag:$0x2], $0x800, $0x38;
	[tilespmem:$0x7800] =	vst v63  }
0x72: {  	_ =	swait.ge [sflag:s13], $0x800  }
0x73: {  	[sflag:s13] =	ssyncset.done $0x0;
	s26 =	rddreg [dreg:$0xa]  }
0x74: {  	s1 =	sadd.s32 s26, s1;
	[sflag:s13] =	ssyncadd.s32 $0xFFFFF800  }
0x75: {  	[hbm4b:s1+s5] =	stream.linear.scatter [tilespmem:s12], [sflag:$0x2], $0x800, $0x38;
	[tilespmem:$0x7800] =	vst v63  }
0x76: {  	_ =	swait.ge [sflag:s14], $0x800  }
0x77: {  	[sflag:s14] =	ssyncset.done $0x0  }
0x78: {  	[sflag:s14] =	ssyncadd.s32 $0xFFFFF800  }
0x79: {  	_ =	swait.ge [sflag:s14], $0x800  }
0x7a: {  	[sflag:s14] =	ssyncset.done $0x0  }
0x7b: {  	[sflag:s14] =	ssyncadd.s32 $0xFFFFF800  }
0x7c: {  	_ =	swait.ge [sflag:s14], $0x800  }
0x7d: {  	[sflag:s14] =	ssyncset.done $0x0  }
0x7e: {  	[sflag:s14] =	ssyncadd.s32 $0xFFFFF800  }
0x7f: {  	_ =	swait.ge [sflag:s14], $0x800  }
0x80: {  	[sflag:s14] =	ssyncset.done $0x0  }
0x81: {  	[sflag:s14] =	ssyncadd.s32 $0xFFFFF800  }
0x82: {  	_ =	swait.ge [sflag:s14], $0x800  }
0x83: {  	[sflag:s14] =	ssyncset.done $0x0  }
0x84: {  	[sflag:s14] =	ssyncadd.s32 $0xFFFFF800  }
0x85: {  	_ =	swait.ge [sflag:s14], $0x800  }
0x86: {  	[sflag:s14] =	ssyncset.done $0x0  }
0x87: {  	[sflag:s14] =	ssyncadd.s32 $0xFFFFF800  }
0x88: {  	_ =	swait.ge [sflag:s14], $0x800  }
0x89: {  	[sflag:s14] =	ssyncset.done $0x0  }
0x8a: {  	[sflag:s14] =	ssyncadd.s32 $0xFFFFF800  }
0x8b: {  	_ =	swait.ge [sflag:s14], $0x800  }
0x8c: {  	[sflag:s14] =	ssyncset.done $0x0  }
0x8d: {  	[sflag:s14] =	ssyncadd.s32 $0xFFFFF800  }
0x8e: {  	_ =	swait.ge [sflag:s14], $0x800  }
0x8f: {  	[sflag:s14] =	ssyncset.done $0x0  }
0x90: {  	[sflag:s14] =	ssyncadd.s32 $0xFFFFF800  }
0x91: {  	_ =	swait.ge [sflag:s14], $0x800  }
0x92: {  	[sflag:s14] =	ssyncset.done $0x0  }
0x93: {  	[sflag:s14] =	ssyncadd.s32 $0xFFFFF800  }
0x94: {  	_ =	swait.ge [sflag:s14], $0x800  }
0x95: {  	[sflag:s14] =	ssyncset.done $0x0  }
0x96: {  	[sflag:s14] =	ssyncadd.s32 $0xFFFFF800  }
0x97: {  	_ =	swait.ge [sflag:s14], $0x800  }
0x98: {  	[sflag:s14] =	ssyncset.done $0x0  }
0x99: {  	[sflag:s14] =	ssyncadd.s32 $0xFFFFF800  }
0x9a: {  	_ =	swait.ge [sflag:s14], $0x800  }
0x9b: {  	[sflag:s14] =	ssyncset.done $0x0  }
0x9c: {  	[sflag:s14] =	ssyncadd.s32 $0xFFFFF800  }
0x9d: {  	_ =	swait.ge [sflag:s14], $0x800  }
0x9e: {  	s15 =	smov.u32 s9;
	s20 =	sadd.s32 $0xA000, s11;
	[sflag:s14] =	ssyncset.done $0x0  }
0x9f: {  	s16 =	simm.s32 $0x5000;
	s18 =	sadd.s32 $0xA000, s19;
	[sflag:s14] =	ssyncadd.s32 $0xFFFFF800  }
0xa0: {  	s19 =	sadd.s32 $0xA000, s10;
	s1 =	simm.s32 $0xA000;
	_ =	swait.ge [sflag:s14], $0x800  }
.LBB2_2:
0xa1: {  	s2 =	rddreg [dreg:$0x8];
	[sflag:s14] =	ssyncset.done $0x0  }
0xa2: {  	[sflag:s14] =	ssyncadd.s32 $0xFFFFF800;
	s2 =	sadd.s32 s16, s2  }
0xa3: {  	[tilespmem:s5], [sflag:$0x1] =	stream.strided.gather [hbm4b:s2+s21], $0x800, s22, s21, $0x38;
	[tilespmem:$0x7800] =	vst v63  }
0xa4: {  	s15 =	sadd.s32 $0xA0, s15;
	s25 =	simm.s32 $0x800;
	s9 =	sadd.s32 $0x1000, s2  }
0xa5: {  	[tilespmem:s25], [sflag:$0x1] =	stream.strided.gather [hbm4b:s9+s21], $0x800, s22, s21, $0x38;
	[tilespmem:$0x7800] =	vst v63  }
0xa6: {  	s24 =	simm.s32 $0x1000;
	p2 =	slt.s32 s15, $0x1E83;
	s9 =	smov.u32 s15  }
0xa7: {  	s26 =	simm.s32 $0x1800;
	s0 =	sadd.s32 $0x2000, s2;
	s9 =	simm.s32 @!p2 $0x1E83  }
0xa8: {  	[tilespmem:s24], [sflag:$0x1] =	stream.strided.gather [hbm4b:s0+s21], $0x800, s22, s21, $0x38;
	[tilespmem:$0x7800] =	vst v63  }
0xa9: {  	s2 =	sadd.s32 $0x3000, s2;
	s4 =	rddreg [dreg:$0x0];
	s11 =	sshll.u32 s9, $0x7  }
0xaa: {  	[tilespmem:s26], [sflag:$0x1] =	stream.strided.gather [hbm4b:s2+s21], $0x800, s22, s21, $0x38;
	[tilespmem:$0x7800] =	vst v63  }
0xab: {  	s10 =	rddreg [dreg:$0x7];
	s2 =	sshll.u32 s9, $0x8;
	s9 =	sadd.s32 s4, s11  }
0xac: {  	[tilespmem:s28], [sflag:$0x1] =	stream.strided.gather [hbm4b:s9+s21], $0x800, s22, s21, $0x38;
	[tilespmem:$0x7800] =	vst v63  }
0xad: {  	s23 =	sadd.s32 s16, s10  }
0xae: {  	[tilespmem:s29], [sflag:$0x1] =	stream.strided.gather [hbm4b:s23+s21], $0x800, s22, s21, $0x38;
	[tilespmem:$0x7800] =	vst v63  }
0xaf: {  	s10 =	sadd.s32 $0x1000, s23  }
0xb0: {  	[tilespmem:s30], [sflag:$0x1] =	stream.strided.gather [hbm4b:s10+s21], $0x800, s22, s21, $0x38;
	[tilespmem:$0x7800] =	vst v63  }
0xb1: {  	s0 =	sadd.s32 $0x2000, s23  }
0xb2: {  	[tilespmem:s31], [sflag:$0x1] =	stream.strided.gather [hbm4b:s0+s21], $0x800, s22, s21, $0x38;
	[tilespmem:$0x7800] =	vst v63  }
0xb3: {  	s4 =	rddreg [dreg:$0x1];
	s9 =	sadd.s32 $0x3000, s23;
	s0 =	simm.s32 $0x4000  }
0xb4: {  	[tilespmem:s0], [sflag:$0x1] =	stream.strided.gather [hbm4b:s9+s21], $0x800, s22, s21, $0x38;
	[tilespmem:$0x7800] =	vst v63  }
0xb5: {  	s23 =	rddreg [dreg:$0x6];
	s10 =	sadd.s32 s4, s11;
	s4 =	simm.s32 $0x4800  }
0xb6: {  	[tilespmem:s4], [sflag:$0x1] =	stream.strided.gather [hbm4b:s10+s21], $0x800, s22, s21, $0x38;
	[tilespmem:$0x7800] =	vst v63  }
0xb7: {  	s9 =	sadd.s32 s16, s23;
	s10 =	simm.s32 $0x5000  }
0xb8: {  	[tilespmem:s10], [sflag:$0x1] =	stream.strided.gather [hbm4b:s9+s21], $0x800, s22, s21, $0x38;
	[tilespmem:$0x7800] =	vst v63  }
0xb9: {  	s23 =	sadd.s32 $0x1000, s9  }
0xba: {  	[tilespmem:s7], [sflag:$0x1] =	stream.strided.gather [hbm4b:s23+s21], $0x800, s22, s21, $0x38;
	[tilespmem:$0x7800] =	vst v63  }
0xbb: {  	s3 =	smov.u32 s1;
	s23 =	sadd.s32 $0x2000, s9  }
0xbc: {  	[tilespmem:s6], [sflag:$0x1] =	stream.strided.gather [hbm4b:s23+s21], $0x800, s22, s21, $0x38;
	[tilespmem:$0x7800] =	vst v63  }
0xbd: {  	s16 =	smov.u32 s3;
	s3 =	sadd.s32 $0x3000, s9;
	s23 =	rddreg [dreg:$0x2]  }
0xbe: {  	[tilespmem:s8], [sflag:$0x1] =	stream.strided.gather [hbm4b:s3+s21], $0x800, s22, s21, $0x38;
	[tilespmem:$0x7800] =	vst v63  }
0xbf: {  	s9 =	sadd.s32 s23, s11  }
0xc0: {  	[tilespmem:s12], [sflag:$0x1] =	stream.strided.gather [hbm4b:s9+s21], $0x800, s22, s21, $0x38;
	[tilespmem:$0x7800] =	vst v63  }
0xc1: {  	_ =	swait.ge [sflag:s13], $0x800  }
0xc2: {  	[sflag:s13] =	ssyncset.done $0x0  }
0xc3: {  	s3 =	sadd.s32 s20, s17;
	[sflag:s13] =	ssyncadd.s32 $0xFFFFF800  }
0xc4: {  	[hbm4b:s3+s5] =	stream.linear.scatter [tilespmem:s5], [sflag:$0x2], $0x800, $0x38;
	[tilespmem:$0x7800] =	vst v63  }
0xc5: {  	_ =	swait.ge [sflag:s13], $0x800  }
0xc6: {  	[sflag:s13] =	ssyncset.done $0x0  }
0xc7: {  	s23 =	sadd.s32 $0x2000, s3;
	[sflag:s13] =	ssyncadd.s32 $0xFFFFF800  }
0xc8: {  	[hbm4b:s23+s5] =	stream.linear.scatter [tilespmem:s25], [sflag:$0x2], $0x800, $0x38;
	[tilespmem:$0x7800] =	vst v63  }
0xc9: {  	_ =	swait.ge [sflag:s13], $0x800  }
0xca: {  	[sflag:s13] =	ssyncset.done $0x0  }
0xcb: {  	s11 =	sadd.s32 $0x4000, s3;
	[sflag:s13] =	ssyncadd.s32 $0xFFFFF800  }
0xcc: {  	[hbm4b:s11+s5] =	stream.linear.scatter [tilespmem:s24], [sflag:$0x2], $0x800, $0x38;
	[tilespmem:$0x7800] =	vst v63  }
0xcd: {  	_ =	swait.ge [sflag:s13], $0x800  }
0xce: {  	[sflag:s13] =	ssyncset.done $0x0  }
0xcf: {  	s3 =	sadd.s32 $0x6000, s3;
	[sflag:s13] =	ssyncadd.s32 $0xFFFFF800  }
0xd0: {  	[hbm4b:s3+s5] =	stream.linear.scatter [tilespmem:s26], [sflag:$0x2], $0x800, $0x38;
	[tilespmem:$0x7800] =	vst v63  }
0xd1: {  	_ =	swait.ge [sflag:s13], $0x800  }
0xd2: {  	[sflag:s13] =	ssyncset.done $0x0;
	s23 =	rddreg [dreg:$0xb]  }
0xd3: {  	s3 =	sadd.s32 s23, s2;
	[sflag:s13] =	ssyncadd.s32 $0xFFFFF800  }
0xd4: {  	[hbm4b:s3+s5] =	stream.linear.scatter [tilespmem:s28], [sflag:$0x2], $0x800, $0x38;
	[tilespmem:$0x7800] =	vst v63  }
0xd5: {  	_ =	swait.ge [sflag:s13], $0x800  }
0xd6: {  	[sflag:s13] =	ssyncset.done $0x0  }
0xd7: {  	s24 =	sadd.s32 s19, s17;
	[sflag:s13] =	ssyncadd.s32 $0xFFFFF800  }
0xd8: {  	[hbm4b:s24+s5] =	stream.linear.scatter [tilespmem:s29], [sflag:$0x2], $0x800, $0x38;
	[tilespmem:$0x7800] =	vst v63  }
0xd9: {  	_ =	swait.ge [sflag:s13], $0x800  }
0xda: {  	[sflag:s13] =	ssyncset.done $0x0  }
0xdb: {  	s25 =	sadd.s32 $0x2000, s24;
	[sflag:s13] =	ssyncadd.s32 $0xFFFFF800  }
0xdc: {  	[hbm4b:s25+s5] =	stream.linear.scatter [tilespmem:s30], [sflag:$0x2], $0x800, $0x38;
	[tilespmem:$0x7800] =	vst v63  }
0xdd: {  	_ =	swait.ge [sflag:s13], $0x800  }
0xde: {  	[sflag:s13] =	ssyncset.done $0x0  }
0xdf: {  	s26 =	sadd.s32 $0x4000, s24;
	[sflag:s13] =	ssyncadd.s32 $0xFFFFF800  }
0xe0: {  	[hbm4b:s26+s5] =	stream.linear.scatter [tilespmem:s31], [sflag:$0x2], $0x800, $0x38;
	[tilespmem:$0x7800] =	vst v63  }
0xe1: {  	_ =	swait.ge [sflag:s13], $0x800  }
0xe2: {  	[sflag:s13] =	ssyncset.done $0x0  }
0xe3: {  	s3 =	sadd.s32 $0x6000, s24;
	[sflag:s13] =	ssyncadd.s32 $0xFFFFF800  }
0xe4: {  	[hbm4b:s3+s5] =	stream.linear.scatter [tilespmem:s0], [sflag:$0x2], $0x800, $0x38;
	[tilespmem:$0x7800] =	vst v63  }
0xe5: {  	_ =	swait.ge [sflag:s13], $0x800  }
0xe6: {  	[sflag:s13] =	ssyncset.done $0x0;
	s11 =	rddreg [dreg:$0x9]  }
0xe7: {  	s3 =	sadd.s32 s11, s2;
	[sflag:s13] =	ssyncadd.s32 $0xFFFFF800  }
0xe8: {  	[hbm4b:s3+s5] =	stream.linear.scatter [tilespmem:s4], [sflag:$0x2], $0x800, $0x38;
	[tilespmem:$0x7800] =	vst v63  }
0xe9: {  	_ =	swait.ge [sflag:s13], $0x800  }
0xea: {  	[sflag:s13] =	ssyncset.done $0x0  }
0xeb: {  	s23 =	sadd.s32 s18, s17;
	[sflag:s13] =	ssyncadd.s32 $0xFFFFF800  }
0xec: {  	[hbm4b:s23+s5] =	stream.linear.scatter [tilespmem:s10], [sflag:$0x2], $0x800, $0x38;
	[tilespmem:$0x7800] =	vst v63  }
0xed: {  	_ =	swait.ge [sflag:s13], $0x800  }
0xee: {  	[sflag:s13] =	ssyncset.done $0x0  }
0xef: {  	s24 =	sadd.s32 $0x2000, s23;
	[sflag:s13] =	ssyncadd.s32 $0xFFFFF800  }
0xf0: {  	[hbm4b:s24+s5] =	stream.linear.scatter [tilespmem:s7], [sflag:$0x2], $0x800, $0x38;
	[tilespmem:$0x7800] =	vst v63  }
0xf1: {  	_ =	swait.ge [sflag:s13], $0x800  }
0xf2: {  	[sflag:s13] =	ssyncset.done $0x0  }
0xf3: {  	s25 =	sadd.s32 $0x4000, s23;
	[sflag:s13] =	ssyncadd.s32 $0xFFFFF800  }
0xf4: {  	[hbm4b:s25+s5] =	stream.linear.scatter [tilespmem:s6], [sflag:$0x2], $0x800, $0x38;
	[tilespmem:$0x7800] =	vst v63  }
0xf5: {  	_ =	swait.ge [sflag:s13], $0x800  }
0xf6: {  	[sflag:s13] =	ssyncset.done $0x0  }
0xf7: {  	s3 =	sadd.s32 $0x6000, s23;
	[sflag:s13] =	ssyncadd.s32 $0xFFFFF800  }
0xf8: {  	[hbm4b:s3+s5] =	stream.linear.scatter [tilespmem:s8], [sflag:$0x2], $0x800, $0x38;
	[tilespmem:$0x7800] =	vst v63  }
0xf9: {  	_ =	swait.ge [sflag:s13], $0x800  }
0xfa: {  	[sflag:s13] =	ssyncset.done $0x0;
	s26 =	rddreg [dreg:$0xa]  }
0xfb: {  	s2 =	sadd.s32 s26, s2;
	[sflag:s13] =	ssyncadd.s32 $0xFFFFF800  }
0xfc: {  	[hbm4b:s2+s5] =	stream.linear.scatter [tilespmem:s12], [sflag:$0x2], $0x800, $0x38;
	[tilespmem:$0x7800] =	vst v63  }
0xfd: {  	_ =	swait.ge [sflag:s14], $0x800  }
0xfe: {  	[sflag:s14] =	ssyncset.done $0x0  }
0xff: {  	[sflag:s14] =	ssyncadd.s32 $0xFFFFF800  }
0x100: {  	_ =	swait.ge [sflag:s14], $0x800  }
0x101: {  	[sflag:s14] =	ssyncset.done $0x0  }
0x102: {  	[sflag:s14] =	ssyncadd.s32 $0xFFFFF800  }
0x103: {  	_ =	swait.ge [sflag:s14], $0x800  }
0x104: {  	[sflag:s14] =	ssyncset.done $0x0  }
0x105: {  	[sflag:s14] =	ssyncadd.s32 $0xFFFFF800  }
0x106: {  	_ =	swait.ge [sflag:s14], $0x800  }
0x107: {  	[sflag:s14] =	ssyncset.done $0x0  }
0x108: {  	[sflag:s14] =	ssyncadd.s32 $0xFFFFF800  }
0x109: {  	_ =	swait.ge [sflag:s14], $0x800  }
0x10a: {  	[sflag:s14] =	ssyncset.done $0x0  }
0x10b: {  	[sflag:s14] =	ssyncadd.s32 $0xFFFFF800  }
0x10c: {  	_ =	swait.ge [sflag:s14], $0x800  }
0x10d: {  	[sflag:s14] =	ssyncset.done $0x0  }
0x10e: {  	[sflag:s14] =	ssyncadd.s32 $0xFFFFF800  }
0x10f: {  	_ =	swait.ge [sflag:s14], $0x800  }
0x110: {  	[sflag:s14] =	ssyncset.done $0x0  }
0x111: {  	[sflag:s14] =	ssyncadd.s32 $0xFFFFF800  }
0x112: {  	_ =	swait.ge [sflag:s14], $0x800  }
0x113: {  	[sflag:s14] =	ssyncset.done $0x0  }
0x114: {  	[sflag:s14] =	ssyncadd.s32 $0xFFFFF800  }
0x115: {  	_ =	swait.ge [sflag:s14], $0x800  }
0x116: {  	[sflag:s14] =	ssyncset.done $0x0  }
0x117: {  	[sflag:s14] =	ssyncadd.s32 $0xFFFFF800  }
0x118: {  	_ =	swait.ge [sflag:s14], $0x800  }
0x119: {  	[sflag:s14] =	ssyncset.done $0x0  }
0x11a: {  	[sflag:s14] =	ssyncadd.s32 $0xFFFFF800  }
0x11b: {  	_ =	swait.ge [sflag:s14], $0x800  }
0x11c: {  	[sflag:s14] =	ssyncset.done $0x0  }
0x11d: {  	[sflag:s14] =	ssyncadd.s32 $0xFFFFF800  }
0x11e: {  	_ =	swait.ge [sflag:s14], $0x800  }
0x11f: {  	[sflag:s14] =	ssyncset.done $0x0  }
0x120: {  	[sflag:s14] =	ssyncadd.s32 $0xFFFFF800  }
0x121: {  	_ =	swait.ge [sflag:s14], $0x800  }
0x122: {  	p1 =	sne.s32 s1, $0xF0000;
	[sflag:s14] =	ssyncset.done $0x0  }
.Ltmp0:
0x123: {  	[sflag:s14] =	ssyncadd.s32 $0xFFFFF800;
	(pc) =	sbr.rel @p1 .LBB2_2-.Ltmp0, $4  }
0x124: {  	_ =	swait.ge [sflag:s14], $0x800  }
0x125: {  	[sflag:s14] =	ssyncset.done $0x0  }
0x126: {  	s1 =	sadd.s32 $0x5000, s1;
	s20 =	sadd.s32 $0xA000, s20;
	[sflag:s14] =	ssyncadd.s32 $0xFFFFF800  }
0x127: {  	s19 =	sadd.s32 $0xA000, s19;
	s18 =	sadd.s32 $0xA000, s18;
	_ =	swait.ge [sflag:s14], $0x800  }
0x128: {  	s1 =	rddreg [dreg:$0x8];
	[sflag:s14] =	ssyncset.done $0x0;
	s2 =	sadd.s32 $0xA0, s15  }
0x129: {  	s10 =	simm.s32 $0x800;
	[sflag:s14] =	ssyncadd.s32 $0xFFFFF800;
	s1 =	sadd.s32 s16, s1  }
0x12a: {  	[tilespmem:s5], [sflag:$0x1] =	stream.strided.gather [hbm4b:s1+s21], $0x800, s22, s21, $0x38;
	[tilespmem:$0x7800] =	vst v63  }
0x12b: {  	s11 =	simm.s32 $0x1000;
	p1 =	slt.s32 s2, $0x1E83;
	s3 =	sadd.s32 $0x1000, s1  }
0x12c: {  	[tilespmem:s10], [sflag:$0x1] =	stream.strided.gather [hbm4b:s3+s21], $0x800, s22, s21, $0x38;
	[tilespmem:$0x7800] =	vst v63  }
0x12d: {  	s15 =	simm.s32 $0x1800;
	s24 =	sadd.s32 $0x2000, s1;
	s2 =	simm.s32 @!p1 $0x1E83  }
0x12e: {  	[tilespmem:s11], [sflag:$0x1] =	stream.strided.gather [hbm4b:s24+s21], $0x800, s22, s21, $0x38;
	[tilespmem:$0x7800] =	vst v63  }
0x12f: {  	s1 =	sadd.s32 $0x3000, s1;
	s9 =	rddreg [dreg:$0x0];
	s3 =	sshll.u32 s2, $0x7  }
0x130: {  	[tilespmem:s15], [sflag:$0x1] =	stream.strided.gather [hbm4b:s1+s21], $0x800, s22, s21, $0x38;
	[tilespmem:$0x7800] =	vst v63  }
0x131: {  	s25 =	rddreg [dreg:$0x7];
	s23 =	simm.s32 $0x2000;
	s9 =	sadd.s32 s9, s3  }
0x132: {  	[tilespmem:s23], [sflag:$0x1] =	stream.strided.gather [hbm4b:s9+s21], $0x800, s22, s21, $0x38;
	[tilespmem:$0x7800] =	vst v63  }
0x133: {  	s24 =	simm.s32 $0x2800;
	s1 =	sadd.s32 s16, s25  }
0x134: {  	[tilespmem:s24], [sflag:$0x1] =	stream.strided.gather [hbm4b:s1+s21], $0x800, s22, s21, $0x38;
	[tilespmem:$0x7800] =	vst v63  }
0x135: {  	s25 =	simm.s32 $0x3000;
	s26 =	sadd.s32 $0x1000, s1  }
0x136: {  	[tilespmem:s25], [sflag:$0x1] =	stream.strided.gather [hbm4b:s26+s21], $0x800, s22, s21, $0x38;
	[tilespmem:$0x7800] =	vst v63  }
0x137: {  	s0 =	sadd.s32 $0x2000, s1;
	s26 =	simm.s32 $0x3800  }
0x138: {  	[tilespmem:s26], [sflag:$0x1] =	stream.strided.gather [hbm4b:s0+s21], $0x800, s22, s21, $0x38;
	[tilespmem:$0x7800] =	vst v63  }
0x139: {  	s4 =	rddreg [dreg:$0x1];
	s1 =	sadd.s32 $0x3000, s1;
	s0 =	simm.s32 $0x4000  }
0x13a: {  	[tilespmem:s0], [sflag:$0x1] =	stream.strided.gather [hbm4b:s1+s21], $0x800, s22, s21, $0x38;
	[tilespmem:$0x7800] =	vst v63  }
0x13b: {  	s9 =	rddreg [dreg:$0x6];
	s1 =	sadd.s32 s4, s3;
	s4 =	simm.s32 $0x4800  }
0x13c: {  	[tilespmem:s4], [sflag:$0x1] =	stream.strided.gather [hbm4b:s1+s21], $0x800, s22, s21, $0x38;
	[tilespmem:$0x7800] =	vst v63  }
0x13d: {  	s1 =	sadd.s32 s16, s9;
	s16 =	simm.s32 $0x5000  }
0x13e: {  	[tilespmem:s16], [sflag:$0x1] =	stream.strided.gather [hbm4b:s1+s21], $0x800, s22, s21, $0x38;
	[tilespmem:$0x7800] =	vst v63  }
0x13f: {  	s9 =	sadd.s32 $0x1000, s1  }
0x140: {  	[tilespmem:s7], [sflag:$0x1] =	stream.strided.gather [hbm4b:s9+s21], $0x800, s22, s21, $0x38;
	[tilespmem:$0x7800] =	vst v63  }
0x141: {  	s9 =	sadd.s32 $0x2000, s1  }
0x142: {  	[tilespmem:s6], [sflag:$0x1] =	stream.strided.gather [hbm4b:s9+s21], $0x800, s22, s21, $0x38;
	[tilespmem:$0x7800] =	vst v63  }
0x143: {  	s1 =	sadd.s32 $0x3000, s1;
	s9 =	rddreg [dreg:$0x2]  }
0x144: {  	[tilespmem:s8], [sflag:$0x1] =	stream.strided.gather [hbm4b:s1+s21], $0x800, s22, s21, $0x38;
	[tilespmem:$0x7800] =	vst v63  }
0x145: {  	s1 =	sadd.s32 s9, s3  }
0x146: {  	[tilespmem:s12], [sflag:$0x1] =	stream.strided.gather [hbm4b:s1+s21], $0x800, s22, s21, $0x38;
	[tilespmem:$0x7800] =	vst v63  }
0x147: {  	_ =	swait.ge [sflag:s13], $0x800  }
0x148: {  	[sflag:s13] =	ssyncset.done $0x0  }
0x149: {  	s1 =	sadd.s32 s20, s17;
	[sflag:s13] =	ssyncadd.s32 $0xFFFFF800  }
0x14a: {  	[hbm4b:s1+s5] =	stream.linear.scatter [tilespmem:s5], [sflag:$0x2], $0x800, $0x38;
	[tilespmem:$0x7800] =	vst v63  }
0x14b: {  	_ =	swait.ge [sflag:s13], $0x800  }
0x14c: {  	[sflag:s13] =	ssyncset.done $0x0  }
0x14d: {  	s9 =	sadd.s32 $0x2000, s1;
	[sflag:s13] =	ssyncadd.s32 $0xFFFFF800  }
0x14e: {  	[hbm4b:s9+s5] =	stream.linear.scatter [tilespmem:s10], [sflag:$0x2], $0x800, $0x38;
	[tilespmem:$0x7800] =	vst v63  }
0x14f: {  	_ =	swait.ge [sflag:s13], $0x800  }
0x150: {  	[sflag:s13] =	ssyncset.done $0x0  }
0x151: {  	s20 =	sadd.s32 $0x4000, s1;
	[sflag:s13] =	ssyncadd.s32 $0xFFFFF800  }
0x152: {  	[hbm4b:s20+s5] =	stream.linear.scatter [tilespmem:s11], [sflag:$0x2], $0x800, $0x38;
	[tilespmem:$0x7800] =	vst v63  }
0x153: {  	_ =	swait.ge [sflag:s13], $0x800  }
0x154: {  	[sflag:s13] =	ssyncset.done $0x0  }
0x155: {  	s1 =	sadd.s32 $0x6000, s1;
	[sflag:s13] =	ssyncadd.s32 $0xFFFFF800  }
0x156: {  	[hbm4b:s1+s5] =	stream.linear.scatter [tilespmem:s15], [sflag:$0x2], $0x800, $0x38;
	[tilespmem:$0x7800] =	vst v63  }
0x157: {  	_ =	swait.ge [sflag:s13], $0x800  }
0x158: {  	s1 =	sshll.u32 s2, $0x8;
	[sflag:s13] =	ssyncset.done $0x0;
	s3 =	rddreg [dreg:$0xb]  }
0x159: {  	s2 =	sadd.s32 s3, s1;
	[sflag:s13] =	ssyncadd.s32 $0xFFFFF800  }
0x15a: {  	[hbm4b:s2+s5] =	stream.linear.scatter [tilespmem:s23], [sflag:$0x2], $0x800, $0x38;
	[tilespmem:$0x7800] =	vst v63  }
0x15b: {  	_ =	swait.ge [sflag:s13], $0x800  }
0x15c: {  	[sflag:s13] =	ssyncset.done $0x0  }
0x15d: {  	s9 =	sadd.s32 s19, s17;
	[sflag:s13] =	ssyncadd.s32 $0xFFFFF800  }
0x15e: {  	[hbm4b:s9+s5] =	stream.linear.scatter [tilespmem:s24], [sflag:$0x2], $0x800, $0x38;
	[tilespmem:$0x7800] =	vst v63  }
0x15f: {  	_ =	swait.ge [sflag:s13], $0x800  }
0x160: {  	[sflag:s13] =	ssyncset.done $0x0  }
0x161: {  	s10 =	sadd.s32 $0x2000, s9;
	[sflag:s13] =	ssyncadd.s32 $0xFFFFF800  }
0x162: {  	[hbm4b:s10+s5] =	stream.linear.scatter [tilespmem:s25], [sflag:$0x2], $0x800, $0x38;
	[tilespmem:$0x7800] =	vst v63  }
0x163: {  	_ =	swait.ge [sflag:s13], $0x800  }
0x164: {  	[sflag:s13] =	ssyncset.done $0x0  }
0x165: {  	s11 =	sadd.s32 $0x4000, s9;
	[sflag:s13] =	ssyncadd.s32 $0xFFFFF800  }
0x166: {  	[hbm4b:s11+s5] =	stream.linear.scatter [tilespmem:s26], [sflag:$0x2], $0x800, $0x38;
	[tilespmem:$0x7800] =	vst v63  }
0x167: {  	_ =	swait.ge [sflag:s13], $0x800  }
0x168: {  	[sflag:s13] =	ssyncset.done $0x0  }
0x169: {  	s2 =	sadd.s32 $0x6000, s9;
	[sflag:s13] =	ssyncadd.s32 $0xFFFFF800  }
0x16a: {  	[hbm4b:s2+s5] =	stream.linear.scatter [tilespmem:s0], [sflag:$0x2], $0x800, $0x38;
	[tilespmem:$0x7800] =	vst v63  }
0x16b: {  	_ =	swait.ge [sflag:s13], $0x800  }
0x16c: {  	[sflag:s13] =	ssyncset.done $0x0;
	s15 =	rddreg [dreg:$0x9]  }
0x16d: {  	s2 =	sadd.s32 s15, s1;
	[sflag:s13] =	ssyncadd.s32 $0xFFFFF800  }
0x16e: {  	[hbm4b:s2+s5] =	stream.linear.scatter [tilespmem:s4], [sflag:$0x2], $0x800, $0x38;
	[tilespmem:$0x7800] =	vst v63  }
0x16f: {  	_ =	swait.ge [sflag:s13], $0x800  }
0x170: {  	[sflag:s13] =	ssyncset.done $0x0  }
0x171: {  	s19 =	sadd.s32 s18, s17;
	[sflag:s13] =	ssyncadd.s32 $0xFFFFF800  }
0x172: {  	[hbm4b:s19+s5] =	stream.linear.scatter [tilespmem:s16], [sflag:$0x2], $0x800, $0x38;
	[tilespmem:$0x7800] =	vst v63  }
0x173: {  	_ =	swait.ge [sflag:s13], $0x800  }
0x174: {  	[sflag:s13] =	ssyncset.done $0x0  }
0x175: {  	s20 =	sadd.s32 $0x2000, s19;
	[sflag:s13] =	ssyncadd.s32 $0xFFFFF800  }
0x176: {  	[hbm4b:s20+s5] =	stream.linear.scatter [tilespmem:s7], [sflag:$0x2], $0x800, $0x38;
	[tilespmem:$0x7800] =	vst v63  }
0x177: {  	_ =	swait.ge [sflag:s13], $0x800  }
0x178: {  	[sflag:s13] =	ssyncset.done $0x0  }
0x179: {  	s23 =	sadd.s32 $0x4000, s19;
	[sflag:s13] =	ssyncadd.s32 $0xFFFFF800  }
0x17a: {  	[hbm4b:s23+s5] =	stream.linear.scatter [tilespmem:s6], [sflag:$0x2], $0x800, $0x38;
	[tilespmem:$0x7800] =	vst v63  }
0x17b: {  	_ =	swait.ge [sflag:s13], $0x800  }
0x17c: {  	[sflag:s13] =	ssyncset.done $0x0  }
0x17d: {  	s2 =	sadd.s32 $0x6000, s19;
	[sflag:s13] =	ssyncadd.s32 $0xFFFFF800  }
0x17e: {  	[hbm4b:s2+s5] =	stream.linear.scatter [tilespmem:s8], [sflag:$0x2], $0x800, $0x38;
	[tilespmem:$0x7800] =	vst v63  }
0x17f: {  	_ =	swait.ge [sflag:s13], $0x800  }
0x180: {  	[sflag:s13] =	ssyncset.done $0x0;
	s24 =	rddreg [dreg:$0xa]  }
0x181: {  	s1 =	sadd.s32 s24, s1;
	[sflag:s13] =	ssyncadd.s32 $0xFFFFF800  }
0x182: {  	[hbm4b:s1+s5] =	stream.linear.scatter [tilespmem:s12], [sflag:$0x2], $0x800, $0x38;
	[tilespmem:$0x7800] =	vst v63  }
0x183: {  	_ =	swait.ge [sflag:s14], $0x800  }
0x184: {  	[sflag:s14] =	ssyncset.done $0x0  }
0x185: {  	[sflag:s14] =	ssyncadd.s32 $0xFFFFF800  }
0x186: {  	_ =	swait.ge [sflag:s14], $0x800  }
0x187: {  	[sflag:s14] =	ssyncset.done $0x0  }
0x188: {  	[sflag:s14] =	ssyncadd.s32 $0xFFFFF800  }
0x189: {  	_ =	swait.ge [sflag:s14], $0x800  }
0x18a: {  	[sflag:s14] =	ssyncset.done $0x0  }
0x18b: {  	[sflag:s14] =	ssyncadd.s32 $0xFFFFF800  }
0x18c: {  	_ =	swait.ge [sflag:s14], $0x800  }
0x18d: {  	[sflag:s14] =	ssyncset.done $0x0  }
0x18e: {  	[sflag:s14] =	ssyncadd.s32 $0xFFFFF800  }
0x18f: {  	_ =	swait.ge [sflag:s14], $0x800  }
0x190: {  	[sflag:s14] =	ssyncset.done $0x0  }
0x191: {  	[sflag:s14] =	ssyncadd.s32 $0xFFFFF800  }
0x192: {  	_ =	swait.ge [sflag:s14], $0x800  }
0x193: {  	[sflag:s14] =	ssyncset.done $0x0  }
0x194: {  	[sflag:s14] =	ssyncadd.s32 $0xFFFFF800  }
0x195: {  	_ =	swait.ge [sflag:s14], $0x800  }
0x196: {  	[sflag:s14] =	ssyncset.done $0x0  }
0x197: {  	[sflag:s14] =	ssyncadd.s32 $0xFFFFF800  }
0x198: {  	_ =	swait.ge [sflag:s14], $0x800  }
0x199: {  	[sflag:s14] =	ssyncset.done $0x0  }
0x19a: {  	[sflag:s14] =	ssyncadd.s32 $0xFFFFF800  }
0x19b: {  	_ =	swait.ge [sflag:s14], $0x800  }
0x19c: {  	[sflag:s14] =	ssyncset.done $0x0  }
0x19d: {  	[sflag:s14] =	ssyncadd.s32 $0xFFFFF800  }
0x19e: {  	_ =	swait.ge [sflag:s14], $0x800  }
0x19f: {  	[sflag:s14] =	ssyncset.done $0x0  }
0x1a0: {  	[sflag:s14] =	ssyncadd.s32 $0xFFFFF800  }
0x1a1: {  	_ =	swait.ge [sflag:s14], $0x800  }
0x1a2: {  	[sflag:s14] =	ssyncset.done $0x0  }
0x1a3: {  	[sflag:s14] =	ssyncadd.s32 $0xFFFFF800  }
0x1a4: {  	_ =	swait.ge [sflag:s14], $0x800  }
0x1a5: {  	[sflag:s14] =	ssyncset.done $0x0  }
0x1a6: {  	[sflag:s14] =	ssyncadd.s32 $0xFFFFF800  }
0x1a7: {  	_ =	swait.ge [sflag:s14], $0x800  }
0x1a8: {  	[sflag:s14] =	ssyncset.done $0x0  }
0x1a9: {  	[sflag:s14] =	ssyncadd.s32 $0xFFFFF800  }
0x1aa: {  	_ =	swait.ge [sflag:s14], $0x800  }
0x1ab: {  	[sflag:s14] =	ssyncset.done $0x0  }
0x1ac: {  	[sflag:s14] =	ssyncadd.s32 $0xFFFFF800  }
0x1ad: {  	_ =	swait.ge [sflag:s14], $0x800  }
0x1ae: {  	s1 =	stileid.u32;
	[sflag:s14] =	ssyncset.done $0x0  }
0x1af: {  	s1 =	sshll.u32 @!p0 s1, $0x6;
	s3 =	rddreg [dreg:$0xe];
	[sflag:s14] =	ssyncadd.s32 $0xFFFFF800  }
0x1b0: {  	s1 =	sor.u32 @!p0 $0x1C03, s1;
	s2 =	rddreg [dreg:$0x3]  }
0x1b1: {  	[hbm:s3], [sflag:s1] =	dma.local @!p0 [hbm:s2], $0x100  }
0x1b2: {  	s2 =	simm.s32 @!p0 $0x3  }
0x1b3: {  	_ =	swait.ge @!p0 [sflag:s2], $0x100  }
0x1b4: {  	[sflag:s2] =	ssyncset.done @!p0 $0x0;
	s3 =	rddreg [dreg:$0xc]  }
0x1b5: {  	s9 =	rddreg [dreg:$0xf];
	[sflag:s2] =	ssyncadd.s32 @!p0 $0xFFFFFF00  }
0x1b6: {  	[hbm:s9], [sflag:s1] =	dma.local @!p0 [hbm:s3], $0x100  }
0x1b7: {  	_ =	swait.ge @!p0 [sflag:s2], $0x100  }
0x1b8: {  	[sflag:s2] =	ssyncset.done @!p0 $0x0;
	s3 =	rddreg [dreg:$0xd]  }
0x1b9: {  	s9 =	rddreg [dreg:$0x10];
	[sflag:s2] =	ssyncadd.s32 @!p0 $0xFFFFFF00  }
0x1ba: {  	[hbm:s9], [sflag:s1] =	dma.local @!p0 [hbm:s3], $0x100  }
0x1bb: {  	_ =	swait.ge @!p0 [sflag:s2], $0x100  }
0x1bc: {  	s25 =	rddreg [dreg:$0x16]  }
0x1bd: {  	s26 =	rddreg [dreg:$0x11];
	s0 =	sadd.s32 $0x1, s25  }
0x1be: {  	p1 =	sne.s32 s0, s26  }
.Ltmp1:
0x1bf: {  	_ = 	snop;
	(pc) =	sbr.rel @p1 .LBB2_1-.Ltmp1, $3  }
0x1c0: {  	_ =	sdelay $0x1  }
0x1c1: {  	[sflag:s2] =	ssyncset.done @!p0 $0x0  }
0x1c2: {  	[sflag:s2] =	ssyncadd.s32 @!p0 $0xFFFFFF00  }
0x1c3: {  	_ =	sfence.sel $0x180000  }
0x1c4: {  	[bflag:$0x0] =	sbarrier.arrive $0xFFFF  }
0x1c5: {  	_ =	strace $0x90000047  }
0x1c6: {  	s0 =	stileid.u32;
	[bflag:$0x2] =	sbarrier.arrive $0xFFFF  }
0x1c7: {  	p0 =	sne.s32 s0, $0x0;
	s0 =	rddreg [dreg:$0x5]  }
0x1c8: {  	s0 =	sadd.s32 @!p0 $0x100000, s0  }
0x1c9: {  	[sflag:s0] =	ssyncadd.tile.s32 @!p0 $0x1;
	_ =	shalt  }
.Lfunc_end2:
_tile_overlayer_lowered:
.L_overlay_start_2:
0x1ca: {  	(tag) =	ssettag $0x2  }
0x1cb: {  	s0 =	rddreg [dreg:$0x0];
	s2 =	stileid.u32  }
0x1cc: {  	s1 =	rddreg [dreg:$0x1];
	p0 =	sne.s32 s2, $0x0  }
0x1cd: {  	s3 =	rddreg [dreg:$0x2];
	[bflag:$0x3] =	sbarrier.arrive $0xFFFF;
	s2 =	simm.s32 @!p0 $0x1C03  }
0x1ce: {  	[timem:s3], [sflag:s2] =	dma.local @!p0 [hbm:s0], s1  }
0x1cf: {  	s0 =	simm.s32 @!p0 $0x3  }
0x1d0: {  	_ =	swait.ge @!p0 [sflag:s0], s1  }
0x1d1: {  	s1 =	ssub.s32 @!p0 $0x0, s1;
	[sflag:s0] =	ssyncset.done @!p0 $0x0  }
0x1d2: {  	[sflag:s0] =	ssyncadd.s32 @!p0 s1  }
0x1d3: {  	[bflag:$0x3] =	sbarrier.arrive $0xFFFF  }
0x1d4: {  	_ =	shalt  }

// kernel: kernel.7.cloned.1.call-start
scs
__scs_entry_jumppad:
0x0: {  	(pc) =	sbr.rel $0x88, $3  }
0x1: {  	(tag) =	ssettag $0x0;
	lr =	simm.s32 $0x1  }
0x2: {  	[smem:$0x3F9A] =	sst lr;
	_ =	strace $0xD0000000  }
0x3: {  	_ = 	snop  }
0x4: {  	_ = 	snop  }
0x5: {  	_ = 	snop  }
0x6: {  	_ = 	snop  }
0x7: {  	_ = 	snop  }
__scs_overlays_trampoline_lowered:
0x8: {  	[smem:$0x3FA9] =	sst s0  }
0x9: {  	[smem:$0x3FAA] =	sst s1  }
0xa: {  	[smem:$0x3FAB] =	sst s2  }
0xb: {  	[smem:$0x3FAC] =	sst s3  }
0xc: {  	[smem:$0x3FAD] =	sst s4  }
0xd: {  	[smem:$0x3FAE] =	sst s5  }
0xe: {  	[smem:$0x3FAF] =	sst s6  }
0xf: {  	[smem:$0x3FB0] =	sst s7  }
0x10: {  	[smem:$0x3FB1] =	sst s8  }
0x11: {  	[smem:$0x3FB2] =	sst s9;
	s0 =	simm.s32 @!p0 $0x0  }
0x12: {  	s1 =	sld [smem:$0x3F98];
	s0 =	simm.s32 @p0 $0x1  }
0x13: {  	[smem:$0x3FB3] =	sst s0;
	s0 =	simm.s32 @!p1 $0x0  }
0x14: {  	s2 =	sld [smem:$0x3F97];
	s0 =	simm.s32 @p1 $0x1  }
0x15: {  	[smem:$0x3FB4] =	sst s0;
	s0 =	simm.s32 @!p2 $0x0  }
0x16: {  	s3 =	sld [smem:$0x3FDB];
	s0 =	simm.s32 @p2 $0x1  }
0x17: {  	s4 =	simm.s32 $0x1BF5;
	[smem:$0x3FB6] =	sst s0  }
0x18: {  	s0 =	sld [smem:$0x3F99];
	_ =	swait.ge [sflag:s4], $0x0  }
0x19: {  	s7 =	sld [smem:$0x3F9A]  }
0x1a: {  	s8 =	sadd.s32 $0xFFFFE003, lr  }
0x1b: {  	s9 =	sadd.s32 $0xFFFFFEF7, lr;
	s5 =	simm.s32 $0xFFFFFFFF;
	p2 =	slt.u32 s8, $0xFFFFF086  }
0x1c: {  	p1 =	slt.u32 s9, $0xF7A;
	s5 =	simm.s32 @!p2 $0x0  }
0x1d: {  	s5 =	simm.s32 @p1 $0x1;
	p0 =	seq.s32 s7, s2  }
0x1e: {  	s7 =	smul.u32 @!p0 $0xF7A, s2;
	p2 =	seq.s32 @!p0 s5, $0x0  }
0x1f: {  	s9 =	smul.u32 $0xF7A, s1;
	s8 =	simm.s32 @!p0 $0x1BF5;
	p2 =	por !p2, p0  }
0x20: {  	[sflag:s8] =	ssyncset.s32 @!p0 $0xFFFFF086;
	s6 =	sadd.s32 @!p0 s3, s7;
	s7 =	simm.s32 @!p0 $0x108  }
0x21: {  	s3 =	sadd.s32 s3, s9;
	s6 =	sadd.s32 @!p0 $0x88, s6;
	s7 =	simm.s32 @p2 $0x1082  }
0x22: {  	[simem:s7], [sflag:s8] =	dma.local @!p0 [hbm:s6], $0xF7A  }
0x23: {  	s9 =	sor.u32 $0xD0000000, s2;
	s6 =	simm.s32 $0x108;
	_ =	swait.ge @!p0 [sflag:s8], $0x0  }
0x24: {  	s3 =	sadd.s32 $0x88, s3;
	s6 =	simm.s32 @!p1 $0x1082;
	[sflag:s4] =	ssyncset.s32 $0xFFFFF086  }
0x25: {  	[simem:s6], [sflag:s4] =	dma.local [hbm:s3], $0xF7A  }
0x26: {  	[smem:$0x3F9A] =	sst s1;
	(tag) =	ssettag s2;
	_ =	strace s9  }
0x27: {  	s1 =	sld [smem:$0x3FAA]  }
0x28: {  	s2 =	sld [smem:$0x3FAB]  }
0x29: {  	s4 =	sld [smem:$0x3FAD]  }
0x2a: {  	p0 =	seq.s32 s5, $0x0;
	s5 =	sld [smem:$0x3FAE]  }
0x2b: {  	s6 =	sld [smem:$0x3FAF]  }
0x2c: {  	s7 =	sld [smem:$0x3FB0]  }
0x2d: {  	s3 =	simm.s32 $0x108;
	s8 =	sld [smem:$0x3FB1]  }
0x2e: {  	s3 =	simm.s32 @!p0 $0x1082;
	s9 =	sld [smem:$0x3FB2]  }
0x2f: {  	lr =	sadd.s32 s0, s3;
	s0 =	sld [smem:$0x3FA9]  }
0x30: {  	s3 =	sld [smem:$0x3FAC]  }
0x31: {  	[smem:$0x3FB5] =	sst s10  }
0x32: {  	s10 =	sld [smem:$0x3FB3];
	_ =	sdelay $0x3  }
0x33: {  	p0 =	seq.s32 s10, $0x1;
	s10 =	sld [smem:$0x3FB5];
	_ =	sdelay $0x3  }
0x34: {  	[smem:$0x3FB5] =	sst s10  }
0x35: {  	s10 =	sld [smem:$0x3FB4];
	_ =	sdelay $0x3  }
0x36: {  	p1 =	seq.s32 s10, $0x1;
	s10 =	sld [smem:$0x3FB5];
	_ =	sdelay $0x3  }
0x37: {  	[smem:$0x3FB5] =	sst s10  }
0x38: {  	s10 =	sld [smem:$0x3FB6]  }
0x39: {  	_ = 	snop;
	(pc) =	sbr.ind lr, $3  }
0x3a: {  	_ = 	snop  }
0x3b: {  	_ = 	snop  }
0x3c: {  	p2 =	seq.s32 s10, $0x1;
	s10 =	sld [smem:$0x3FB5]  }
0x3d: {  	_ =	shalt  }
0x3e: {  	_ =	shalt  }
0x3f: {  	_ =	shalt  }
0x40: {  	_ =	shalt  }
0x41: {  	_ =	shalt  }
0x42: {  	_ =	shalt  }
0x43: {  	_ =	shalt  }
0x44: {  	_ =	shalt  }
0x45: {  	_ =	shalt  }
0x46: {  	_ =	shalt  }
0x47: {  	_ =	shalt  }
0x48: {  	_ =	shalt  }
0x49: {  	_ =	shalt  }
0x4a: {  	_ =	shalt  }
0x4b: {  	_ =	shalt  }
0x4c: {  	_ =	shalt  }
0x4d: {  	_ =	shalt  }
0x4e: {  	_ =	shalt  }
0x4f: {  	_ =	shalt  }
0x50: {  	_ =	shalt  }
0x51: {  	_ =	shalt  }
0x52: {  	_ =	shalt  }
0x53: {  	_ =	shalt  }
0x54: {  	_ =	shalt  }
0x55: {  	_ =	shalt  }
0x56: {  	_ =	shalt  }
0x57: {  	_ =	shalt  }
0x58: {  	_ =	shalt  }
0x59: {  	_ =	shalt  }
0x5a: {  	_ =	shalt  }
0x5b: {  	_ =	shalt  }
0x5c: {  	_ =	shalt  }
0x5d: {  	_ =	shalt  }
0x5e: {  	_ =	shalt  }
0x5f: {  	_ =	shalt  }
0x60: {  	_ =	shalt  }
0x61: {  	_ =	shalt  }
0x62: {  	_ =	shalt  }
0x63: {  	_ =	shalt  }
0x64: {  	_ =	shalt  }
0x65: {  	_ =	shalt  }
0x66: {  	_ =	shalt  }
0x67: {  	_ =	shalt  }
0x68: {  	_ =	shalt  }
0x69: {  	_ =	shalt  }
0x6a: {  	_ =	shalt  }
0x6b: {  	_ =	shalt  }
0x6c: {  	_ =	shalt  }
0x6d: {  	_ =	shalt  }
0x6e: {  	_ =	shalt  }
0x6f: {  	_ =	shalt  }
0x70: {  	_ =	shalt  }
0x71: {  	_ =	shalt  }
0x72: {  	_ =	shalt  }
0x73: {  	_ =	shalt  }
0x74: {  	_ =	shalt  }
0x75: {  	_ =	shalt  }
0x76: {  	_ =	shalt  }
0x77: {  	_ =	shalt  }
0x78: {  	_ =	shalt  }
0x79: {  	_ =	shalt  }
0x7a: {  	_ =	shalt  }
0x7b: {  	_ =	shalt  }
0x7c: {  	_ =	shalt  }
0x7d: {  	_ =	shalt  }
0x7e: {  	_ =	shalt  }
0x7f: {  	_ =	shalt  }
0x80: {  	_ =	shalt  }
0x81: {  	_ =	shalt  }
0x82: {  	_ =	shalt  }
0x83: {  	_ =	shalt  }
0x84: {  	_ =	shalt  }
0x85: {  	_ =	shalt  }
0x86: {  	_ =	shalt  }
0x87: {  	_ =	shalt  }
.Lfunc_end0:
.L_simem_size_0:
called_computation.1_lowered:
.L_overlay_start_0:
0x88: {  	s2 =	sld [smem:$0x3FD9]  }
0x89: {  	s3 =	sld [smem:$0x3FFE];
	_ =	sdelay $0x1  }
0x8a: {  	s1 =	srdreg.scid  }
0x8b: {  	s0 =	sand.u32 $0x1, s1  }
0x8c: {  	s17 =	sshll.u32 s0, $0xA;
	s2 =	sadd.s32 s3, s2  }
0x8d: {  	s2 =	sadd.s32 s2, s17  }
0x8e: {  	[smem:$0x3FC1] =	sst s2  }
0x8f: {  	_ = 	snop  }
0x90: {  	s2 =	sld [smem:$0x3FC9]  }
0x91: {  	s18 =	sld [smem:$0x3FC8]  }
0x92: {  	s4 =	sld [smem:$0x3FD0];
	(tm) =	ssettm $0x1  }
0x93: {  	s5 =	sld [smem:$0x3FFB];
	_ =	sdelay $0x3  }
0x94: {  	_ =	strace s5  }
0x95: {  	s5 =	sld [smem:$0x3FFC];
	_ =	sdelay $0x3  }
0x96: {  	_ =	strace s5  }
0x97: {  	s5 =	sld [smem:$0x3FFD];
	_ =	sdelay $0x3  }
0x98: {  	_ =	strace s5  }
0x99: {  	_ =	strace $0x8FFFFFFF  }
0x9a: {  	s19 =	sld [smem:$0x3FDB];
	_ =	sdelay $0x1  }
0x9b: {  	s6 =	simm.s32 $_scs_section_size  }
0x9c: {  	s7 =	simm.s32 $_size__tile_overlayer_lowered;
	s8 =	simm.s32 $_tile_overlayer_lowered  }
0x9d: {  	s22 =	simm.s32 $0x1BFF;
	s21 =	sshll.u32 s8, $0x1;
	s5 =	sadd.s32 s6, s19  }
0x9e: {  	s9 =	simm.s32 $0x0;
	s20 =	sshll.u32 s7, $0x1;
	s7 =	sadd.s32 s21, s5  }
0x9f: {  	[timem:s9], [sflag:s22] =	dma.local [hbm:s7], s20  }
0xa0: {  	_ =	swait.ge [sflag:s22], s20  }
0xa1: {  	s6 =	ssub.s32 $0x0, s20;
	[sflag:s22] =	ssyncset.done $0x0  }
0xa2: {  	[sflag:s22] =	ssyncadd.s32 s6;
	_ =	sdelay $0x1  }
0xa3: {  	s23 =	simm.s32 $0x1B8B  }
0xa4: {  	_ =	swait.ge [sflag:s23], $0x1  }
0xa5: {  	[sflag:s23] =	ssyncset.done $0x0  }
0xa6: {  	s25 =	simm.s32 $0x1B8E;
	s24 =	sld [smem:$0x3FFE];
	[sflag:s23] =	ssyncadd.s32 $0xFFFFFFFF  }
0xa7: {  	s26 =	simm.s32 $execute0_lowered;
	[smem:$0x3FD2] =	sst s25  }
0xa8: {  	s7 =	sshll.u32 s26, $0x1;
	_ =	strace $0x80000049;
	[dreg:$0x1] =	wrdreg $0xFFFFFFFF  }
0xa9: {  	s28 =	simm.s32 $_size_execute0_lowered;
	s5 =	sadd.s32 s5, s7;
	[dreg:$0x0] =	wrdreg $0x0  }
0xaa: {  	s7 =	sshll.u32 s28, $0x1;
	[dreg:$0x2] =	wrdreg s5  }
0xab: {  	[dreg:$0x3] =	wrdreg s7  }
0xac: {  	[dreg:$0x4] =	wrdreg $0xC0  }
0xad: {  	_ =	task [dreg:s9], $0x5FFFF  }
0xae: {  	[dreg:$0x1] =	wrdreg $0xFFFFFFFF  }
0xaf: {  	[dreg:$0x0] =	wrdreg $0x60  }
0xb0: {  	[dreg:$0x2] =	wrdreg s2  }
0xb1: {  	[dreg:$0x3] =	wrdreg s18  }
0xb2: {  	[dreg:$0x4] =	wrdreg s24  }
0xb3: {  	[dreg:$0x5] =	wrdreg s4  }
0xb4: {  	[dreg:$0x6] =	wrdreg $0x9  }
0xb5: {  	_ =	task.clear_ibuf [dreg:s9], $0x7FFFF;
	_ =	strace $0x90000049  }
0xb6: {  	s29 =	simm.s32 $0x9;
	_ =	strace $0x8000004B  }
0xb7: {  	_ =	swait.ge [sflag:s29], $0x1  }
0xb8: {  	[sflag:s29] =	ssyncadd.s32 $0xFFFFFFFF  }
0xb9: {  	_ =	strace $0x9000004B  }
0xba: {  	_ =	sfence  }
0xbb: {  	s30 =	sld [smem:$0x0];
	_ =	sdelay $0x2  }
0xbc: {  	s31 =	sshll.u32 s1, $0xD;
	s1 =	sshrl.u32 s1, $0x2  }
0xbd: {  	s3 =	sand.u32 $0x4000, s31;
	s1 =	sadd.s32 s1, s30  }
0xbe: {  	s0 =	sor.u32 s3, s0;
	s1 =	sshll.u32 s1, $0x11  }
0xbf: {  	s0 =	sor.u32 s1, s0  }
0xc0: {  	s0 =	sadd.s32 $0x8F2B, s0  }
0xc1: {  	[sflag:s0] =	ssyncadd.remote.s32 $0x1  }
0xc2: {  	_ =	sfence.sel $0xFFFF  }
0xc3: {  	[dreg:$0x0] =	wrdreg $0xFFFFFFFF;
	(pc) =	sbr.abs _section_cstart, $3  }
0xc4: {  	[dreg:$0x1] =	wrdreg $0xFFFFFFFF  }
0xc5: {  	_ =	task.clear_ibuf [dreg:s9], $0x2FFFF;
	_ =	strace $0x9FFFFFFF  }
0xc6: {  	(tm) =	ssettm $0x7FFFFFFF  }
0xc7: {  	_ =	shalt  }
tec
execute0_lowered:
.L_overlay_start_1:
0x0: {  	(tag) =	ssettag $0x1  }
0x1: {  	s0 =	rddreg [dreg:$0x0]  }
0x2: {  	s2 =	rddreg [dreg:$0x1]  }
0x3: {  	s7 =	rddreg [dreg:$0x2]  }
0x4: {  	s10 =	rddreg [dreg:$0x3];
	s1 =	simm.s32 $0x0  }
0x5: {  	s6 =	srdreg.scid;
	s9 =	stileid.u32;
	s13 =	simm.s32 $0x200  }
0x6: {  	s24 =	simm.s32 $0xC00;
	s30 =	simm.s32 $0xE00;
	s16 =	simm.s32 $0x1000  }
0x7: {  	s22 =	simm.s32 $0x1200;
	s29 =	simm.s32 $0x1400;
	s17 =	simm.s32 $0x1600  }
0x8: {  	s25 =	simm.s32 $0x1800;
	s23 =	simm.s32 $0x1C00;
	s15 =	simm.s32 $0x1E00  }
0x9: {  	s28 =	simm.s32 $0x2000;
	s21 =	simm.s32 $0x2200;
	s20 =	simm.s32 $0x2400  }
0xa: {  	s31 =	simm.s32 $0x1;
	s18 =	simm.s32 $0x0;
	[smem:$0x7FF] =	sst s1  }
0xb: {  	s3 =	sadd.s32 $0xA00, s7;
	s4 =	sadd.s32 $0x1E9000, s7;
	s5 =	sadd.s32 $0x3D1600, s7  }
0xc: {  	s6 =	sand.u32 $0x1, s6;
	s9 =	sshll.u32 s9, $0x7;
	s26 =	sadd.s32 $0x5B9C00, s7  }
0xd: {  	s7 =	sadd.s32 $0x5D8600, s7;
	_ =	strace $0x8000004A;
	s8 =	ssub.s32 $0x2, s6  }
0xe: {  	s11 =	sshll.u32 s6, $0x6;
	[dreg:$0x5] =	wrdreg s26;
	s12 =	sshrl.u32 s8, $0x1  }
0xf: {  	s26 =	simm.s32 $0x2600;
	s11 =	sor.u32 s11, s9;
	s12 =	ssub.s32 s8, s12  }
0x10: {  	s8 =	sadd.s32 s0, s11;
	s9 =	sadd.s32 s2, s11;
	s10 =	sadd.s32 s10, s11  }
0x11: {  	s2 =	simm.s32 $0x1A00;
	s11 =	smax.u32 s12, $0x1;
	s12 =	simm.s32 $0x2  }
.LBB2_1:
0x12: {  	[tilespmem:s1], [sflag:$0x2] =	stream.linear.gather [hbm4b:s8+s1], $0x200, $0x38;
	[tilespmem:$0xAE00] =	vst v63  }
0x13: {  	_ =	swait.ge [sflag:s12], $0x200  }
0x14: {  	[sflag:s12] =	ssyncset.done $0x0  }
0x15: {  	[sflag:s12] =	ssyncadd.s32 $0xFFFFFE00  }
0x16: {  	[tilespmem:s13], [sflag:$0x2] =	stream.linear.gather [hbm4b:s9+s1], $0x200, $0x38;
	[tilespmem:$0xAE00] =	vst v63  }
0x17: {  	_ =	swait.ge [sflag:s12], $0x200  }
0x18: {  	[sflag:s12] =	ssyncset.done $0x0  }
0x19: {  	s0 =	simm.s32 $0x0;
	[sflag:s12] =	ssyncadd.s32 $0xFFFFFE00  }
0x1a: {  	v0 =	vld [tilespmem:s0+$0x200]  }
0x1b: {  	v1 =	vld [tilespmem:s0+$0x0];
	_ =	sdelay $0x1  }
0x1c: {  	s14 =	simm.s32 $0x40  }
.LBB2_2:
0x1d: {  	p0 =	sne.s32 s14, $0x7C0  }
.Ltmp0:
0x1e: {  	s19 =	sshra.s32 s14, $0x2;
	s14 =	sadd.s32 $0x40, s14;
	v2 =	vshll.u32 v0, $0x4;
	(pc) =	sbr.rel @p0 .LBB2_2-.Ltmp0, $4  }
0x1f: {  	v4 =	vand.u32 $0x7F, v0;
	v3 =	vshll.u32 v1, $0x4;
	v2 =	vand.u32 $0xFFFFF800, v2;
	v0 =	vld [tilespmem:s19+$0x200]  }
0x20: {  	v5 =	vand.u32 $0x7F, v1;
	v3 =	vand.u32 $0xFFFFF800, v3;
	v1 =	vld [tilespmem:s19+$0x0];
	v2 =	vor.u32 v4, v2  }
0x21: {  	v3 =	vor.u32 v5, v3;
	[tilespmem:s0+$0x600] =	vst v2  }
0x22: {  	[tilespmem:s0+$0x400] =	vst v3;
	s0 =	smov.u32 s19  }
0x23: {  	_ = 	snop  }
0x24: {  	v2 =	vshll.u32 v0, $0x4  }
0x25: {  	v0 =	vand.u32 $0x7F, v0;
	v3 =	vshll.u32 v1, $0x4;
	v2 =	vand.u32 $0xFFFFF800, v2  }
0x26: {  	v1 =	vand.u32 $0x7F, v1;
	v3 =	vand.u32 $0xFFFFF800, v3;
	v0 =	vor.u32 v0, v2  }
0x27: {  	v1 =	vor.u32 v1, v3;
	[tilespmem:s0+$0x600] =	vst v0  }
0x28: {  	[tilespmem:s0+$0x400] =	vst v1;
	s0 =	simm.s32 $0x0  }
0x29: {  	v0 =	vld [tilespmem:s0+$0x600]  }
0x2a: {  	s14 =	simm.s32 $0x40;
	s19 =	simm.s32 $0x0;
	v1 =	vld [tilespmem:s0+$0x400]  }
.LBB2_4:
0x2b: {  	p0 =	sne.s32 s14, $0x7C0  }
.Ltmp1:
0x2c: {  	_ = 	snop;
	(pc) =	sbr.rel @p0 .LBB2_4-.Ltmp1, $4  }
0x2d: {  	_ = 	snop  }
0x2e: {  	s6 =	sshra.s32 s14, $0x2;
	s14 =	sadd.s32 $0x40, s14;
	[tilespmem:s19+$0x2800] =	vst v0  }
0x2f: {  	v0 =	vld [tilespmem:s6+$0x600];
	[tilespmem:s19+$0x800] =	vst v1;
	s19 =	smov.u32 s6  }
0x30: {  	v1 =	vld [tilespmem:s19+$0x400]  }
0x31: {  	_ =	sdelay $0x2  }
0x32: {  	[tilespmem:s19+$0x2800] =	vst v0  }
0x33: {  	[tilespmem:s19+$0x800] =	vst v1  }
0x34: {  	v0 =	vld [tilespmem:s0+$0x600]  }
0x35: {  	s14 =	simm.s32 $0x40;
	v1 =	vld [tilespmem:s0+$0x400]  }
.LBB2_6:
0x36: {  	p0 =	sne.s32 s14, $0x7C0  }
.Ltmp2:
0x37: {  	_ = 	snop;
	(pc) =	sbr.rel @p0 .LBB2_6-.Ltmp2, $4  }
0x38: {  	_ = 	snop  }
0x39: {  	s6 =	sshra.s32 s14, $0x2;
	s14 =	sadd.s32 $0x40, s14;
	v2 =	vadd.s32 $0x80, v0  }
0x3a: {  	v0 =	vld [tilespmem:s6+$0x600];
	v3 =	vadd.s32 $0x80, v1;
	[tilespmem:s0+$0x2A00] =	vst v2  }
0x3b: {  	v1 =	vld [tilespmem:s6+$0x400];
	[tilespmem:s0+$0xA00] =	vst v3;
	s0 =	smov.u32 s6  }
0x3c: {  	_ =	sdelay $0x2  }
0x3d: {  	v0 =	vadd.s32 $0x80, v0  }
0x3e: {  	v1 =	vadd.s32 $0x80, v1;
	[tilespmem:s0+$0x2A00] =	vst v0  }
0x3f: {  	[tilespmem:s0+$0xA00] =	vst v1;
	s0 =	simm.s32 $0x0  }
0x40: {  	v0 =	vld [tilespmem:s0+$0x600]  }
0x41: {  	s19 =	simm.s32 $0x40;
	s14 =	simm.s32 $0x0;
	v1 =	vld [tilespmem:s0+$0x400]  }
.LBB2_8:
0x42: {  	p0 =	sne.s32 s19, $0x7C0  }
.Ltmp3:
0x43: {  	_ = 	snop;
	(pc) =	sbr.rel @p0 .LBB2_8-.Ltmp3, $4  }
0x44: {  	_ = 	snop  }
0x45: {  	s6 =	sshra.s32 s19, $0x2;
	s19 =	sadd.s32 $0x40, s19;
	v2 =	vadd.s32 $0x100, v0  }
0x46: {  	v0 =	vld [tilespmem:s6+$0x600];
	v3 =	vadd.s32 $0x100, v1;
	[tilespmem:s14+$0x2C00] =	vst v2  }
0x47: {  	v1 =	vld [tilespmem:s6+$0x400];
	[tilespmem:s14+$0xC00] =	vst v3;
	s14 =	smov.u32 s6  }
0x48: {  	_ =	sdelay $0x2  }
0x49: {  	v0 =	vadd.s32 $0x100, v0  }
0x4a: {  	v1 =	vadd.s32 $0x100, v1;
	[tilespmem:s14+$0x2C00] =	vst v0  }
0x4b: {  	[tilespmem:s14+$0xC00] =	vst v1  }
0x4c: {  	v0 =	vld [tilespmem:s0+$0x600]  }
0x4d: {  	s14 =	simm.s32 $0x40;
	v1 =	vld [tilespmem:s0+$0x400]  }
.LBB2_10:
0x4e: {  	p0 =	sne.s32 s14, $0x7C0  }
.Ltmp4:
0x4f: {  	_ = 	snop;
	(pc) =	sbr.rel @p0 .LBB2_10-.Ltmp4, $4  }
0x50: {  	_ = 	snop  }
0x51: {  	s6 =	sshra.s32 s14, $0x2;
	s14 =	sadd.s32 $0x40, s14;
	v2 =	vadd.s32 $0x180, v0  }
0x52: {  	v0 =	vld [tilespmem:s6+$0x600];
	v3 =	vadd.s32 $0x180, v1;
	[tilespmem:s0+$0x2E00] =	vst v2  }
0x53: {  	v1 =	vld [tilespmem:s6+$0x400];
	[tilespmem:s0+$0xE00] =	vst v3;
	s0 =	smov.u32 s6  }
0x54: {  	_ =	sdelay $0x2  }
0x55: {  	v0 =	vadd.s32 $0x180, v0  }
0x56: {  	v1 =	vadd.s32 $0x180, v1;
	[tilespmem:s0+$0x2E00] =	vst v0  }
0x57: {  	[tilespmem:s0+$0xE00] =	vst v1;
	s0 =	simm.s32 $0x0  }
0x58: {  	v0 =	vld [tilespmem:s0+$0x600]  }
0x59: {  	s19 =	simm.s32 $0x40;
	s14 =	simm.s32 $0x0;
	v1 =	vld [tilespmem:s0+$0x400]  }
.LBB2_12:
0x5a: {  	p0 =	sne.s32 s19, $0x7C0  }
.Ltmp5:
0x5b: {  	_ = 	snop;
	(pc) =	sbr.rel @p0 .LBB2_12-.Ltmp5, $4  }
0x5c: {  	_ = 	snop  }
0x5d: {  	s6 =	sshra.s32 s19, $0x2;
	s19 =	sadd.s32 $0x40, s19;
	v2 =	vadd.s32 $0x200, v0  }
0x5e: {  	v0 =	vld [tilespmem:s6+$0x600];
	v3 =	vadd.s32 $0x200, v1;
	[tilespmem:s14+$0x3000] =	vst v2  }
0x5f: {  	v1 =	vld [tilespmem:s6+$0x400];
	[tilespmem:s14+$0x1000] =	vst v3;
	s14 =	smov.u32 s6  }
0x60: {  	_ =	sdelay $0x2  }
0x61: {  	v0 =	vadd.s32 $0x200, v0  }
0x62: {  	v1 =	vadd.s32 $0x200, v1;
	[tilespmem:s14+$0x3000] =	vst v0  }
0x63: {  	[tilespmem:s14+$0x1000] =	vst v1  }
0x64: {  	v0 =	vld [tilespmem:s0+$0x600]  }
0x65: {  	s14 =	simm.s32 $0x40;
	v1 =	vld [tilespmem:s0+$0x400]  }
.LBB2_14:
0x66: {  	p0 =	sne.s32 s14, $0x7C0  }
.Ltmp6:
0x67: {  	_ = 	snop;
	(pc) =	sbr.rel @p0 .LBB2_14-.Ltmp6, $4  }
0x68: {  	_ = 	snop  }
0x69: {  	s6 =	sshra.s32 s14, $0x2;
	s14 =	sadd.s32 $0x40, s14;
	v2 =	vadd.s32 $0x280, v0  }
0x6a: {  	v0 =	vld [tilespmem:s6+$0x600];
	v3 =	vadd.s32 $0x280, v1;
	[tilespmem:s0+$0x3200] =	vst v2  }
0x6b: {  	v1 =	vld [tilespmem:s6+$0x400];
	[tilespmem:s0+$0x1200] =	vst v3;
	s0 =	smov.u32 s6  }
0x6c: {  	_ =	sdelay $0x2  }
0x6d: {  	v0 =	vadd.s32 $0x280, v0  }
0x6e: {  	v1 =	vadd.s32 $0x280, v1;
	[tilespmem:s0+$0x3200] =	vst v0  }
0x6f: {  	[tilespmem:s0+$0x1200] =	vst v1;
	s0 =	simm.s32 $0x0  }
0x70: {  	v0 =	vld [tilespmem:s0+$0x600]  }
0x71: {  	s19 =	simm.s32 $0x40;
	s14 =	simm.s32 $0x0;
	v1 =	vld [tilespmem:s0+$0x400]  }
.LBB2_16:
0x72: {  	p0 =	sne.s32 s19, $0x7C0  }
.Ltmp7:
0x73: {  	_ = 	snop;
	(pc) =	sbr.rel @p0 .LBB2_16-.Ltmp7, $4  }
0x74: {  	_ = 	snop  }
0x75: {  	s6 =	sshra.s32 s19, $0x2;
	s19 =	sadd.s32 $0x40, s19;
	v2 =	vadd.s32 $0x300, v0  }
0x76: {  	v0 =	vld [tilespmem:s6+$0x600];
	v3 =	vadd.s32 $0x300, v1;
	[tilespmem:s14+$0x3400] =	vst v2  }
0x77: {  	v1 =	vld [tilespmem:s6+$0x400];
	[tilespmem:s14+$0x1400] =	vst v3;
	s14 =	smov.u32 s6  }
0x78: {  	_ =	sdelay $0x2  }
0x79: {  	v0 =	vadd.s32 $0x300, v0  }
0x7a: {  	v1 =	vadd.s32 $0x300, v1;
	[tilespmem:s14+$0x3400] =	vst v0  }
0x7b: {  	[tilespmem:s14+$0x1400] =	vst v1  }
0x7c: {  	v0 =	vld [tilespmem:s0+$0x600]  }
0x7d: {  	s14 =	simm.s32 $0x40;
	v1 =	vld [tilespmem:s0+$0x400]  }
.LBB2_18:
0x7e: {  	p0 =	sne.s32 s14, $0x7C0  }
.Ltmp8:
0x7f: {  	_ = 	snop;
	(pc) =	sbr.rel @p0 .LBB2_18-.Ltmp8, $4  }
0x80: {  	_ = 	snop  }
0x81: {  	s6 =	sshra.s32 s14, $0x2;
	s14 =	sadd.s32 $0x40, s14;
	v2 =	vadd.s32 $0x380, v0  }
0x82: {  	v0 =	vld [tilespmem:s6+$0x600];
	v3 =	vadd.s32 $0x380, v1;
	[tilespmem:s0+$0x3600] =	vst v2  }
0x83: {  	v1 =	vld [tilespmem:s6+$0x400];
	[tilespmem:s0+$0x1600] =	vst v3;
	s0 =	smov.u32 s6  }
0x84: {  	_ =	sdelay $0x2  }
0x85: {  	v0 =	vadd.s32 $0x380, v0  }
0x86: {  	v1 =	vadd.s32 $0x380, v1;
	[tilespmem:s0+$0x3600] =	vst v0  }
0x87: {  	[tilespmem:s0+$0x1600] =	vst v1;
	s0 =	simm.s32 $0x0  }
0x88: {  	v0 =	vld [tilespmem:s0+$0x600]  }
0x89: {  	s19 =	simm.s32 $0x40;
	s14 =	simm.s32 $0x0;
	v1 =	vld [tilespmem:s0+$0x400]  }
.LBB2_20:
0x8a: {  	p0 =	sne.s32 s19, $0x7C0  }
.Ltmp9:
0x8b: {  	_ = 	snop;
	(pc) =	sbr.rel @p0 .LBB2_20-.Ltmp9, $4  }
0x8c: {  	_ = 	snop  }
0x8d: {  	s6 =	sshra.s32 s19, $0x2;
	s19 =	sadd.s32 $0x40, s19;
	v2 =	vadd.s32 $0x400, v0  }
0x8e: {  	v0 =	vld [tilespmem:s6+$0x600];
	v3 =	vadd.s32 $0x400, v1;
	[tilespmem:s14+$0x3800] =	vst v2  }
0x8f: {  	v1 =	vld [tilespmem:s6+$0x400];
	[tilespmem:s14+$0x1800] =	vst v3;
	s14 =	smov.u32 s6  }
0x90: {  	_ =	sdelay $0x2  }
0x91: {  	v0 =	vadd.s32 $0x400, v0  }
0x92: {  	v1 =	vadd.s32 $0x400, v1;
	[tilespmem:s14+$0x3800] =	vst v0  }
0x93: {  	[tilespmem:s14+$0x1800] =	vst v1  }
0x94: {  	v0 =	vld [tilespmem:s0+$0x600]  }
0x95: {  	s14 =	simm.s32 $0x40;
	v1 =	vld [tilespmem:s0+$0x400]  }
.LBB2_22:
0x96: {  	p0 =	sne.s32 s14, $0x7C0  }
.Ltmp10:
0x97: {  	_ = 	snop;
	(pc) =	sbr.rel @p0 .LBB2_22-.Ltmp10, $4  }
0x98: {  	_ = 	snop  }
0x99: {  	s6 =	sshra.s32 s14, $0x2;
	s14 =	sadd.s32 $0x40, s14;
	v2 =	vadd.s32 $0x480, v0  }
0x9a: {  	v0 =	vld [tilespmem:s6+$0x600];
	v3 =	vadd.s32 $0x480, v1;
	[tilespmem:s0+$0x3A00] =	vst v2  }
0x9b: {  	v1 =	vld [tilespmem:s6+$0x400];
	[tilespmem:s0+$0x1A00] =	vst v3;
	s0 =	smov.u32 s6  }
0x9c: {  	_ =	sdelay $0x2  }
0x9d: {  	v0 =	vadd.s32 $0x480, v0  }
0x9e: {  	v1 =	vadd.s32 $0x480, v1;
	[tilespmem:s0+$0x3A00] =	vst v0  }
0x9f: {  	[tilespmem:s0+$0x1A00] =	vst v1;
	s0 =	simm.s32 $0x0  }
0xa0: {  	v0 =	vld [tilespmem:s0+$0x600]  }
0xa1: {  	s19 =	simm.s32 $0x40;
	s14 =	simm.s32 $0x0;
	v1 =	vld [tilespmem:s0+$0x400]  }
.LBB2_24:
0xa2: {  	p0 =	sne.s32 s19, $0x7C0  }
.Ltmp11:
0xa3: {  	_ = 	snop;
	(pc) =	sbr.rel @p0 .LBB2_24-.Ltmp11, $4  }
0xa4: {  	_ = 	snop  }
0xa5: {  	s6 =	sshra.s32 s19, $0x2;
	s19 =	sadd.s32 $0x40, s19;
	v2 =	vadd.s32 $0x500, v0  }
0xa6: {  	v0 =	vld [tilespmem:s6+$0x600];
	v3 =	vadd.s32 $0x500, v1;
	[tilespmem:s14+$0x3C00] =	vst v2  }
0xa7: {  	v1 =	vld [tilespmem:s6+$0x400];
	[tilespmem:s14+$0x1C00] =	vst v3;
	s14 =	smov.u32 s6  }
0xa8: {  	_ =	sdelay $0x2  }
0xa9: {  	v0 =	vadd.s32 $0x500, v0  }
0xaa: {  	v1 =	vadd.s32 $0x500, v1;
	[tilespmem:s14+$0x3C00] =	vst v0  }
0xab: {  	[tilespmem:s14+$0x1C00] =	vst v1  }
0xac: {  	v0 =	vld [tilespmem:s0+$0x600]  }
0xad: {  	s14 =	simm.s32 $0x40;
	v1 =	vld [tilespmem:s0+$0x400]  }
.LBB2_26:
0xae: {  	p0 =	sne.s32 s14, $0x7C0  }
.Ltmp12:
0xaf: {  	_ = 	snop;
	(pc) =	sbr.rel @p0 .LBB2_26-.Ltmp12, $4  }
0xb0: {  	_ = 	snop  }
0xb1: {  	s6 =	sshra.s32 s14, $0x2;
	s14 =	sadd.s32 $0x40, s14;
	v2 =	vadd.s32 $0x580, v0  }
0xb2: {  	v0 =	vld [tilespmem:s6+$0x600];
	v3 =	vadd.s32 $0x580, v1;
	[tilespmem:s0+$0x3E00] =	vst v2  }
0xb3: {  	v1 =	vld [tilespmem:s6+$0x400];
	[tilespmem:s0+$0x1E00] =	vst v3;
	s0 =	smov.u32 s6  }
0xb4: {  	_ =	sdelay $0x2  }
0xb5: {  	v0 =	vadd.s32 $0x580, v0  }
0xb6: {  	v1 =	vadd.s32 $0x580, v1;
	[tilespmem:s0+$0x3E00] =	vst v0  }
0xb7: {  	[tilespmem:s0+$0x1E00] =	vst v1;
	s0 =	simm.s32 $0x0  }
0xb8: {  	v0 =	vld [tilespmem:s0+$0x600]  }
0xb9: {  	s19 =	simm.s32 $0x40;
	s14 =	simm.s32 $0x0;
	v1 =	vld [tilespmem:s0+$0x400]  }
.LBB2_28:
0xba: {  	p0 =	sne.s32 s19, $0x7C0  }
.Ltmp13:
0xbb: {  	_ = 	snop;
	(pc) =	sbr.rel @p0 .LBB2_28-.Ltmp13, $4  }
0xbc: {  	_ = 	snop  }
0xbd: {  	s6 =	sshra.s32 s19, $0x2;
	s19 =	sadd.s32 $0x40, s19;
	v2 =	vadd.s32 $0x600, v0  }
0xbe: {  	v0 =	vld [tilespmem:s6+$0x600];
	v3 =	vadd.s32 $0x600, v1;
	[tilespmem:s14+$0x4000] =	vst v2  }
0xbf: {  	v1 =	vld [tilespmem:s6+$0x400];
	[tilespmem:s14+$0x2000] =	vst v3;
	s14 =	smov.u32 s6  }
0xc0: {  	_ =	sdelay $0x2  }
0xc1: {  	v0 =	vadd.s32 $0x600, v0  }
0xc2: {  	v1 =	vadd.s32 $0x600, v1;
	[tilespmem:s14+$0x4000] =	vst v0  }
0xc3: {  	[tilespmem:s14+$0x2000] =	vst v1  }
0xc4: {  	v0 =	vld [tilespmem:s0+$0x600]  }
0xc5: {  	s14 =	simm.s32 $0x40;
	v1 =	vld [tilespmem:s0+$0x400]  }
.LBB2_30:
0xc6: {  	p0 =	sne.s32 s14, $0x7C0  }
.Ltmp14:
0xc7: {  	_ = 	snop;
	(pc) =	sbr.rel @p0 .LBB2_30-.Ltmp14, $4  }
0xc8: {  	_ = 	snop  }
0xc9: {  	s6 =	sshra.s32 s14, $0x2;
	s14 =	sadd.s32 $0x40, s14;
	v2 =	vadd.s32 $0x680, v0  }
0xca: {  	v0 =	vld [tilespmem:s6+$0x600];
	v3 =	vadd.s32 $0x680, v1;
	[tilespmem:s0+$0x4200] =	vst v2  }
0xcb: {  	v1 =	vld [tilespmem:s6+$0x400];
	[tilespmem:s0+$0x2200] =	vst v3;
	s0 =	smov.u32 s6  }
0xcc: {  	_ =	sdelay $0x2  }
0xcd: {  	v0 =	vadd.s32 $0x680, v0  }
0xce: {  	v1 =	vadd.s32 $0x680, v1;
	[tilespmem:s0+$0x4200] =	vst v0  }
0xcf: {  	[tilespmem:s0+$0x2200] =	vst v1;
	s0 =	simm.s32 $0x0  }
0xd0: {  	v0 =	vld [tilespmem:s0+$0x600]  }
0xd1: {  	s19 =	simm.s32 $0x40;
	s14 =	simm.s32 $0x0;
	v1 =	vld [tilespmem:s0+$0x400]  }
.LBB2_32:
0xd2: {  	p0 =	sne.s32 s19, $0x7C0  }
.Ltmp15:
0xd3: {  	_ = 	snop;
	(pc) =	sbr.rel @p0 .LBB2_32-.Ltmp15, $4  }
0xd4: {  	_ = 	snop  }
0xd5: {  	s6 =	sshra.s32 s19, $0x2;
	s19 =	sadd.s32 $0x40, s19;
	v2 =	vadd.s32 $0x700, v0  }
0xd6: {  	v0 =	vld [tilespmem:s6+$0x600];
	v3 =	vadd.s32 $0x700, v1;
	[tilespmem:s14+$0x4400] =	vst v2  }
0xd7: {  	v1 =	vld [tilespmem:s6+$0x400];
	[tilespmem:s14+$0x2400] =	vst v3;
	s14 =	smov.u32 s6  }
0xd8: {  	_ =	sdelay $0x2  }
0xd9: {  	v0 =	vadd.s32 $0x700, v0  }
0xda: {  	v1 =	vadd.s32 $0x700, v1;
	[tilespmem:s14+$0x4400] =	vst v0  }
0xdb: {  	[tilespmem:s14+$0x2400] =	vst v1  }
0xdc: {  	v0 =	vld [tilespmem:s0+$0x600]  }
0xdd: {  	s14 =	simm.s32 $0x40;
	v1 =	vld [tilespmem:s0+$0x400]  }
.LBB2_34:
0xde: {  	p0 =	sne.s32 s14, $0x7C0  }
.Ltmp16:
0xdf: {  	_ = 	snop;
	(pc) =	sbr.rel @p0 .LBB2_34-.Ltmp16, $4  }
0xe0: {  	_ = 	snop  }
0xe1: {  	s6 =	sshra.s32 s14, $0x2;
	s14 =	sadd.s32 $0x40, s14;
	v2 =	vadd.s32 $0x780, v0  }
0xe2: {  	v0 =	vld [tilespmem:s6+$0x600];
	v3 =	vadd.s32 $0x780, v1;
	[tilespmem:s0+$0x4600] =	vst v2  }
0xe3: {  	v1 =	vld [tilespmem:s6+$0x400];
	[tilespmem:s0+$0x2600] =	vst v3;
	s0 =	smov.u32 s6  }
0xe4: {  	_ =	sdelay $0x2  }
0xe5: {  	v0 =	vadd.s32 $0x780, v0  }
0xe6: {  	v1 =	vadd.s32 $0x780, v1;
	[tilespmem:s0+$0x4600] =	vst v0  }
0xe7: {  	s14 =	simm.s32 $0x800;
	s6 =	simm.s32 $0x4800;
	[tilespmem:s0+$0x2600] =	vst v1  }
0xe8: {  	[tilespmem:s6], [sflag:$0x1] =	stream.indirect.gather [hbm4b:s3+s13], $0x1, s14, s13, $0xb8;
	[tilespmem:$0xAE00] =	vst v63  }
0xe9: {  	s19 =	simm.s32 $0x6800  }
0xea: {  	[tilespmem:s19], [sflag:$0x1] =	stream.indirect.gather [hbm4b:s5+s13], $0x1, s14, s13, $0xb8;
	[tilespmem:$0xAE00] =	vst v63  }
0xeb: {  	s14 =	simm.s32 $0x2800;
	s19 =	simm.s32 $0x8800  }
0xec: {  	[tilespmem:s19], [sflag:$0x1] =	stream.indirect.gather [hbm4b:s4+s13], $0x1, s14, s13, $0xb8;
	[tilespmem:$0xAE00] =	vst v63  }
0xed: {  	s0 =	simm.s32 $0xA00;
	s14 =	simm.s32 $0x4A00  }
0xee: {  	[tilespmem:s14], [sflag:$0x1] =	stream.indirect.gather [hbm4b:s3+s13], $0x1, s0, s13, $0xb8;
	[tilespmem:$0xAE00] =	vst v63  }
0xef: {  	s19 =	simm.s32 $0x6A00  }
0xf0: {  	[tilespmem:s19], [sflag:$0x1] =	stream.indirect.gather [hbm4b:s5+s13], $0x1, s0, s13, $0xb8;
	[tilespmem:$0xAE00] =	vst v63  }
0xf1: {  	s14 =	simm.s32 $0x2A00;
	s19 =	simm.s32 $0x8A00  }
0xf2: {  	[tilespmem:s19], [sflag:$0x1] =	stream.indirect.gather [hbm4b:s4+s13], $0x1, s14, s13, $0xb8;
	[tilespmem:$0xAE00] =	vst v63  }
0xf3: {  	s14 =	simm.s32 $0x4C00  }
0xf4: {  	[tilespmem:s14], [sflag:$0x1] =	stream.indirect.gather [hbm4b:s3+s13], $0x1, s24, s13, $0xb8;
	[tilespmem:$0xAE00] =	vst v63  }
0xf5: {  	s19 =	simm.s32 $0x6C00  }
0xf6: {  	[tilespmem:s19], [sflag:$0x1] =	stream.indirect.gather [hbm4b:s5+s13], $0x1, s24, s13, $0xb8;
	[tilespmem:$0xAE00] =	vst v63  }
0xf7: {  	s6 =	simm.s32 $0x2C00;
	s14 =	simm.s32 $0x8C00  }
0xf8: {  	[tilespmem:s14], [sflag:$0x1] =	stream.indirect.gather [hbm4b:s4+s13], $0x1, s6, s13, $0xb8;
	[tilespmem:$0xAE00] =	vst v63  }
0xf9: {  	s19 =	simm.s32 $0x4E00  }
0xfa: {  	[tilespmem:s19], [sflag:$0x1] =	stream.indirect.gather [hbm4b:s3+s13], $0x1, s30, s13, $0xb8;
	[tilespmem:$0xAE00] =	vst v63  }
0xfb: {  	s6 =	simm.s32 $0x6E00  }
0xfc: {  	[tilespmem:s6], [sflag:$0x1] =	stream.indirect.gather [hbm4b:s5+s13], $0x1, s30, s13, $0xb8;
	[tilespmem:$0xAE00] =	vst v63  }
0xfd: {  	s14 =	simm.s32 $0x2E00;
	s19 =	simm.s32 $0x8E00  }
0xfe: {  	[tilespmem:s19], [sflag:$0x1] =	stream.indirect.gather [hbm4b:s4+s13], $0x1, s14, s13, $0xb8;
	[tilespmem:$0xAE00] =	vst v63  }
0xff: {  	s14 =	simm.s32 $0x5000  }
0x100: {  	[tilespmem:s14], [sflag:$0x1] =	stream.indirect.gather [hbm4b:s3+s13], $0x1, s16, s13, $0xb8;
	[tilespmem:$0xAE00] =	vst v63  }
0x101: {  	s19 =	simm.s32 $0x7000  }
0x102: {  	[tilespmem:s19], [sflag:$0x1] =	stream.indirect.gather [hbm4b:s5+s13], $0x1, s16, s13, $0xb8;
	[tilespmem:$0xAE00] =	vst v63  }
0x103: {  	s6 =	simm.s32 $0x3000;
	s14 =	simm.s32 $0x9000  }
0x104: {  	[tilespmem:s14], [sflag:$0x1] =	stream.indirect.gather [hbm4b:s4+s13], $0x1, s6, s13, $0xb8;
	[tilespmem:$0xAE00] =	vst v63  }
0x105: {  	s19 =	simm.s32 $0x5200  }
0x106: {  	[tilespmem:s19], [sflag:$0x1] =	stream.indirect.gather [hbm4b:s3+s13], $0x1, s22, s13, $0xb8;
	[tilespmem:$0xAE00] =	vst v63  }
0x107: {  	s6 =	simm.s32 $0x7200  }
0x108: {  	[tilespmem:s6], [sflag:$0x1] =	stream.indirect.gather [hbm4b:s5+s13], $0x1, s22, s13, $0xb8;
	[tilespmem:$0xAE00] =	vst v63  }
0x109: {  	s14 =	simm.s32 $0x3200;
	s19 =	simm.s32 $0x9200  }
0x10a: {  	[tilespmem:s19], [sflag:$0x1] =	stream.indirect.gather [hbm4b:s4+s13], $0x1, s14, s13, $0xb8;
	[tilespmem:$0xAE00] =	vst v63  }
0x10b: {  	s14 =	simm.s32 $0x5400  }
0x10c: {  	[tilespmem:s14], [sflag:$0x1] =	stream.indirect.gather [hbm4b:s3+s13], $0x1, s29, s13, $0xb8;
	[tilespmem:$0xAE00] =	vst v63  }
0x10d: {  	s19 =	simm.s32 $0x7400  }
0x10e: {  	[tilespmem:s19], [sflag:$0x1] =	stream.indirect.gather [hbm4b:s5+s13], $0x1, s29, s13, $0xb8;
	[tilespmem:$0xAE00] =	vst v63  }
0x10f: {  	s6 =	simm.s32 $0x3400;
	s14 =	simm.s32 $0x9400  }
0x110: {  	[tilespmem:s14], [sflag:$0x1] =	stream.indirect.gather [hbm4b:s4+s13], $0x1, s6, s13, $0xb8;
	[tilespmem:$0xAE00] =	vst v63  }
0x111: {  	s19 =	simm.s32 $0x5600  }
0x112: {  	[tilespmem:s19], [sflag:$0x1] =	stream.indirect.gather [hbm4b:s3+s13], $0x1, s17, s13, $0xb8;
	[tilespmem:$0xAE00] =	vst v63  }
0x113: {  	s6 =	simm.s32 $0x7600  }
0x114: {  	[tilespmem:s6], [sflag:$0x1] =	stream.indirect.gather [hbm4b:s5+s13], $0x1, s17, s13, $0xb8;
	[tilespmem:$0xAE00] =	vst v63  }
0x115: {  	s14 =	simm.s32 $0x3600;
	s19 =	simm.s32 $0x9600  }
0x116: {  	[tilespmem:s19], [sflag:$0x1] =	stream.indirect.gather [hbm4b:s4+s13], $0x1, s14, s13, $0xb8;
	[tilespmem:$0xAE00] =	vst v63  }
0x117: {  	s14 =	simm.s32 $0x5800  }
0x118: {  	[tilespmem:s14], [sflag:$0x1] =	stream.indirect.gather [hbm4b:s3+s13], $0x1, s25, s13, $0xb8;
	[tilespmem:$0xAE00] =	vst v63  }
0x119: {  	s19 =	simm.s32 $0x7800  }
0x11a: {  	[tilespmem:s19], [sflag:$0x1] =	stream.indirect.gather [hbm4b:s5+s13], $0x1, s25, s13, $0xb8;
	[tilespmem:$0xAE00] =	vst v63  }
0x11b: {  	s6 =	simm.s32 $0x3800;
	s14 =	simm.s32 $0x9800  }
0x11c: {  	[tilespmem:s14], [sflag:$0x1] =	stream.indirect.gather [hbm4b:s4+s13], $0x1, s6, s13, $0xb8;
	[tilespmem:$0xAE00] =	vst v63  }
0x11d: {  	s19 =	simm.s32 $0x5A00  }
0x11e: {  	[tilespmem:s19], [sflag:$0x1] =	stream.indirect.gather [hbm4b:s3+s13], $0x1, s2, s13, $0xb8;
	[tilespmem:$0xAE00] =	vst v63  }
0x11f: {  	s6 =	simm.s32 $0x7A00  }
0x120: {  	[tilespmem:s6], [sflag:$0x1] =	stream.indirect.gather [hbm4b:s5+s13], $0x1, s2, s13, $0xb8;
	[tilespmem:$0xAE00] =	vst v63  }
0x121: {  	s14 =	simm.s32 $0x3A00;
	s19 =	simm.s32 $0x9A00  }
0x122: {  	[tilespmem:s19], [sflag:$0x1] =	stream.indirect.gather [hbm4b:s4+s13], $0x1, s14, s13, $0xb8;
	[tilespmem:$0xAE00] =	vst v63  }
0x123: {  	s14 =	simm.s32 $0x5C00  }
0x124: {  	[tilespmem:s14], [sflag:$0x1] =	stream.indirect.gather [hbm4b:s3+s13], $0x1, s23, s13, $0xb8;
	[tilespmem:$0xAE00] =	vst v63  }
0x125: {  	s19 =	simm.s32 $0x7C00  }
0x126: {  	[tilespmem:s19], [sflag:$0x1] =	stream.indirect.gather [hbm4b:s5+s13], $0x1, s23, s13, $0xb8;
	[tilespmem:$0xAE00] =	vst v63  }
0x127: {  	s6 =	simm.s32 $0x3C00;
	s14 =	simm.s32 $0x9C00  }
0x128: {  	[tilespmem:s14], [sflag:$0x1] =	stream.indirect.gather [hbm4b:s4+s13], $0x1, s6, s13, $0xb8;
	[tilespmem:$0xAE00] =	vst v63  }
0x129: {  	s19 =	simm.s32 $0x5E00  }
0x12a: {  	[tilespmem:s19], [sflag:$0x1] =	stream.indirect.gather [hbm4b:s3+s13], $0x1, s15, s13, $0xb8;
	[tilespmem:$0xAE00] =	vst v63  }
0x12b: {  	s6 =	simm.s32 $0x7E00  }
0x12c: {  	[tilespmem:s6], [sflag:$0x1] =	stream.indirect.gather [hbm4b:s5+s13], $0x1, s15, s13, $0xb8;
	[tilespmem:$0xAE00] =	vst v63  }
0x12d: {  	s14 =	simm.s32 $0x3E00;
	s19 =	simm.s32 $0x9E00  }
0x12e: {  	[tilespmem:s19], [sflag:$0x1] =	stream.indirect.gather [hbm4b:s4+s13], $0x1, s14, s13, $0xb8;
	[tilespmem:$0xAE00] =	vst v63  }
0x12f: {  	s14 =	simm.s32 $0x6000  }
0x130: {  	[tilespmem:s14], [sflag:$0x1] =	stream.indirect.gather [hbm4b:s3+s13], $0x1, s28, s13, $0xb8;
	[tilespmem:$0xAE00] =	vst v63  }
0x131: {  	s19 =	simm.s32 $0x8000  }
0x132: {  	[tilespmem:s19], [sflag:$0x1] =	stream.indirect.gather [hbm4b:s5+s13], $0x1, s28, s13, $0xb8;
	[tilespmem:$0xAE00] =	vst v63  }
0x133: {  	s6 =	simm.s32 $0x4000;
	s14 =	simm.s32 $0xA000  }
0x134: {  	[tilespmem:s14], [sflag:$0x1] =	stream.indirect.gather [hbm4b:s4+s13], $0x1, s6, s13, $0xb8;
	[tilespmem:$0xAE00] =	vst v63  }
0x135: {  	s19 =	simm.s32 $0x6200  }
0x136: {  	[tilespmem:s19], [sflag:$0x1] =	stream.indirect.gather [hbm4b:s3+s13], $0x1, s21, s13, $0xb8;
	[tilespmem:$0xAE00] =	vst v63  }
0x137: {  	s6 =	simm.s32 $0x8200  }
0x138: {  	[tilespmem:s6], [sflag:$0x1] =	stream.indirect.gather [hbm4b:s5+s13], $0x1, s21, s13, $0xb8;
	[tilespmem:$0xAE00] =	vst v63  }
0x139: {  	s14 =	simm.s32 $0x4200;
	s19 =	simm.s32 $0xA200  }
0x13a: {  	[tilespmem:s19], [sflag:$0x1] =	stream.indirect.gather [hbm4b:s4+s13], $0x1, s14, s13, $0xb8;
	[tilespmem:$0xAE00] =	vst v63  }
0x13b: {  	s14 =	simm.s32 $0x6400  }
0x13c: {  	[tilespmem:s14], [sflag:$0x1] =	stream.indirect.gather [hbm4b:s3+s13], $0x1, s20, s13, $0xb8;
	[tilespmem:$0xAE00] =	vst v63  }
0x13d: {  	s19 =	simm.s32 $0x8400  }
0x13e: {  	[tilespmem:s19], [sflag:$0x1] =	stream.indirect.gather [hbm4b:s5+s13], $0x1, s20, s13, $0xb8;
	[tilespmem:$0xAE00] =	vst v63  }
0x13f: {  	s6 =	simm.s32 $0x4400;
	s14 =	simm.s32 $0xA400  }
0x140: {  	[tilespmem:s14], [sflag:$0x1] =	stream.indirect.gather [hbm4b:s4+s13], $0x1, s6, s13, $0xb8;
	[tilespmem:$0xAE00] =	vst v63  }
0x141: {  	s19 =	simm.s32 $0x6600  }
0x142: {  	[tilespmem:s19], [sflag:$0x1] =	stream.indirect.gather [hbm4b:s3+s13], $0x1, s26, s13, $0xb8;
	[tilespmem:$0xAE00] =	vst v63  }
0x143: {  	s6 =	simm.s32 $0x8600  }
0x144: {  	[tilespmem:s6], [sflag:$0x1] =	stream.indirect.gather [hbm4b:s5+s13], $0x1, s26, s13, $0xb8;
	[tilespmem:$0xAE00] =	vst v63  }
0x145: {  	s14 =	simm.s32 $0x4600;
	s19 =	simm.s32 $0xA600  }
0x146: {  	[tilespmem:s19], [sflag:$0x1] =	stream.indirect.gather [hbm4b:s4+s13], $0x1, s14, s13, $0xb8;
	[tilespmem:$0xAE00] =	vst v63  }
0x147: {  	s6 =	simm.s32 $0x0;
	s19 =	rddreg [dreg:$0x5];
	s14 =	simm.s32 $0xA800  }
0x148: {  	[tilespmem:s14], [sflag:$0x1] =	stream.indirect.gather [hbm4b:s19+s13], $0x1, s6, s13, $0xb8;
	[tilespmem:$0xAE00] =	vst v63  }
0x149: {  	s19 =	simm.s32 $0xAA00  }
0x14a: {  	[tilespmem:s19], [sflag:$0x1] =	stream.indirect.gather [hbm4b:s7+s13], $0x1, s13, s13, $0xb8;
	[tilespmem:$0xAE00] =	vst v63  }
0x14b: {  	_ =	swait.ge [sflag:s31], $0x200  }
0x14c: {  	[sflag:s31] =	ssyncset.done $0x0  }
0x14d: {  	[sflag:s31] =	ssyncadd.s32 $0xFFFFFE00  }
0x14e: {  	_ =	swait.ge [sflag:s31], $0x200  }
0x14f: {  	[sflag:s31] =	ssyncset.done $0x0  }
0x150: {  	[sflag:s31] =	ssyncadd.s32 $0xFFFFFE00  }
0x151: {  	_ =	swait.ge [sflag:s31], $0x200  }
0x152: {  	[sflag:s31] =	ssyncset.done $0x0  }
0x153: {  	[sflag:s31] =	ssyncadd.s32 $0xFFFFFE00  }
0x154: {  	_ =	swait.ge [sflag:s31], $0x200  }
0x155: {  	[sflag:s31] =	ssyncset.done $0x0  }
0x156: {  	[sflag:s31] =	ssyncadd.s32 $0xFFFFFE00  }
0x157: {  	_ =	swait.ge [sflag:s31], $0x200  }
0x158: {  	[sflag:s31] =	ssyncset.done $0x0  }
0x159: {  	[sflag:s31] =	ssyncadd.s32 $0xFFFFFE00  }
0x15a: {  	_ =	swait.ge [sflag:s31], $0x200  }
0x15b: {  	[sflag:s31] =	ssyncset.done $0x0  }
0x15c: {  	[sflag:s31] =	ssyncadd.s32 $0xFFFFFE00  }
0x15d: {  	_ =	swait.ge [sflag:s31], $0x200  }
0x15e: {  	[sflag:s31] =	ssyncset.done $0x0  }
0x15f: {  	[sflag:s31] =	ssyncadd.s32 $0xFFFFFE00  }
0x160: {  	_ =	swait.ge [sflag:s31], $0x200  }
0x161: {  	[sflag:s31] =	ssyncset.done $0x0  }
0x162: {  	[sflag:s31] =	ssyncadd.s32 $0xFFFFFE00  }
0x163: {  	_ =	swait.ge [sflag:s31], $0x200  }
0x164: {  	[sflag:s31] =	ssyncset.done $0x0  }
0x165: {  	[sflag:s31] =	ssyncadd.s32 $0xFFFFFE00  }
0x166: {  	_ =	swait.ge [sflag:s31], $0x200  }
0x167: {  	[sflag:s31] =	ssyncset.done $0x0  }
0x168: {  	[sflag:s31] =	ssyncadd.s32 $0xFFFFFE00  }
0x169: {  	_ =	swait.ge [sflag:s31], $0x200  }
0x16a: {  	[sflag:s31] =	ssyncset.done $0x0  }
0x16b: {  	[sflag:s31] =	ssyncadd.s32 $0xFFFFFE00  }
0x16c: {  	_ =	swait.ge [sflag:s31], $0x200  }
0x16d: {  	[sflag:s31] =	ssyncset.done $0x0  }
0x16e: {  	[sflag:s31] =	ssyncadd.s32 $0xFFFFFE00  }
0x16f: {  	_ =	swait.ge [sflag:s31], $0x200  }
0x170: {  	[sflag:s31] =	ssyncset.done $0x0  }
0x171: {  	[sflag:s31] =	ssyncadd.s32 $0xFFFFFE00  }
0x172: {  	_ =	swait.ge [sflag:s31], $0x200  }
0x173: {  	[sflag:s31] =	ssyncset.done $0x0  }
0x174: {  	[sflag:s31] =	ssyncadd.s32 $0xFFFFFE00  }
0x175: {  	_ =	swait.ge [sflag:s31], $0x200  }
0x176: {  	[sflag:s31] =	ssyncset.done $0x0  }
0x177: {  	[sflag:s31] =	ssyncadd.s32 $0xFFFFFE00  }
0x178: {  	_ =	swait.ge [sflag:s31], $0x200  }
0x179: {  	[sflag:s31] =	ssyncset.done $0x0  }
0x17a: {  	[sflag:s31] =	ssyncadd.s32 $0xFFFFFE00  }
0x17b: {  	_ =	swait.ge [sflag:s31], $0x200  }
0x17c: {  	[sflag:s31] =	ssyncset.done $0x0  }
0x17d: {  	[sflag:s31] =	ssyncadd.s32 $0xFFFFFE00  }
0x17e: {  	_ =	swait.ge [sflag:s31], $0x200  }
0x17f: {  	[sflag:s31] =	ssyncset.done $0x0  }
0x180: {  	[sflag:s31] =	ssyncadd.s32 $0xFFFFFE00  }
0x181: {  	_ =	swait.ge [sflag:s31], $0x200  }
0x182: {  	[sflag:s31] =	ssyncset.done $0x0  }
0x183: {  	[sflag:s31] =	ssyncadd.s32 $0xFFFFFE00  }
0x184: {  	_ =	swait.ge [sflag:s31], $0x200  }
0x185: {  	[sflag:s31] =	ssyncset.done $0x0  }
0x186: {  	[sflag:s31] =	ssyncadd.s32 $0xFFFFFE00  }
0x187: {  	_ =	swait.ge [sflag:s31], $0x200  }
0x188: {  	[sflag:s31] =	ssyncset.done $0x0  }
0x189: {  	[sflag:s31] =	ssyncadd.s32 $0xFFFFFE00  }
0x18a: {  	_ =	swait.ge [sflag:s31], $0x200  }
0x18b: {  	[sflag:s31] =	ssyncset.done $0x0  }
0x18c: {  	[sflag:s31] =	ssyncadd.s32 $0xFFFFFE00  }
0x18d: {  	_ =	swait.ge [sflag:s31], $0x200  }
0x18e: {  	[sflag:s31] =	ssyncset.done $0x0  }
0x18f: {  	[sflag:s31] =	ssyncadd.s32 $0xFFFFFE00  }
0x190: {  	_ =	swait.ge [sflag:s31], $0x200  }
0x191: {  	[sflag:s31] =	ssyncset.done $0x0  }
0x192: {  	[sflag:s31] =	ssyncadd.s32 $0xFFFFFE00  }
0x193: {  	_ =	swait.ge [sflag:s31], $0x200  }
0x194: {  	[sflag:s31] =	ssyncset.done $0x0  }
0x195: {  	[sflag:s31] =	ssyncadd.s32 $0xFFFFFE00  }
0x196: {  	_ =	swait.ge [sflag:s31], $0x200  }
0x197: {  	[sflag:s31] =	ssyncset.done $0x0  }
0x198: {  	[sflag:s31] =	ssyncadd.s32 $0xFFFFFE00  }
0x199: {  	_ =	swait.ge [sflag:s31], $0x200  }
0x19a: {  	[sflag:s31] =	ssyncset.done $0x0  }
0x19b: {  	[sflag:s31] =	ssyncadd.s32 $0xFFFFFE00  }
0x19c: {  	_ =	swait.ge [sflag:s31], $0x200  }
0x19d: {  	[sflag:s31] =	ssyncset.done $0x0  }
0x19e: {  	[sflag:s31] =	ssyncadd.s32 $0xFFFFFE00  }
0x19f: {  	_ =	swait.ge [sflag:s31], $0x200  }
0x1a0: {  	[sflag:s31] =	ssyncset.done $0x0  }
0x1a1: {  	[sflag:s31] =	ssyncadd.s32 $0xFFFFFE00  }
0x1a2: {  	_ =	swait.ge [sflag:s31], $0x200  }
0x1a3: {  	[sflag:s31] =	ssyncset.done $0x0  }
0x1a4: {  	[sflag:s31] =	ssyncadd.s32 $0xFFFFFE00  }
0x1a5: {  	_ =	swait.ge [sflag:s31], $0x200  }
0x1a6: {  	[sflag:s31] =	ssyncset.done $0x0  }
0x1a7: {  	[sflag:s31] =	ssyncadd.s32 $0xFFFFFE00  }
0x1a8: {  	_ =	swait.ge [sflag:s31], $0x200  }
0x1a9: {  	[sflag:s31] =	ssyncset.done $0x0  }
0x1aa: {  	[sflag:s31] =	ssyncadd.s32 $0xFFFFFE00  }
0x1ab: {  	_ =	swait.ge [sflag:s31], $0x200  }
0x1ac: {  	[sflag:s31] =	ssyncset.done $0x0  }
0x1ad: {  	[sflag:s31] =	ssyncadd.s32 $0xFFFFFE00  }
0x1ae: {  	_ =	swait.ge [sflag:s31], $0x200  }
0x1af: {  	[sflag:s31] =	ssyncset.done $0x0  }
0x1b0: {  	[sflag:s31] =	ssyncadd.s32 $0xFFFFFE00  }
0x1b1: {  	_ =	swait.ge [sflag:s31], $0x200  }
0x1b2: {  	[sflag:s31] =	ssyncset.done $0x0  }
0x1b3: {  	[sflag:s31] =	ssyncadd.s32 $0xFFFFFE00  }
0x1b4: {  	_ =	swait.ge [sflag:s31], $0x200  }
0x1b5: {  	[sflag:s31] =	ssyncset.done $0x0  }
0x1b6: {  	[sflag:s31] =	ssyncadd.s32 $0xFFFFFE00  }
0x1b7: {  	_ =	swait.ge [sflag:s31], $0x200  }
0x1b8: {  	[sflag:s31] =	ssyncset.done $0x0  }
0x1b9: {  	[sflag:s31] =	ssyncadd.s32 $0xFFFFFE00  }
0x1ba: {  	_ =	swait.ge [sflag:s31], $0x200  }
0x1bb: {  	[sflag:s31] =	ssyncset.done $0x0  }
0x1bc: {  	[sflag:s31] =	ssyncadd.s32 $0xFFFFFE00  }
0x1bd: {  	_ =	swait.ge [sflag:s31], $0x200  }
0x1be: {  	[sflag:s31] =	ssyncset.done $0x0  }
0x1bf: {  	[sflag:s31] =	ssyncadd.s32 $0xFFFFFE00  }
0x1c0: {  	_ =	swait.ge [sflag:s31], $0x200  }
0x1c1: {  	[sflag:s31] =	ssyncset.done $0x0  }
0x1c2: {  	[sflag:s31] =	ssyncadd.s32 $0xFFFFFE00  }
0x1c3: {  	_ =	swait.ge [sflag:s31], $0x200  }
0x1c4: {  	[sflag:s31] =	ssyncset.done $0x0  }
0x1c5: {  	[sflag:s31] =	ssyncadd.s32 $0xFFFFFE00  }
0x1c6: {  	_ =	swait.ge [sflag:s31], $0x200  }
0x1c7: {  	[sflag:s31] =	ssyncset.done $0x0  }
0x1c8: {  	[sflag:s31] =	ssyncadd.s32 $0xFFFFFE00  }
0x1c9: {  	_ =	swait.ge [sflag:s31], $0x200  }
0x1ca: {  	[sflag:s31] =	ssyncset.done $0x0  }
0x1cb: {  	[sflag:s31] =	ssyncadd.s32 $0xFFFFFE00  }
0x1cc: {  	_ =	swait.ge [sflag:s31], $0x200  }
0x1cd: {  	[sflag:s31] =	ssyncset.done $0x0  }
0x1ce: {  	[sflag:s31] =	ssyncadd.s32 $0xFFFFFE00  }
0x1cf: {  	_ =	swait.ge [sflag:s31], $0x200  }
0x1d0: {  	[sflag:s31] =	ssyncset.done $0x0  }
0x1d1: {  	[sflag:s31] =	ssyncadd.s32 $0xFFFFFE00  }
0x1d2: {  	_ =	swait.ge [sflag:s31], $0x200  }
0x1d3: {  	[sflag:s31] =	ssyncset.done $0x0  }
0x1d4: {  	[sflag:s31] =	ssyncadd.s32 $0xFFFFFE00  }
0x1d5: {  	_ =	swait.ge [sflag:s31], $0x200  }
0x1d6: {  	[sflag:s31] =	ssyncset.done $0x0  }
0x1d7: {  	[sflag:s31] =	ssyncadd.s32 $0xFFFFFE00  }
0x1d8: {  	_ =	swait.ge [sflag:s31], $0x200  }
0x1d9: {  	[sflag:s31] =	ssyncset.done $0x0  }
0x1da: {  	[sflag:s31] =	ssyncadd.s32 $0xFFFFFE00  }
0x1db: {  	_ =	swait.ge [sflag:s31], $0x200  }
0x1dc: {  	[sflag:s31] =	ssyncset.done $0x0  }
0x1dd: {  	[sflag:s31] =	ssyncadd.s32 $0xFFFFFE00  }
0x1de: {  	_ =	swait.ge [sflag:s31], $0x200  }
0x1df: {  	[sflag:s31] =	ssyncset.done $0x0  }
0x1e0: {  	s0 =	simm.s32 $0x0;
	[sflag:s31] =	ssyncadd.s32 $0xFFFFFE00  }
0x1e1: {  	v7 =	vld [tilespmem:s0+$0xA400]  }
0x1e2: {  	v5 =	vld [tilespmem:s0+$0xA200]  }
0x1e3: {  	v3 =	vld [tilespmem:s0+$0xA000]  }
0x1e4: {  	v1 =	vld [tilespmem:s0+$0x9E00]  }
0x1e5: {  	v0 =	vld [tilespmem:s0+$0x9C00]  }
0x1e6: {  	v2 =	vld [tilespmem:s0+$0x9A00]  }
0x1e7: {  	v4 =	vld [tilespmem:s0+$0x9800]  }
0x1e8: {  	v6 =	vld [tilespmem:s0+$0x9600]  }
0x1e9: {  	v8 =	vld [tilespmem:s0+$0x9400]  }
0x1ea: {  	v9 =	vld [tilespmem:s0+$0x9200]  }
0x1eb: {  	v10 =	vld [tilespmem:s0+$0x9000]  }
0x1ec: {  	v11 =	vld [tilespmem:s0+$0x8E00]  }
0x1ed: {  	v12 =	vld [tilespmem:s0+$0x8C00]  }
0x1ee: {  	v13 =	vld [tilespmem:s0+$0x8A00]  }
0x1ef: {  	v14 =	vld [tilespmem:s0+$0xA800]  }
0x1f0: {  	v15 =	vld [tilespmem:s0+$0xAA00]  }
0x1f1: {  	v16 =	vld [tilespmem:s0+$0x8800]  }
0x1f2: {  	v17 =	vld [tilespmem:s0+$0x4800]  }
0x1f3: {  	v18 =	vld [tilespmem:s0+$0x6800]  }
0x1f4: {  	v19 =	vld [tilespmem:s0+$0x4A00]  }
0x1f5: {  	v20 =	vld [tilespmem:s0+$0x6A00]  }
0x1f6: {  	v21 =	vld [tilespmem:s0+$0x4C00]  }
0x1f7: {  	v22 =	vld [tilespmem:s0+$0x6C00]  }
0x1f8: {  	v23 =	vld [tilespmem:s0+$0x4E00];
	v17 =	vadd.f32 v18, v17  }
0x1f9: {  	v24 =	vld [tilespmem:s0+$0x6E00]  }
0x1fa: {  	v25 =	vld [tilespmem:s0+$0x5000];
	v14 =	vadd.f32 v15, v14;
	v15 =	vmul.f32 v16, v17;
	v16 =	vadd.f32 v20, v19  }
0x1fb: {  	v26 =	vld [tilespmem:s0+$0x7000]  }
0x1fc: {  	v27 =	vld [tilespmem:s0+$0x7200];
	v14 =	vadd.f32 v15, v14;
	v13 =	vmul.f32 v13, v16;
	v15 =	vadd.f32 v22, v21  }
0x1fd: {  	v18 =	vld [tilespmem:s0+$0x5200]  }
0x1fe: {  	v17 =	vld [tilespmem:s0+$0x5400];
	v13 =	vadd.f32 v13, v14;
	v12 =	vmul.f32 v12, v15;
	v14 =	vadd.f32 v24, v23  }
0x1ff: {  	v19 =	vld [tilespmem:s0+$0x7400]  }
0x200: {  	v61 =	vld [tilespmem:s0+$0x7600];
	v12 =	vadd.f32 v12, v13;
	v11 =	vmul.f32 v11, v14;
	v13 =	vadd.f32 v26, v25  }
0x201: {  	v16 =	vld [tilespmem:s0+$0x5600]  }
0x202: {  	v62 =	vld [tilespmem:s0+$0x7800];
	v11 =	vadd.f32 v11, v12;
	v10 =	vmul.f32 v10, v13;
	v12 =	vadd.f32 v27, v18  }
0x203: {  	v15 =	vld [tilespmem:s0+$0x5800]  }
0x204: {  	v63 =	vld [tilespmem:s0+$0x7A00];
	v10 =	vadd.f32 v10, v11;
	v9 =	vmul.f32 v9, v12;
	v11 =	vadd.f32 v19, v17  }
0x205: {  	v14 =	vld [tilespmem:s0+$0x5A00]  }
0x206: {  	v13 =	vld [tilespmem:s0+$0x5C00];
	v9 =	vadd.f32 v9, v10;
	v8 =	vmul.f32 v8, v11;
	v10 =	vadd.f32 v61, v16  }
0x207: {  	v18 =	vld [tilespmem:s0+$0x7C00]  }
0x208: {  	v12 =	vld [tilespmem:s0+$0x5E00];
	v8 =	vadd.f32 v8, v9;
	v6 =	vmul.f32 v6, v10;
	v9 =	vadd.f32 v62, v15  }
0x209: {  	v17 =	vld [tilespmem:s0+$0x7E00]  }
0x20a: {  	v11 =	vld [tilespmem:s0+$0x6000];
	v6 =	vadd.f32 v6, v8;
	v4 =	vmul.f32 v4, v9;
	v8 =	vadd.f32 v63, v14  }
0x20b: {  	v16 =	vld [tilespmem:s0+$0x8000]  }
0x20c: {  	v10 =	vld [tilespmem:s0+$0x6200];
	v4 =	vadd.f32 v4, v6;
	v2 =	vmul.f32 v2, v8;
	v6 =	vadd.f32 v18, v13  }
0x20d: {  	v15 =	vld [tilespmem:s0+$0x8200]  }
0x20e: {  	v9 =	vld [tilespmem:s0+$0x6400];
	v2 =	vadd.f32 v2, v4;
	v4 =	vmul.f32 v0, v6;
	v6 =	vadd.f32 v17, v12  }
0x20f: {  	v14 =	vld [tilespmem:s0+$0x8400]  }
0x210: {  	v11 =	vadd.f32 v16, v11;
	v8 =	vld [tilespmem:s0+$0x6600];
	v4 =	vadd.f32 v4, v2;
	v6 =	vmul.f32 v1, v6  }
0x211: {  	s14 =	simm.s32 $0x10;
	v13 =	vld [tilespmem:s0+$0x8600]  }
0x212: {  	v16 =	vld [tilespmem:s14+$0xAA00];
	v11 =	vmul.f32 v3, v11;
	v10 =	vadd.f32 v15, v10;
	v6 =	vadd.f32 v6, v4  }
0x213: {  	v12 =	vld [tilespmem:s0+$0xA600]  }
0x214: {  	v3 =	vld [tilespmem:s14+$0x9E00];
	v10 =	vmul.f32 v5, v10;
	v9 =	vadd.f32 v14, v9;
	v11 =	vadd.f32 v11, v6  }
0x215: {  	v0 =	vld [tilespmem:s14+$0xA400]  }
0x216: {  	v5 =	vld [tilespmem:s14+$0x9A00];
	v9 =	vmul.f32 v7, v9;
	v10 =	vadd.f32 v10, v11;
	v11 =	vadd.f32 v13, v8  }
0x217: {  	v14 =	vld [tilespmem:s14+$0xA800]  }
0x218: {  	v1 =	vld [tilespmem:s14+$0xA200];
	v13 =	vadd.f32 v9, v10;
	v11 =	vmul.f32 v12, v11  }
0x219: {  	v2 =	vld [tilespmem:s14+$0xA000]  }
0x21a: {  	v7 =	vld [tilespmem:s14+$0x9600];
	v13 =	vadd.f32 v11, v13  }
0x21b: {  	v4 =	vld [tilespmem:s14+$0x9C00]  }
0x21c: {  	v6 =	vld [tilespmem:s14+$0x9800];
	v15 =	vsub.f32 $0.0e+00, v13  }
0x21d: {  	v8 =	vld [tilespmem:s14+$0x9400]  }
0x21e: {  	v9 =	vld [tilespmem:s14+$0x9200];
	v17 =	vmul.f32 $1.442695020e+00, v15  }
0x21f: {  	v10 =	vld [tilespmem:s14+$0x9000]  }
0x220: {  	v12 =	vld [tilespmem:s14+$0x8C00];
	(erf) = vpow2.f32 v17  }
0x221: {  	v11 =	vld [tilespmem:s14+$0x8E00]  }
0x222: {  	v13 =	vld [tilespmem:s14+$0x8A00]  }
0x223: {  	v15 =	vld [tilespmem:s14+$0x8800]  }
0x224: {  	s19 =	simm.s32 $0x80;
	v17 =	vld [tilespmem:s14+$0x4800]  }
.LBB2_36:
0x225: {  	p0 =	sne.s32 s19, $0x7C0;
	v18 =	vld [tilespmem:s14+$0x6800]  }
0x226: {  	v19 =	vld [tilespmem:s14+$0x4A00]  }
0x227: {  	v20 =	vld [tilespmem:s14+$0x6A00]  }
0x228: {  	v21 =	vld [tilespmem:s14+$0x4C00]  }
0x229: {  	v22 =	vld [tilespmem:s14+$0x6C00];
	v23 =	vpop (erf)  }
0x22a: {  	v17 =	vadd.f32 v18, v17;
	v18 =	vld [tilespmem:s14+$0x4E00];
	v23 =	vadd.f32 $1.000000000e+00, v23  }
0x22b: {  	v14 =	vadd.f32 v16, v14;
	v16 =	vld [tilespmem:s14+$0x6E00]  }
0x22c: {  	v15 =	vmul.f32 v15, v17;
	v17 =	vadd.f32 v20, v19;
	v19 =	vld [tilespmem:s14+$0x5000];
	(erf) = vrcp.f32 v23  }
0x22d: {  	v20 =	vld [tilespmem:s14+$0x7000]  }
0x22e: {  	v14 =	vadd.f32 v15, v14;
	v13 =	vmul.f32 v13, v17;
	v15 =	vadd.f32 v22, v21;
	v17 =	vld [tilespmem:s14+$0x5200]  }
0x22f: {  	v21 =	vld [tilespmem:s14+$0x7200]  }
0x230: {  	v13 =	vadd.f32 v13, v14;
	v12 =	vmul.f32 v12, v15;
	v14 =	vadd.f32 v16, v18;
	v15 =	vld [tilespmem:s14+$0x5400]  }
0x231: {  	v16 =	vld [tilespmem:s14+$0x7400]  }
0x232: {  	v12 =	vadd.f32 v12, v13;
	v11 =	vmul.f32 v11, v14;
	v13 =	vadd.f32 v20, v19;
	v14 =	vld [tilespmem:s14+$0x5600]  }
0x233: {  	v18 =	vld [tilespmem:s14+$0x7600]  }
0x234: {  	v11 =	vadd.f32 v11, v12;
	v10 =	vmul.f32 v10, v13;
	v12 =	vadd.f32 v21, v17;
	v13 =	vld [tilespmem:s14+$0x5800]  }
0x235: {  	v17 =	vld [tilespmem:s14+$0x7800];
	v19 =	vpop (erf)  }
0x236: {  	v10 =	vadd.f32 v10, v11;
	v9 =	vmul.f32 v9, v12;
	v11 =	vadd.f32 v16, v15;
	v12 =	vld [tilespmem:s14+$0x5A00];
	[tilespmem:s0+$0xAC00] =	vst v19;
	s0 =	smov.u32 s14  }
0x237: {  	v15 =	vld [tilespmem:s0+$0x7A00]  }
0x238: {  	v9 =	vadd.f32 v9, v10;
	v8 =	vmul.f32 v8, v11;
	v10 =	vadd.f32 v18, v14;
	v11 =	vld [tilespmem:s0+$0x5C00]  }
0x239: {  	v14 =	vld [tilespmem:s0+$0x7C00]  }
0x23a: {  	v8 =	vadd.f32 v8, v9;
	v7 =	vmul.f32 v7, v10;
	v9 =	vadd.f32 v17, v13;
	v10 =	vld [tilespmem:s0+$0x5E00]  }
0x23b: {  	v13 =	vld [tilespmem:s0+$0x7E00]  }
0x23c: {  	v7 =	vadd.f32 v7, v8;
	v6 =	vmul.f32 v6, v9;
	v8 =	vadd.f32 v15, v12;
	v9 =	vld [tilespmem:s0+$0x6000]  }
0x23d: {  	v12 =	vld [tilespmem:s0+$0x8000]  }
0x23e: {  	v6 =	vadd.f32 v6, v7;
	v5 =	vmul.f32 v5, v8;
	v7 =	vadd.f32 v14, v11;
	v8 =	vld [tilespmem:s0+$0x6200]  }
0x23f: {  	v11 =	vld [tilespmem:s0+$0x8200]  }
0x240: {  	v5 =	vadd.f32 v5, v6;
	v4 =	vmul.f32 v4, v7;
	v6 =	vadd.f32 v13, v10;
	v7 =	vld [tilespmem:s0+$0x6400]  }
0x241: {  	v10 =	vld [tilespmem:s0+$0x8400]  }
0x242: {  	v4 =	vadd.f32 v4, v5;
	v3 =	vmul.f32 v3, v6;
	v5 =	vadd.f32 v12, v9;
	v6 =	vld [tilespmem:s0+$0x6600]  }
0x243: {  	v9 =	vld [tilespmem:s0+$0x8600]  }
0x244: {  	s14 =	sshra.s32 s19, $0x2;
	v3 =	vadd.f32 v3, v4;
	v2 =	vmul.f32 v2, v5;
	v4 =	vadd.f32 v11, v8;
	v8 =	vld [tilespmem:s0+$0xA600]  }
0x245: {  	v11 =	vld [tilespmem:s14+$0xA400]  }
0x246: {  	v5 =	vadd.f32 v2, v3;
	v4 =	vmul.f32 v1, v4;
	v1 =	vld [tilespmem:s14+$0xA200];
	v7 =	vadd.f32 v10, v7  }
0x247: {  	v2 =	vld [tilespmem:s14+$0xA000]  }
0x248: {  	v3 =	vld [tilespmem:s14+$0x9E00];
	v10 =	vadd.f32 v4, v5;
	v7 =	vmul.f32 v0, v7;
	v6 =	vadd.f32 v9, v6  }
0x249: {  	v4 =	vld [tilespmem:s14+$0x9C00]  }
0x24a: {  	v5 =	vld [tilespmem:s14+$0x9A00];
	v9 =	vadd.f32 v7, v10;
	v8 =	vmul.f32 v8, v6;
	v0 =	vmov v11  }
0x24b: {  	v6 =	vld [tilespmem:s14+$0x9800]  }
0x24c: {  	v7 =	vld [tilespmem:s14+$0x9600];
	v10 =	vadd.f32 v8, v9  }
0x24d: {  	v8 =	vld [tilespmem:s14+$0x9400]  }
0x24e: {  	v9 =	vld [tilespmem:s14+$0x9200];
	v12 =	vsub.f32 $0.0e+00, v10  }
0x24f: {  	v10 =	vld [tilespmem:s14+$0x9000]  }
0x250: {  	v11 =	vld [tilespmem:s14+$0x8E00];
	v14 =	vmul.f32 $1.442695020e+00, v12  }
0x251: {  	v12 =	vld [tilespmem:s14+$0x8C00]  }
.Ltmp17:
0x252: {  	v13 =	vld [tilespmem:s14+$0x8A00];
	(erf) = vpow2.f32 v14;
	(pc) =	sbr.rel @p0 .LBB2_36-.Ltmp17, $4  }
0x253: {  	v14 =	vld [tilespmem:s14+$0xA800]  }
0x254: {  	v16 =	vld [tilespmem:s14+$0xAA00]  }
0x255: {  	v15 =	vld [tilespmem:s14+$0x8800]  }
0x256: {  	s19 =	sadd.s32 $0x40, s19;
	v17 =	vld [tilespmem:s14+$0x4800]  }
0x257: {  	v18 =	vld [tilespmem:s14+$0x6800]  }
0x258: {  	v19 =	vld [tilespmem:s14+$0x4A00]  }
0x259: {  	v20 =	vld [tilespmem:s14+$0x6A00]  }
0x25a: {  	v21 =	vld [tilespmem:s14+$0x4C00]  }
0x25b: {  	v22 =	vld [tilespmem:s14+$0x6C00];
	v23 =	vpop (erf)  }
0x25c: {  	v24 =	vld [tilespmem:s14+$0x4E00];
	v17 =	vadd.f32 v18, v17;
	v59 =	vadd.f32 $1.000000000e+00, v23  }
0x25d: {  	v60 =	vld [tilespmem:s14+$0x6E00];
	v14 =	vadd.f32 v16, v14  }
0x25e: {  	v61 =	vld [tilespmem:s14+$0x5000];
	v62 =	vadd.f32 v20, v19;
	v15 =	vmul.f32 v15, v17;
	(erf) = vrcp.f32 v59  }
0x25f: {  	v63 =	vld [tilespmem:s14+$0x7000]  }
0x260: {  	v25 =	vld [tilespmem:s14+$0x5200];
	v26 =	vadd.f32 v22, v21;
	v13 =	vmul.f32 v13, v62;
	v14 =	vadd.f32 v15, v14  }
0x261: {  	v27 =	vld [tilespmem:s14+$0x7200]  }
0x262: {  	v28 =	vld [tilespmem:s14+$0x5400];
	v29 =	vadd.f32 v60, v24;
	v12 =	vmul.f32 v12, v26;
	v13 =	vadd.f32 v13, v14  }
0x263: {  	v30 =	vld [tilespmem:s14+$0x7400]  }
0x264: {  	v31 =	vld [tilespmem:s14+$0x5600];
	v32 =	vadd.f32 v63, v61;
	v11 =	vmul.f32 v11, v29;
	v12 =	vadd.f32 v12, v13  }
0x265: {  	v33 =	vld [tilespmem:s14+$0x7600]  }
0x266: {  	v34 =	vld [tilespmem:s14+$0x5800];
	v35 =	vadd.f32 v27, v25;
	v10 =	vmul.f32 v10, v32;
	v11 =	vadd.f32 v11, v12  }
0x267: {  	v36 =	vld [tilespmem:s14+$0x7800];
	v37 =	vpop (erf)  }
0x268: {  	v38 =	vld [tilespmem:s14+$0x5A00];
	v39 =	vadd.f32 v30, v28;
	v9 =	vmul.f32 v9, v35;
	v10 =	vadd.f32 v10, v11;
	[tilespmem:s0+$0xAC00] =	vst v37  }
0x269: {  	v40 =	vld [tilespmem:s14+$0x7A00]  }
0x26a: {  	v41 =	vadd.f32 v33, v31;
	v8 =	vmul.f32 v8, v39;
	v42 =	vld [tilespmem:s14+$0x5C00];
	v9 =	vadd.f32 v9, v10  }
0x26b: {  	v43 =	vld [tilespmem:s14+$0x7C00]  }
0x26c: {  	v44 =	vadd.f32 v36, v34;
	v7 =	vmul.f32 v7, v41;
	v45 =	vld [tilespmem:s14+$0x5E00];
	v8 =	vadd.f32 v8, v9  }
0x26d: {  	v46 =	vld [tilespmem:s14+$0x7E00]  }
0x26e: {  	v6 =	vmul.f32 v6, v44;
	v48 =	vld [tilespmem:s14+$0x6000];
	v7 =	vadd.f32 v7, v8;
	v47 =	vadd.f32 v40, v38  }
0x26f: {  	v49 =	vld [tilespmem:s14+$0x8000]  }
0x270: {  	v51 =	vld [tilespmem:s14+$0x6200];
	v50 =	vadd.f32 v43, v42;
	v6 =	vadd.f32 v6, v7;
	v5 =	vmul.f32 v5, v47  }
0x271: {  	v52 =	vld [tilespmem:s14+$0x8200]  }
0x272: {  	v54 =	vld [tilespmem:s14+$0x6400];
	v53 =	vadd.f32 v46, v45;
	v4 =	vmul.f32 v4, v50;
	v5 =	vadd.f32 v5, v6  }
0x273: {  	v55 =	vld [tilespmem:s14+$0x8400]  }
0x274: {  	v57 =	vld [tilespmem:s14+$0x6600];
	v56 =	vadd.f32 v49, v48;
	v3 =	vmul.f32 v3, v53;
	v4 =	vadd.f32 v4, v5  }
0x275: {  	v58 =	vld [tilespmem:s14+$0x8600]  }
0x276: {  	v59 =	vadd.f32 v52, v51;
	v2 =	vmul.f32 v2, v56;
	v3 =	vadd.f32 v3, v4  }
0x277: {  	v60 =	vld [tilespmem:s14+$0xA600]  }
0x278: {  	v61 =	vadd.f32 v55, v54;
	v1 =	vmul.f32 v1, v59;
	v2 =	vadd.f32 v2, v3;
	_ =	sdelay $0x1  }
0x279: {  	v62 =	vadd.f32 v58, v57;
	v0 =	vmul.f32 v0, v61;
	v1 =	vadd.f32 v1, v2;
	_ =	sdelay $0x1  }
0x27a: {  	v63 =	vmul.f32 v60, v62;
	v0 =	vadd.f32 v0, v1;
	_ =	sdelay $0x1  }
0x27b: {  	v0 =	vadd.f32 v63, v0;
	_ =	sdelay $0x1  }
0x27c: {  	v0 =	vsub.f32 $0.0e+00, v0;
	_ =	sdelay $0x1  }
0x27d: {  	v0 =	vmul.f32 $1.442695020e+00, v0;
	_ =	sdelay $0x1  }
0x27e: {  	(erf) = vpow2.f32 v0;
	_ =	sdelay $0x8  }
0x27f: {  	v0 =	vpop (erf)  }
0x280: {  	v0 =	vadd.f32 $1.000000000e+00, v0;
	_ =	sdelay $0x1  }
0x281: {  	(erf) = vrcp.f32 v0;
	_ =	sdelay $0x7  }
0x282: {  	s18 =	sadd.s32 $0x1, s18  }
0x283: {  	p0 =	sne.s32 s18, s11;
	v0 =	vpop (erf)  }
.Ltmp18:
0x284: {  	s19 =	simm.s32 $0xAC00;
	[tilespmem:s14+$0xAC00] =	vst v0;
	(pc) =	sbr.rel @p0 .LBB2_1-.Ltmp18, $4  }
0x285: {  	[hbm4b:s10+s1] =	stream.linear.scatter [tilespmem:s19], [sflag:$0x2], $0x200, $0x38;
	[tilespmem:$0xAE00] =	vst v63  }
0x286: {  	_ =	swait.ge [sflag:s12], $0x200  }
0x287: {  	[sflag:s12] =	ssyncset.done $0x0  }
0x288: {  	[sflag:s12] =	ssyncadd.s32 $0xFFFFFE00  }
0x289: {  	_ =	sfence.sel $0x180000  }
0x28a: {  	[bflag:$0x0] =	sbarrier.arrive $0xFFFF  }
0x28b: {  	_ =	strace $0x9000004A  }
0x28c: {  	s0 =	stileid.u32;
	[bflag:$0x2] =	sbarrier.arrive $0xFFFF  }
0x28d: {  	p0 =	sne.s32 s0, $0x0;
	s0 =	rddreg [dreg:$0x4]  }
0x28e: {  	s0 =	sadd.s32 @!p0 $0x100000, s0  }
0x28f: {  	[sflag:s0] =	ssyncadd.tile.s32 @!p0 $0x1;
	_ =	shalt  }
.Lfunc_end2:
_tile_overlayer_lowered:
.L_overlay_start_2:
0x290: {  	(tag) =	ssettag $0x2  }
0x291: {  	s0 =	rddreg [dreg:$0x0];
	s2 =	stileid.u32  }
0x292: {  	s1 =	rddreg [dreg:$0x1];
	p0 =	sne.s32 s2, $0x0  }
0x293: {  	s3 =	rddreg [dreg:$0x2];
	[bflag:$0x3] =	sbarrier.arrive $0xFFFF;
	s2 =	simm.s32 @!p0 $0x1C02  }
0x294: {  	[timem:s3], [sflag:s2] =	dma.local @!p0 [hbm:s0], s1  }
0x295: {  	s0 =	simm.s32 @!p0 $0x2  }
0x296: {  	_ =	swait.ge @!p0 [sflag:s0], s1  }
0x297: {  	s1 =	ssub.s32 @!p0 $0x0, s1;
	[sflag:s0] =	ssyncset.done @!p0 $0x0  }
0x298: {  	[sflag:s0] =	ssyncadd.s32 @!p0 s1  }
0x299: {  	[bflag:$0x3] =	sbarrier.arrive $0xFFFF  }
0x29a: {  	_ =	shalt  }

</sc_bundles>
